<compile_context>
chip_gen: v7x
topology: tpu7x:2x2x1
jax: 0.10.2.dev20260603
libtpu: 0.0.44.dev20260713+nightly
codegen_flags: <defaults>
</compile_context>

<pallas_src>
import functools

import jax
import jax.numpy as jnp
from jax import lax
from jax.experimental import pallas as pl
from jax.experimental.pallas import tpu as pltpu
from jax.experimental.pallas import tpu_sc as plsc

N, E, D = 10000, 320000, 128
HD = D // 2
NC, NS = 2, 16
ROWS = N // NS
EPT = E // NS
EPTD = E // (NC * NS)
CH = 128
KHOP = 3

def _sc_mesh():
    return plsc.VectorSubcoreMesh(
        core_axis_name="c", subcore_axis_name="s",
        num_cores=NC, num_subcores=NS)


@functools.cache
def _build_deg_kernel():
    return functools.partial(
        pl.kernel,
        out_type=jax.ShapeDtypeStruct((NC * N, 16), jnp.float32),
        mesh=_sc_mesh(),
        compiler_params=pltpu.CompilerParams(use_tc_tiling_on_sc=False),
        scratch_types=[
            pltpu.VMEM((CH,), jnp.int32),
            pltpu.VMEM((16,), jnp.int32),
            pltpu.VMEM((CH, 16), jnp.float32),
            pltpu.VMEM_SHARED((N, 16), jnp.float32),
        ],
    )(_deg_body)


def _deg_body(dst_hbm, zeros_hbm, ones_hbm, out_hbm, idx_v, idxt_v, ones_v,
              acc_sh):
    cid = lax.axis_index("c")
    sid = lax.axis_index("s")
    row0 = sid * ROWS
    pltpu.sync_copy(zeros_hbm, acc_sh.at[pl.ds(row0, ROWS)])
    pltpu.sync_copy(ones_hbm, ones_v)
    plsc.subcore_barrier()

    base = (cid * NS + sid) * EPTD
    nfull = EPTD // CH

    def chunk(i, carry):
        off = base + i * CH
        pltpu.sync_copy(dst_hbm.at[pl.ds(off, CH)], idx_v)
        pltpu.sync_copy(ones_v, acc_sh.at[idx_v], add=True)
        return carry

    lax.fori_loop(0, nfull, chunk, 0)
    tl = EPTD - nfull * CH
    if tl:
        toff = base + nfull * CH
        pltpu.sync_copy(dst_hbm.at[pl.ds(toff, tl)], idxt_v)
        pltpu.sync_copy(ones_v.at[pl.ds(0, tl)], acc_sh.at[idxt_v], add=True)

    plsc.subcore_barrier()
    pltpu.sync_copy(acc_sh.at[pl.ds(row0, ROWS)],
                    out_hbm.at[pl.ds(cid * N + row0, ROWS)])


@functools.cache
def _build_round_kernel():
    return functools.partial(
        pl.kernel,
        out_type=[jax.ShapeDtypeStruct((N, HD), jnp.float32),
                  jax.ShapeDtypeStruct((N, HD), jnp.float32)],
        mesh=_sc_mesh(),
        compiler_params=pltpu.CompilerParams(use_tc_tiling_on_sc=False),
        scratch_types=[
            pltpu.VMEM((CH,), jnp.int32),
            pltpu.VMEM((CH,), jnp.int32),
            pltpu.VMEM((32,), jnp.int32),
            pltpu.VMEM((32,), jnp.int32),
            pltpu.VMEM((CH, HD), jnp.float32),
            pltpu.VMEM_SHARED((N, HD), jnp.float32),
            pltpu.SemaphoreType.DMA,
        ],
    )(_round_body)


def _round_body(ga_hbm, gb_hbm, src_hbm, dst_hbm, zeros_hbm, oa_hbm, ob_hbm,
                srcv, dstv, srcvt, dstvt, msgv, acc_sh, sem):
    cid = lax.axis_index("c")
    sid = lax.axis_index("s")
    row0 = sid * ROWS
    pltpu.sync_copy(zeros_hbm, acc_sh.at[pl.ds(row0, ROWS)])
    plsc.subcore_barrier()

    base = sid * EPT
    nfull = EPT // CH
    tl = EPT - nfull * CH

    def do_edges(g_hbm):
        def chunk(i, carry):
            off = base + i * CH
            pltpu.sync_copy(src_hbm.at[pl.ds(off, CH)], srcv)
            pltpu.sync_copy(dst_hbm.at[pl.ds(off, CH)], dstv)
            pltpu.async_copy(g_hbm.at[srcv], msgv, sem).wait()
            pltpu.sync_copy(msgv, acc_sh.at[dstv], add=True)
            return carry

        lax.fori_loop(0, nfull, chunk, 0)
        if tl:
            toff = base + nfull * CH
            pltpu.sync_copy(src_hbm.at[pl.ds(toff, tl)], srcvt)
            pltpu.sync_copy(dst_hbm.at[pl.ds(toff, tl)], dstvt)
            pltpu.async_copy(g_hbm.at[srcvt], msgv.at[pl.ds(0, tl)], sem).wait()
            pltpu.sync_copy(msgv.at[pl.ds(0, tl)], acc_sh.at[dstvt], add=True)

    @pl.when(cid == 0)
    def _():
        do_edges(ga_hbm)

    @pl.when(cid == 1)
    def _():
        do_edges(gb_hbm)

    plsc.subcore_barrier()

    @pl.when(cid == 0)
    def _():
        pltpu.sync_copy(acc_sh.at[pl.ds(row0, ROWS)],
                        oa_hbm.at[pl.ds(row0, ROWS)])

    @pl.when(cid == 1)
    def _():
        pltpu.sync_copy(acc_sh.at[pl.ds(row0, ROWS)],
                        ob_hbm.at[pl.ds(row0, ROWS)])


def _deg_call(dst, zeros16, ones16):
    return _build_deg_kernel()(dst, zeros16, ones16)


def _round_call(ga, gb, src, dst, zeros64):
    return _build_round_kernel()(ga, gb, src, dst, zeros64)


BN = 1000


def _prep_body(x_ref, d0_ref, d1_ref, ga_ref, gb_ref, n16_ref):
    deg = d0_ref[:, 0:1] + d1_ref[:, 0:1]
    norm = jnp.where(deg > 0, lax.rsqrt(jnp.maximum(deg, 1e-12)), 0.0)
    g = x_ref[...] * norm
    ga_ref[...] = g[:, :HD]
    gb_ref[...] = g[:, HD:]
    n16_ref[...] = jnp.broadcast_to(norm, (norm.shape[0], 16))


_prep = pl.pallas_call(
    _prep_body,
    grid=(N // BN,),
    in_specs=[pl.BlockSpec((BN, D), lambda i: (i, 0)),
              pl.BlockSpec((BN, 16), lambda i: (i, 0)),
              pl.BlockSpec((BN, 16), lambda i: (i, 0))],
    out_specs=[pl.BlockSpec((BN, HD), lambda i: (i, 0)),
               pl.BlockSpec((BN, HD), lambda i: (i, 0)),
               pl.BlockSpec((BN, 16), lambda i: (i, 0))],
    out_shape=[jax.ShapeDtypeStruct((N, HD), jnp.float32),
               jax.ShapeDtypeStruct((N, HD), jnp.float32),
               jax.ShapeDtypeStruct((N, 16), jnp.float32)],
)


def _scale_body(a_ref, b_ref, n16_ref, oa_ref, ob_ref):
    n2 = n16_ref[:, 0:1] * n16_ref[:, 0:1]
    oa_ref[...] = a_ref[...] * n2
    ob_ref[...] = b_ref[...] * n2


_scale = pl.pallas_call(
    _scale_body,
    grid=(N // BN,),
    in_specs=[pl.BlockSpec((BN, HD), lambda i: (i, 0)),
              pl.BlockSpec((BN, HD), lambda i: (i, 0)),
              pl.BlockSpec((BN, 16), lambda i: (i, 0))],
    out_specs=[pl.BlockSpec((BN, HD), lambda i: (i, 0)),
               pl.BlockSpec((BN, HD), lambda i: (i, 0))],
    out_shape=[jax.ShapeDtypeStruct((N, HD), jnp.float32),
               jax.ShapeDtypeStruct((N, HD), jnp.float32)],
)


def _layer_body(a_ref, b_ref, n16_ref, w_ref, bias_ref, oa_ref, ob_ref):
    nrm = n16_ref[:, 0:1]
    h = jnp.concatenate([a_ref[...], b_ref[...]], axis=1) * nrm
    h = jnp.maximum(h @ w_ref[...] + bias_ref[...], 0.0) * nrm
    oa_ref[...] = h[:, :HD]
    ob_ref[...] = h[:, HD:]


_layer = pl.pallas_call(
    _layer_body,
    grid=(N // BN,),
    in_specs=[pl.BlockSpec((BN, HD), lambda i: (i, 0)),
              pl.BlockSpec((BN, HD), lambda i: (i, 0)),
              pl.BlockSpec((BN, 16), lambda i: (i, 0)),
              pl.BlockSpec((D, D), lambda i: (0, 0)),
              pl.BlockSpec((1, D), lambda i: (0, 0))],
    out_specs=[pl.BlockSpec((BN, HD), lambda i: (i, 0)),
               pl.BlockSpec((BN, HD), lambda i: (i, 0))],
    out_shape=[jax.ShapeDtypeStruct((N, HD), jnp.float32),
               jax.ShapeDtypeStruct((N, HD), jnp.float32)],
)


def _head_body(a_ref, b_ref, n16_ref, w_ref, bias_ref, fc1w_ref, fc1b_ref,
               fc2wt_ref, fc2b_ref, out_ref, acc_ref):
    i = pl.program_id(0)

    @pl.when(i == 0)
    def _():
        acc_ref[...] = jnp.zeros_like(acc_ref)

    nrm = n16_ref[:, 0:1]
    h = jnp.concatenate([a_ref[...], b_ref[...]], axis=1) * nrm
    h = jnp.maximum(h @ w_ref[...] + bias_ref[...], 0.0)
    acc_ref[...] += jnp.sum(h, axis=0, keepdims=True)

    @pl.when(i == pl.num_programs(0) - 1)
    def _():
        hg = acc_ref[...] * (1.0 / N)
        z = jnp.maximum(hg @ fc1w_ref[...] + fc1b_ref[...], 0.0)
        z2 = jnp.sum(z * fc2wt_ref[...], axis=1, keepdims=True) + fc2b_ref[...]
        z2 = jnp.maximum(z2, 0.0)
        out_ref[...] = 1.0 / (1.0 + jnp.exp(-z2))


_head = pl.pallas_call(
    _head_body,
    grid=(N // BN,),
    in_specs=[pl.BlockSpec((BN, HD), lambda i: (i, 0)),
              pl.BlockSpec((BN, HD), lambda i: (i, 0)),
              pl.BlockSpec((BN, 16), lambda i: (i, 0)),
              pl.BlockSpec((D, D), lambda i: (0, 0)),
              pl.BlockSpec((1, D), lambda i: (0, 0)),
              pl.BlockSpec((D, D), lambda i: (0, 0)),
              pl.BlockSpec((1, D), lambda i: (0, 0)),
              pl.BlockSpec((1, D), lambda i: (0, 0)),
              pl.BlockSpec((1, 1), lambda i: (0, 0))],
    out_specs=pl.BlockSpec((1, 1), lambda i: (0, 0)),
    out_shape=jax.ShapeDtypeStruct((1, 1), jnp.float32),
    scratch_shapes=[pltpu.VMEM((1, D), jnp.float32)],
)


def kernel(x, edge_index, W1, b1, W2, b2, fc1_W, fc1_b, fc2_W, fc2_b):
    src = edge_index[0]
    dst = edge_index[1]
    zeros16 = jnp.zeros((ROWS, 16), jnp.float32)
    zeros64 = jnp.zeros((ROWS, HD), jnp.float32)
    ones16 = jnp.ones((CH, 16), jnp.float32)

    degs = _deg_call(dst, zeros16, ones16)
    ga, gb, n16 = _prep(x, degs[:N], degs[N:])

    b1r = b1.reshape(1, D)
    b2r = b2.reshape(1, D)
    fc1br = fc1_b.reshape(1, D)
    fc2wt = fc2_W.reshape(1, D)
    fc2br = fc2_b.reshape(1, 1)

    for layer in range(2):
        for _ in range(KHOP - 1):
            aa, ab = _round_call(ga, gb, src, dst, zeros64)
            ga, gb = _scale(aa, ab, n16)
        aa, ab = _round_call(ga, gb, src, dst, zeros64)
        if layer == 0:
            ga, gb = _layer(aa, ab, n16, W1, b1r)
        else:
            out = _head(aa, ab, n16, W2, b2r, fc1_W, fc1br, fc2wt, fc2br)
    return out

# --- scband reference (transcript-rebuilt; emitter-appended) ---
"""Pipeline reference for scband-binary-graph-classifier-23201413333150 (READ-ONLY COPY).

The authoritative reference and input builder live on the scoring server;
editing this copy changes nothing except your own understanding.
"""

import jax, jax.numpy as jnp
import numpy as np

N, E, D, H, K = 10000, 320000, 128, 128, 3


def _sg_conv(x, edge_index, W, b, k):
    # DGL SGConv with norm='both': k rounds of D^{-1/2} A D^{-1/2}, then a single linear layer
    src = edge_index[0]
    dst = edge_index[1]
    n = x.shape[0]
    deg = jnp.zeros((n,), jnp.float32).at[dst].add(1.0)
    norm = jnp.where(deg > 0, 1.0 / jnp.sqrt(jnp.maximum(deg, 1e-12)), 0.0)
    h = x
    for _ in range(k):
        h = h * norm[:, None]
        msg = jnp.take(h, src, axis=0)
        h = jnp.zeros_like(h).at[dst].add(msg)
        h = h * norm[:, None]
    return h @ W + b


def setup_inputs(seed: int = 0) -> dict:
    key = jax.random.key(seed)
    ks = jax.random.split(key, 12)
    x = jax.random.normal(ks[0], (N, D), dtype=jnp.float32)
    edge_index = jax.random.randint(ks[1], (2, E), 0, N, dtype=jnp.int32)
    W1 = jax.random.normal(ks[2], (D, H), dtype=jnp.float32) * 0.05
    b1 = jnp.zeros((H,), dtype=jnp.float32)
    W2 = jax.random.normal(ks[3], (H, H), dtype=jnp.float32) * 0.05
    b2 = jnp.zeros((H,), dtype=jnp.float32)
    fc1_W = jax.random.normal(ks[4], (H, H), dtype=jnp.float32) * 0.05
    fc1_b = jnp.zeros((H,), dtype=jnp.float32)
    fc2_W = jax.random.normal(ks[5], (H, 1), dtype=jnp.float32) * 0.05
    fc2_b = jnp.zeros((1,), dtype=jnp.float32)
    return {"x": x, "edge_index": edge_index, "W1": W1, "b1": b1, "W2": W2, "b2": b2,
            "fc1_W": fc1_W, "fc1_b": fc1_b, "fc2_W": fc2_W, "fc2_b": fc2_b}


def reference(x, edge_index, W1, b1, W2, b2, fc1_W, fc1_b, fc2_W, fc2_b):
    h = jax.nn.relu(_sg_conv(x, edge_index, W1, b1, K))
    h = jax.nn.relu(_sg_conv(h, edge_index, W2, b2, K))
    hg = jnp.mean(h, axis=0, keepdims=True)  # dgl.mean_nodes, single graph -> [1, H]
    h = jax.nn.relu(hg @ fc1_W + fc1_b)
    out = jax.nn.relu(h @ fc2_W + fc2_b)
    return jax.nn.sigmoid(out)

if __name__ == "__main__":
    import jax
    _d = setup_inputs()
    print(jax.jit(kernel)(*tuple(_d.values())))

</pallas_src>

<mosaic_0001>
#map = affine_map<(d0, d1) -> (0, 0)>
#map1 = affine_map<(d0, d1) -> (0)>
module attributes {stable_mosaic.version = 14 : i64} {
  func.func @_round_body(%arg0: i32, %arg1: i32, %arg2: memref<10000x64xf32, #tpu.memory_space<hbm>>, %arg3: memref<10000x64xf32, #tpu.memory_space<hbm>>, %arg4: memref<320000xi32, #tpu.memory_space<hbm>>, %arg5: memref<320000xi32, #tpu.memory_space<hbm>>, %arg6: memref<625x64xf32, #tpu.memory_space<hbm>>, %arg7: memref<10000x64xf32, #tpu.memory_space<hbm>>, %arg8: memref<10000x64xf32, #tpu.memory_space<hbm>>, %arg9: memref<128xi32, #tpu.memory_space<vmem>>, %arg10: memref<128xi32, #tpu.memory_space<vmem>>, %arg11: memref<32xi32, #tpu.memory_space<vmem>>, %arg12: memref<32xi32, #tpu.memory_space<vmem>>, %arg13: memref<128x64xf32, #tpu.memory_space<vmem>>, %arg14: memref<10000x64xf32, #tpu.memory_space<vmem_shared>>, %arg15: memref<!tpu.dma_semaphore, #tpu.memory_space<semaphore_mem>>) attributes {dimension_semantics = [#tpu.dimension_semantics<core_parallel>, #tpu.dimension_semantics<subcore_parallel>], iteration_bounds = array<i64: 2, 16>, scalar_prefetch = 0 : i64, scratch_operands = 7 : i64, tpu.core_type = #tpu.core_type<sc_vector_subcore>, window_params = [{transform_indices = #map}, {transform_indices = #map}, {transform_indices = #map1}, {transform_indices = #map1}, {transform_indices = #map}, {transform_indices = #map}, {transform_indices = #map}]} {
    %mul3A = arith.constant 625 : i32
    %mul3A_0 = arith.muli %arg1, %mul3A : i32
    "tpu.region"() ({
      %run_scoped3A = tpu.sem_alloc : memref<!tpu.dma_semaphore, #tpu.memory_space<semaphore_mem>>
      %dma_start3A = arith.constant 0 : i32
      %dma_start3A_21 = tpu.memref_slice %arg14[%mul3A_0, %dma_start3A] : memref<10000x64xf32, #tpu.memory_space<vmem_shared>> -> memref<625x64xf32, #tpu.memory_space<vmem_shared>>
      tpu.enqueue_dma source(%arg6 : memref<625x64xf32, #tpu.memory_space<hbm>>) target(%dma_start3A_21 : memref<625x64xf32, #tpu.memory_space<vmem_shared>>) target_semaphore(%run_scoped3A : memref<!tpu.dma_semaphore, #tpu.memory_space<semaphore_mem>>)
      %dma_wait3A = arith.constant 0 : i32
      %dma_wait3A_22 = tpu.memref_slice %arg14[%mul3A_0, %dma_wait3A] : memref<10000x64xf32, #tpu.memory_space<vmem_shared>> -> memref<625x64xf32, #tpu.memory_space<vmem_shared>>
      tpu.wait_dma2 semaphore(%run_scoped3A : memref<!tpu.dma_semaphore, #tpu.memory_space<semaphore_mem>>) src(%arg6 : memref<625x64xf32, #tpu.memory_space<hbm>>) dst(%dma_wait3A_22 : memref<625x64xf32, #tpu.memory_space<vmem_shared>>)
      tpu.yield
    }) : () -> ()
    %barrier3A = arith.constant 0 : index
    tpu.barrier barrier_id(%barrier3A)
    %mul3A_1 = arith.constant 20000 : i32
    %mul3A_2 = arith.muli %arg1, %mul3A_1 : i32
    %eq3A = arith.constant 0 : i32
    %eq3A_3 = arith.cmpi eq, %arg0, %eq3A : i32
    %convert_element_type3A = arith.extui %eq3A_3 : i1 to i32
    %cond3A = arith.constant 0 : i32
    %cond3A_4 = arith.cmpi ne, %convert_element_type3A, %cond3A : i32
    scf.if %cond3A_4 {
      %scan3A = arith.constant 0 : i32
      %scan3A_21 = arith.constant 0 : i32
      %scan3A_22 = arith.constant 156 : i32
      %scan3A_23 = arith.addi %scan3A_21, %scan3A_22 : i32
      %scan3A_24 = arith.constant 1 : i32
      scf.for %scan3A_37 = %scan3A_21 to %scan3A_23 step %scan3A_24  : i32 {
        %mul3A_38 = arith.constant 128 : i32
        %mul3A_39 = arith.muli %scan3A_37, %mul3A_38 : i32
        %add3A_40 = arith.addi %mul3A_2, %mul3A_39 : i32
        "tpu.region"() ({
          %run_scoped3A = tpu.sem_alloc : memref<!tpu.dma_semaphore, #tpu.memory_space<semaphore_mem>>
          %dma_start3A_47 = tpu.memref_slice %arg4[%add3A_40] : memref<320000xi32, #tpu.memory_space<hbm>> -> memref<128xi32, #tpu.memory_space<hbm>>
          %dma_start3A_48 = tpu.memref_slice %arg4[%add3A_40] : memref<320000xi32, #tpu.memory_space<hbm>> -> memref<128xi32, #tpu.memory_space<hbm>>
          tpu.enqueue_dma source(%dma_start3A_48 : memref<128xi32, #tpu.memory_space<hbm>>) target(%arg9 : memref<128xi32, #tpu.memory_space<vmem>>) target_semaphore(%run_scoped3A : memref<!tpu.dma_semaphore, #tpu.memory_space<semaphore_mem>>)
          %dma_wait3A_49 = tpu.memref_slice %arg4[%add3A_40] : memref<320000xi32, #tpu.memory_space<hbm>> -> memref<128xi32, #tpu.memory_space<hbm>>
          %dma_wait3A_50 = tpu.memref_slice %arg4[%add3A_40] : memref<320000xi32, #tpu.memory_space<hbm>> -> memref<128xi32, #tpu.memory_space<hbm>>
          tpu.wait_dma2 semaphore(%run_scoped3A : memref<!tpu.dma_semaphore, #tpu.memory_space<semaphore_mem>>) src(%dma_wait3A_50 : memref<128xi32, #tpu.memory_space<hbm>>) dst(%arg9 : memref<128xi32, #tpu.memory_space<vmem>>)
          tpu.yield
        }) : () -> ()
        "tpu.region"() ({
          %run_scoped3A = tpu.sem_alloc : memref<!tpu.dma_semaphore, #tpu.memory_space<semaphore_mem>>
          %dma_start3A_47 = tpu.memref_slice %arg5[%add3A_40] : memref<320000xi32, #tpu.memory_space<hbm>> -> memref<128xi32, #tpu.memory_space<hbm>>
          %dma_start3A_48 = tpu.memref_slice %arg5[%add3A_40] : memref<320000xi32, #tpu.memory_space<hbm>> -> memref<128xi32, #tpu.memory_space<hbm>>
          tpu.enqueue_dma source(%dma_start3A_48 : memref<128xi32, #tpu.memory_space<hbm>>) target(%arg10 : memref<128xi32, #tpu.memory_space<vmem>>) target_semaphore(%run_scoped3A : memref<!tpu.dma_semaphore, #tpu.memory_space<semaphore_mem>>)
          %dma_wait3A_49 = tpu.memref_slice %arg5[%add3A_40] : memref<320000xi32, #tpu.memory_space<hbm>> -> memref<128xi32, #tpu.memory_space<hbm>>
          %dma_wait3A_50 = tpu.memref_slice %arg5[%add3A_40] : memref<320000xi32, #tpu.memory_space<hbm>> -> memref<128xi32, #tpu.memory_space<hbm>>
          tpu.wait_dma2 semaphore(%run_scoped3A : memref<!tpu.dma_semaphore, #tpu.memory_space<semaphore_mem>>) src(%dma_wait3A_50 : memref<128xi32, #tpu.memory_space<hbm>>) dst(%arg10 : memref<128xi32, #tpu.memory_space<vmem>>)
          tpu.yield
        }) : () -> ()
        %dma_start3A_41 = arith.constant 0 : i32
        %dma_start3A_42 = arith.constant 0 : i32
        %dma_start3A_43 = tpu.memref_slice %arg2[%dma_start3A_41, %dma_start3A_42] : memref<10000x64xf32, #tpu.memory_space<hbm>> -> memref<10000x64xf32, #tpu.memory_space<hbm>>
        tpu.enqueue_indirect_dma source(%dma_start3A_43 : memref<10000x64xf32, #tpu.memory_space<hbm>>) target(%arg13 : memref<128x64xf32, #tpu.memory_space<vmem>>) offsets(%arg9 : memref<128xi32, #tpu.memory_space<vmem>>) semaphore(%arg15 : memref<!tpu.dma_semaphore, #tpu.memory_space<semaphore_mem>>)
        %dma_wait3A_44 = arith.constant 0 : i32
        %dma_wait3A_45 = arith.constant 0 : i32
        %dma_wait3A_46 = tpu.memref_slice %arg2[%dma_wait3A_44, %dma_wait3A_45] : memref<10000x64xf32, #tpu.memory_space<hbm>> -> memref<10000x64xf32, #tpu.memory_space<hbm>>
        tpu.wait_indirect_dma semaphore(%arg15 : memref<!tpu.dma_semaphore, #tpu.memory_space<semaphore_mem>>) src(%dma_wait3A_46 : memref<10000x64xf32, #tpu.memory_space<hbm>>) dst(%arg13 : memref<128x64xf32, #tpu.memory_space<vmem>>)
        "tpu.region"() ({
          %run_scoped3A = tpu.sem_alloc : memref<!tpu.dma_semaphore, #tpu.memory_space<semaphore_mem>>
          %dma_start3A_47 = arith.constant 0 : i32
          %dma_start3A_48 = arith.constant 0 : i32
          %dma_start3A_49 = tpu.memref_slice %arg14[%dma_start3A_47, %dma_start3A_48] : memref<10000x64xf32, #tpu.memory_space<vmem_shared>> -> memref<10000x64xf32, #tpu.memory_space<vmem_shared>>
          tpu.enqueue_indirect_dma source(%arg13 : memref<128x64xf32, #tpu.memory_space<vmem>>) target(%dma_start3A_49 : memref<10000x64xf32, #tpu.memory_space<vmem_shared>>) offsets(%arg10 : memref<128xi32, #tpu.memory_space<vmem>>) semaphore(%run_scoped3A : memref<!tpu.dma_semaphore, #tpu.memory_space<semaphore_mem>>) {add = true}
          %dma_wait3A_50 = arith.constant 0 : i32
          %dma_wait3A_51 = arith.constant 0 : i32
          %dma_wait3A_52 = tpu.memref_slice %arg14[%dma_wait3A_50, %dma_wait3A_51] : memref<10000x64xf32, #tpu.memory_space<vmem_shared>> -> memref<10000x64xf32, #tpu.memory_space<vmem_shared>>
          tpu.wait_indirect_dma semaphore(%run_scoped3A : memref<!tpu.dma_semaphore, #tpu.memory_space<semaphore_mem>>) src(%arg13 : memref<128x64xf32, #tpu.memory_space<vmem>>) dst(%dma_wait3A_52 : memref<10000x64xf32, #tpu.memory_space<vmem_shared>>)
          tpu.yield
        }) : () -> ()
      }
      %scan3A_25 = arith.constant 156 : i32
      %add3A = arith.constant 19968 : i32
      %add3A_26 = arith.addi %mul3A_2, %add3A : i32
      "tpu.region"() ({
        %run_scoped3A = tpu.sem_alloc : memref<!tpu.dma_semaphore, #tpu.memory_space<semaphore_mem>>
        %dma_start3A_37 = tpu.memref_slice %arg4[%add3A_26] : memref<320000xi32, #tpu.memory_space<hbm>> -> memref<32xi32, #tpu.memory_space<hbm>>
        %dma_start3A_38 = tpu.memref_slice %arg4[%add3A_26] : memref<320000xi32, #tpu.memory_space<hbm>> -> memref<32xi32, #tpu.memory_space<hbm>>
        tpu.enqueue_dma source(%dma_start3A_38 : memref<32xi32, #tpu.memory_space<hbm>>) target(%arg11 : memref<32xi32, #tpu.memory_space<vmem>>) target_semaphore(%run_scoped3A : memref<!tpu.dma_semaphore, #tpu.memory_space<semaphore_mem>>)
        %dma_wait3A_39 = tpu.memref_slice %arg4[%add3A_26] : memref<320000xi32, #tpu.memory_space<hbm>> -> memref<32xi32, #tpu.memory_space<hbm>>
        %dma_wait3A_40 = tpu.memref_slice %arg4[%add3A_26] : memref<320000xi32, #tpu.memory_space<hbm>> -> memref<32xi32, #tpu.memory_space<hbm>>
        tpu.wait_dma2 semaphore(%run_scoped3A : memref<!tpu.dma_semaphore, #tpu.memory_space<semaphore_mem>>) src(%dma_wait3A_40 : memref<32xi32, #tpu.memory_space<hbm>>) dst(%arg11 : memref<32xi32, #tpu.memory_space<vmem>>)
        tpu.yield
      }) : () -> ()
      "tpu.region"() ({
        %run_scoped3A = tpu.sem_alloc : memref<!tpu.dma_semaphore, #tpu.memory_space<semaphore_mem>>
        %dma_start3A_37 = tpu.memref_slice %arg5[%add3A_26] : memref<320000xi32, #tpu.memory_space<hbm>> -> memref<32xi32, #tpu.memory_space<hbm>>
        %dma_start3A_38 = tpu.memref_slice %arg5[%add3A_26] : memref<320000xi32, #tpu.memory_space<hbm>> -> memref<32xi32, #tpu.memory_space<hbm>>
        tpu.enqueue_dma source(%dma_start3A_38 : memref<32xi32, #tpu.memory_space<hbm>>) target(%arg12 : memref<32xi32, #tpu.memory_space<vmem>>) target_semaphore(%run_scoped3A : memref<!tpu.dma_semaphore, #tpu.memory_space<semaphore_mem>>)
        %dma_wait3A_39 = tpu.memref_slice %arg5[%add3A_26] : memref<320000xi32, #tpu.memory_space<hbm>> -> memref<32xi32, #tpu.memory_space<hbm>>
        %dma_wait3A_40 = tpu.memref_slice %arg5[%add3A_26] : memref<320000xi32, #tpu.memory_space<hbm>> -> memref<32xi32, #tpu.memory_space<hbm>>
        tpu.wait_dma2 semaphore(%run_scoped3A : memref<!tpu.dma_semaphore, #tpu.memory_space<semaphore_mem>>) src(%dma_wait3A_40 : memref<32xi32, #tpu.memory_space<hbm>>) dst(%arg12 : memref<32xi32, #tpu.memory_space<vmem>>)
        tpu.yield
      }) : () -> ()
      %dma_start3A = arith.constant 0 : i32
      %dma_start3A_27 = arith.constant 0 : i32
      %dma_start3A_28 = tpu.memref_slice %arg13[%dma_start3A, %dma_start3A_27] : memref<128x64xf32, #tpu.memory_space<vmem>> -> memref<32x64xf32, #tpu.memory_space<vmem>>
      %dma_start3A_29 = arith.constant 0 : i32
      %dma_start3A_30 = arith.constant 0 : i32
      %dma_start3A_31 = tpu.memref_slice %arg2[%dma_start3A_29, %dma_start3A_30] : memref<10000x64xf32, #tpu.memory_space<hbm>> -> memref<10000x64xf32, #tpu.memory_space<hbm>>
      tpu.enqueue_indirect_dma source(%dma_start3A_31 : memref<10000x64xf32, #tpu.memory_space<hbm>>) target(%dma_start3A_28 : memref<32x64xf32, #tpu.memory_space<vmem>>) offsets(%arg11 : memref<32xi32, #tpu.memory_space<vmem>>) semaphore(%arg15 : memref<!tpu.dma_semaphore, #tpu.memory_space<semaphore_mem>>)
      %dma_wait3A = arith.constant 0 : i32
      %dma_wait3A_32 = arith.constant 0 : i32
      %dma_wait3A_33 = tpu.memref_slice %arg13[%dma_wait3A, %dma_wait3A_32] : memref<128x64xf32, #tpu.memory_space<vmem>> -> memref<32x64xf32, #tpu.memory_space<vmem>>
      %dma_wait3A_34 = arith.constant 0 : i32
      %dma_wait3A_35 = arith.constant 0 : i32
      %dma_wait3A_36 = tpu.memref_slice %arg2[%dma_wait3A_34, %dma_wait3A_35] : memref<10000x64xf32, #tpu.memory_space<hbm>> -> memref<10000x64xf32, #tpu.memory_space<hbm>>
      tpu.wait_indirect_dma semaphore(%arg15 : memref<!tpu.dma_semaphore, #tpu.memory_space<semaphore_mem>>) src(%dma_wait3A_36 : memref<10000x64xf32, #tpu.memory_space<hbm>>) dst(%dma_wait3A_33 : memref<32x64xf32, #tpu.memory_space<vmem>>)
      "tpu.region"() ({
        %run_scoped3A = tpu.sem_alloc : memref<!tpu.dma_semaphore, #tpu.memory_space<semaphore_mem>>
        %dma_start3A_37 = arith.constant 0 : i32
        %dma_start3A_38 = arith.constant 0 : i32
        %dma_start3A_39 = tpu.memref_slice %arg13[%dma_start3A_37, %dma_start3A_38] : memref<128x64xf32, #tpu.memory_space<vmem>> -> memref<32x64xf32, #tpu.memory_space<vmem>>
        %dma_start3A_40 = arith.constant 0 : i32
        %dma_start3A_41 = arith.constant 0 : i32
        %dma_start3A_42 = tpu.memref_slice %arg14[%dma_start3A_40, %dma_start3A_41] : memref<10000x64xf32, #tpu.memory_space<vmem_shared>> -> memref<10000x64xf32, #tpu.memory_space<vmem_shared>>
        tpu.enqueue_indirect_dma source(%dma_start3A_39 : memref<32x64xf32, #tpu.memory_space<vmem>>) target(%dma_start3A_42 : memref<10000x64xf32, #tpu.memory_space<vmem_shared>>) offsets(%arg12 : memref<32xi32, #tpu.memory_space<vmem>>) semaphore(%run_scoped3A : memref<!tpu.dma_semaphore, #tpu.memory_space<semaphore_mem>>) {add = true}
        %dma_wait3A_43 = arith.constant 0 : i32
        %dma_wait3A_44 = arith.constant 0 : i32
        %dma_wait3A_45 = tpu.memref_slice %arg13[%dma_wait3A_43, %dma_wait3A_44] : memref<128x64xf32, #tpu.memory_space<vmem>> -> memref<32x64xf32, #tpu.memory_space<vmem>>
        %dma_wait3A_46 = arith.constant 0 : i32
        %dma_wait3A_47 = arith.constant 0 : i32
        %dma_wait3A_48 = tpu.memref_slice %arg14[%dma_wait3A_46, %dma_wait3A_47] : memref<10000x64xf32, #tpu.memory_space<vmem_shared>> -> memref<10000x64xf32, #tpu.memory_space<vmem_shared>>
        tpu.wait_indirect_dma semaphore(%run_scoped3A : memref<!tpu.dma_semaphore, #tpu.memory_space<semaphore_mem>>) src(%dma_wait3A_45 : memref<32x64xf32, #tpu.memory_space<vmem>>) dst(%dma_wait3A_48 : memref<10000x64xf32, #tpu.memory_space<vmem_shared>>)
        tpu.yield
      }) : () -> ()
    } else {
    }
    %eq3A_5 = arith.constant 1 : i32
    %eq3A_6 = arith.cmpi eq, %arg0, %eq3A_5 : i32
    %convert_element_type3A_7 = arith.extui %eq3A_6 : i1 to i32
    %cond3A_8 = arith.constant 0 : i32
    %cond3A_9 = arith.cmpi ne, %convert_element_type3A_7, %cond3A_8 : i32
    scf.if %cond3A_9 {
      %scan3A = arith.constant 0 : i32
      %scan3A_21 = arith.constant 0 : i32
      %scan3A_22 = arith.constant 156 : i32
      %scan3A_23 = arith.addi %scan3A_21, %scan3A_22 : i32
      %scan3A_24 = arith.constant 1 : i32
      scf.for %scan3A_37 = %scan3A_21 to %scan3A_23 step %scan3A_24  : i32 {
        %mul3A_38 = arith.constant 128 : i32
        %mul3A_39 = arith.muli %scan3A_37, %mul3A_38 : i32
        %add3A_40 = arith.addi %mul3A_2, %mul3A_39 : i32
        "tpu.region"() ({
          %run_scoped3A = tpu.sem_alloc : memref<!tpu.dma_semaphore, #tpu.memory_space<semaphore_mem>>
          %dma_start3A_47 = tpu.memref_slice %arg4[%add3A_40] : memref<320000xi32, #tpu.memory_space<hbm>> -> memref<128xi32, #tpu.memory_space<hbm>>
          %dma_start3A_48 = tpu.memref_slice %arg4[%add3A_40] : memref<320000xi32, #tpu.memory_space<hbm>> -> memref<128xi32, #tpu.memory_space<hbm>>
          tpu.enqueue_dma source(%dma_start3A_48 : memref<128xi32, #tpu.memory_space<hbm>>) target(%arg9 : memref<128xi32, #tpu.memory_space<vmem>>) target_semaphore(%run_scoped3A : memref<!tpu.dma_semaphore, #tpu.memory_space<semaphore_mem>>)
          %dma_wait3A_49 = tpu.memref_slice %arg4[%add3A_40] : memref<320000xi32, #tpu.memory_space<hbm>> -> memref<128xi32, #tpu.memory_space<hbm>>
          %dma_wait3A_50 = tpu.memref_slice %arg4[%add3A_40] : memref<320000xi32, #tpu.memory_space<hbm>> -> memref<128xi32, #tpu.memory_space<hbm>>
          tpu.wait_dma2 semaphore(%run_scoped3A : memref<!tpu.dma_semaphore, #tpu.memory_space<semaphore_mem>>) src(%dma_wait3A_50 : memref<128xi32, #tpu.memory_space<hbm>>) dst(%arg9 : memref<128xi32, #tpu.memory_space<vmem>>)
          tpu.yield
        }) : () -> ()
        "tpu.region"() ({
          %run_scoped3A = tpu.sem_alloc : memref<!tpu.dma_semaphore, #tpu.memory_space<semaphore_mem>>
          %dma_start3A_47 = tpu.memref_slice %arg5[%add3A_40] : memref<320000xi32, #tpu.memory_space<hbm>> -> memref<128xi32, #tpu.memory_space<hbm>>
          %dma_start3A_48 = tpu.memref_slice %arg5[%add3A_40] : memref<320000xi32, #tpu.memory_space<hbm>> -> memref<128xi32, #tpu.memory_space<hbm>>
          tpu.enqueue_dma source(%dma_start3A_48 : memref<128xi32, #tpu.memory_space<hbm>>) target(%arg10 : memref<128xi32, #tpu.memory_space<vmem>>) target_semaphore(%run_scoped3A : memref<!tpu.dma_semaphore, #tpu.memory_space<semaphore_mem>>)
          %dma_wait3A_49 = tpu.memref_slice %arg5[%add3A_40] : memref<320000xi32, #tpu.memory_space<hbm>> -> memref<128xi32, #tpu.memory_space<hbm>>
          %dma_wait3A_50 = tpu.memref_slice %arg5[%add3A_40] : memref<320000xi32, #tpu.memory_space<hbm>> -> memref<128xi32, #tpu.memory_space<hbm>>
          tpu.wait_dma2 semaphore(%run_scoped3A : memref<!tpu.dma_semaphore, #tpu.memory_space<semaphore_mem>>) src(%dma_wait3A_50 : memref<128xi32, #tpu.memory_space<hbm>>) dst(%arg10 : memref<128xi32, #tpu.memory_space<vmem>>)
          tpu.yield
        }) : () -> ()
        %dma_start3A_41 = arith.constant 0 : i32
        %dma_start3A_42 = arith.constant 0 : i32
        %dma_start3A_43 = tpu.memref_slice %arg3[%dma_start3A_41, %dma_start3A_42] : memref<10000x64xf32, #tpu.memory_space<hbm>> -> memref<10000x64xf32, #tpu.memory_space<hbm>>
        tpu.enqueue_indirect_dma source(%dma_start3A_43 : memref<10000x64xf32, #tpu.memory_space<hbm>>) target(%arg13 : memref<128x64xf32, #tpu.memory_space<vmem>>) offsets(%arg9 : memref<128xi32, #tpu.memory_space<vmem>>) semaphore(%arg15 : memref<!tpu.dma_semaphore, #tpu.memory_space<semaphore_mem>>)
        %dma_wait3A_44 = arith.constant 0 : i32
        %dma_wait3A_45 = arith.constant 0 : i32
        %dma_wait3A_46 = tpu.memref_slice %arg3[%dma_wait3A_44, %dma_wait3A_45] : memref<10000x64xf32, #tpu.memory_space<hbm>> -> memref<10000x64xf32, #tpu.memory_space<hbm>>
        tpu.wait_indirect_dma semaphore(%arg15 : memref<!tpu.dma_semaphore, #tpu.memory_space<semaphore_mem>>) src(%dma_wait3A_46 : memref<10000x64xf32, #tpu.memory_space<hbm>>) dst(%arg13 : memref<128x64xf32, #tpu.memory_space<vmem>>)
        "tpu.region"() ({
          %run_scoped3A = tpu.sem_alloc : memref<!tpu.dma_semaphore, #tpu.memory_space<semaphore_mem>>
          %dma_start3A_47 = arith.constant 0 : i32
          %dma_start3A_48 = arith.constant 0 : i32
          %dma_start3A_49 = tpu.memref_slice %arg14[%dma_start3A_47, %dma_start3A_48] : memref<10000x64xf32, #tpu.memory_space<vmem_shared>> -> memref<10000x64xf32, #tpu.memory_space<vmem_shared>>
          tpu.enqueue_indirect_dma source(%arg13 : memref<128x64xf32, #tpu.memory_space<vmem>>) target(%dma_start3A_49 : memref<10000x64xf32, #tpu.memory_space<vmem_shared>>) offsets(%arg10 : memref<128xi32, #tpu.memory_space<vmem>>) semaphore(%run_scoped3A : memref<!tpu.dma_semaphore, #tpu.memory_space<semaphore_mem>>) {add = true}
          %dma_wait3A_50 = arith.constant 0 : i32
          %dma_wait3A_51 = arith.constant 0 : i32
          %dma_wait3A_52 = tpu.memref_slice %arg14[%dma_wait3A_50, %dma_wait3A_51] : memref<10000x64xf32, #tpu.memory_space<vmem_shared>> -> memref<10000x64xf32, #tpu.memory_space<vmem_shared>>
          tpu.wait_indirect_dma semaphore(%run_scoped3A : memref<!tpu.dma_semaphore, #tpu.memory_space<semaphore_mem>>) src(%arg13 : memref<128x64xf32, #tpu.memory_space<vmem>>) dst(%dma_wait3A_52 : memref<10000x64xf32, #tpu.memory_space<vmem_shared>>)
          tpu.yield
        }) : () -> ()
      }
      %scan3A_25 = arith.constant 156 : i32
      %add3A = arith.constant 19968 : i32
      %add3A_26 = arith.addi %mul3A_2, %add3A : i32
      "tpu.region"() ({
        %run_scoped3A = tpu.sem_alloc : memref<!tpu.dma_semaphore, #tpu.memory_space<semaphore_mem>>
        %dma_start3A_37 = tpu.memref_slice %arg4[%add3A_26] : memref<320000xi32, #tpu.memory_space<hbm>> -> memref<32xi32, #tpu.memory_space<hbm>>
        %dma_start3A_38 = tpu.memref_slice %arg4[%add3A_26] : memref<320000xi32, #tpu.memory_space<hbm>> -> memref<32xi32, #tpu.memory_space<hbm>>
        tpu.enqueue_dma source(%dma_start3A_38 : memref<32xi32, #tpu.memory_space<hbm>>) target(%arg11 : memref<32xi32, #tpu.memory_space<vmem>>) target_semaphore(%run_scoped3A : memref<!tpu.dma_semaphore, #tpu.memory_space<semaphore_mem>>)
        %dma_wait3A_39 = tpu.memref_slice %arg4[%add3A_26] : memref<320000xi32, #tpu.memory_space<hbm>> -> memref<32xi32, #tpu.memory_space<hbm>>
        %dma_wait3A_40 = tpu.memref_slice %arg4[%add3A_26] : memref<320000xi32, #tpu.memory_space<hbm>> -> memref<32xi32, #tpu.memory_space<hbm>>
        tpu.wait_dma2 semaphore(%run_scoped3A : memref<!tpu.dma_semaphore, #tpu.memory_space<semaphore_mem>>) src(%dma_wait3A_40 : memref<32xi32, #tpu.memory_space<hbm>>) dst(%arg11 : memref<32xi32, #tpu.memory_space<vmem>>)
        tpu.yield
      }) : () -> ()
      "tpu.region"() ({
        %run_scoped3A = tpu.sem_alloc : memref<!tpu.dma_semaphore, #tpu.memory_space<semaphore_mem>>
        %dma_start3A_37 = tpu.memref_slice %arg5[%add3A_26] : memref<320000xi32, #tpu.memory_space<hbm>> -> memref<32xi32, #tpu.memory_space<hbm>>
        %dma_start3A_38 = tpu.memref_slice %arg5[%add3A_26] : memref<320000xi32, #tpu.memory_space<hbm>> -> memref<32xi32, #tpu.memory_space<hbm>>
        tpu.enqueue_dma source(%dma_start3A_38 : memref<32xi32, #tpu.memory_space<hbm>>) target(%arg12 : memref<32xi32, #tpu.memory_space<vmem>>) target_semaphore(%run_scoped3A : memref<!tpu.dma_semaphore, #tpu.memory_space<semaphore_mem>>)
        %dma_wait3A_39 = tpu.memref_slice %arg5[%add3A_26] : memref<320000xi32, #tpu.memory_space<hbm>> -> memref<32xi32, #tpu.memory_space<hbm>>
        %dma_wait3A_40 = tpu.memref_slice %arg5[%add3A_26] : memref<320000xi32, #tpu.memory_space<hbm>> -> memref<32xi32, #tpu.memory_space<hbm>>
        tpu.wait_dma2 semaphore(%run_scoped3A : memref<!tpu.dma_semaphore, #tpu.memory_space<semaphore_mem>>) src(%dma_wait3A_40 : memref<32xi32, #tpu.memory_space<hbm>>) dst(%arg12 : memref<32xi32, #tpu.memory_space<vmem>>)
        tpu.yield
      }) : () -> ()
      %dma_start3A = arith.constant 0 : i32
      %dma_start3A_27 = arith.constant 0 : i32
      %dma_start3A_28 = tpu.memref_slice %arg13[%dma_start3A, %dma_start3A_27] : memref<128x64xf32, #tpu.memory_space<vmem>> -> memref<32x64xf32, #tpu.memory_space<vmem>>
      %dma_start3A_29 = arith.constant 0 : i32
      %dma_start3A_30 = arith.constant 0 : i32
      %dma_start3A_31 = tpu.memref_slice %arg3[%dma_start3A_29, %dma_start3A_30] : memref<10000x64xf32, #tpu.memory_space<hbm>> -> memref<10000x64xf32, #tpu.memory_space<hbm>>
      tpu.enqueue_indirect_dma source(%dma_start3A_31 : memref<10000x64xf32, #tpu.memory_space<hbm>>) target(%dma_start3A_28 : memref<32x64xf32, #tpu.memory_space<vmem>>) offsets(%arg11 : memref<32xi32, #tpu.memory_space<vmem>>) semaphore(%arg15 : memref<!tpu.dma_semaphore, #tpu.memory_space<semaphore_mem>>)
      %dma_wait3A = arith.constant 0 : i32
      %dma_wait3A_32 = arith.constant 0 : i32
      %dma_wait3A_33 = tpu.memref_slice %arg13[%dma_wait3A, %dma_wait3A_32] : memref<128x64xf32, #tpu.memory_space<vmem>> -> memref<32x64xf32, #tpu.memory_space<vmem>>
      %dma_wait3A_34 = arith.constant 0 : i32
      %dma_wait3A_35 = arith.constant 0 : i32
      %dma_wait3A_36 = tpu.memref_slice %arg3[%dma_wait3A_34, %dma_wait3A_35] : memref<10000x64xf32, #tpu.memory_space<hbm>> -> memref<10000x64xf32, #tpu.memory_space<hbm>>
      tpu.wait_indirect_dma semaphore(%arg15 : memref<!tpu.dma_semaphore, #tpu.memory_space<semaphore_mem>>) src(%dma_wait3A_36 : memref<10000x64xf32, #tpu.memory_space<hbm>>) dst(%dma_wait3A_33 : memref<32x64xf32, #tpu.memory_space<vmem>>)
      "tpu.region"() ({
        %run_scoped3A = tpu.sem_alloc : memref<!tpu.dma_semaphore, #tpu.memory_space<semaphore_mem>>
        %dma_start3A_37 = arith.constant 0 : i32
        %dma_start3A_38 = arith.constant 0 : i32
        %dma_start3A_39 = tpu.memref_slice %arg13[%dma_start3A_37, %dma_start3A_38] : memref<128x64xf32, #tpu.memory_space<vmem>> -> memref<32x64xf32, #tpu.memory_space<vmem>>
        %dma_start3A_40 = arith.constant 0 : i32
        %dma_start3A_41 = arith.constant 0 : i32
        %dma_start3A_42 = tpu.memref_slice %arg14[%dma_start3A_40, %dma_start3A_41] : memref<10000x64xf32, #tpu.memory_space<vmem_shared>> -> memref<10000x64xf32, #tpu.memory_space<vmem_shared>>
        tpu.enqueue_indirect_dma source(%dma_start3A_39 : memref<32x64xf32, #tpu.memory_space<vmem>>) target(%dma_start3A_42 : memref<10000x64xf32, #tpu.memory_space<vmem_shared>>) offsets(%arg12 : memref<32xi32, #tpu.memory_space<vmem>>) semaphore(%run_scoped3A : memref<!tpu.dma_semaphore, #tpu.memory_space<semaphore_mem>>) {add = true}
        %dma_wait3A_43 = arith.constant 0 : i32
        %dma_wait3A_44 = arith.constant 0 : i32
        %dma_wait3A_45 = tpu.memref_slice %arg13[%dma_wait3A_43, %dma_wait3A_44] : memref<128x64xf32, #tpu.memory_space<vmem>> -> memref<32x64xf32, #tpu.memory_space<vmem>>
        %dma_wait3A_46 = arith.constant 0 : i32
        %dma_wait3A_47 = arith.constant 0 : i32
        %dma_wait3A_48 = tpu.memref_slice %arg14[%dma_wait3A_46, %dma_wait3A_47] : memref<10000x64xf32, #tpu.memory_space<vmem_shared>> -> memref<10000x64xf32, #tpu.memory_space<vmem_shared>>
        tpu.wait_indirect_dma semaphore(%run_scoped3A : memref<!tpu.dma_semaphore, #tpu.memory_space<semaphore_mem>>) src(%dma_wait3A_45 : memref<32x64xf32, #tpu.memory_space<vmem>>) dst(%dma_wait3A_48 : memref<10000x64xf32, #tpu.memory_space<vmem_shared>>)
        tpu.yield
      }) : () -> ()
    } else {
    }
    %barrier3A_10 = arith.constant 0 : index
    tpu.barrier barrier_id(%barrier3A_10)
    %eq3A_11 = arith.constant 0 : i32
    %eq3A_12 = arith.cmpi eq, %arg0, %eq3A_11 : i32
    %convert_element_type3A_13 = arith.extui %eq3A_12 : i1 to i32
    %cond3A_14 = arith.constant 0 : i32
    %cond3A_15 = arith.cmpi ne, %convert_element_type3A_13, %cond3A_14 : i32
    scf.if %cond3A_15 {
      "tpu.region"() ({
        %run_scoped3A = tpu.sem_alloc : memref<!tpu.dma_semaphore, #tpu.memory_space<semaphore_mem>>
        %dma_start3A = arith.constant 0 : i32
        %dma_start3A_21 = tpu.memref_slice %arg7[%mul3A_0, %dma_start3A] : memref<10000x64xf32, #tpu.memory_space<hbm>> -> memref<625x64xf32, #tpu.memory_space<hbm>>
        %dma_start3A_22 = arith.constant 0 : i32
        %dma_start3A_23 = tpu.memref_slice %arg14[%mul3A_0, %dma_start3A_22] : memref<10000x64xf32, #tpu.memory_space<vmem_shared>> -> memref<625x64xf32, #tpu.memory_space<vmem_shared>>
        tpu.enqueue_dma source(%dma_start3A_23 : memref<625x64xf32, #tpu.memory_space<vmem_shared>>) target(%dma_start3A_21 : memref<625x64xf32, #tpu.memory_space<hbm>>) target_semaphore(%run_scoped3A : memref<!tpu.dma_semaphore, #tpu.memory_space<semaphore_mem>>)
        %dma_wait3A = arith.constant 0 : i32
        %dma_wait3A_24 = tpu.memref_slice %arg7[%mul3A_0, %dma_wait3A] : memref<10000x64xf32, #tpu.memory_space<hbm>> -> memref<625x64xf32, #tpu.memory_space<hbm>>
        %dma_wait3A_25 = arith.constant 0 : i32
        %dma_wait3A_26 = tpu.memref_slice %arg14[%mul3A_0, %dma_wait3A_25] : memref<10000x64xf32, #tpu.memory_space<vmem_shared>> -> memref<625x64xf32, #tpu.memory_space<vmem_shared>>
        tpu.wait_dma2 semaphore(%run_scoped3A : memref<!tpu.dma_semaphore, #tpu.memory_space<semaphore_mem>>) src(%dma_wait3A_26 : memref<625x64xf32, #tpu.memory_space<vmem_shared>>) dst(%dma_wait3A_24 : memref<625x64xf32, #tpu.memory_space<hbm>>)
        tpu.yield
      }) : () -> ()
    } else {
    }
    %eq3A_16 = arith.constant 1 : i32
    %eq3A_17 = arith.cmpi eq, %arg0, %eq3A_16 : i32
    %convert_element_type3A_18 = arith.extui %eq3A_17 : i1 to i32
    %cond3A_19 = arith.constant 0 : i32
    %cond3A_20 = arith.cmpi ne, %convert_element_type3A_18, %cond3A_19 : i32
    scf.if %cond3A_20 {
      "tpu.region"() ({
        %run_scoped3A = tpu.sem_alloc : memref<!tpu.dma_semaphore, #tpu.memory_space<semaphore_mem>>
        %dma_start3A = arith.constant 0 : i32
        %dma_start3A_21 = tpu.memref_slice %arg8[%mul3A_0, %dma_start3A] : memref<10000x64xf32, #tpu.memory_space<hbm>> -> memref<625x64xf32, #tpu.memory_space<hbm>>
        %dma_start3A_22 = arith.constant 0 : i32
        %dma_start3A_23 = tpu.memref_slice %arg14[%mul3A_0, %dma_start3A_22] : memref<10000x64xf32, #tpu.memory_space<vmem_shared>> -> memref<625x64xf32, #tpu.memory_space<vmem_shared>>
        tpu.enqueue_dma source(%dma_start3A_23 : memref<625x64xf32, #tpu.memory_space<vmem_shared>>) target(%dma_start3A_21 : memref<625x64xf32, #tpu.memory_space<hbm>>) target_semaphore(%run_scoped3A : memref<!tpu.dma_semaphore, #tpu.memory_space<semaphore_mem>>)
        %dma_wait3A = arith.constant 0 : i32
        %dma_wait3A_24 = tpu.memref_slice %arg8[%mul3A_0, %dma_wait3A] : memref<10000x64xf32, #tpu.memory_space<hbm>> -> memref<625x64xf32, #tpu.memory_space<hbm>>
        %dma_wait3A_25 = arith.constant 0 : i32
        %dma_wait3A_26 = tpu.memref_slice %arg14[%mul3A_0, %dma_wait3A_25] : memref<10000x64xf32, #tpu.memory_space<vmem_shared>> -> memref<625x64xf32, #tpu.memory_space<vmem_shared>>
        tpu.wait_dma2 semaphore(%run_scoped3A : memref<!tpu.dma_semaphore, #tpu.memory_space<semaphore_mem>>) src(%dma_wait3A_26 : memref<625x64xf32, #tpu.memory_space<vmem_shared>>) dst(%dma_wait3A_24 : memref<625x64xf32, #tpu.memory_space<hbm>>)
        tpu.yield
      }) : () -> ()
    } else {
    }
    return
  }
}

#map = affine_map<(d0, d1) -> (0)>
#map1 = affine_map<(d0, d1) -> (0, 0)>
module attributes {stable_mosaic.version = 14 : i64} {
  func.func @_deg_body(%arg0: i32, %arg1: i32, %arg2: memref<320000xi32, #tpu.memory_space<hbm>>, %arg3: memref<625x16xf32, #tpu.memory_space<hbm>>, %arg4: memref<128x16xf32, #tpu.memory_space<hbm>>, %arg5: memref<20000x16xf32, #tpu.memory_space<hbm>>, %arg6: memref<128xi32, #tpu.memory_space<vmem>>, %arg7: memref<16xi32, #tpu.memory_space<vmem>>, %arg8: memref<128x16xf32, #tpu.memory_space<vmem>>, %arg9: memref<10000x16xf32, #tpu.memory_space<vmem_shared>>) attributes {dimension_semantics = [#tpu.dimension_semantics<core_parallel>, #tpu.dimension_semantics<subcore_parallel>], iteration_bounds = array<i64: 2, 16>, scalar_prefetch = 0 : i64, scratch_operands = 4 : i64, tpu.core_type = #tpu.core_type<sc_vector_subcore>, window_params = [{transform_indices = #map}, {transform_indices = #map1}, {transform_indices = #map1}, {transform_indices = #map1}]} {
    %mul3A = arith.constant 625 : i32
    %mul3A_0 = arith.muli %arg1, %mul3A : i32
    "tpu.region"() ({
      %run_scoped3A = tpu.sem_alloc : memref<!tpu.dma_semaphore, #tpu.memory_space<semaphore_mem>>
      %dma_start3A = arith.constant 0 : i32
      %dma_start3A_16 = tpu.memref_slice %arg9[%mul3A_0, %dma_start3A] : memref<10000x16xf32, #tpu.memory_space<vmem_shared>> -> memref<625x16xf32, #tpu.memory_space<vmem_shared>>
      tpu.enqueue_dma source(%arg3 : memref<625x16xf32, #tpu.memory_space<hbm>>) target(%dma_start3A_16 : memref<625x16xf32, #tpu.memory_space<vmem_shared>>) target_semaphore(%run_scoped3A : memref<!tpu.dma_semaphore, #tpu.memory_space<semaphore_mem>>)
      %dma_wait3A = arith.constant 0 : i32
      %dma_wait3A_17 = tpu.memref_slice %arg9[%mul3A_0, %dma_wait3A] : memref<10000x16xf32, #tpu.memory_space<vmem_shared>> -> memref<625x16xf32, #tpu.memory_space<vmem_shared>>
      tpu.wait_dma2 semaphore(%run_scoped3A : memref<!tpu.dma_semaphore, #tpu.memory_space<semaphore_mem>>) src(%arg3 : memref<625x16xf32, #tpu.memory_space<hbm>>) dst(%dma_wait3A_17 : memref<625x16xf32, #tpu.memory_space<vmem_shared>>)
      tpu.yield
    }) : () -> ()
    "tpu.region"() ({
      %run_scoped3A = tpu.sem_alloc : memref<!tpu.dma_semaphore, #tpu.memory_space<semaphore_mem>>
      tpu.enqueue_dma source(%arg4 : memref<128x16xf32, #tpu.memory_space<hbm>>) target(%arg8 : memref<128x16xf32, #tpu.memory_space<vmem>>) target_semaphore(%run_scoped3A : memref<!tpu.dma_semaphore, #tpu.memory_space<semaphore_mem>>)
      tpu.wait_dma2 semaphore(%run_scoped3A : memref<!tpu.dma_semaphore, #tpu.memory_space<semaphore_mem>>) src(%arg4 : memref<128x16xf32, #tpu.memory_space<hbm>>) dst(%arg8 : memref<128x16xf32, #tpu.memory_space<vmem>>)
      tpu.yield
    }) : () -> ()
    %barrier3A = arith.constant 0 : index
    tpu.barrier barrier_id(%barrier3A)
    %mul3A_1 = arith.constant 16 : i32
    %mul3A_2 = arith.muli %arg0, %mul3A_1 : i32
    %add3A = arith.addi %mul3A_2, %arg1 : i32
    %mul3A_3 = arith.constant 10000 : i32
    %mul3A_4 = arith.muli %add3A, %mul3A_3 : i32
    %scan3A = arith.constant 0 : i32
    %scan3A_5 = arith.constant 0 : i32
    %scan3A_6 = arith.constant 78 : i32
    %scan3A_7 = arith.addi %scan3A_5, %scan3A_6 : i32
    %scan3A_8 = arith.constant 1 : i32
    scf.for %scan3A_16 = %scan3A_5 to %scan3A_7 step %scan3A_8  : i32 {
      %mul3A_17 = arith.constant 128 : i32
      %mul3A_18 = arith.muli %scan3A_16, %mul3A_17 : i32
      %add3A_19 = arith.addi %mul3A_4, %mul3A_18 : i32
      "tpu.region"() ({
        %run_scoped3A = tpu.sem_alloc : memref<!tpu.dma_semaphore, #tpu.memory_space<semaphore_mem>>
        %dma_start3A = tpu.memref_slice %arg2[%add3A_19] : memref<320000xi32, #tpu.memory_space<hbm>> -> memref<128xi32, #tpu.memory_space<hbm>>
        %dma_start3A_20 = tpu.memref_slice %arg2[%add3A_19] : memref<320000xi32, #tpu.memory_space<hbm>> -> memref<128xi32, #tpu.memory_space<hbm>>
        tpu.enqueue_dma source(%dma_start3A_20 : memref<128xi32, #tpu.memory_space<hbm>>) target(%arg6 : memref<128xi32, #tpu.memory_space<vmem>>) target_semaphore(%run_scoped3A : memref<!tpu.dma_semaphore, #tpu.memory_space<semaphore_mem>>)
        %dma_wait3A = tpu.memref_slice %arg2[%add3A_19] : memref<320000xi32, #tpu.memory_space<hbm>> -> memref<128xi32, #tpu.memory_space<hbm>>
        %dma_wait3A_21 = tpu.memref_slice %arg2[%add3A_19] : memref<320000xi32, #tpu.memory_space<hbm>> -> memref<128xi32, #tpu.memory_space<hbm>>
        tpu.wait_dma2 semaphore(%run_scoped3A : memref<!tpu.dma_semaphore, #tpu.memory_space<semaphore_mem>>) src(%dma_wait3A_21 : memref<128xi32, #tpu.memory_space<hbm>>) dst(%arg6 : memref<128xi32, #tpu.memory_space<vmem>>)
        tpu.yield
      }) : () -> ()
      "tpu.region"() ({
        %run_scoped3A = tpu.sem_alloc : memref<!tpu.dma_semaphore, #tpu.memory_space<semaphore_mem>>
        %dma_start3A = arith.constant 0 : i32
        %dma_start3A_20 = arith.constant 0 : i32
        %dma_start3A_21 = tpu.memref_slice %arg9[%dma_start3A, %dma_start3A_20] : memref<10000x16xf32, #tpu.memory_space<vmem_shared>> -> memref<10000x16xf32, #tpu.memory_space<vmem_shared>>
        tpu.enqueue_indirect_dma source(%arg8 : memref<128x16xf32, #tpu.memory_space<vmem>>) target(%dma_start3A_21 : memref<10000x16xf32, #tpu.memory_space<vmem_shared>>) offsets(%arg6 : memref<128xi32, #tpu.memory_space<vmem>>) semaphore(%run_scoped3A : memref<!tpu.dma_semaphore, #tpu.memory_space<semaphore_mem>>) {add = true}
        %dma_wait3A = arith.constant 0 : i32
        %dma_wait3A_22 = arith.constant 0 : i32
        %dma_wait3A_23 = tpu.memref_slice %arg9[%dma_wait3A, %dma_wait3A_22] : memref<10000x16xf32, #tpu.memory_space<vmem_shared>> -> memref<10000x16xf32, #tpu.memory_space<vmem_shared>>
        tpu.wait_indirect_dma semaphore(%run_scoped3A : memref<!tpu.dma_semaphore, #tpu.memory_space<semaphore_mem>>) src(%arg8 : memref<128x16xf32, #tpu.memory_space<vmem>>) dst(%dma_wait3A_23 : memref<10000x16xf32, #tpu.memory_space<vmem_shared>>)
        tpu.yield
      }) : () -> ()
    }
    %scan3A_9 = arith.constant 78 : i32
    %add3A_10 = arith.constant 9984 : i32
    %add3A_11 = arith.addi %mul3A_4, %add3A_10 : i32
    "tpu.region"() ({
      %run_scoped3A = tpu.sem_alloc : memref<!tpu.dma_semaphore, #tpu.memory_space<semaphore_mem>>
      %dma_start3A = tpu.memref_slice %arg2[%add3A_11] : memref<320000xi32, #tpu.memory_space<hbm>> -> memref<16xi32, #tpu.memory_space<hbm>>
      %dma_start3A_16 = tpu.memref_slice %arg2[%add3A_11] : memref<320000xi32, #tpu.memory_space<hbm>> -> memref<16xi32, #tpu.memory_space<hbm>>
      tpu.enqueue_dma source(%dma_start3A_16 : memref<16xi32, #tpu.memory_space<hbm>>) target(%arg7 : memref<16xi32, #tpu.memory_space<vmem>>) target_semaphore(%run_scoped3A : memref<!tpu.dma_semaphore, #tpu.memory_space<semaphore_mem>>)
      %dma_wait3A = tpu.memref_slice %arg2[%add3A_11] : memref<320000xi32, #tpu.memory_space<hbm>> -> memref<16xi32, #tpu.memory_space<hbm>>
      %dma_wait3A_17 = tpu.memref_slice %arg2[%add3A_11] : memref<320000xi32, #tpu.memory_space<hbm>> -> memref<16xi32, #tpu.memory_space<hbm>>
      tpu.wait_dma2 semaphore(%run_scoped3A : memref<!tpu.dma_semaphore, #tpu.memory_space<semaphore_mem>>) src(%dma_wait3A_17 : memref<16xi32, #tpu.memory_space<hbm>>) dst(%arg7 : memref<16xi32, #tpu.memory_space<vmem>>)
      tpu.yield
    }) : () -> ()
    "tpu.region"() ({
      %run_scoped3A = tpu.sem_alloc : memref<!tpu.dma_semaphore, #tpu.memory_space<semaphore_mem>>
      %dma_start3A = arith.constant 0 : i32
      %dma_start3A_16 = arith.constant 0 : i32
      %dma_start3A_17 = tpu.memref_slice %arg8[%dma_start3A, %dma_start3A_16] : memref<128x16xf32, #tpu.memory_space<vmem>> -> memref<16x16xf32, #tpu.memory_space<vmem>>
      %dma_start3A_18 = arith.constant 0 : i32
      %dma_start3A_19 = arith.constant 0 : i32
      %dma_start3A_20 = tpu.memref_slice %arg9[%dma_start3A_18, %dma_start3A_19] : memref<10000x16xf32, #tpu.memory_space<vmem_shared>> -> memref<10000x16xf32, #tpu.memory_space<vmem_shared>>
      tpu.enqueue_indirect_dma source(%dma_start3A_17 : memref<16x16xf32, #tpu.memory_space<vmem>>) target(%dma_start3A_20 : memref<10000x16xf32, #tpu.memory_space<vmem_shared>>) offsets(%arg7 : memref<16xi32, #tpu.memory_space<vmem>>) semaphore(%run_scoped3A : memref<!tpu.dma_semaphore, #tpu.memory_space<semaphore_mem>>) {add = true}
      %dma_wait3A = arith.constant 0 : i32
      %dma_wait3A_21 = arith.constant 0 : i32
      %dma_wait3A_22 = tpu.memref_slice %arg8[%dma_wait3A, %dma_wait3A_21] : memref<128x16xf32, #tpu.memory_space<vmem>> -> memref<16x16xf32, #tpu.memory_space<vmem>>
      %dma_wait3A_23 = arith.constant 0 : i32
      %dma_wait3A_24 = arith.constant 0 : i32
      %dma_wait3A_25 = tpu.memref_slice %arg9[%dma_wait3A_23, %dma_wait3A_24] : memref<10000x16xf32, #tpu.memory_space<vmem_shared>> -> memref<10000x16xf32, #tpu.memory_space<vmem_shared>>
      tpu.wait_indirect_dma semaphore(%run_scoped3A : memref<!tpu.dma_semaphore, #tpu.memory_space<semaphore_mem>>) src(%dma_wait3A_22 : memref<16x16xf32, #tpu.memory_space<vmem>>) dst(%dma_wait3A_25 : memref<10000x16xf32, #tpu.memory_space<vmem_shared>>)
      tpu.yield
    }) : () -> ()
    %barrier3A_12 = arith.constant 0 : index
    tpu.barrier barrier_id(%barrier3A_12)
    %mul3A_13 = arith.constant 10000 : i32
    %mul3A_14 = arith.muli %arg0, %mul3A_13 : i32
    %add3A_15 = arith.addi %mul3A_14, %mul3A_0 : i32
    "tpu.region"() ({
      %run_scoped3A = tpu.sem_alloc : memref<!tpu.dma_semaphore, #tpu.memory_space<semaphore_mem>>
      %dma_start3A = arith.constant 0 : i32
      %dma_start3A_16 = tpu.memref_slice %arg5[%add3A_15, %dma_start3A] : memref<20000x16xf32, #tpu.memory_space<hbm>> -> memref<625x16xf32, #tpu.memory_space<hbm>>
      %dma_start3A_17 = arith.constant 0 : i32
      %dma_start3A_18 = tpu.memref_slice %arg9[%mul3A_0, %dma_start3A_17] : memref<10000x16xf32, #tpu.memory_space<vmem_shared>> -> memref<625x16xf32, #tpu.memory_space<vmem_shared>>
      tpu.enqueue_dma source(%dma_start3A_18 : memref<625x16xf32, #tpu.memory_space<vmem_shared>>) target(%dma_start3A_16 : memref<625x16xf32, #tpu.memory_space<hbm>>) target_semaphore(%run_scoped3A : memref<!tpu.dma_semaphore, #tpu.memory_space<semaphore_mem>>)
      %dma_wait3A = arith.constant 0 : i32
      %dma_wait3A_19 = tpu.memref_slice %arg5[%add3A_15, %dma_wait3A] : memref<20000x16xf32, #tpu.memory_space<hbm>> -> memref<625x16xf32, #tpu.memory_space<hbm>>
      %dma_wait3A_20 = arith.constant 0 : i32
      %dma_wait3A_21 = tpu.memref_slice %arg9[%mul3A_0, %dma_wait3A_20] : memref<10000x16xf32, #tpu.memory_space<vmem_shared>> -> memref<625x16xf32, #tpu.memory_space<vmem_shared>>
      tpu.wait_dma2 semaphore(%run_scoped3A : memref<!tpu.dma_semaphore, #tpu.memory_space<semaphore_mem>>) src(%dma_wait3A_21 : memref<625x16xf32, #tpu.memory_space<vmem_shared>>) dst(%dma_wait3A_19 : memref<625x16xf32, #tpu.memory_space<hbm>>)
      tpu.yield
    }) : () -> ()
    return
  }
}

#map = affine_map<(d0, d1) -> (0, 0)>
#map1 = affine_map<(d0, d1) -> (0)>
module attributes {stable_mosaic.version = 14 : i64} {
  func.func @_round_body(%arg0: i32, %arg1: i32, %arg2: memref<10000x64xf32, #tpu.memory_space<hbm>>, %arg3: memref<10000x64xf32, #tpu.memory_space<hbm>>, %arg4: memref<320000xi32, #tpu.memory_space<hbm>>, %arg5: memref<320000xi32, #tpu.memory_space<hbm>>, %arg6: memref<625x64xf32, #tpu.memory_space<hbm>>, %arg7: memref<10000x64xf32, #tpu.memory_space<hbm>>, %arg8: memref<10000x64xf32, #tpu.memory_space<hbm>>, %arg9: memref<128xi32, #tpu.memory_space<vmem>>, %arg10: memref<128xi32, #tpu.memory_space<vmem>>, %arg11: memref<32xi32, #tpu.memory_space<vmem>>, %arg12: memref<32xi32, #tpu.memory_space<vmem>>, %arg13: memref<128x64xf32, #tpu.memory_space<vmem>>, %arg14: memref<10000x64xf32, #tpu.memory_space<vmem_shared>>, %arg15: memref<!tpu.dma_semaphore, #tpu.memory_space<semaphore_mem>>) attributes {dimension_semantics = [#tpu.dimension_semantics<core_parallel>, #tpu.dimension_semantics<subcore_parallel>], iteration_bounds = array<i64: 2, 16>, scalar_prefetch = 0 : i64, scratch_operands = 7 : i64, tpu.core_type = #tpu.core_type<sc_vector_subcore>, window_params = [{transform_indices = #map}, {transform_indices = #map}, {transform_indices = #map1}, {transform_indices = #map1}, {transform_indices = #map}, {transform_indices = #map}, {transform_indices = #map}]} {
    %mul3A = arith.constant 625 : i32
    %mul3A_0 = arith.muli %arg1, %mul3A : i32
    "tpu.region"() ({
      %run_scoped3A = tpu.sem_alloc : memref<!tpu.dma_semaphore, #tpu.memory_space<semaphore_mem>>
      %dma_start3A = arith.constant 0 : i32
      %dma_start3A_21 = tpu.memref_slice %arg14[%mul3A_0, %dma_start3A] : memref<10000x64xf32, #tpu.memory_space<vmem_shared>> -> memref<625x64xf32, #tpu.memory_space<vmem_shared>>
      tpu.enqueue_dma source(%arg6 : memref<625x64xf32, #tpu.memory_space<hbm>>) target(%dma_start3A_21 : memref<625x64xf32, #tpu.memory_space<vmem_shared>>) target_semaphore(%run_scoped3A : memref<!tpu.dma_semaphore, #tpu.memory_space<semaphore_mem>>)
      %dma_wait3A = arith.constant 0 : i32
      %dma_wait3A_22 = tpu.memref_slice %arg14[%mul3A_0, %dma_wait3A] : memref<10000x64xf32, #tpu.memory_space<vmem_shared>> -> memref<625x64xf32, #tpu.memory_space<vmem_shared>>
      tpu.wait_dma2 semaphore(%run_scoped3A : memref<!tpu.dma_semaphore, #tpu.memory_space<semaphore_mem>>) src(%arg6 : memref<625x64xf32, #tpu.memory_space<hbm>>) dst(%dma_wait3A_22 : memref<625x64xf32, #tpu.memory_space<vmem_shared>>)
      tpu.yield
    }) : () -> ()
    %barrier3A = arith.constant 0 : index
    tpu.barrier barrier_id(%barrier3A)
    %mul3A_1 = arith.constant 20000 : i32
    %mul3A_2 = arith.muli %arg1, %mul3A_1 : i32
    %eq3A = arith.constant 0 : i32
    %eq3A_3 = arith.cmpi eq, %arg0, %eq3A : i32
    %convert_element_type3A = arith.extui %eq3A_3 : i1 to i32
    %cond3A = arith.constant 0 : i32
    %cond3A_4 = arith.cmpi ne, %convert_element_type3A, %cond3A : i32
    scf.if %cond3A_4 {
      %scan3A = arith.constant 0 : i32
      %scan3A_21 = arith.constant 0 : i32
      %scan3A_22 = arith.constant 156 : i32
      %scan3A_23 = arith.addi %scan3A_21, %scan3A_22 : i32
      %scan3A_24 = arith.constant 1 : i32
      scf.for %scan3A_37 = %scan3A_21 to %scan3A_23 step %scan3A_24  : i32 {
        %mul3A_38 = arith.constant 128 : i32
        %mul3A_39 = arith.muli %scan3A_37, %mul3A_38 : i32
        %add3A_40 = arith.addi %mul3A_2, %mul3A_39 : i32
        "tpu.region"() ({
          %run_scoped3A = tpu.sem_alloc : memref<!tpu.dma_semaphore, #tpu.memory_space<semaphore_mem>>
          %dma_start3A_47 = tpu.memref_slice %arg4[%add3A_40] : memref<320000xi32, #tpu.memory_space<hbm>> -> memref<128xi32, #tpu.memory_space<hbm>>
          %dma_start3A_48 = tpu.memref_slice %arg4[%add3A_40] : memref<320000xi32, #tpu.memory_space<hbm>> -> memref<128xi32, #tpu.memory_space<hbm>>
          tpu.enqueue_dma source(%dma_start3A_48 : memref<128xi32, #tpu.memory_space<hbm>>) target(%arg9 : memref<128xi32, #tpu.memory_space<vmem>>) target_semaphore(%run_scoped3A : memref<!tpu.dma_semaphore, #tpu.memory_space<semaphore_mem>>)
          %dma_wait3A_49 = tpu.memref_slice %arg4[%add3A_40] : memref<320000xi32, #tpu.memory_space<hbm>> -> memref<128xi32, #tpu.memory_space<hbm>>
          %dma_wait3A_50 = tpu.memref_slice %arg4[%add3A_40] : memref<320000xi32, #tpu.memory_space<hbm>> -> memref<128xi32, #tpu.memory_space<hbm>>
          tpu.wait_dma2 semaphore(%run_scoped3A : memref<!tpu.dma_semaphore, #tpu.memory_space<semaphore_mem>>) src(%dma_wait3A_50 : memref<128xi32, #tpu.memory_space<hbm>>) dst(%arg9 : memref<128xi32, #tpu.memory_space<vmem>>)
          tpu.yield
        }) : () -> ()
        "tpu.region"() ({
          %run_scoped3A = tpu.sem_alloc : memref<!tpu.dma_semaphore, #tpu.memory_space<semaphore_mem>>
          %dma_start3A_47 = tpu.memref_slice %arg5[%add3A_40] : memref<320000xi32, #tpu.memory_space<hbm>> -> memref<128xi32, #tpu.memory_space<hbm>>
          %dma_start3A_48 = tpu.memref_slice %arg5[%add3A_40] : memref<320000xi32, #tpu.memory_space<hbm>> -> memref<128xi32, #tpu.memory_space<hbm>>
          tpu.enqueue_dma source(%dma_start3A_48 : memref<128xi32, #tpu.memory_space<hbm>>) target(%arg10 : memref<128xi32, #tpu.memory_space<vmem>>) target_semaphore(%run_scoped3A : memref<!tpu.dma_semaphore, #tpu.memory_space<semaphore_mem>>)
          %dma_wait3A_49 = tpu.memref_slice %arg5[%add3A_40] : memref<320000xi32, #tpu.memory_space<hbm>> -> memref<128xi32, #tpu.memory_space<hbm>>
          %dma_wait3A_50 = tpu.memref_slice %arg5[%add3A_40] : memref<320000xi32, #tpu.memory_space<hbm>> -> memref<128xi32, #tpu.memory_space<hbm>>
          tpu.wait_dma2 semaphore(%run_scoped3A : memref<!tpu.dma_semaphore, #tpu.memory_space<semaphore_mem>>) src(%dma_wait3A_50 : memref<128xi32, #tpu.memory_space<hbm>>) dst(%arg10 : memref<128xi32, #tpu.memory_space<vmem>>)
          tpu.yield
        }) : () -> ()
        %dma_start3A_41 = arith.constant 0 : i32
        %dma_start3A_42 = arith.constant 0 : i32
        %dma_start3A_43 = tpu.memref_slice %arg2[%dma_start3A_41, %dma_start3A_42] : memref<10000x64xf32, #tpu.memory_space<hbm>> -> memref<10000x64xf32, #tpu.memory_space<hbm>>
        tpu.enqueue_indirect_dma source(%dma_start3A_43 : memref<10000x64xf32, #tpu.memory_space<hbm>>) target(%arg13 : memref<128x64xf32, #tpu.memory_space<vmem>>) offsets(%arg9 : memref<128xi32, #tpu.memory_space<vmem>>) semaphore(%arg15 : memref<!tpu.dma_semaphore, #tpu.memory_space<semaphore_mem>>)
        %dma_wait3A_44 = arith.constant 0 : i32
        %dma_wait3A_45 = arith.constant 0 : i32
        %dma_wait3A_46 = tpu.memref_slice %arg2[%dma_wait3A_44, %dma_wait3A_45] : memref<10000x64xf32, #tpu.memory_space<hbm>> -> memref<10000x64xf32, #tpu.memory_space<hbm>>
        tpu.wait_indirect_dma semaphore(%arg15 : memref<!tpu.dma_semaphore, #tpu.memory_space<semaphore_mem>>) src(%dma_wait3A_46 : memref<10000x64xf32, #tpu.memory_space<hbm>>) dst(%arg13 : memref<128x64xf32, #tpu.memory_space<vmem>>)
        "tpu.region"() ({
          %run_scoped3A = tpu.sem_alloc : memref<!tpu.dma_semaphore, #tpu.memory_space<semaphore_mem>>
          %dma_start3A_47 = arith.constant 0 : i32
          %dma_start3A_48 = arith.constant 0 : i32
          %dma_start3A_49 = tpu.memref_slice %arg14[%dma_start3A_47, %dma_start3A_48] : memref<10000x64xf32, #tpu.memory_space<vmem_shared>> -> memref<10000x64xf32, #tpu.memory_space<vmem_shared>>
          tpu.enqueue_indirect_dma source(%arg13 : memref<128x64xf32, #tpu.memory_space<vmem>>) target(%dma_start3A_49 : memref<10000x64xf32, #tpu.memory_space<vmem_shared>>) offsets(%arg10 : memref<128xi32, #tpu.memory_space<vmem>>) semaphore(%run_scoped3A : memref<!tpu.dma_semaphore, #tpu.memory_space<semaphore_mem>>) {add = true}
          %dma_wait3A_50 = arith.constant 0 : i32
          %dma_wait3A_51 = arith.constant 0 : i32
          %dma_wait3A_52 = tpu.memref_slice %arg14[%dma_wait3A_50, %dma_wait3A_51] : memref<10000x64xf32, #tpu.memory_space<vmem_shared>> -> memref<10000x64xf32, #tpu.memory_space<vmem_shared>>
          tpu.wait_indirect_dma semaphore(%run_scoped3A : memref<!tpu.dma_semaphore, #tpu.memory_space<semaphore_mem>>) src(%arg13 : memref<128x64xf32, #tpu.memory_space<vmem>>) dst(%dma_wait3A_52 : memref<10000x64xf32, #tpu.memory_space<vmem_shared>>)
          tpu.yield
        }) : () -> ()
      }
      %scan3A_25 = arith.constant 156 : i32
      %add3A = arith.constant 19968 : i32
      %add3A_26 = arith.addi %mul3A_2, %add3A : i32
      "tpu.region"() ({
        %run_scoped3A = tpu.sem_alloc : memref<!tpu.dma_semaphore, #tpu.memory_space<semaphore_mem>>
        %dma_start3A_37 = tpu.memref_slice %arg4[%add3A_26] : memref<320000xi32, #tpu.memory_space<hbm>> -> memref<32xi32, #tpu.memory_space<hbm>>
        %dma_start3A_38 = tpu.memref_slice %arg4[%add3A_26] : memref<320000xi32, #tpu.memory_space<hbm>> -> memref<32xi32, #tpu.memory_space<hbm>>
        tpu.enqueue_dma source(%dma_start3A_38 : memref<32xi32, #tpu.memory_space<hbm>>) target(%arg11 : memref<32xi32, #tpu.memory_space<vmem>>) target_semaphore(%run_scoped3A : memref<!tpu.dma_semaphore, #tpu.memory_space<semaphore_mem>>)
        %dma_wait3A_39 = tpu.memref_slice %arg4[%add3A_26] : memref<320000xi32, #tpu.memory_space<hbm>> -> memref<32xi32, #tpu.memory_space<hbm>>
        %dma_wait3A_40 = tpu.memref_slice %arg4[%add3A_26] : memref<320000xi32, #tpu.memory_space<hbm>> -> memref<32xi32, #tpu.memory_space<hbm>>
        tpu.wait_dma2 semaphore(%run_scoped3A : memref<!tpu.dma_semaphore, #tpu.memory_space<semaphore_mem>>) src(%dma_wait3A_40 : memref<32xi32, #tpu.memory_space<hbm>>) dst(%arg11 : memref<32xi32, #tpu.memory_space<vmem>>)
        tpu.yield
      }) : () -> ()
      "tpu.region"() ({
        %run_scoped3A = tpu.sem_alloc : memref<!tpu.dma_semaphore, #tpu.memory_space<semaphore_mem>>
        %dma_start3A_37 = tpu.memref_slice %arg5[%add3A_26] : memref<320000xi32, #tpu.memory_space<hbm>> -> memref<32xi32, #tpu.memory_space<hbm>>
        %dma_start3A_38 = tpu.memref_slice %arg5[%add3A_26] : memref<320000xi32, #tpu.memory_space<hbm>> -> memref<32xi32, #tpu.memory_space<hbm>>
        tpu.enqueue_dma source(%dma_start3A_38 : memref<32xi32, #tpu.memory_space<hbm>>) target(%arg12 : memref<32xi32, #tpu.memory_space<vmem>>) target_semaphore(%run_scoped3A : memref<!tpu.dma_semaphore, #tpu.memory_space<semaphore_mem>>)
        %dma_wait3A_39 = tpu.memref_slice %arg5[%add3A_26] : memref<320000xi32, #tpu.memory_space<hbm>> -> memref<32xi32, #tpu.memory_space<hbm>>
        %dma_wait3A_40 = tpu.memref_slice %arg5[%add3A_26] : memref<320000xi32, #tpu.memory_space<hbm>> -> memref<32xi32, #tpu.memory_space<hbm>>
        tpu.wait_dma2 semaphore(%run_scoped3A : memref<!tpu.dma_semaphore, #tpu.memory_space<semaphore_mem>>) src(%dma_wait3A_40 : memref<32xi32, #tpu.memory_space<hbm>>) dst(%arg12 : memref<32xi32, #tpu.memory_space<vmem>>)
        tpu.yield
      }) : () -> ()
      %dma_start3A = arith.constant 0 : i32
      %dma_start3A_27 = arith.constant 0 : i32
      %dma_start3A_28 = tpu.memref_slice %arg13[%dma_start3A, %dma_start3A_27] : memref<128x64xf32, #tpu.memory_space<vmem>> -> memref<32x64xf32, #tpu.memory_space<vmem>>
      %dma_start3A_29 = arith.constant 0 : i32
      %dma_start3A_30 = arith.constant 0 : i32
      %dma_start3A_31 = tpu.memref_slice %arg2[%dma_start3A_29, %dma_start3A_30] : memref<10000x64xf32, #tpu.memory_space<hbm>> -> memref<10000x64xf32, #tpu.memory_space<hbm>>
      tpu.enqueue_indirect_dma source(%dma_start3A_31 : memref<10000x64xf32, #tpu.memory_space<hbm>>) target(%dma_start3A_28 : memref<32x64xf32, #tpu.memory_space<vmem>>) offsets(%arg11 : memref<32xi32, #tpu.memory_space<vmem>>) semaphore(%arg15 : memref<!tpu.dma_semaphore, #tpu.memory_space<semaphore_mem>>)
      %dma_wait3A = arith.constant 0 : i32
      %dma_wait3A_32 = arith.constant 0 : i32
      %dma_wait3A_33 = tpu.memref_slice %arg13[%dma_wait3A, %dma_wait3A_32] : memref<128x64xf32, #tpu.memory_space<vmem>> -> memref<32x64xf32, #tpu.memory_space<vmem>>
      %dma_wait3A_34 = arith.constant 0 : i32
      %dma_wait3A_35 = arith.constant 0 : i32
      %dma_wait3A_36 = tpu.memref_slice %arg2[%dma_wait3A_34, %dma_wait3A_35] : memref<10000x64xf32, #tpu.memory_space<hbm>> -> memref<10000x64xf32, #tpu.memory_space<hbm>>
      tpu.wait_indirect_dma semaphore(%arg15 : memref<!tpu.dma_semaphore, #tpu.memory_space<semaphore_mem>>) src(%dma_wait3A_36 : memref<10000x64xf32, #tpu.memory_space<hbm>>) dst(%dma_wait3A_33 : memref<32x64xf32, #tpu.memory_space<vmem>>)
      "tpu.region"() ({
        %run_scoped3A = tpu.sem_alloc : memref<!tpu.dma_semaphore, #tpu.memory_space<semaphore_mem>>
        %dma_start3A_37 = arith.constant 0 : i32
        %dma_start3A_38 = arith.constant 0 : i32
        %dma_start3A_39 = tpu.memref_slice %arg13[%dma_start3A_37, %dma_start3A_38] : memref<128x64xf32, #tpu.memory_space<vmem>> -> memref<32x64xf32, #tpu.memory_space<vmem>>
        %dma_start3A_40 = arith.constant 0 : i32
        %dma_start3A_41 = arith.constant 0 : i32
        %dma_start3A_42 = tpu.memref_slice %arg14[%dma_start3A_40, %dma_start3A_41] : memref<10000x64xf32, #tpu.memory_space<vmem_shared>> -> memref<10000x64xf32, #tpu.memory_space<vmem_shared>>
        tpu.enqueue_indirect_dma source(%dma_start3A_39 : memref<32x64xf32, #tpu.memory_space<vmem>>) target(%dma_start3A_42 : memref<10000x64xf32, #tpu.memory_space<vmem_shared>>) offsets(%arg12 : memref<32xi32, #tpu.memory_space<vmem>>) semaphore(%run_scoped3A : memref<!tpu.dma_semaphore, #tpu.memory_space<semaphore_mem>>) {add = true}
        %dma_wait3A_43 = arith.constant 0 : i32
        %dma_wait3A_44 = arith.constant 0 : i32
        %dma_wait3A_45 = tpu.memref_slice %arg13[%dma_wait3A_43, %dma_wait3A_44] : memref<128x64xf32, #tpu.memory_space<vmem>> -> memref<32x64xf32, #tpu.memory_space<vmem>>
        %dma_wait3A_46 = arith.constant 0 : i32
        %dma_wait3A_47 = arith.constant 0 : i32
        %dma_wait3A_48 = tpu.memref_slice %arg14[%dma_wait3A_46, %dma_wait3A_47] : memref<10000x64xf32, #tpu.memory_space<vmem_shared>> -> memref<10000x64xf32, #tpu.memory_space<vmem_shared>>
        tpu.wait_indirect_dma semaphore(%run_scoped3A : memref<!tpu.dma_semaphore, #tpu.memory_space<semaphore_mem>>) src(%dma_wait3A_45 : memref<32x64xf32, #tpu.memory_space<vmem>>) dst(%dma_wait3A_48 : memref<10000x64xf32, #tpu.memory_space<vmem_shared>>)
        tpu.yield
      }) : () -> ()
    } else {
    }
    %eq3A_5 = arith.constant 1 : i32
    %eq3A_6 = arith.cmpi eq, %arg0, %eq3A_5 : i32
    %convert_element_type3A_7 = arith.extui %eq3A_6 : i1 to i32
    %cond3A_8 = arith.constant 0 : i32
    %cond3A_9 = arith.cmpi ne, %convert_element_type3A_7, %cond3A_8 : i32
    scf.if %cond3A_9 {
      %scan3A = arith.constant 0 : i32
      %scan3A_21 = arith.constant 0 : i32
      %scan3A_22 = arith.constant 156 : i32
      %scan3A_23 = arith.addi %scan3A_21, %scan3A_22 : i32
      %scan3A_24 = arith.constant 1 : i32
      scf.for %scan3A_37 = %scan3A_21 to %scan3A_23 step %scan3A_24  : i32 {
        %mul3A_38 = arith.constant 128 : i32
        %mul3A_39 = arith.muli %scan3A_37, %mul3A_38 : i32
        %add3A_40 = arith.addi %mul3A_2, %mul3A_39 : i32
        "tpu.region"() ({
          %run_scoped3A = tpu.sem_alloc : memref<!tpu.dma_semaphore, #tpu.memory_space<semaphore_mem>>
          %dma_start3A_47 = tpu.memref_slice %arg4[%add3A_40] : memref<320000xi32, #tpu.memory_space<hbm>> -> memref<128xi32, #tpu.memory_space<hbm>>
          %dma_start3A_48 = tpu.memref_slice %arg4[%add3A_40] : memref<320000xi32, #tpu.memory_space<hbm>> -> memref<128xi32, #tpu.memory_space<hbm>>
          tpu.enqueue_dma source(%dma_start3A_48 : memref<128xi32, #tpu.memory_space<hbm>>) target(%arg9 : memref<128xi32, #tpu.memory_space<vmem>>) target_semaphore(%run_scoped3A : memref<!tpu.dma_semaphore, #tpu.memory_space<semaphore_mem>>)
          %dma_wait3A_49 = tpu.memref_slice %arg4[%add3A_40] : memref<320000xi32, #tpu.memory_space<hbm>> -> memref<128xi32, #tpu.memory_space<hbm>>
          %dma_wait3A_50 = tpu.memref_slice %arg4[%add3A_40] : memref<320000xi32, #tpu.memory_space<hbm>> -> memref<128xi32, #tpu.memory_space<hbm>>
          tpu.wait_dma2 semaphore(%run_scoped3A : memref<!tpu.dma_semaphore, #tpu.memory_space<semaphore_mem>>) src(%dma_wait3A_50 : memref<128xi32, #tpu.memory_space<hbm>>) dst(%arg9 : memref<128xi32, #tpu.memory_space<vmem>>)
          tpu.yield
        }) : () -> ()
        "tpu.region"() ({
          %run_scoped3A = tpu.sem_alloc : memref<!tpu.dma_semaphore, #tpu.memory_space<semaphore_mem>>
          %dma_start3A_47 = tpu.memref_slice %arg5[%add3A_40] : memref<320000xi32, #tpu.memory_space<hbm>> -> memref<128xi32, #tpu.memory_space<hbm>>
          %dma_start3A_48 = tpu.memref_slice %arg5[%add3A_40] : memref<320000xi32, #tpu.memory_space<hbm>> -> memref<128xi32, #tpu.memory_space<hbm>>
          tpu.enqueue_dma source(%dma_start3A_48 : memref<128xi32, #tpu.memory_space<hbm>>) target(%arg10 : memref<128xi32, #tpu.memory_space<vmem>>) target_semaphore(%run_scoped3A : memref<!tpu.dma_semaphore, #tpu.memory_space<semaphore_mem>>)
          %dma_wait3A_49 = tpu.memref_slice %arg5[%add3A_40] : memref<320000xi32, #tpu.memory_space<hbm>> -> memref<128xi32, #tpu.memory_space<hbm>>
          %dma_wait3A_50 = tpu.memref_slice %arg5[%add3A_40] : memref<320000xi32, #tpu.memory_space<hbm>> -> memref<128xi32, #tpu.memory_space<hbm>>
          tpu.wait_dma2 semaphore(%run_scoped3A : memref<!tpu.dma_semaphore, #tpu.memory_space<semaphore_mem>>) src(%dma_wait3A_50 : memref<128xi32, #tpu.memory_space<hbm>>) dst(%arg10 : memref<128xi32, #tpu.memory_space<vmem>>)
          tpu.yield
        }) : () -> ()
        %dma_start3A_41 = arith.constant 0 : i32
        %dma_start3A_42 = arith.constant 0 : i32
        %dma_start3A_43 = tpu.memref_slice %arg3[%dma_start3A_41, %dma_start3A_42] : memref<10000x64xf32, #tpu.memory_space<hbm>> -> memref<10000x64xf32, #tpu.memory_space<hbm>>
        tpu.enqueue_indirect_dma source(%dma_start3A_43 : memref<10000x64xf32, #tpu.memory_space<hbm>>) target(%arg13 : memref<128x64xf32, #tpu.memory_space<vmem>>) offsets(%arg9 : memref<128xi32, #tpu.memory_space<vmem>>) semaphore(%arg15 : memref<!tpu.dma_semaphore, #tpu.memory_space<semaphore_mem>>)
        %dma_wait3A_44 = arith.constant 0 : i32
        %dma_wait3A_45 = arith.constant 0 : i32
        %dma_wait3A_46 = tpu.memref_slice %arg3[%dma_wait3A_44, %dma_wait3A_45] : memref<10000x64xf32, #tpu.memory_space<hbm>> -> memref<10000x64xf32, #tpu.memory_space<hbm>>
        tpu.wait_indirect_dma semaphore(%arg15 : memref<!tpu.dma_semaphore, #tpu.memory_space<semaphore_mem>>) src(%dma_wait3A_46 : memref<10000x64xf32, #tpu.memory_space<hbm>>) dst(%arg13 : memref<128x64xf32, #tpu.memory_space<vmem>>)
        "tpu.region"() ({
          %run_scoped3A = tpu.sem_alloc : memref<!tpu.dma_semaphore, #tpu.memory_space<semaphore_mem>>
          %dma_start3A_47 = arith.constant 0 : i32
          %dma_start3A_48 = arith.constant 0 : i32
          %dma_start3A_49 = tpu.memref_slice %arg14[%dma_start3A_47, %dma_start3A_48] : memref<10000x64xf32, #tpu.memory_space<vmem_shared>> -> memref<10000x64xf32, #tpu.memory_space<vmem_shared>>
          tpu.enqueue_indirect_dma source(%arg13 : memref<128x64xf32, #tpu.memory_space<vmem>>) target(%dma_start3A_49 : memref<10000x64xf32, #tpu.memory_space<vmem_shared>>) offsets(%arg10 : memref<128xi32, #tpu.memory_space<vmem>>) semaphore(%run_scoped3A : memref<!tpu.dma_semaphore, #tpu.memory_space<semaphore_mem>>) {add = true}
          %dma_wait3A_50 = arith.constant 0 : i32
          %dma_wait3A_51 = arith.constant 0 : i32
          %dma_wait3A_52 = tpu.memref_slice %arg14[%dma_wait3A_50, %dma_wait3A_51] : memref<10000x64xf32, #tpu.memory_space<vmem_shared>> -> memref<10000x64xf32, #tpu.memory_space<vmem_shared>>
          tpu.wait_indirect_dma semaphore(%run_scoped3A : memref<!tpu.dma_semaphore, #tpu.memory_space<semaphore_mem>>) src(%arg13 : memref<128x64xf32, #tpu.memory_space<vmem>>) dst(%dma_wait3A_52 : memref<10000x64xf32, #tpu.memory_space<vmem_shared>>)
          tpu.yield
        }) : () -> ()
      }
      %scan3A_25 = arith.constant 156 : i32
      %add3A = arith.constant 19968 : i32
      %add3A_26 = arith.addi %mul3A_2, %add3A : i32
      "tpu.region"() ({
        %run_scoped3A = tpu.sem_alloc : memref<!tpu.dma_semaphore, #tpu.memory_space<semaphore_mem>>
        %dma_start3A_37 = tpu.memref_slice %arg4[%add3A_26] : memref<320000xi32, #tpu.memory_space<hbm>> -> memref<32xi32, #tpu.memory_space<hbm>>
        %dma_start3A_38 = tpu.memref_slice %arg4[%add3A_26] : memref<320000xi32, #tpu.memory_space<hbm>> -> memref<32xi32, #tpu.memory_space<hbm>>
        tpu.enqueue_dma source(%dma_start3A_38 : memref<32xi32, #tpu.memory_space<hbm>>) target(%arg11 : memref<32xi32, #tpu.memory_space<vmem>>) target_semaphore(%run_scoped3A : memref<!tpu.dma_semaphore, #tpu.memory_space<semaphore_mem>>)
        %dma_wait3A_39 = tpu.memref_slice %arg4[%add3A_26] : memref<320000xi32, #tpu.memory_space<hbm>> -> memref<32xi32, #tpu.memory_space<hbm>>
        %dma_wait3A_40 = tpu.memref_slice %arg4[%add3A_26] : memref<320000xi32, #tpu.memory_space<hbm>> -> memref<32xi32, #tpu.memory_space<hbm>>
        tpu.wait_dma2 semaphore(%run_scoped3A : memref<!tpu.dma_semaphore, #tpu.memory_space<semaphore_mem>>) src(%dma_wait3A_40 : memref<32xi32, #tpu.memory_space<hbm>>) dst(%arg11 : memref<32xi32, #tpu.memory_space<vmem>>)
        tpu.yield
      }) : () -> ()
      "tpu.region"() ({
        %run_scoped3A = tpu.sem_alloc : memref<!tpu.dma_semaphore, #tpu.memory_space<semaphore_mem>>
        %dma_start3A_37 = tpu.memref_slice %arg5[%add3A_26] : memref<320000xi32, #tpu.memory_space<hbm>> -> memref<32xi32, #tpu.memory_space<hbm>>
        %dma_start3A_38 = tpu.memref_slice %arg5[%add3A_26] : memref<320000xi32, #tpu.memory_space<hbm>> -> memref<32xi32, #tpu.memory_space<hbm>>
        tpu.enqueue_dma source(%dma_start3A_38 : memref<32xi32, #tpu.memory_space<hbm>>) target(%arg12 : memref<32xi32, #tpu.memory_space<vmem>>) target_semaphore(%run_scoped3A : memref<!tpu.dma_semaphore, #tpu.memory_space<semaphore_mem>>)
        %dma_wait3A_39 = tpu.memref_slice %arg5[%add3A_26] : memref<320000xi32, #tpu.memory_space<hbm>> -> memref<32xi32, #tpu.memory_space<hbm>>
        %dma_wait3A_40 = tpu.memref_slice %arg5[%add3A_26] : memref<320000xi32, #tpu.memory_space<hbm>> -> memref<32xi32, #tpu.memory_space<hbm>>
        tpu.wait_dma2 semaphore(%run_scoped3A : memref<!tpu.dma_semaphore, #tpu.memory_space<semaphore_mem>>) src(%dma_wait3A_40 : memref<32xi32, #tpu.memory_space<hbm>>) dst(%arg12 : memref<32xi32, #tpu.memory_space<vmem>>)
        tpu.yield
      }) : () -> ()
      %dma_start3A = arith.constant 0 : i32
      %dma_start3A_27 = arith.constant 0 : i32
      %dma_start3A_28 = tpu.memref_slice %arg13[%dma_start3A, %dma_start3A_27] : memref<128x64xf32, #tpu.memory_space<vmem>> -> memref<32x64xf32, #tpu.memory_space<vmem>>
      %dma_start3A_29 = arith.constant 0 : i32
      %dma_start3A_30 = arith.constant 0 : i32
      %dma_start3A_31 = tpu.memref_slice %arg3[%dma_start3A_29, %dma_start3A_30] : memref<10000x64xf32, #tpu.memory_space<hbm>> -> memref<10000x64xf32, #tpu.memory_space<hbm>>
      tpu.enqueue_indirect_dma source(%dma_start3A_31 : memref<10000x64xf32, #tpu.memory_space<hbm>>) target(%dma_start3A_28 : memref<32x64xf32, #tpu.memory_space<vmem>>) offsets(%arg11 : memref<32xi32, #tpu.memory_space<vmem>>) semaphore(%arg15 : memref<!tpu.dma_semaphore, #tpu.memory_space<semaphore_mem>>)
      %dma_wait3A = arith.constant 0 : i32
      %dma_wait3A_32 = arith.constant 0 : i32
      %dma_wait3A_33 = tpu.memref_slice %arg13[%dma_wait3A, %dma_wait3A_32] : memref<128x64xf32, #tpu.memory_space<vmem>> -> memref<32x64xf32, #tpu.memory_space<vmem>>
      %dma_wait3A_34 = arith.constant 0 : i32
      %dma_wait3A_35 = arith.constant 0 : i32
      %dma_wait3A_36 = tpu.memref_slice %arg3[%dma_wait3A_34, %dma_wait3A_35] : memref<10000x64xf32, #tpu.memory_space<hbm>> -> memref<10000x64xf32, #tpu.memory_space<hbm>>
      tpu.wait_indirect_dma semaphore(%arg15 : memref<!tpu.dma_semaphore, #tpu.memory_space<semaphore_mem>>) src(%dma_wait3A_36 : memref<10000x64xf32, #tpu.memory_space<hbm>>) dst(%dma_wait3A_33 : memref<32x64xf32, #tpu.memory_space<vmem>>)
      "tpu.region"() ({
        %run_scoped3A = tpu.sem_alloc : memref<!tpu.dma_semaphore, #tpu.memory_space<semaphore_mem>>
        %dma_start3A_37 = arith.constant 0 : i32
        %dma_start3A_38 = arith.constant 0 : i32
        %dma_start3A_39 = tpu.memref_slice %arg13[%dma_start3A_37, %dma_start3A_38] : memref<128x64xf32, #tpu.memory_space<vmem>> -> memref<32x64xf32, #tpu.memory_space<vmem>>
        %dma_start3A_40 = arith.constant 0 : i32
        %dma_start3A_41 = arith.constant 0 : i32
        %dma_start3A_42 = tpu.memref_slice %arg14[%dma_start3A_40, %dma_start3A_41] : memref<10000x64xf32, #tpu.memory_space<vmem_shared>> -> memref<10000x64xf32, #tpu.memory_space<vmem_shared>>
        tpu.enqueue_indirect_dma source(%dma_start3A_39 : memref<32x64xf32, #tpu.memory_space<vmem>>) target(%dma_start3A_42 : memref<10000x64xf32, #tpu.memory_space<vmem_shared>>) offsets(%arg12 : memref<32xi32, #tpu.memory_space<vmem>>) semaphore(%run_scoped3A : memref<!tpu.dma_semaphore, #tpu.memory_space<semaphore_mem>>) {add = true}
        %dma_wait3A_43 = arith.constant 0 : i32
        %dma_wait3A_44 = arith.constant 0 : i32
        %dma_wait3A_45 = tpu.memref_slice %arg13[%dma_wait3A_43, %dma_wait3A_44] : memref<128x64xf32, #tpu.memory_space<vmem>> -> memref<32x64xf32, #tpu.memory_space<vmem>>
        %dma_wait3A_46 = arith.constant 0 : i32
        %dma_wait3A_47 = arith.constant 0 : i32
        %dma_wait3A_48 = tpu.memref_slice %arg14[%dma_wait3A_46, %dma_wait3A_47] : memref<10000x64xf32, #tpu.memory_space<vmem_shared>> -> memref<10000x64xf32, #tpu.memory_space<vmem_shared>>
        tpu.wait_indirect_dma semaphore(%run_scoped3A : memref<!tpu.dma_semaphore, #tpu.memory_space<semaphore_mem>>) src(%dma_wait3A_45 : memref<32x64xf32, #tpu.memory_space<vmem>>) dst(%dma_wait3A_48 : memref<10000x64xf32, #tpu.memory_space<vmem_shared>>)
        tpu.yield
      }) : () -> ()
    } else {
    }
    %barrier3A_10 = arith.constant 0 : index
    tpu.barrier barrier_id(%barrier3A_10)
    %eq3A_11 = arith.constant 0 : i32
    %eq3A_12 = arith.cmpi eq, %arg0, %eq3A_11 : i32
    %convert_element_type3A_13 = arith.extui %eq3A_12 : i1 to i32
    %cond3A_14 = arith.constant 0 : i32
    %cond3A_15 = arith.cmpi ne, %convert_element_type3A_13, %cond3A_14 : i32
    scf.if %cond3A_15 {
      "tpu.region"() ({
        %run_scoped3A = tpu.sem_alloc : memref<!tpu.dma_semaphore, #tpu.memory_space<semaphore_mem>>
        %dma_start3A = arith.constant 0 : i32
        %dma_start3A_21 = tpu.memref_slice %arg7[%mul3A_0, %dma_start3A] : memref<10000x64xf32, #tpu.memory_space<hbm>> -> memref<625x64xf32, #tpu.memory_space<hbm>>
        %dma_start3A_22 = arith.constant 0 : i32
        %dma_start3A_23 = tpu.memref_slice %arg14[%mul3A_0, %dma_start3A_22] : memref<10000x64xf32, #tpu.memory_space<vmem_shared>> -> memref<625x64xf32, #tpu.memory_space<vmem_shared>>
        tpu.enqueue_dma source(%dma_start3A_23 : memref<625x64xf32, #tpu.memory_space<vmem_shared>>) target(%dma_start3A_21 : memref<625x64xf32, #tpu.memory_space<hbm>>) target_semaphore(%run_scoped3A : memref<!tpu.dma_semaphore, #tpu.memory_space<semaphore_mem>>)
        %dma_wait3A = arith.constant 0 : i32
        %dma_wait3A_24 = tpu.memref_slice %arg7[%mul3A_0, %dma_wait3A] : memref<10000x64xf32, #tpu.memory_space<hbm>> -> memref<625x64xf32, #tpu.memory_space<hbm>>
        %dma_wait3A_25 = arith.constant 0 : i32
        %dma_wait3A_26 = tpu.memref_slice %arg14[%mul3A_0, %dma_wait3A_25] : memref<10000x64xf32, #tpu.memory_space<vmem_shared>> -> memref<625x64xf32, #tpu.memory_space<vmem_shared>>
        tpu.wait_dma2 semaphore(%run_scoped3A : memref<!tpu.dma_semaphore, #tpu.memory_space<semaphore_mem>>) src(%dma_wait3A_26 : memref<625x64xf32, #tpu.memory_space<vmem_shared>>) dst(%dma_wait3A_24 : memref<625x64xf32, #tpu.memory_space<hbm>>)
        tpu.yield
      }) : () -> ()
    } else {
    }
    %eq3A_16 = arith.constant 1 : i32
    %eq3A_17 = arith.cmpi eq, %arg0, %eq3A_16 : i32
    %convert_element_type3A_18 = arith.extui %eq3A_17 : i1 to i32
    %cond3A_19 = arith.constant 0 : i32
    %cond3A_20 = arith.cmpi ne, %convert_element_type3A_18, %cond3A_19 : i32
    scf.if %cond3A_20 {
      "tpu.region"() ({
        %run_scoped3A = tpu.sem_alloc : memref<!tpu.dma_semaphore, #tpu.memory_space<semaphore_mem>>
        %dma_start3A = arith.constant 0 : i32
        %dma_start3A_21 = tpu.memref_slice %arg8[%mul3A_0, %dma_start3A] : memref<10000x64xf32, #tpu.memory_space<hbm>> -> memref<625x64xf32, #tpu.memory_space<hbm>>
        %dma_start3A_22 = arith.constant 0 : i32
        %dma_start3A_23 = tpu.memref_slice %arg14[%mul3A_0, %dma_start3A_22] : memref<10000x64xf32, #tpu.memory_space<vmem_shared>> -> memref<625x64xf32, #tpu.memory_space<vmem_shared>>
        tpu.enqueue_dma source(%dma_start3A_23 : memref<625x64xf32, #tpu.memory_space<vmem_shared>>) target(%dma_start3A_21 : memref<625x64xf32, #tpu.memory_space<hbm>>) target_semaphore(%run_scoped3A : memref<!tpu.dma_semaphore, #tpu.memory_space<semaphore_mem>>)
        %dma_wait3A = arith.constant 0 : i32
        %dma_wait3A_24 = tpu.memref_slice %arg8[%mul3A_0, %dma_wait3A] : memref<10000x64xf32, #tpu.memory_space<hbm>> -> memref<625x64xf32, #tpu.memory_space<hbm>>
        %dma_wait3A_25 = arith.constant 0 : i32
        %dma_wait3A_26 = tpu.memref_slice %arg14[%mul3A_0, %dma_wait3A_25] : memref<10000x64xf32, #tpu.memory_space<vmem_shared>> -> memref<625x64xf32, #tpu.memory_space<vmem_shared>>
        tpu.wait_dma2 semaphore(%run_scoped3A : memref<!tpu.dma_semaphore, #tpu.memory_space<semaphore_mem>>) src(%dma_wait3A_26 : memref<625x64xf32, #tpu.memory_space<vmem_shared>>) dst(%dma_wait3A_24 : memref<625x64xf32, #tpu.memory_space<hbm>>)
        tpu.yield
      }) : () -> ()
    } else {
    }
    return
  }
}

#map = affine_map<(d0, d1) -> (0, 0)>
#map1 = affine_map<(d0, d1) -> (0)>
module attributes {stable_mosaic.version = 14 : i64} {
  func.func @_round_body(%arg0: i32, %arg1: i32, %arg2: memref<10000x64xf32, #tpu.memory_space<hbm>>, %arg3: memref<10000x64xf32, #tpu.memory_space<hbm>>, %arg4: memref<320000xi32, #tpu.memory_space<hbm>>, %arg5: memref<320000xi32, #tpu.memory_space<hbm>>, %arg6: memref<625x64xf32, #tpu.memory_space<hbm>>, %arg7: memref<10000x64xf32, #tpu.memory_space<hbm>>, %arg8: memref<10000x64xf32, #tpu.memory_space<hbm>>, %arg9: memref<128xi32, #tpu.memory_space<vmem>>, %arg10: memref<128xi32, #tpu.memory_space<vmem>>, %arg11: memref<32xi32, #tpu.memory_space<vmem>>, %arg12: memref<32xi32, #tpu.memory_space<vmem>>, %arg13: memref<128x64xf32, #tpu.memory_space<vmem>>, %arg14: memref<10000x64xf32, #tpu.memory_space<vmem_shared>>, %arg15: memref<!tpu.dma_semaphore, #tpu.memory_space<semaphore_mem>>) attributes {dimension_semantics = [#tpu.dimension_semantics<core_parallel>, #tpu.dimension_semantics<subcore_parallel>], iteration_bounds = array<i64: 2, 16>, scalar_prefetch = 0 : i64, scratch_operands = 7 : i64, tpu.core_type = #tpu.core_type<sc_vector_subcore>, window_params = [{transform_indices = #map}, {transform_indices = #map}, {transform_indices = #map1}, {transform_indices = #map1}, {transform_indices = #map}, {transform_indices = #map}, {transform_indices = #map}]} {
    %mul3A = arith.constant 625 : i32
    %mul3A_0 = arith.muli %arg1, %mul3A : i32
    "tpu.region"() ({
      %run_scoped3A = tpu.sem_alloc : memref<!tpu.dma_semaphore, #tpu.memory_space<semaphore_mem>>
      %dma_start3A = arith.constant 0 : i32
      %dma_start3A_21 = tpu.memref_slice %arg14[%mul3A_0, %dma_start3A] : memref<10000x64xf32, #tpu.memory_space<vmem_shared>> -> memref<625x64xf32, #tpu.memory_space<vmem_shared>>
      tpu.enqueue_dma source(%arg6 : memref<625x64xf32, #tpu.memory_space<hbm>>) target(%dma_start3A_21 : memref<625x64xf32, #tpu.memory_space<vmem_shared>>) target_semaphore(%run_scoped3A : memref<!tpu.dma_semaphore, #tpu.memory_space<semaphore_mem>>)
      %dma_wait3A = arith.constant 0 : i32
      %dma_wait3A_22 = tpu.memref_slice %arg14[%mul3A_0, %dma_wait3A] : memref<10000x64xf32, #tpu.memory_space<vmem_shared>> -> memref<625x64xf32, #tpu.memory_space<vmem_shared>>
      tpu.wait_dma2 semaphore(%run_scoped3A : memref<!tpu.dma_semaphore, #tpu.memory_space<semaphore_mem>>) src(%arg6 : memref<625x64xf32, #tpu.memory_space<hbm>>) dst(%dma_wait3A_22 : memref<625x64xf32, #tpu.memory_space<vmem_shared>>)
      tpu.yield
    }) : () -> ()
    %barrier3A = arith.constant 0 : index
    tpu.barrier barrier_id(%barrier3A)
    %mul3A_1 = arith.constant 20000 : i32
    %mul3A_2 = arith.muli %arg1, %mul3A_1 : i32
    %eq3A = arith.constant 0 : i32
    %eq3A_3 = arith.cmpi eq, %arg0, %eq3A : i32
    %convert_element_type3A = arith.extui %eq3A_3 : i1 to i32
    %cond3A = arith.constant 0 : i32
    %cond3A_4 = arith.cmpi ne, %convert_element_type3A, %cond3A : i32
    scf.if %cond3A_4 {
      %scan3A = arith.constant 0 : i32
      %scan3A_21 = arith.constant 0 : i32
      %scan3A_22 = arith.constant 156 : i32
      %scan3A_23 = arith.addi %scan3A_21, %scan3A_22 : i32
      %scan3A_24 = arith.constant 1 : i32
      scf.for %scan3A_37 = %scan3A_21 to %scan3A_23 step %scan3A_24  : i32 {
        %mul3A_38 = arith.constant 128 : i32
        %mul3A_39 = arith.muli %scan3A_37, %mul3A_38 : i32
        %add3A_40 = arith.addi %mul3A_2, %mul3A_39 : i32
        "tpu.region"() ({
          %run_scoped3A = tpu.sem_alloc : memref<!tpu.dma_semaphore, #tpu.memory_space<semaphore_mem>>
          %dma_start3A_47 = tpu.memref_slice %arg4[%add3A_40] : memref<320000xi32, #tpu.memory_space<hbm>> -> memref<128xi32, #tpu.memory_space<hbm>>
          %dma_start3A_48 = tpu.memref_slice %arg4[%add3A_40] : memref<320000xi32, #tpu.memory_space<hbm>> -> memref<128xi32, #tpu.memory_space<hbm>>
          tpu.enqueue_dma source(%dma_start3A_48 : memref<128xi32, #tpu.memory_space<hbm>>) target(%arg9 : memref<128xi32, #tpu.memory_space<vmem>>) target_semaphore(%run_scoped3A : memref<!tpu.dma_semaphore, #tpu.memory_space<semaphore_mem>>)
          %dma_wait3A_49 = tpu.memref_slice %arg4[%add3A_40] : memref<320000xi32, #tpu.memory_space<hbm>> -> memref<128xi32, #tpu.memory_space<hbm>>
          %dma_wait3A_50 = tpu.memref_slice %arg4[%add3A_40] : memref<320000xi32, #tpu.memory_space<hbm>> -> memref<128xi32, #tpu.memory_space<hbm>>
          tpu.wait_dma2 semaphore(%run_scoped3A : memref<!tpu.dma_semaphore, #tpu.memory_space<semaphore_mem>>) src(%dma_wait3A_50 : memref<128xi32, #tpu.memory_space<hbm>>) dst(%arg9 : memref<128xi32, #tpu.memory_space<vmem>>)
          tpu.yield
        }) : () -> ()
        "tpu.region"() ({
          %run_scoped3A = tpu.sem_alloc : memref<!tpu.dma_semaphore, #tpu.memory_space<semaphore_mem>>
          %dma_start3A_47 = tpu.memref_slice %arg5[%add3A_40] : memref<320000xi32, #tpu.memory_space<hbm>> -> memref<128xi32, #tpu.memory_space<hbm>>
          %dma_start3A_48 = tpu.memref_slice %arg5[%add3A_40] : memref<320000xi32, #tpu.memory_space<hbm>> -> memref<128xi32, #tpu.memory_space<hbm>>
          tpu.enqueue_dma source(%dma_start3A_48 : memref<128xi32, #tpu.memory_space<hbm>>) target(%arg10 : memref<128xi32, #tpu.memory_space<vmem>>) target_semaphore(%run_scoped3A : memref<!tpu.dma_semaphore, #tpu.memory_space<semaphore_mem>>)
          %dma_wait3A_49 = tpu.memref_slice %arg5[%add3A_40] : memref<320000xi32, #tpu.memory_space<hbm>> -> memref<128xi32, #tpu.memory_space<hbm>>
          %dma_wait3A_50 = tpu.memref_slice %arg5[%add3A_40] : memref<320000xi32, #tpu.memory_space<hbm>> -> memref<128xi32, #tpu.memory_space<hbm>>
          tpu.wait_dma2 semaphore(%run_scoped3A : memref<!tpu.dma_semaphore, #tpu.memory_space<semaphore_mem>>) src(%dma_wait3A_50 : memref<128xi32, #tpu.memory_space<hbm>>) dst(%arg10 : memref<128xi32, #tpu.memory_space<vmem>>)
          tpu.yield
        }) : () -> ()
        %dma_start3A_41 = arith.constant 0 : i32
        %dma_start3A_42 = arith.constant 0 : i32
        %dma_start3A_43 = tpu.memref_slice %arg2[%dma_start3A_41, %dma_start3A_42] : memref<10000x64xf32, #tpu.memory_space<hbm>> -> memref<10000x64xf32, #tpu.memory_space<hbm>>
        tpu.enqueue_indirect_dma source(%dma_start3A_43 : memref<10000x64xf32, #tpu.memory_space<hbm>>) target(%arg13 : memref<128x64xf32, #tpu.memory_space<vmem>>) offsets(%arg9 : memref<128xi32, #tpu.memory_space<vmem>>) semaphore(%arg15 : memref<!tpu.dma_semaphore, #tpu.memory_space<semaphore_mem>>)
        %dma_wait3A_44 = arith.constant 0 : i32
        %dma_wait3A_45 = arith.constant 0 : i32
        %dma_wait3A_46 = tpu.memref_slice %arg2[%dma_wait3A_44, %dma_wait3A_45] : memref<10000x64xf32, #tpu.memory_space<hbm>> -> memref<10000x64xf32, #tpu.memory_space<hbm>>
        tpu.wait_indirect_dma semaphore(%arg15 : memref<!tpu.dma_semaphore, #tpu.memory_space<semaphore_mem>>) src(%dma_wait3A_46 : memref<10000x64xf32, #tpu.memory_space<hbm>>) dst(%arg13 : memref<128x64xf32, #tpu.memory_space<vmem>>)
        "tpu.region"() ({
          %run_scoped3A = tpu.sem_alloc : memref<!tpu.dma_semaphore, #tpu.memory_space<semaphore_mem>>
          %dma_start3A_47 = arith.constant 0 : i32
          %dma_start3A_48 = arith.constant 0 : i32
          %dma_start3A_49 = tpu.memref_slice %arg14[%dma_start3A_47, %dma_start3A_48] : memref<10000x64xf32, #tpu.memory_space<vmem_shared>> -> memref<10000x64xf32, #tpu.memory_space<vmem_shared>>
          tpu.enqueue_indirect_dma source(%arg13 : memref<128x64xf32, #tpu.memory_space<vmem>>) target(%dma_start3A_49 : memref<10000x64xf32, #tpu.memory_space<vmem_shared>>) offsets(%arg10 : memref<128xi32, #tpu.memory_space<vmem>>) semaphore(%run_scoped3A : memref<!tpu.dma_semaphore, #tpu.memory_space<semaphore_mem>>) {add = true}
          %dma_wait3A_50 = arith.constant 0 : i32
          %dma_wait3A_51 = arith.constant 0 : i32
          %dma_wait3A_52 = tpu.memref_slice %arg14[%dma_wait3A_50, %dma_wait3A_51] : memref<10000x64xf32, #tpu.memory_space<vmem_shared>> -> memref<10000x64xf32, #tpu.memory_space<vmem_shared>>
          tpu.wait_indirect_dma semaphore(%run_scoped3A : memref<!tpu.dma_semaphore, #tpu.memory_space<semaphore_mem>>) src(%arg13 : memref<128x64xf32, #tpu.memory_space<vmem>>) dst(%dma_wait3A_52 : memref<10000x64xf32, #tpu.memory_space<vmem_shared>>)
          tpu.yield
        }) : () -> ()
      }
      %scan3A_25 = arith.constant 156 : i32
      %add3A = arith.constant 19968 : i32
      %add3A_26 = arith.addi %mul3A_2, %add3A : i32
      "tpu.region"() ({
        %run_scoped3A = tpu.sem_alloc : memref<!tpu.dma_semaphore, #tpu.memory_space<semaphore_mem>>
        %dma_start3A_37 = tpu.memref_slice %arg4[%add3A_26] : memref<320000xi32, #tpu.memory_space<hbm>> -> memref<32xi32, #tpu.memory_space<hbm>>
        %dma_start3A_38 = tpu.memref_slice %arg4[%add3A_26] : memref<320000xi32, #tpu.memory_space<hbm>> -> memref<32xi32, #tpu.memory_space<hbm>>
        tpu.enqueue_dma source(%dma_start3A_38 : memref<32xi32, #tpu.memory_space<hbm>>) target(%arg11 : memref<32xi32, #tpu.memory_space<vmem>>) target_semaphore(%run_scoped3A : memref<!tpu.dma_semaphore, #tpu.memory_space<semaphore_mem>>)
        %dma_wait3A_39 = tpu.memref_slice %arg4[%add3A_26] : memref<320000xi32, #tpu.memory_space<hbm>> -> memref<32xi32, #tpu.memory_space<hbm>>
        %dma_wait3A_40 = tpu.memref_slice %arg4[%add3A_26] : memref<320000xi32, #tpu.memory_space<hbm>> -> memref<32xi32, #tpu.memory_space<hbm>>
        tpu.wait_dma2 semaphore(%run_scoped3A : memref<!tpu.dma_semaphore, #tpu.memory_space<semaphore_mem>>) src(%dma_wait3A_40 : memref<32xi32, #tpu.memory_space<hbm>>) dst(%arg11 : memref<32xi32, #tpu.memory_space<vmem>>)
        tpu.yield
      }) : () -> ()
      "tpu.region"() ({
        %run_scoped3A = tpu.sem_alloc : memref<!tpu.dma_semaphore, #tpu.memory_space<semaphore_mem>>
        %dma_start3A_37 = tpu.memref_slice %arg5[%add3A_26] : memref<320000xi32, #tpu.memory_space<hbm>> -> memref<32xi32, #tpu.memory_space<hbm>>
        %dma_start3A_38 = tpu.memref_slice %arg5[%add3A_26] : memref<320000xi32, #tpu.memory_space<hbm>> -> memref<32xi32, #tpu.memory_space<hbm>>
        tpu.enqueue_dma source(%dma_start3A_38 : memref<32xi32, #tpu.memory_space<hbm>>) target(%arg12 : memref<32xi32, #tpu.memory_space<vmem>>) target_semaphore(%run_scoped3A : memref<!tpu.dma_semaphore, #tpu.memory_space<semaphore_mem>>)
        %dma_wait3A_39 = tpu.memref_slice %arg5[%add3A_26] : memref<320000xi32, #tpu.memory_space<hbm>> -> memref<32xi32, #tpu.memory_space<hbm>>
        %dma_wait3A_40 = tpu.memref_slice %arg5[%add3A_26] : memref<320000xi32, #tpu.memory_space<hbm>> -> memref<32xi32, #tpu.memory_space<hbm>>
        tpu.wait_dma2 semaphore(%run_scoped3A : memref<!tpu.dma_semaphore, #tpu.memory_space<semaphore_mem>>) src(%dma_wait3A_40 : memref<32xi32, #tpu.memory_space<hbm>>) dst(%arg12 : memref<32xi32, #tpu.memory_space<vmem>>)
        tpu.yield
      }) : () -> ()
      %dma_start3A = arith.constant 0 : i32
      %dma_start3A_27 = arith.constant 0 : i32
      %dma_start3A_28 = tpu.memref_slice %arg13[%dma_start3A, %dma_start3A_27] : memref<128x64xf32, #tpu.memory_space<vmem>> -> memref<32x64xf32, #tpu.memory_space<vmem>>
      %dma_start3A_29 = arith.constant 0 : i32
      %dma_start3A_30 = arith.constant 0 : i32
      %dma_start3A_31 = tpu.memref_slice %arg2[%dma_start3A_29, %dma_start3A_30] : memref<10000x64xf32, #tpu.memory_space<hbm>> -> memref<10000x64xf32, #tpu.memory_space<hbm>>
      tpu.enqueue_indirect_dma source(%dma_start3A_31 : memref<10000x64xf32, #tpu.memory_space<hbm>>) target(%dma_start3A_28 : memref<32x64xf32, #tpu.memory_space<vmem>>) offsets(%arg11 : memref<32xi32, #tpu.memory_space<vmem>>) semaphore(%arg15 : memref<!tpu.dma_semaphore, #tpu.memory_space<semaphore_mem>>)
      %dma_wait3A = arith.constant 0 : i32
      %dma_wait3A_32 = arith.constant 0 : i32
      %dma_wait3A_33 = tpu.memref_slice %arg13[%dma_wait3A, %dma_wait3A_32] : memref<128x64xf32, #tpu.memory_space<vmem>> -> memref<32x64xf32, #tpu.memory_space<vmem>>
      %dma_wait3A_34 = arith.constant 0 : i32
      %dma_wait3A_35 = arith.constant 0 : i32
      %dma_wait3A_36 = tpu.memref_slice %arg2[%dma_wait3A_34, %dma_wait3A_35] : memref<10000x64xf32, #tpu.memory_space<hbm>> -> memref<10000x64xf32, #tpu.memory_space<hbm>>
      tpu.wait_indirect_dma semaphore(%arg15 : memref<!tpu.dma_semaphore, #tpu.memory_space<semaphore_mem>>) src(%dma_wait3A_36 : memref<10000x64xf32, #tpu.memory_space<hbm>>) dst(%dma_wait3A_33 : memref<32x64xf32, #tpu.memory_space<vmem>>)
      "tpu.region"() ({
        %run_scoped3A = tpu.sem_alloc : memref<!tpu.dma_semaphore, #tpu.memory_space<semaphore_mem>>
        %dma_start3A_37 = arith.constant 0 : i32
        %dma_start3A_38 = arith.constant 0 : i32
        %dma_start3A_39 = tpu.memref_slice %arg13[%dma_start3A_37, %dma_start3A_38] : memref<128x64xf32, #tpu.memory_space<vmem>> -> memref<32x64xf32, #tpu.memory_space<vmem>>
        %dma_start3A_40 = arith.constant 0 : i32
        %dma_start3A_41 = arith.constant 0 : i32
        %dma_start3A_42 = tpu.memref_slice %arg14[%dma_start3A_40, %dma_start3A_41] : memref<10000x64xf32, #tpu.memory_space<vmem_shared>> -> memref<10000x64xf32, #tpu.memory_space<vmem_shared>>
        tpu.enqueue_indirect_dma source(%dma_start3A_39 : memref<32x64xf32, #tpu.memory_space<vmem>>) target(%dma_start3A_42 : memref<10000x64xf32, #tpu.memory_space<vmem_shared>>) offsets(%arg12 : memref<32xi32, #tpu.memory_space<vmem>>) semaphore(%run_scoped3A : memref<!tpu.dma_semaphore, #tpu.memory_space<semaphore_mem>>) {add = true}
        %dma_wait3A_43 = arith.constant 0 : i32
        %dma_wait3A_44 = arith.constant 0 : i32
        %dma_wait3A_45 = tpu.memref_slice %arg13[%dma_wait3A_43, %dma_wait3A_44] : memref<128x64xf32, #tpu.memory_space<vmem>> -> memref<32x64xf32, #tpu.memory_space<vmem>>
        %dma_wait3A_46 = arith.constant 0 : i32
        %dma_wait3A_47 = arith.constant 0 : i32
        %dma_wait3A_48 = tpu.memref_slice %arg14[%dma_wait3A_46, %dma_wait3A_47] : memref<10000x64xf32, #tpu.memory_space<vmem_shared>> -> memref<10000x64xf32, #tpu.memory_space<vmem_shared>>
        tpu.wait_indirect_dma semaphore(%run_scoped3A : memref<!tpu.dma_semaphore, #tpu.memory_space<semaphore_mem>>) src(%dma_wait3A_45 : memref<32x64xf32, #tpu.memory_space<vmem>>) dst(%dma_wait3A_48 : memref<10000x64xf32, #tpu.memory_space<vmem_shared>>)
        tpu.yield
      }) : () -> ()
    } else {
    }
    %eq3A_5 = arith.constant 1 : i32
    %eq3A_6 = arith.cmpi eq, %arg0, %eq3A_5 : i32
    %convert_element_type3A_7 = arith.extui %eq3A_6 : i1 to i32
    %cond3A_8 = arith.constant 0 : i32
    %cond3A_9 = arith.cmpi ne, %convert_element_type3A_7, %cond3A_8 : i32
    scf.if %cond3A_9 {
      %scan3A = arith.constant 0 : i32
      %scan3A_21 = arith.constant 0 : i32
      %scan3A_22 = arith.constant 156 : i32
      %scan3A_23 = arith.addi %scan3A_21, %scan3A_22 : i32
      %scan3A_24 = arith.constant 1 : i32
      scf.for %scan3A_37 = %scan3A_21 to %scan3A_23 step %scan3A_24  : i32 {
        %mul3A_38 = arith.constant 128 : i32
        %mul3A_39 = arith.muli %scan3A_37, %mul3A_38 : i32
        %add3A_40 = arith.addi %mul3A_2, %mul3A_39 : i32
        "tpu.region"() ({
          %run_scoped3A = tpu.sem_alloc : memref<!tpu.dma_semaphore, #tpu.memory_space<semaphore_mem>>
          %dma_start3A_47 = tpu.memref_slice %arg4[%add3A_40] : memref<320000xi32, #tpu.memory_space<hbm>> -> memref<128xi32, #tpu.memory_space<hbm>>
          %dma_start3A_48 = tpu.memref_slice %arg4[%add3A_40] : memref<320000xi32, #tpu.memory_space<hbm>> -> memref<128xi32, #tpu.memory_space<hbm>>
          tpu.enqueue_dma source(%dma_start3A_48 : memref<128xi32, #tpu.memory_space<hbm>>) target(%arg9 : memref<128xi32, #tpu.memory_space<vmem>>) target_semaphore(%run_scoped3A : memref<!tpu.dma_semaphore, #tpu.memory_space<semaphore_mem>>)
          %dma_wait3A_49 = tpu.memref_slice %arg4[%add3A_40] : memref<320000xi32, #tpu.memory_space<hbm>> -> memref<128xi32, #tpu.memory_space<hbm>>
          %dma_wait3A_50 = tpu.memref_slice %arg4[%add3A_40] : memref<320000xi32, #tpu.memory_space<hbm>> -> memref<128xi32, #tpu.memory_space<hbm>>
          tpu.wait_dma2 semaphore(%run_scoped3A : memref<!tpu.dma_semaphore, #tpu.memory_space<semaphore_mem>>) src(%dma_wait3A_50 : memref<128xi32, #tpu.memory_space<hbm>>) dst(%arg9 : memref<128xi32, #tpu.memory_space<vmem>>)
          tpu.yield
        }) : () -> ()
        "tpu.region"() ({
          %run_scoped3A = tpu.sem_alloc : memref<!tpu.dma_semaphore, #tpu.memory_space<semaphore_mem>>
          %dma_start3A_47 = tpu.memref_slice %arg5[%add3A_40] : memref<320000xi32, #tpu.memory_space<hbm>> -> memref<128xi32, #tpu.memory_space<hbm>>
          %dma_start3A_48 = tpu.memref_slice %arg5[%add3A_40] : memref<320000xi32, #tpu.memory_space<hbm>> -> memref<128xi32, #tpu.memory_space<hbm>>
          tpu.enqueue_dma source(%dma_start3A_48 : memref<128xi32, #tpu.memory_space<hbm>>) target(%arg10 : memref<128xi32, #tpu.memory_space<vmem>>) target_semaphore(%run_scoped3A : memref<!tpu.dma_semaphore, #tpu.memory_space<semaphore_mem>>)
          %dma_wait3A_49 = tpu.memref_slice %arg5[%add3A_40] : memref<320000xi32, #tpu.memory_space<hbm>> -> memref<128xi32, #tpu.memory_space<hbm>>
          %dma_wait3A_50 = tpu.memref_slice %arg5[%add3A_40] : memref<320000xi32, #tpu.memory_space<hbm>> -> memref<128xi32, #tpu.memory_space<hbm>>
          tpu.wait_dma2 semaphore(%run_scoped3A : memref<!tpu.dma_semaphore, #tpu.memory_space<semaphore_mem>>) src(%dma_wait3A_50 : memref<128xi32, #tpu.memory_space<hbm>>) dst(%arg10 : memref<128xi32, #tpu.memory_space<vmem>>)
          tpu.yield
        }) : () -> ()
        %dma_start3A_41 = arith.constant 0 : i32
        %dma_start3A_42 = arith.constant 0 : i32
        %dma_start3A_43 = tpu.memref_slice %arg3[%dma_start3A_41, %dma_start3A_42] : memref<10000x64xf32, #tpu.memory_space<hbm>> -> memref<10000x64xf32, #tpu.memory_space<hbm>>
        tpu.enqueue_indirect_dma source(%dma_start3A_43 : memref<10000x64xf32, #tpu.memory_space<hbm>>) target(%arg13 : memref<128x64xf32, #tpu.memory_space<vmem>>) offsets(%arg9 : memref<128xi32, #tpu.memory_space<vmem>>) semaphore(%arg15 : memref<!tpu.dma_semaphore, #tpu.memory_space<semaphore_mem>>)
        %dma_wait3A_44 = arith.constant 0 : i32
        %dma_wait3A_45 = arith.constant 0 : i32
        %dma_wait3A_46 = tpu.memref_slice %arg3[%dma_wait3A_44, %dma_wait3A_45] : memref<10000x64xf32, #tpu.memory_space<hbm>> -> memref<10000x64xf32, #tpu.memory_space<hbm>>
        tpu.wait_indirect_dma semaphore(%arg15 : memref<!tpu.dma_semaphore, #tpu.memory_space<semaphore_mem>>) src(%dma_wait3A_46 : memref<10000x64xf32, #tpu.memory_space<hbm>>) dst(%arg13 : memref<128x64xf32, #tpu.memory_space<vmem>>)
        "tpu.region"() ({
          %run_scoped3A = tpu.sem_alloc : memref<!tpu.dma_semaphore, #tpu.memory_space<semaphore_mem>>
          %dma_start3A_47 = arith.constant 0 : i32
          %dma_start3A_48 = arith.constant 0 : i32
          %dma_start3A_49 = tpu.memref_slice %arg14[%dma_start3A_47, %dma_start3A_48] : memref<10000x64xf32, #tpu.memory_space<vmem_shared>> -> memref<10000x64xf32, #tpu.memory_space<vmem_shared>>
          tpu.enqueue_indirect_dma source(%arg13 : memref<128x64xf32, #tpu.memory_space<vmem>>) target(%dma_start3A_49 : memref<10000x64xf32, #tpu.memory_space<vmem_shared>>) offsets(%arg10 : memref<128xi32, #tpu.memory_space<vmem>>) semaphore(%run_scoped3A : memref<!tpu.dma_semaphore, #tpu.memory_space<semaphore_mem>>) {add = true}
          %dma_wait3A_50 = arith.constant 0 : i32
          %dma_wait3A_51 = arith.constant 0 : i32
          %dma_wait3A_52 = tpu.memref_slice %arg14[%dma_wait3A_50, %dma_wait3A_51] : memref<10000x64xf32, #tpu.memory_space<vmem_shared>> -> memref<10000x64xf32, #tpu.memory_space<vmem_shared>>
          tpu.wait_indirect_dma semaphore(%run_scoped3A : memref<!tpu.dma_semaphore, #tpu.memory_space<semaphore_mem>>) src(%arg13 : memref<128x64xf32, #tpu.memory_space<vmem>>) dst(%dma_wait3A_52 : memref<10000x64xf32, #tpu.memory_space<vmem_shared>>)
          tpu.yield
        }) : () -> ()
      }
      %scan3A_25 = arith.constant 156 : i32
      %add3A = arith.constant 19968 : i32
      %add3A_26 = arith.addi %mul3A_2, %add3A : i32
      "tpu.region"() ({
        %run_scoped3A = tpu.sem_alloc : memref<!tpu.dma_semaphore, #tpu.memory_space<semaphore_mem>>
        %dma_start3A_37 = tpu.memref_slice %arg4[%add3A_26] : memref<320000xi32, #tpu.memory_space<hbm>> -> memref<32xi32, #tpu.memory_space<hbm>>
        %dma_start3A_38 = tpu.memref_slice %arg4[%add3A_26] : memref<320000xi32, #tpu.memory_space<hbm>> -> memref<32xi32, #tpu.memory_space<hbm>>
        tpu.enqueue_dma source(%dma_start3A_38 : memref<32xi32, #tpu.memory_space<hbm>>) target(%arg11 : memref<32xi32, #tpu.memory_space<vmem>>) target_semaphore(%run_scoped3A : memref<!tpu.dma_semaphore, #tpu.memory_space<semaphore_mem>>)
        %dma_wait3A_39 = tpu.memref_slice %arg4[%add3A_26] : memref<320000xi32, #tpu.memory_space<hbm>> -> memref<32xi32, #tpu.memory_space<hbm>>
        %dma_wait3A_40 = tpu.memref_slice %arg4[%add3A_26] : memref<320000xi32, #tpu.memory_space<hbm>> -> memref<32xi32, #tpu.memory_space<hbm>>
        tpu.wait_dma2 semaphore(%run_scoped3A : memref<!tpu.dma_semaphore, #tpu.memory_space<semaphore_mem>>) src(%dma_wait3A_40 : memref<32xi32, #tpu.memory_space<hbm>>) dst(%arg11 : memref<32xi32, #tpu.memory_space<vmem>>)
        tpu.yield
      }) : () -> ()
      "tpu.region"() ({
        %run_scoped3A = tpu.sem_alloc : memref<!tpu.dma_semaphore, #tpu.memory_space<semaphore_mem>>
        %dma_start3A_37 = tpu.memref_slice %arg5[%add3A_26] : memref<320000xi32, #tpu.memory_space<hbm>> -> memref<32xi32, #tpu.memory_space<hbm>>
        %dma_start3A_38 = tpu.memref_slice %arg5[%add3A_26] : memref<320000xi32, #tpu.memory_space<hbm>> -> memref<32xi32, #tpu.memory_space<hbm>>
        tpu.enqueue_dma source(%dma_start3A_38 : memref<32xi32, #tpu.memory_space<hbm>>) target(%arg12 : memref<32xi32, #tpu.memory_space<vmem>>) target_semaphore(%run_scoped3A : memref<!tpu.dma_semaphore, #tpu.memory_space<semaphore_mem>>)
        %dma_wait3A_39 = tpu.memref_slice %arg5[%add3A_26] : memref<320000xi32, #tpu.memory_space<hbm>> -> memref<32xi32, #tpu.memory_space<hbm>>
        %dma_wait3A_40 = tpu.memref_slice %arg5[%add3A_26] : memref<320000xi32, #tpu.memory_space<hbm>> -> memref<32xi32, #tpu.memory_space<hbm>>
        tpu.wait_dma2 semaphore(%run_scoped3A : memref<!tpu.dma_semaphore, #tpu.memory_space<semaphore_mem>>) src(%dma_wait3A_40 : memref<32xi32, #tpu.memory_space<hbm>>) dst(%arg12 : memref<32xi32, #tpu.memory_space<vmem>>)
        tpu.yield
      }) : () -> ()
      %dma_start3A = arith.constant 0 : i32
      %dma_start3A_27 = arith.constant 0 : i32
      %dma_start3A_28 = tpu.memref_slice %arg13[%dma_start3A, %dma_start3A_27] : memref<128x64xf32, #tpu.memory_space<vmem>> -> memref<32x64xf32, #tpu.memory_space<vmem>>
      %dma_start3A_29 = arith.constant 0 : i32
      %dma_start3A_30 = arith.constant 0 : i32
      %dma_start3A_31 = tpu.memref_slice %arg3[%dma_start3A_29, %dma_start3A_30] : memref<10000x64xf32, #tpu.memory_space<hbm>> -> memref<10000x64xf32, #tpu.memory_space<hbm>>
      tpu.enqueue_indirect_dma source(%dma_start3A_31 : memref<10000x64xf32, #tpu.memory_space<hbm>>) target(%dma_start3A_28 : memref<32x64xf32, #tpu.memory_space<vmem>>) offsets(%arg11 : memref<32xi32, #tpu.memory_space<vmem>>) semaphore(%arg15 : memref<!tpu.dma_semaphore, #tpu.memory_space<semaphore_mem>>)
      %dma_wait3A = arith.constant 0 : i32
      %dma_wait3A_32 = arith.constant 0 : i32
      %dma_wait3A_33 = tpu.memref_slice %arg13[%dma_wait3A, %dma_wait3A_32] : memref<128x64xf32, #tpu.memory_space<vmem>> -> memref<32x64xf32, #tpu.memory_space<vmem>>
      %dma_wait3A_34 = arith.constant 0 : i32
      %dma_wait3A_35 = arith.constant 0 : i32
      %dma_wait3A_36 = tpu.memref_slice %arg3[%dma_wait3A_34, %dma_wait3A_35] : memref<10000x64xf32, #tpu.memory_space<hbm>> -> memref<10000x64xf32, #tpu.memory_space<hbm>>
      tpu.wait_indirect_dma semaphore(%arg15 : memref<!tpu.dma_semaphore, #tpu.memory_space<semaphore_mem>>) src(%dma_wait3A_36 : memref<10000x64xf32, #tpu.memory_space<hbm>>) dst(%dma_wait3A_33 : memref<32x64xf32, #tpu.memory_space<vmem>>)
      "tpu.region"() ({
        %run_scoped3A = tpu.sem_alloc : memref<!tpu.dma_semaphore, #tpu.memory_space<semaphore_mem>>
        %dma_start3A_37 = arith.constant 0 : i32
        %dma_start3A_38 = arith.constant 0 : i32
        %dma_start3A_39 = tpu.memref_slice %arg13[%dma_start3A_37, %dma_start3A_38] : memref<128x64xf32, #tpu.memory_space<vmem>> -> memref<32x64xf32, #tpu.memory_space<vmem>>
        %dma_start3A_40 = arith.constant 0 : i32
        %dma_start3A_41 = arith.constant 0 : i32
        %dma_start3A_42 = tpu.memref_slice %arg14[%dma_start3A_40, %dma_start3A_41] : memref<10000x64xf32, #tpu.memory_space<vmem_shared>> -> memref<10000x64xf32, #tpu.memory_space<vmem_shared>>
        tpu.enqueue_indirect_dma source(%dma_start3A_39 : memref<32x64xf32, #tpu.memory_space<vmem>>) target(%dma_start3A_42 : memref<10000x64xf32, #tpu.memory_space<vmem_shared>>) offsets(%arg12 : memref<32xi32, #tpu.memory_space<vmem>>) semaphore(%run_scoped3A : memref<!tpu.dma_semaphore, #tpu.memory_space<semaphore_mem>>) {add = true}
        %dma_wait3A_43 = arith.constant 0 : i32
        %dma_wait3A_44 = arith.constant 0 : i32
        %dma_wait3A_45 = tpu.memref_slice %arg13[%dma_wait3A_43, %dma_wait3A_44] : memref<128x64xf32, #tpu.memory_space<vmem>> -> memref<32x64xf32, #tpu.memory_space<vmem>>
        %dma_wait3A_46 = arith.constant 0 : i32
        %dma_wait3A_47 = arith.constant 0 : i32
        %dma_wait3A_48 = tpu.memref_slice %arg14[%dma_wait3A_46, %dma_wait3A_47] : memref<10000x64xf32, #tpu.memory_space<vmem_shared>> -> memref<10000x64xf32, #tpu.memory_space<vmem_shared>>
        tpu.wait_indirect_dma semaphore(%run_scoped3A : memref<!tpu.dma_semaphore, #tpu.memory_space<semaphore_mem>>) src(%dma_wait3A_45 : memref<32x64xf32, #tpu.memory_space<vmem>>) dst(%dma_wait3A_48 : memref<10000x64xf32, #tpu.memory_space<vmem_shared>>)
        tpu.yield
      }) : () -> ()
    } else {
    }
    %barrier3A_10 = arith.constant 0 : index
    tpu.barrier barrier_id(%barrier3A_10)
    %eq3A_11 = arith.constant 0 : i32
    %eq3A_12 = arith.cmpi eq, %arg0, %eq3A_11 : i32
    %convert_element_type3A_13 = arith.extui %eq3A_12 : i1 to i32
    %cond3A_14 = arith.constant 0 : i32
    %cond3A_15 = arith.cmpi ne, %convert_element_type3A_13, %cond3A_14 : i32
    scf.if %cond3A_15 {
      "tpu.region"() ({
        %run_scoped3A = tpu.sem_alloc : memref<!tpu.dma_semaphore, #tpu.memory_space<semaphore_mem>>
        %dma_start3A = arith.constant 0 : i32
        %dma_start3A_21 = tpu.memref_slice %arg7[%mul3A_0, %dma_start3A] : memref<10000x64xf32, #tpu.memory_space<hbm>> -> memref<625x64xf32, #tpu.memory_space<hbm>>
        %dma_start3A_22 = arith.constant 0 : i32
        %dma_start3A_23 = tpu.memref_slice %arg14[%mul3A_0, %dma_start3A_22] : memref<10000x64xf32, #tpu.memory_space<vmem_shared>> -> memref<625x64xf32, #tpu.memory_space<vmem_shared>>
        tpu.enqueue_dma source(%dma_start3A_23 : memref<625x64xf32, #tpu.memory_space<vmem_shared>>) target(%dma_start3A_21 : memref<625x64xf32, #tpu.memory_space<hbm>>) target_semaphore(%run_scoped3A : memref<!tpu.dma_semaphore, #tpu.memory_space<semaphore_mem>>)
        %dma_wait3A = arith.constant 0 : i32
        %dma_wait3A_24 = tpu.memref_slice %arg7[%mul3A_0, %dma_wait3A] : memref<10000x64xf32, #tpu.memory_space<hbm>> -> memref<625x64xf32, #tpu.memory_space<hbm>>
        %dma_wait3A_25 = arith.constant 0 : i32
        %dma_wait3A_26 = tpu.memref_slice %arg14[%mul3A_0, %dma_wait3A_25] : memref<10000x64xf32, #tpu.memory_space<vmem_shared>> -> memref<625x64xf32, #tpu.memory_space<vmem_shared>>
        tpu.wait_dma2 semaphore(%run_scoped3A : memref<!tpu.dma_semaphore, #tpu.memory_space<semaphore_mem>>) src(%dma_wait3A_26 : memref<625x64xf32, #tpu.memory_space<vmem_shared>>) dst(%dma_wait3A_24 : memref<625x64xf32, #tpu.memory_space<hbm>>)
        tpu.yield
      }) : () -> ()
    } else {
    }
    %eq3A_16 = arith.constant 1 : i32
    %eq3A_17 = arith.cmpi eq, %arg0, %eq3A_16 : i32
    %convert_element_type3A_18 = arith.extui %eq3A_17 : i1 to i32
    %cond3A_19 = arith.constant 0 : i32
    %cond3A_20 = arith.cmpi ne, %convert_element_type3A_18, %cond3A_19 : i32
    scf.if %cond3A_20 {
      "tpu.region"() ({
        %run_scoped3A = tpu.sem_alloc : memref<!tpu.dma_semaphore, #tpu.memory_space<semaphore_mem>>
        %dma_start3A = arith.constant 0 : i32
        %dma_start3A_21 = tpu.memref_slice %arg8[%mul3A_0, %dma_start3A] : memref<10000x64xf32, #tpu.memory_space<hbm>> -> memref<625x64xf32, #tpu.memory_space<hbm>>
        %dma_start3A_22 = arith.constant 0 : i32
        %dma_start3A_23 = tpu.memref_slice %arg14[%mul3A_0, %dma_start3A_22] : memref<10000x64xf32, #tpu.memory_space<vmem_shared>> -> memref<625x64xf32, #tpu.memory_space<vmem_shared>>
        tpu.enqueue_dma source(%dma_start3A_23 : memref<625x64xf32, #tpu.memory_space<vmem_shared>>) target(%dma_start3A_21 : memref<625x64xf32, #tpu.memory_space<hbm>>) target_semaphore(%run_scoped3A : memref<!tpu.dma_semaphore, #tpu.memory_space<semaphore_mem>>)
        %dma_wait3A = arith.constant 0 : i32
        %dma_wait3A_24 = tpu.memref_slice %arg8[%mul3A_0, %dma_wait3A] : memref<10000x64xf32, #tpu.memory_space<hbm>> -> memref<625x64xf32, #tpu.memory_space<hbm>>
        %dma_wait3A_25 = arith.constant 0 : i32
        %dma_wait3A_26 = tpu.memref_slice %arg14[%mul3A_0, %dma_wait3A_25] : memref<10000x64xf32, #tpu.memory_space<vmem_shared>> -> memref<625x64xf32, #tpu.memory_space<vmem_shared>>
        tpu.wait_dma2 semaphore(%run_scoped3A : memref<!tpu.dma_semaphore, #tpu.memory_space<semaphore_mem>>) src(%dma_wait3A_26 : memref<625x64xf32, #tpu.memory_space<vmem_shared>>) dst(%dma_wait3A_24 : memref<625x64xf32, #tpu.memory_space<hbm>>)
        tpu.yield
      }) : () -> ()
    } else {
    }
    return
  }
}

#map = affine_map<(d0, d1) -> (0, 0)>
#map1 = affine_map<(d0, d1) -> (0)>
module attributes {stable_mosaic.version = 14 : i64} {
  func.func @_round_body(%arg0: i32, %arg1: i32, %arg2: memref<10000x64xf32, #tpu.memory_space<hbm>>, %arg3: memref<10000x64xf32, #tpu.memory_space<hbm>>, %arg4: memref<320000xi32, #tpu.memory_space<hbm>>, %arg5: memref<320000xi32, #tpu.memory_space<hbm>>, %arg6: memref<625x64xf32, #tpu.memory_space<hbm>>, %arg7: memref<10000x64xf32, #tpu.memory_space<hbm>>, %arg8: memref<10000x64xf32, #tpu.memory_space<hbm>>, %arg9: memref<128xi32, #tpu.memory_space<vmem>>, %arg10: memref<128xi32, #tpu.memory_space<vmem>>, %arg11: memref<32xi32, #tpu.memory_space<vmem>>, %arg12: memref<32xi32, #tpu.memory_space<vmem>>, %arg13: memref<128x64xf32, #tpu.memory_space<vmem>>, %arg14: memref<10000x64xf32, #tpu.memory_space<vmem_shared>>, %arg15: memref<!tpu.dma_semaphore, #tpu.memory_space<semaphore_mem>>) attributes {dimension_semantics = [#tpu.dimension_semantics<core_parallel>, #tpu.dimension_semantics<subcore_parallel>], iteration_bounds = array<i64: 2, 16>, scalar_prefetch = 0 : i64, scratch_operands = 7 : i64, tpu.core_type = #tpu.core_type<sc_vector_subcore>, window_params = [{transform_indices = #map}, {transform_indices = #map}, {transform_indices = #map1}, {transform_indices = #map1}, {transform_indices = #map}, {transform_indices = #map}, {transform_indices = #map}]} {
    %mul3A = arith.constant 625 : i32
    %mul3A_0 = arith.muli %arg1, %mul3A : i32
    "tpu.region"() ({
      %run_scoped3A = tpu.sem_alloc : memref<!tpu.dma_semaphore, #tpu.memory_space<semaphore_mem>>
      %dma_start3A = arith.constant 0 : i32
      %dma_start3A_21 = tpu.memref_slice %arg14[%mul3A_0, %dma_start3A] : memref<10000x64xf32, #tpu.memory_space<vmem_shared>> -> memref<625x64xf32, #tpu.memory_space<vmem_shared>>
      tpu.enqueue_dma source(%arg6 : memref<625x64xf32, #tpu.memory_space<hbm>>) target(%dma_start3A_21 : memref<625x64xf32, #tpu.memory_space<vmem_shared>>) target_semaphore(%run_scoped3A : memref<!tpu.dma_semaphore, #tpu.memory_space<semaphore_mem>>)
      %dma_wait3A = arith.constant 0 : i32
      %dma_wait3A_22 = tpu.memref_slice %arg14[%mul3A_0, %dma_wait3A] : memref<10000x64xf32, #tpu.memory_space<vmem_shared>> -> memref<625x64xf32, #tpu.memory_space<vmem_shared>>
      tpu.wait_dma2 semaphore(%run_scoped3A : memref<!tpu.dma_semaphore, #tpu.memory_space<semaphore_mem>>) src(%arg6 : memref<625x64xf32, #tpu.memory_space<hbm>>) dst(%dma_wait3A_22 : memref<625x64xf32, #tpu.memory_space<vmem_shared>>)
      tpu.yield
    }) : () -> ()
    %barrier3A = arith.constant 0 : index
    tpu.barrier barrier_id(%barrier3A)
    %mul3A_1 = arith.constant 20000 : i32
    %mul3A_2 = arith.muli %arg1, %mul3A_1 : i32
    %eq3A = arith.constant 0 : i32
    %eq3A_3 = arith.cmpi eq, %arg0, %eq3A : i32
    %convert_element_type3A = arith.extui %eq3A_3 : i1 to i32
    %cond3A = arith.constant 0 : i32
    %cond3A_4 = arith.cmpi ne, %convert_element_type3A, %cond3A : i32
    scf.if %cond3A_4 {
      %scan3A = arith.constant 0 : i32
      %scan3A_21 = arith.constant 0 : i32
      %scan3A_22 = arith.constant 156 : i32
      %scan3A_23 = arith.addi %scan3A_21, %scan3A_22 : i32
      %scan3A_24 = arith.constant 1 : i32
      scf.for %scan3A_37 = %scan3A_21 to %scan3A_23 step %scan3A_24  : i32 {
        %mul3A_38 = arith.constant 128 : i32
        %mul3A_39 = arith.muli %scan3A_37, %mul3A_38 : i32
        %add3A_40 = arith.addi %mul3A_2, %mul3A_39 : i32
        "tpu.region"() ({
          %run_scoped3A = tpu.sem_alloc : memref<!tpu.dma_semaphore, #tpu.memory_space<semaphore_mem>>
          %dma_start3A_47 = tpu.memref_slice %arg4[%add3A_40] : memref<320000xi32, #tpu.memory_space<hbm>> -> memref<128xi32, #tpu.memory_space<hbm>>
          %dma_start3A_48 = tpu.memref_slice %arg4[%add3A_40] : memref<320000xi32, #tpu.memory_space<hbm>> -> memref<128xi32, #tpu.memory_space<hbm>>
          tpu.enqueue_dma source(%dma_start3A_48 : memref<128xi32, #tpu.memory_space<hbm>>) target(%arg9 : memref<128xi32, #tpu.memory_space<vmem>>) target_semaphore(%run_scoped3A : memref<!tpu.dma_semaphore, #tpu.memory_space<semaphore_mem>>)
          %dma_wait3A_49 = tpu.memref_slice %arg4[%add3A_40] : memref<320000xi32, #tpu.memory_space<hbm>> -> memref<128xi32, #tpu.memory_space<hbm>>
          %dma_wait3A_50 = tpu.memref_slice %arg4[%add3A_40] : memref<320000xi32, #tpu.memory_space<hbm>> -> memref<128xi32, #tpu.memory_space<hbm>>
          tpu.wait_dma2 semaphore(%run_scoped3A : memref<!tpu.dma_semaphore, #tpu.memory_space<semaphore_mem>>) src(%dma_wait3A_50 : memref<128xi32, #tpu.memory_space<hbm>>) dst(%arg9 : memref<128xi32, #tpu.memory_space<vmem>>)
          tpu.yield
        }) : () -> ()
        "tpu.region"() ({
          %run_scoped3A = tpu.sem_alloc : memref<!tpu.dma_semaphore, #tpu.memory_space<semaphore_mem>>
          %dma_start3A_47 = tpu.memref_slice %arg5[%add3A_40] : memref<320000xi32, #tpu.memory_space<hbm>> -> memref<128xi32, #tpu.memory_space<hbm>>
          %dma_start3A_48 = tpu.memref_slice %arg5[%add3A_40] : memref<320000xi32, #tpu.memory_space<hbm>> -> memref<128xi32, #tpu.memory_space<hbm>>
          tpu.enqueue_dma source(%dma_start3A_48 : memref<128xi32, #tpu.memory_space<hbm>>) target(%arg10 : memref<128xi32, #tpu.memory_space<vmem>>) target_semaphore(%run_scoped3A : memref<!tpu.dma_semaphore, #tpu.memory_space<semaphore_mem>>)
          %dma_wait3A_49 = tpu.memref_slice %arg5[%add3A_40] : memref<320000xi32, #tpu.memory_space<hbm>> -> memref<128xi32, #tpu.memory_space<hbm>>
          %dma_wait3A_50 = tpu.memref_slice %arg5[%add3A_40] : memref<320000xi32, #tpu.memory_space<hbm>> -> memref<128xi32, #tpu.memory_space<hbm>>
          tpu.wait_dma2 semaphore(%run_scoped3A : memref<!tpu.dma_semaphore, #tpu.memory_space<semaphore_mem>>) src(%dma_wait3A_50 : memref<128xi32, #tpu.memory_space<hbm>>) dst(%arg10 : memref<128xi32, #tpu.memory_space<vmem>>)
          tpu.yield
        }) : () -> ()
        %dma_start3A_41 = arith.constant 0 : i32
        %dma_start3A_42 = arith.constant 0 : i32
        %dma_start3A_43 = tpu.memref_slice %arg2[%dma_start3A_41, %dma_start3A_42] : memref<10000x64xf32, #tpu.memory_space<hbm>> -> memref<10000x64xf32, #tpu.memory_space<hbm>>
        tpu.enqueue_indirect_dma source(%dma_start3A_43 : memref<10000x64xf32, #tpu.memory_space<hbm>>) target(%arg13 : memref<128x64xf32, #tpu.memory_space<vmem>>) offsets(%arg9 : memref<128xi32, #tpu.memory_space<vmem>>) semaphore(%arg15 : memref<!tpu.dma_semaphore, #tpu.memory_space<semaphore_mem>>)
        %dma_wait3A_44 = arith.constant 0 : i32
        %dma_wait3A_45 = arith.constant 0 : i32
        %dma_wait3A_46 = tpu.memref_slice %arg2[%dma_wait3A_44, %dma_wait3A_45] : memref<10000x64xf32, #tpu.memory_space<hbm>> -> memref<10000x64xf32, #tpu.memory_space<hbm>>
        tpu.wait_indirect_dma semaphore(%arg15 : memref<!tpu.dma_semaphore, #tpu.memory_space<semaphore_mem>>) src(%dma_wait3A_46 : memref<10000x64xf32, #tpu.memory_space<hbm>>) dst(%arg13 : memref<128x64xf32, #tpu.memory_space<vmem>>)
        "tpu.region"() ({
          %run_scoped3A = tpu.sem_alloc : memref<!tpu.dma_semaphore, #tpu.memory_space<semaphore_mem>>
          %dma_start3A_47 = arith.constant 0 : i32
          %dma_start3A_48 = arith.constant 0 : i32
          %dma_start3A_49 = tpu.memref_slice %arg14[%dma_start3A_47, %dma_start3A_48] : memref<10000x64xf32, #tpu.memory_space<vmem_shared>> -> memref<10000x64xf32, #tpu.memory_space<vmem_shared>>
          tpu.enqueue_indirect_dma source(%arg13 : memref<128x64xf32, #tpu.memory_space<vmem>>) target(%dma_start3A_49 : memref<10000x64xf32, #tpu.memory_space<vmem_shared>>) offsets(%arg10 : memref<128xi32, #tpu.memory_space<vmem>>) semaphore(%run_scoped3A : memref<!tpu.dma_semaphore, #tpu.memory_space<semaphore_mem>>) {add = true}
          %dma_wait3A_50 = arith.constant 0 : i32
          %dma_wait3A_51 = arith.constant 0 : i32
          %dma_wait3A_52 = tpu.memref_slice %arg14[%dma_wait3A_50, %dma_wait3A_51] : memref<10000x64xf32, #tpu.memory_space<vmem_shared>> -> memref<10000x64xf32, #tpu.memory_space<vmem_shared>>
          tpu.wait_indirect_dma semaphore(%run_scoped3A : memref<!tpu.dma_semaphore, #tpu.memory_space<semaphore_mem>>) src(%arg13 : memref<128x64xf32, #tpu.memory_space<vmem>>) dst(%dma_wait3A_52 : memref<10000x64xf32, #tpu.memory_space<vmem_shared>>)
          tpu.yield
        }) : () -> ()
      }
      %scan3A_25 = arith.constant 156 : i32
      %add3A = arith.constant 19968 : i32
      %add3A_26 = arith.addi %mul3A_2, %add3A : i32
      "tpu.region"() ({
        %run_scoped3A = tpu.sem_alloc : memref<!tpu.dma_semaphore, #tpu.memory_space<semaphore_mem>>
        %dma_start3A_37 = tpu.memref_slice %arg4[%add3A_26] : memref<320000xi32, #tpu.memory_space<hbm>> -> memref<32xi32, #tpu.memory_space<hbm>>
        %dma_start3A_38 = tpu.memref_slice %arg4[%add3A_26] : memref<320000xi32, #tpu.memory_space<hbm>> -> memref<32xi32, #tpu.memory_space<hbm>>
        tpu.enqueue_dma source(%dma_start3A_38 : memref<32xi32, #tpu.memory_space<hbm>>) target(%arg11 : memref<32xi32, #tpu.memory_space<vmem>>) target_semaphore(%run_scoped3A : memref<!tpu.dma_semaphore, #tpu.memory_space<semaphore_mem>>)
        %dma_wait3A_39 = tpu.memref_slice %arg4[%add3A_26] : memref<320000xi32, #tpu.memory_space<hbm>> -> memref<32xi32, #tpu.memory_space<hbm>>
        %dma_wait3A_40 = tpu.memref_slice %arg4[%add3A_26] : memref<320000xi32, #tpu.memory_space<hbm>> -> memref<32xi32, #tpu.memory_space<hbm>>
        tpu.wait_dma2 semaphore(%run_scoped3A : memref<!tpu.dma_semaphore, #tpu.memory_space<semaphore_mem>>) src(%dma_wait3A_40 : memref<32xi32, #tpu.memory_space<hbm>>) dst(%arg11 : memref<32xi32, #tpu.memory_space<vmem>>)
        tpu.yield
      }) : () -> ()
      "tpu.region"() ({
        %run_scoped3A = tpu.sem_alloc : memref<!tpu.dma_semaphore, #tpu.memory_space<semaphore_mem>>
        %dma_start3A_37 = tpu.memref_slice %arg5[%add3A_26] : memref<320000xi32, #tpu.memory_space<hbm>> -> memref<32xi32, #tpu.memory_space<hbm>>
        %dma_start3A_38 = tpu.memref_slice %arg5[%add3A_26] : memref<320000xi32, #tpu.memory_space<hbm>> -> memref<32xi32, #tpu.memory_space<hbm>>
        tpu.enqueue_dma source(%dma_start3A_38 : memref<32xi32, #tpu.memory_space<hbm>>) target(%arg12 : memref<32xi32, #tpu.memory_space<vmem>>) target_semaphore(%run_scoped3A : memref<!tpu.dma_semaphore, #tpu.memory_space<semaphore_mem>>)
        %dma_wait3A_39 = tpu.memref_slice %arg5[%add3A_26] : memref<320000xi32, #tpu.memory_space<hbm>> -> memref<32xi32, #tpu.memory_space<hbm>>
        %dma_wait3A_40 = tpu.memref_slice %arg5[%add3A_26] : memref<320000xi32, #tpu.memory_space<hbm>> -> memref<32xi32, #tpu.memory_space<hbm>>
        tpu.wait_dma2 semaphore(%run_scoped3A : memref<!tpu.dma_semaphore, #tpu.memory_space<semaphore_mem>>) src(%dma_wait3A_40 : memref<32xi32, #tpu.memory_space<hbm>>) dst(%arg12 : memref<32xi32, #tpu.memory_space<vmem>>)
        tpu.yield
      }) : () -> ()
      %dma_start3A = arith.constant 0 : i32
      %dma_start3A_27 = arith.constant 0 : i32
      %dma_start3A_28 = tpu.memref_slice %arg13[%dma_start3A, %dma_start3A_27] : memref<128x64xf32, #tpu.memory_space<vmem>> -> memref<32x64xf32, #tpu.memory_space<vmem>>
      %dma_start3A_29 = arith.constant 0 : i32
      %dma_start3A_30 = arith.constant 0 : i32
      %dma_start3A_31 = tpu.memref_slice %arg2[%dma_start3A_29, %dma_start3A_30] : memref<10000x64xf32, #tpu.memory_space<hbm>> -> memref<10000x64xf32, #tpu.memory_space<hbm>>
      tpu.enqueue_indirect_dma source(%dma_start3A_31 : memref<10000x64xf32, #tpu.memory_space<hbm>>) target(%dma_start3A_28 : memref<32x64xf32, #tpu.memory_space<vmem>>) offsets(%arg11 : memref<32xi32, #tpu.memory_space<vmem>>) semaphore(%arg15 : memref<!tpu.dma_semaphore, #tpu.memory_space<semaphore_mem>>)
      %dma_wait3A = arith.constant 0 : i32
      %dma_wait3A_32 = arith.constant 0 : i32
      %dma_wait3A_33 = tpu.memref_slice %arg13[%dma_wait3A, %dma_wait3A_32] : memref<128x64xf32, #tpu.memory_space<vmem>> -> memref<32x64xf32, #tpu.memory_space<vmem>>
      %dma_wait3A_34 = arith.constant 0 : i32
      %dma_wait3A_35 = arith.constant 0 : i32
      %dma_wait3A_36 = tpu.memref_slice %arg2[%dma_wait3A_34, %dma_wait3A_35] : memref<10000x64xf32, #tpu.memory_space<hbm>> -> memref<10000x64xf32, #tpu.memory_space<hbm>>
      tpu.wait_indirect_dma semaphore(%arg15 : memref<!tpu.dma_semaphore, #tpu.memory_space<semaphore_mem>>) src(%dma_wait3A_36 : memref<10000x64xf32, #tpu.memory_space<hbm>>) dst(%dma_wait3A_33 : memref<32x64xf32, #tpu.memory_space<vmem>>)
      "tpu.region"() ({
        %run_scoped3A = tpu.sem_alloc : memref<!tpu.dma_semaphore, #tpu.memory_space<semaphore_mem>>
        %dma_start3A_37 = arith.constant 0 : i32
        %dma_start3A_38 = arith.constant 0 : i32
        %dma_start3A_39 = tpu.memref_slice %arg13[%dma_start3A_37, %dma_start3A_38] : memref<128x64xf32, #tpu.memory_space<vmem>> -> memref<32x64xf32, #tpu.memory_space<vmem>>
        %dma_start3A_40 = arith.constant 0 : i32
        %dma_start3A_41 = arith.constant 0 : i32
        %dma_start3A_42 = tpu.memref_slice %arg14[%dma_start3A_40, %dma_start3A_41] : memref<10000x64xf32, #tpu.memory_space<vmem_shared>> -> memref<10000x64xf32, #tpu.memory_space<vmem_shared>>
        tpu.enqueue_indirect_dma source(%dma_start3A_39 : memref<32x64xf32, #tpu.memory_space<vmem>>) target(%dma_start3A_42 : memref<10000x64xf32, #tpu.memory_space<vmem_shared>>) offsets(%arg12 : memref<32xi32, #tpu.memory_space<vmem>>) semaphore(%run_scoped3A : memref<!tpu.dma_semaphore, #tpu.memory_space<semaphore_mem>>) {add = true}
        %dma_wait3A_43 = arith.constant 0 : i32
        %dma_wait3A_44 = arith.constant 0 : i32
        %dma_wait3A_45 = tpu.memref_slice %arg13[%dma_wait3A_43, %dma_wait3A_44] : memref<128x64xf32, #tpu.memory_space<vmem>> -> memref<32x64xf32, #tpu.memory_space<vmem>>
        %dma_wait3A_46 = arith.constant 0 : i32
        %dma_wait3A_47 = arith.constant 0 : i32
        %dma_wait3A_48 = tpu.memref_slice %arg14[%dma_wait3A_46, %dma_wait3A_47] : memref<10000x64xf32, #tpu.memory_space<vmem_shared>> -> memref<10000x64xf32, #tpu.memory_space<vmem_shared>>
        tpu.wait_indirect_dma semaphore(%run_scoped3A : memref<!tpu.dma_semaphore, #tpu.memory_space<semaphore_mem>>) src(%dma_wait3A_45 : memref<32x64xf32, #tpu.memory_space<vmem>>) dst(%dma_wait3A_48 : memref<10000x64xf32, #tpu.memory_space<vmem_shared>>)
        tpu.yield
      }) : () -> ()
    } else {
    }
    %eq3A_5 = arith.constant 1 : i32
    %eq3A_6 = arith.cmpi eq, %arg0, %eq3A_5 : i32
    %convert_element_type3A_7 = arith.extui %eq3A_6 : i1 to i32
    %cond3A_8 = arith.constant 0 : i32
    %cond3A_9 = arith.cmpi ne, %convert_element_type3A_7, %cond3A_8 : i32
    scf.if %cond3A_9 {
      %scan3A = arith.constant 0 : i32
      %scan3A_21 = arith.constant 0 : i32
      %scan3A_22 = arith.constant 156 : i32
      %scan3A_23 = arith.addi %scan3A_21, %scan3A_22 : i32
      %scan3A_24 = arith.constant 1 : i32
      scf.for %scan3A_37 = %scan3A_21 to %scan3A_23 step %scan3A_24  : i32 {
        %mul3A_38 = arith.constant 128 : i32
        %mul3A_39 = arith.muli %scan3A_37, %mul3A_38 : i32
        %add3A_40 = arith.addi %mul3A_2, %mul3A_39 : i32
        "tpu.region"() ({
          %run_scoped3A = tpu.sem_alloc : memref<!tpu.dma_semaphore, #tpu.memory_space<semaphore_mem>>
          %dma_start3A_47 = tpu.memref_slice %arg4[%add3A_40] : memref<320000xi32, #tpu.memory_space<hbm>> -> memref<128xi32, #tpu.memory_space<hbm>>
          %dma_start3A_48 = tpu.memref_slice %arg4[%add3A_40] : memref<320000xi32, #tpu.memory_space<hbm>> -> memref<128xi32, #tpu.memory_space<hbm>>
          tpu.enqueue_dma source(%dma_start3A_48 : memref<128xi32, #tpu.memory_space<hbm>>) target(%arg9 : memref<128xi32, #tpu.memory_space<vmem>>) target_semaphore(%run_scoped3A : memref<!tpu.dma_semaphore, #tpu.memory_space<semaphore_mem>>)
          %dma_wait3A_49 = tpu.memref_slice %arg4[%add3A_40] : memref<320000xi32, #tpu.memory_space<hbm>> -> memref<128xi32, #tpu.memory_space<hbm>>
          %dma_wait3A_50 = tpu.memref_slice %arg4[%add3A_40] : memref<320000xi32, #tpu.memory_space<hbm>> -> memref<128xi32, #tpu.memory_space<hbm>>
          tpu.wait_dma2 semaphore(%run_scoped3A : memref<!tpu.dma_semaphore, #tpu.memory_space<semaphore_mem>>) src(%dma_wait3A_50 : memref<128xi32, #tpu.memory_space<hbm>>) dst(%arg9 : memref<128xi32, #tpu.memory_space<vmem>>)
          tpu.yield
        }) : () -> ()
        "tpu.region"() ({
          %run_scoped3A = tpu.sem_alloc : memref<!tpu.dma_semaphore, #tpu.memory_space<semaphore_mem>>
          %dma_start3A_47 = tpu.memref_slice %arg5[%add3A_40] : memref<320000xi32, #tpu.memory_space<hbm>> -> memref<128xi32, #tpu.memory_space<hbm>>
          %dma_start3A_48 = tpu.memref_slice %arg5[%add3A_40] : memref<320000xi32, #tpu.memory_space<hbm>> -> memref<128xi32, #tpu.memory_space<hbm>>
          tpu.enqueue_dma source(%dma_start3A_48 : memref<128xi32, #tpu.memory_space<hbm>>) target(%arg10 : memref<128xi32, #tpu.memory_space<vmem>>) target_semaphore(%run_scoped3A : memref<!tpu.dma_semaphore, #tpu.memory_space<semaphore_mem>>)
          %dma_wait3A_49 = tpu.memref_slice %arg5[%add3A_40] : memref<320000xi32, #tpu.memory_space<hbm>> -> memref<128xi32, #tpu.memory_space<hbm>>
          %dma_wait3A_50 = tpu.memref_slice %arg5[%add3A_40] : memref<320000xi32, #tpu.memory_space<hbm>> -> memref<128xi32, #tpu.memory_space<hbm>>
          tpu.wait_dma2 semaphore(%run_scoped3A : memref<!tpu.dma_semaphore, #tpu.memory_space<semaphore_mem>>) src(%dma_wait3A_50 : memref<128xi32, #tpu.memory_space<hbm>>) dst(%arg10 : memref<128xi32, #tpu.memory_space<vmem>>)
          tpu.yield
        }) : () -> ()
        %dma_start3A_41 = arith.constant 0 : i32
        %dma_start3A_42 = arith.constant 0 : i32
        %dma_start3A_43 = tpu.memref_slice %arg3[%dma_start3A_41, %dma_start3A_42] : memref<10000x64xf32, #tpu.memory_space<hbm>> -> memref<10000x64xf32, #tpu.memory_space<hbm>>
        tpu.enqueue_indirect_dma source(%dma_start3A_43 : memref<10000x64xf32, #tpu.memory_space<hbm>>) target(%arg13 : memref<128x64xf32, #tpu.memory_space<vmem>>) offsets(%arg9 : memref<128xi32, #tpu.memory_space<vmem>>) semaphore(%arg15 : memref<!tpu.dma_semaphore, #tpu.memory_space<semaphore_mem>>)
        %dma_wait3A_44 = arith.constant 0 : i32
        %dma_wait3A_45 = arith.constant 0 : i32
        %dma_wait3A_46 = tpu.memref_slice %arg3[%dma_wait3A_44, %dma_wait3A_45] : memref<10000x64xf32, #tpu.memory_space<hbm>> -> memref<10000x64xf32, #tpu.memory_space<hbm>>
        tpu.wait_indirect_dma semaphore(%arg15 : memref<!tpu.dma_semaphore, #tpu.memory_space<semaphore_mem>>) src(%dma_wait3A_46 : memref<10000x64xf32, #tpu.memory_space<hbm>>) dst(%arg13 : memref<128x64xf32, #tpu.memory_space<vmem>>)
        "tpu.region"() ({
          %run_scoped3A = tpu.sem_alloc : memref<!tpu.dma_semaphore, #tpu.memory_space<semaphore_mem>>
          %dma_start3A_47 = arith.constant 0 : i32
          %dma_start3A_48 = arith.constant 0 : i32
          %dma_start3A_49 = tpu.memref_slice %arg14[%dma_start3A_47, %dma_start3A_48] : memref<10000x64xf32, #tpu.memory_space<vmem_shared>> -> memref<10000x64xf32, #tpu.memory_space<vmem_shared>>
          tpu.enqueue_indirect_dma source(%arg13 : memref<128x64xf32, #tpu.memory_space<vmem>>) target(%dma_start3A_49 : memref<10000x64xf32, #tpu.memory_space<vmem_shared>>) offsets(%arg10 : memref<128xi32, #tpu.memory_space<vmem>>) semaphore(%run_scoped3A : memref<!tpu.dma_semaphore, #tpu.memory_space<semaphore_mem>>) {add = true}
          %dma_wait3A_50 = arith.constant 0 : i32
          %dma_wait3A_51 = arith.constant 0 : i32
          %dma_wait3A_52 = tpu.memref_slice %arg14[%dma_wait3A_50, %dma_wait3A_51] : memref<10000x64xf32, #tpu.memory_space<vmem_shared>> -> memref<10000x64xf32, #tpu.memory_space<vmem_shared>>
          tpu.wait_indirect_dma semaphore(%run_scoped3A : memref<!tpu.dma_semaphore, #tpu.memory_space<semaphore_mem>>) src(%arg13 : memref<128x64xf32, #tpu.memory_space<vmem>>) dst(%dma_wait3A_52 : memref<10000x64xf32, #tpu.memory_space<vmem_shared>>)
          tpu.yield
        }) : () -> ()
      }
      %scan3A_25 = arith.constant 156 : i32
      %add3A = arith.constant 19968 : i32
      %add3A_26 = arith.addi %mul3A_2, %add3A : i32
      "tpu.region"() ({
        %run_scoped3A = tpu.sem_alloc : memref<!tpu.dma_semaphore, #tpu.memory_space<semaphore_mem>>
        %dma_start3A_37 = tpu.memref_slice %arg4[%add3A_26] : memref<320000xi32, #tpu.memory_space<hbm>> -> memref<32xi32, #tpu.memory_space<hbm>>
        %dma_start3A_38 = tpu.memref_slice %arg4[%add3A_26] : memref<320000xi32, #tpu.memory_space<hbm>> -> memref<32xi32, #tpu.memory_space<hbm>>
        tpu.enqueue_dma source(%dma_start3A_38 : memref<32xi32, #tpu.memory_space<hbm>>) target(%arg11 : memref<32xi32, #tpu.memory_space<vmem>>) target_semaphore(%run_scoped3A : memref<!tpu.dma_semaphore, #tpu.memory_space<semaphore_mem>>)
        %dma_wait3A_39 = tpu.memref_slice %arg4[%add3A_26] : memref<320000xi32, #tpu.memory_space<hbm>> -> memref<32xi32, #tpu.memory_space<hbm>>
        %dma_wait3A_40 = tpu.memref_slice %arg4[%add3A_26] : memref<320000xi32, #tpu.memory_space<hbm>> -> memref<32xi32, #tpu.memory_space<hbm>>
        tpu.wait_dma2 semaphore(%run_scoped3A : memref<!tpu.dma_semaphore, #tpu.memory_space<semaphore_mem>>) src(%dma_wait3A_40 : memref<32xi32, #tpu.memory_space<hbm>>) dst(%arg11 : memref<32xi32, #tpu.memory_space<vmem>>)
        tpu.yield
      }) : () -> ()
      "tpu.region"() ({
        %run_scoped3A = tpu.sem_alloc : memref<!tpu.dma_semaphore, #tpu.memory_space<semaphore_mem>>
        %dma_start3A_37 = tpu.memref_slice %arg5[%add3A_26] : memref<320000xi32, #tpu.memory_space<hbm>> -> memref<32xi32, #tpu.memory_space<hbm>>
        %dma_start3A_38 = tpu.memref_slice %arg5[%add3A_26] : memref<320000xi32, #tpu.memory_space<hbm>> -> memref<32xi32, #tpu.memory_space<hbm>>
        tpu.enqueue_dma source(%dma_start3A_38 : memref<32xi32, #tpu.memory_space<hbm>>) target(%arg12 : memref<32xi32, #tpu.memory_space<vmem>>) target_semaphore(%run_scoped3A : memref<!tpu.dma_semaphore, #tpu.memory_space<semaphore_mem>>)
        %dma_wait3A_39 = tpu.memref_slice %arg5[%add3A_26] : memref<320000xi32, #tpu.memory_space<hbm>> -> memref<32xi32, #tpu.memory_space<hbm>>
        %dma_wait3A_40 = tpu.memref_slice %arg5[%add3A_26] : memref<320000xi32, #tpu.memory_space<hbm>> -> memref<32xi32, #tpu.memory_space<hbm>>
        tpu.wait_dma2 semaphore(%run_scoped3A : memref<!tpu.dma_semaphore, #tpu.memory_space<semaphore_mem>>) src(%dma_wait3A_40 : memref<32xi32, #tpu.memory_space<hbm>>) dst(%arg12 : memref<32xi32, #tpu.memory_space<vmem>>)
        tpu.yield
      }) : () -> ()
      %dma_start3A = arith.constant 0 : i32
      %dma_start3A_27 = arith.constant 0 : i32
      %dma_start3A_28 = tpu.memref_slice %arg13[%dma_start3A, %dma_start3A_27] : memref<128x64xf32, #tpu.memory_space<vmem>> -> memref<32x64xf32, #tpu.memory_space<vmem>>
      %dma_start3A_29 = arith.constant 0 : i32
      %dma_start3A_30 = arith.constant 0 : i32
      %dma_start3A_31 = tpu.memref_slice %arg3[%dma_start3A_29, %dma_start3A_30] : memref<10000x64xf32, #tpu.memory_space<hbm>> -> memref<10000x64xf32, #tpu.memory_space<hbm>>
      tpu.enqueue_indirect_dma source(%dma_start3A_31 : memref<10000x64xf32, #tpu.memory_space<hbm>>) target(%dma_start3A_28 : memref<32x64xf32, #tpu.memory_space<vmem>>) offsets(%arg11 : memref<32xi32, #tpu.memory_space<vmem>>) semaphore(%arg15 : memref<!tpu.dma_semaphore, #tpu.memory_space<semaphore_mem>>)
      %dma_wait3A = arith.constant 0 : i32
      %dma_wait3A_32 = arith.constant 0 : i32
      %dma_wait3A_33 = tpu.memref_slice %arg13[%dma_wait3A, %dma_wait3A_32] : memref<128x64xf32, #tpu.memory_space<vmem>> -> memref<32x64xf32, #tpu.memory_space<vmem>>
      %dma_wait3A_34 = arith.constant 0 : i32
      %dma_wait3A_35 = arith.constant 0 : i32
      %dma_wait3A_36 = tpu.memref_slice %arg3[%dma_wait3A_34, %dma_wait3A_35] : memref<10000x64xf32, #tpu.memory_space<hbm>> -> memref<10000x64xf32, #tpu.memory_space<hbm>>
      tpu.wait_indirect_dma semaphore(%arg15 : memref<!tpu.dma_semaphore, #tpu.memory_space<semaphore_mem>>) src(%dma_wait3A_36 : memref<10000x64xf32, #tpu.memory_space<hbm>>) dst(%dma_wait3A_33 : memref<32x64xf32, #tpu.memory_space<vmem>>)
      "tpu.region"() ({
        %run_scoped3A = tpu.sem_alloc : memref<!tpu.dma_semaphore, #tpu.memory_space<semaphore_mem>>
        %dma_start3A_37 = arith.constant 0 : i32
        %dma_start3A_38 = arith.constant 0 : i32
        %dma_start3A_39 = tpu.memref_slice %arg13[%dma_start3A_37, %dma_start3A_38] : memref<128x64xf32, #tpu.memory_space<vmem>> -> memref<32x64xf32, #tpu.memory_space<vmem>>
        %dma_start3A_40 = arith.constant 0 : i32
        %dma_start3A_41 = arith.constant 0 : i32
        %dma_start3A_42 = tpu.memref_slice %arg14[%dma_start3A_40, %dma_start3A_41] : memref<10000x64xf32, #tpu.memory_space<vmem_shared>> -> memref<10000x64xf32, #tpu.memory_space<vmem_shared>>
        tpu.enqueue_indirect_dma source(%dma_start3A_39 : memref<32x64xf32, #tpu.memory_space<vmem>>) target(%dma_start3A_42 : memref<10000x64xf32, #tpu.memory_space<vmem_shared>>) offsets(%arg12 : memref<32xi32, #tpu.memory_space<vmem>>) semaphore(%run_scoped3A : memref<!tpu.dma_semaphore, #tpu.memory_space<semaphore_mem>>) {add = true}
        %dma_wait3A_43 = arith.constant 0 : i32
        %dma_wait3A_44 = arith.constant 0 : i32
        %dma_wait3A_45 = tpu.memref_slice %arg13[%dma_wait3A_43, %dma_wait3A_44] : memref<128x64xf32, #tpu.memory_space<vmem>> -> memref<32x64xf32, #tpu.memory_space<vmem>>
        %dma_wait3A_46 = arith.constant 0 : i32
        %dma_wait3A_47 = arith.constant 0 : i32
        %dma_wait3A_48 = tpu.memref_slice %arg14[%dma_wait3A_46, %dma_wait3A_47] : memref<10000x64xf32, #tpu.memory_space<vmem_shared>> -> memref<10000x64xf32, #tpu.memory_space<vmem_shared>>
        tpu.wait_indirect_dma semaphore(%run_scoped3A : memref<!tpu.dma_semaphore, #tpu.memory_space<semaphore_mem>>) src(%dma_wait3A_45 : memref<32x64xf32, #tpu.memory_space<vmem>>) dst(%dma_wait3A_48 : memref<10000x64xf32, #tpu.memory_space<vmem_shared>>)
        tpu.yield
      }) : () -> ()
    } else {
    }
    %barrier3A_10 = arith.constant 0 : index
    tpu.barrier barrier_id(%barrier3A_10)
    %eq3A_11 = arith.constant 0 : i32
    %eq3A_12 = arith.cmpi eq, %arg0, %eq3A_11 : i32
    %convert_element_type3A_13 = arith.extui %eq3A_12 : i1 to i32
    %cond3A_14 = arith.constant 0 : i32
    %cond3A_15 = arith.cmpi ne, %convert_element_type3A_13, %cond3A_14 : i32
    scf.if %cond3A_15 {
      "tpu.region"() ({
        %run_scoped3A = tpu.sem_alloc : memref<!tpu.dma_semaphore, #tpu.memory_space<semaphore_mem>>
        %dma_start3A = arith.constant 0 : i32
        %dma_start3A_21 = tpu.memref_slice %arg7[%mul3A_0, %dma_start3A] : memref<10000x64xf32, #tpu.memory_space<hbm>> -> memref<625x64xf32, #tpu.memory_space<hbm>>
        %dma_start3A_22 = arith.constant 0 : i32
        %dma_start3A_23 = tpu.memref_slice %arg14[%mul3A_0, %dma_start3A_22] : memref<10000x64xf32, #tpu.memory_space<vmem_shared>> -> memref<625x64xf32, #tpu.memory_space<vmem_shared>>
        tpu.enqueue_dma source(%dma_start3A_23 : memref<625x64xf32, #tpu.memory_space<vmem_shared>>) target(%dma_start3A_21 : memref<625x64xf32, #tpu.memory_space<hbm>>) target_semaphore(%run_scoped3A : memref<!tpu.dma_semaphore, #tpu.memory_space<semaphore_mem>>)
        %dma_wait3A = arith.constant 0 : i32
        %dma_wait3A_24 = tpu.memref_slice %arg7[%mul3A_0, %dma_wait3A] : memref<10000x64xf32, #tpu.memory_space<hbm>> -> memref<625x64xf32, #tpu.memory_space<hbm>>
        %dma_wait3A_25 = arith.constant 0 : i32
        %dma_wait3A_26 = tpu.memref_slice %arg14[%mul3A_0, %dma_wait3A_25] : memref<10000x64xf32, #tpu.memory_space<vmem_shared>> -> memref<625x64xf32, #tpu.memory_space<vmem_shared>>
        tpu.wait_dma2 semaphore(%run_scoped3A : memref<!tpu.dma_semaphore, #tpu.memory_space<semaphore_mem>>) src(%dma_wait3A_26 : memref<625x64xf32, #tpu.memory_space<vmem_shared>>) dst(%dma_wait3A_24 : memref<625x64xf32, #tpu.memory_space<hbm>>)
        tpu.yield
      }) : () -> ()
    } else {
    }
    %eq3A_16 = arith.constant 1 : i32
    %eq3A_17 = arith.cmpi eq, %arg0, %eq3A_16 : i32
    %convert_element_type3A_18 = arith.extui %eq3A_17 : i1 to i32
    %cond3A_19 = arith.constant 0 : i32
    %cond3A_20 = arith.cmpi ne, %convert_element_type3A_18, %cond3A_19 : i32
    scf.if %cond3A_20 {
      "tpu.region"() ({
        %run_scoped3A = tpu.sem_alloc : memref<!tpu.dma_semaphore, #tpu.memory_space<semaphore_mem>>
        %dma_start3A = arith.constant 0 : i32
        %dma_start3A_21 = tpu.memref_slice %arg8[%mul3A_0, %dma_start3A] : memref<10000x64xf32, #tpu.memory_space<hbm>> -> memref<625x64xf32, #tpu.memory_space<hbm>>
        %dma_start3A_22 = arith.constant 0 : i32
        %dma_start3A_23 = tpu.memref_slice %arg14[%mul3A_0, %dma_start3A_22] : memref<10000x64xf32, #tpu.memory_space<vmem_shared>> -> memref<625x64xf32, #tpu.memory_space<vmem_shared>>
        tpu.enqueue_dma source(%dma_start3A_23 : memref<625x64xf32, #tpu.memory_space<vmem_shared>>) target(%dma_start3A_21 : memref<625x64xf32, #tpu.memory_space<hbm>>) target_semaphore(%run_scoped3A : memref<!tpu.dma_semaphore, #tpu.memory_space<semaphore_mem>>)
        %dma_wait3A = arith.constant 0 : i32
        %dma_wait3A_24 = tpu.memref_slice %arg8[%mul3A_0, %dma_wait3A] : memref<10000x64xf32, #tpu.memory_space<hbm>> -> memref<625x64xf32, #tpu.memory_space<hbm>>
        %dma_wait3A_25 = arith.constant 0 : i32
        %dma_wait3A_26 = tpu.memref_slice %arg14[%mul3A_0, %dma_wait3A_25] : memref<10000x64xf32, #tpu.memory_space<vmem_shared>> -> memref<625x64xf32, #tpu.memory_space<vmem_shared>>
        tpu.wait_dma2 semaphore(%run_scoped3A : memref<!tpu.dma_semaphore, #tpu.memory_space<semaphore_mem>>) src(%dma_wait3A_26 : memref<625x64xf32, #tpu.memory_space<vmem_shared>>) dst(%dma_wait3A_24 : memref<625x64xf32, #tpu.memory_space<hbm>>)
        tpu.yield
      }) : () -> ()
    } else {
    }
    return
  }
}

#map = affine_map<(d0, d1) -> (0, 0)>
#map1 = affine_map<(d0, d1) -> (0)>
module attributes {stable_mosaic.version = 14 : i64} {
  func.func @_round_body(%arg0: i32, %arg1: i32, %arg2: memref<10000x64xf32, #tpu.memory_space<hbm>>, %arg3: memref<10000x64xf32, #tpu.memory_space<hbm>>, %arg4: memref<320000xi32, #tpu.memory_space<hbm>>, %arg5: memref<320000xi32, #tpu.memory_space<hbm>>, %arg6: memref<625x64xf32, #tpu.memory_space<hbm>>, %arg7: memref<10000x64xf32, #tpu.memory_space<hbm>>, %arg8: memref<10000x64xf32, #tpu.memory_space<hbm>>, %arg9: memref<128xi32, #tpu.memory_space<vmem>>, %arg10: memref<128xi32, #tpu.memory_space<vmem>>, %arg11: memref<32xi32, #tpu.memory_space<vmem>>, %arg12: memref<32xi32, #tpu.memory_space<vmem>>, %arg13: memref<128x64xf32, #tpu.memory_space<vmem>>, %arg14: memref<10000x64xf32, #tpu.memory_space<vmem_shared>>, %arg15: memref<!tpu.dma_semaphore, #tpu.memory_space<semaphore_mem>>) attributes {dimension_semantics = [#tpu.dimension_semantics<core_parallel>, #tpu.dimension_semantics<subcore_parallel>], iteration_bounds = array<i64: 2, 16>, scalar_prefetch = 0 : i64, scratch_operands = 7 : i64, tpu.core_type = #tpu.core_type<sc_vector_subcore>, window_params = [{transform_indices = #map}, {transform_indices = #map}, {transform_indices = #map1}, {transform_indices = #map1}, {transform_indices = #map}, {transform_indices = #map}, {transform_indices = #map}]} {
    %mul3A = arith.constant 625 : i32
    %mul3A_0 = arith.muli %arg1, %mul3A : i32
    "tpu.region"() ({
      %run_scoped3A = tpu.sem_alloc : memref<!tpu.dma_semaphore, #tpu.memory_space<semaphore_mem>>
      %dma_start3A = arith.constant 0 : i32
      %dma_start3A_21 = tpu.memref_slice %arg14[%mul3A_0, %dma_start3A] : memref<10000x64xf32, #tpu.memory_space<vmem_shared>> -> memref<625x64xf32, #tpu.memory_space<vmem_shared>>
      tpu.enqueue_dma source(%arg6 : memref<625x64xf32, #tpu.memory_space<hbm>>) target(%dma_start3A_21 : memref<625x64xf32, #tpu.memory_space<vmem_shared>>) target_semaphore(%run_scoped3A : memref<!tpu.dma_semaphore, #tpu.memory_space<semaphore_mem>>)
      %dma_wait3A = arith.constant 0 : i32
      %dma_wait3A_22 = tpu.memref_slice %arg14[%mul3A_0, %dma_wait3A] : memref<10000x64xf32, #tpu.memory_space<vmem_shared>> -> memref<625x64xf32, #tpu.memory_space<vmem_shared>>
      tpu.wait_dma2 semaphore(%run_scoped3A : memref<!tpu.dma_semaphore, #tpu.memory_space<semaphore_mem>>) src(%arg6 : memref<625x64xf32, #tpu.memory_space<hbm>>) dst(%dma_wait3A_22 : memref<625x64xf32, #tpu.memory_space<vmem_shared>>)
      tpu.yield
    }) : () -> ()
    %barrier3A = arith.constant 0 : index
    tpu.barrier barrier_id(%barrier3A)
    %mul3A_1 = arith.constant 20000 : i32
    %mul3A_2 = arith.muli %arg1, %mul3A_1 : i32
    %eq3A = arith.constant 0 : i32
    %eq3A_3 = arith.cmpi eq, %arg0, %eq3A : i32
    %convert_element_type3A = arith.extui %eq3A_3 : i1 to i32
    %cond3A = arith.constant 0 : i32
    %cond3A_4 = arith.cmpi ne, %convert_element_type3A, %cond3A : i32
    scf.if %cond3A_4 {
      %scan3A = arith.constant 0 : i32
      %scan3A_21 = arith.constant 0 : i32
      %scan3A_22 = arith.constant 156 : i32
      %scan3A_23 = arith.addi %scan3A_21, %scan3A_22 : i32
      %scan3A_24 = arith.constant 1 : i32
      scf.for %scan3A_37 = %scan3A_21 to %scan3A_23 step %scan3A_24  : i32 {
        %mul3A_38 = arith.constant 128 : i32
        %mul3A_39 = arith.muli %scan3A_37, %mul3A_38 : i32
        %add3A_40 = arith.addi %mul3A_2, %mul3A_39 : i32
        "tpu.region"() ({
          %run_scoped3A = tpu.sem_alloc : memref<!tpu.dma_semaphore, #tpu.memory_space<semaphore_mem>>
          %dma_start3A_47 = tpu.memref_slice %arg4[%add3A_40] : memref<320000xi32, #tpu.memory_space<hbm>> -> memref<128xi32, #tpu.memory_space<hbm>>
          %dma_start3A_48 = tpu.memref_slice %arg4[%add3A_40] : memref<320000xi32, #tpu.memory_space<hbm>> -> memref<128xi32, #tpu.memory_space<hbm>>
          tpu.enqueue_dma source(%dma_start3A_48 : memref<128xi32, #tpu.memory_space<hbm>>) target(%arg9 : memref<128xi32, #tpu.memory_space<vmem>>) target_semaphore(%run_scoped3A : memref<!tpu.dma_semaphore, #tpu.memory_space<semaphore_mem>>)
          %dma_wait3A_49 = tpu.memref_slice %arg4[%add3A_40] : memref<320000xi32, #tpu.memory_space<hbm>> -> memref<128xi32, #tpu.memory_space<hbm>>
          %dma_wait3A_50 = tpu.memref_slice %arg4[%add3A_40] : memref<320000xi32, #tpu.memory_space<hbm>> -> memref<128xi32, #tpu.memory_space<hbm>>
          tpu.wait_dma2 semaphore(%run_scoped3A : memref<!tpu.dma_semaphore, #tpu.memory_space<semaphore_mem>>) src(%dma_wait3A_50 : memref<128xi32, #tpu.memory_space<hbm>>) dst(%arg9 : memref<128xi32, #tpu.memory_space<vmem>>)
          tpu.yield
        }) : () -> ()
        "tpu.region"() ({
          %run_scoped3A = tpu.sem_alloc : memref<!tpu.dma_semaphore, #tpu.memory_space<semaphore_mem>>
          %dma_start3A_47 = tpu.memref_slice %arg5[%add3A_40] : memref<320000xi32, #tpu.memory_space<hbm>> -> memref<128xi32, #tpu.memory_space<hbm>>
          %dma_start3A_48 = tpu.memref_slice %arg5[%add3A_40] : memref<320000xi32, #tpu.memory_space<hbm>> -> memref<128xi32, #tpu.memory_space<hbm>>
          tpu.enqueue_dma source(%dma_start3A_48 : memref<128xi32, #tpu.memory_space<hbm>>) target(%arg10 : memref<128xi32, #tpu.memory_space<vmem>>) target_semaphore(%run_scoped3A : memref<!tpu.dma_semaphore, #tpu.memory_space<semaphore_mem>>)
          %dma_wait3A_49 = tpu.memref_slice %arg5[%add3A_40] : memref<320000xi32, #tpu.memory_space<hbm>> -> memref<128xi32, #tpu.memory_space<hbm>>
          %dma_wait3A_50 = tpu.memref_slice %arg5[%add3A_40] : memref<320000xi32, #tpu.memory_space<hbm>> -> memref<128xi32, #tpu.memory_space<hbm>>
          tpu.wait_dma2 semaphore(%run_scoped3A : memref<!tpu.dma_semaphore, #tpu.memory_space<semaphore_mem>>) src(%dma_wait3A_50 : memref<128xi32, #tpu.memory_space<hbm>>) dst(%arg10 : memref<128xi32, #tpu.memory_space<vmem>>)
          tpu.yield
        }) : () -> ()
        %dma_start3A_41 = arith.constant 0 : i32
        %dma_start3A_42 = arith.constant 0 : i32
        %dma_start3A_43 = tpu.memref_slice %arg2[%dma_start3A_41, %dma_start3A_42] : memref<10000x64xf32, #tpu.memory_space<hbm>> -> memref<10000x64xf32, #tpu.memory_space<hbm>>
        tpu.enqueue_indirect_dma source(%dma_start3A_43 : memref<10000x64xf32, #tpu.memory_space<hbm>>) target(%arg13 : memref<128x64xf32, #tpu.memory_space<vmem>>) offsets(%arg9 : memref<128xi32, #tpu.memory_space<vmem>>) semaphore(%arg15 : memref<!tpu.dma_semaphore, #tpu.memory_space<semaphore_mem>>)
        %dma_wait3A_44 = arith.constant 0 : i32
        %dma_wait3A_45 = arith.constant 0 : i32
        %dma_wait3A_46 = tpu.memref_slice %arg2[%dma_wait3A_44, %dma_wait3A_45] : memref<10000x64xf32, #tpu.memory_space<hbm>> -> memref<10000x64xf32, #tpu.memory_space<hbm>>
        tpu.wait_indirect_dma semaphore(%arg15 : memref<!tpu.dma_semaphore, #tpu.memory_space<semaphore_mem>>) src(%dma_wait3A_46 : memref<10000x64xf32, #tpu.memory_space<hbm>>) dst(%arg13 : memref<128x64xf32, #tpu.memory_space<vmem>>)
        "tpu.region"() ({
          %run_scoped3A = tpu.sem_alloc : memref<!tpu.dma_semaphore, #tpu.memory_space<semaphore_mem>>
          %dma_start3A_47 = arith.constant 0 : i32
          %dma_start3A_48 = arith.constant 0 : i32
          %dma_start3A_49 = tpu.memref_slice %arg14[%dma_start3A_47, %dma_start3A_48] : memref<10000x64xf32, #tpu.memory_space<vmem_shared>> -> memref<10000x64xf32, #tpu.memory_space<vmem_shared>>
          tpu.enqueue_indirect_dma source(%arg13 : memref<128x64xf32, #tpu.memory_space<vmem>>) target(%dma_start3A_49 : memref<10000x64xf32, #tpu.memory_space<vmem_shared>>) offsets(%arg10 : memref<128xi32, #tpu.memory_space<vmem>>) semaphore(%run_scoped3A : memref<!tpu.dma_semaphore, #tpu.memory_space<semaphore_mem>>) {add = true}
          %dma_wait3A_50 = arith.constant 0 : i32
          %dma_wait3A_51 = arith.constant 0 : i32
          %dma_wait3A_52 = tpu.memref_slice %arg14[%dma_wait3A_50, %dma_wait3A_51] : memref<10000x64xf32, #tpu.memory_space<vmem_shared>> -> memref<10000x64xf32, #tpu.memory_space<vmem_shared>>
          tpu.wait_indirect_dma semaphore(%run_scoped3A : memref<!tpu.dma_semaphore, #tpu.memory_space<semaphore_mem>>) src(%arg13 : memref<128x64xf32, #tpu.memory_space<vmem>>) dst(%dma_wait3A_52 : memref<10000x64xf32, #tpu.memory_space<vmem_shared>>)
          tpu.yield
        }) : () -> ()
      }
      %scan3A_25 = arith.constant 156 : i32
      %add3A = arith.constant 19968 : i32
      %add3A_26 = arith.addi %mul3A_2, %add3A : i32
      "tpu.region"() ({
        %run_scoped3A = tpu.sem_alloc : memref<!tpu.dma_semaphore, #tpu.memory_space<semaphore_mem>>
        %dma_start3A_37 = tpu.memref_slice %arg4[%add3A_26] : memref<320000xi32, #tpu.memory_space<hbm>> -> memref<32xi32, #tpu.memory_space<hbm>>
        %dma_start3A_38 = tpu.memref_slice %arg4[%add3A_26] : memref<320000xi32, #tpu.memory_space<hbm>> -> memref<32xi32, #tpu.memory_space<hbm>>
        tpu.enqueue_dma source(%dma_start3A_38 : memref<32xi32, #tpu.memory_space<hbm>>) target(%arg11 : memref<32xi32, #tpu.memory_space<vmem>>) target_semaphore(%run_scoped3A : memref<!tpu.dma_semaphore, #tpu.memory_space<semaphore_mem>>)
        %dma_wait3A_39 = tpu.memref_slice %arg4[%add3A_26] : memref<320000xi32, #tpu.memory_space<hbm>> -> memref<32xi32, #tpu.memory_space<hbm>>
        %dma_wait3A_40 = tpu.memref_slice %arg4[%add3A_26] : memref<320000xi32, #tpu.memory_space<hbm>> -> memref<32xi32, #tpu.memory_space<hbm>>
        tpu.wait_dma2 semaphore(%run_scoped3A : memref<!tpu.dma_semaphore, #tpu.memory_space<semaphore_mem>>) src(%dma_wait3A_40 : memref<32xi32, #tpu.memory_space<hbm>>) dst(%arg11 : memref<32xi32, #tpu.memory_space<vmem>>)
        tpu.yield
      }) : () -> ()
      "tpu.region"() ({
        %run_scoped3A = tpu.sem_alloc : memref<!tpu.dma_semaphore, #tpu.memory_space<semaphore_mem>>
        %dma_start3A_37 = tpu.memref_slice %arg5[%add3A_26] : memref<320000xi32, #tpu.memory_space<hbm>> -> memref<32xi32, #tpu.memory_space<hbm>>
        %dma_start3A_38 = tpu.memref_slice %arg5[%add3A_26] : memref<320000xi32, #tpu.memory_space<hbm>> -> memref<32xi32, #tpu.memory_space<hbm>>
        tpu.enqueue_dma source(%dma_start3A_38 : memref<32xi32, #tpu.memory_space<hbm>>) target(%arg12 : memref<32xi32, #tpu.memory_space<vmem>>) target_semaphore(%run_scoped3A : memref<!tpu.dma_semaphore, #tpu.memory_space<semaphore_mem>>)
        %dma_wait3A_39 = tpu.memref_slice %arg5[%add3A_26] : memref<320000xi32, #tpu.memory_space<hbm>> -> memref<32xi32, #tpu.memory_space<hbm>>
        %dma_wait3A_40 = tpu.memref_slice %arg5[%add3A_26] : memref<320000xi32, #tpu.memory_space<hbm>> -> memref<32xi32, #tpu.memory_space<hbm>>
        tpu.wait_dma2 semaphore(%run_scoped3A : memref<!tpu.dma_semaphore, #tpu.memory_space<semaphore_mem>>) src(%dma_wait3A_40 : memref<32xi32, #tpu.memory_space<hbm>>) dst(%arg12 : memref<32xi32, #tpu.memory_space<vmem>>)
        tpu.yield
      }) : () -> ()
      %dma_start3A = arith.constant 0 : i32
      %dma_start3A_27 = arith.constant 0 : i32
      %dma_start3A_28 = tpu.memref_slice %arg13[%dma_start3A, %dma_start3A_27] : memref<128x64xf32, #tpu.memory_space<vmem>> -> memref<32x64xf32, #tpu.memory_space<vmem>>
      %dma_start3A_29 = arith.constant 0 : i32
      %dma_start3A_30 = arith.constant 0 : i32
      %dma_start3A_31 = tpu.memref_slice %arg2[%dma_start3A_29, %dma_start3A_30] : memref<10000x64xf32, #tpu.memory_space<hbm>> -> memref<10000x64xf32, #tpu.memory_space<hbm>>
      tpu.enqueue_indirect_dma source(%dma_start3A_31 : memref<10000x64xf32, #tpu.memory_space<hbm>>) target(%dma_start3A_28 : memref<32x64xf32, #tpu.memory_space<vmem>>) offsets(%arg11 : memref<32xi32, #tpu.memory_space<vmem>>) semaphore(%arg15 : memref<!tpu.dma_semaphore, #tpu.memory_space<semaphore_mem>>)
      %dma_wait3A = arith.constant 0 : i32
      %dma_wait3A_32 = arith.constant 0 : i32
      %dma_wait3A_33 = tpu.memref_slice %arg13[%dma_wait3A, %dma_wait3A_32] : memref<128x64xf32, #tpu.memory_space<vmem>> -> memref<32x64xf32, #tpu.memory_space<vmem>>
      %dma_wait3A_34 = arith.constant 0 : i32
      %dma_wait3A_35 = arith.constant 0 : i32
      %dma_wait3A_36 = tpu.memref_slice %arg2[%dma_wait3A_34, %dma_wait3A_35] : memref<10000x64xf32, #tpu.memory_space<hbm>> -> memref<10000x64xf32, #tpu.memory_space<hbm>>
      tpu.wait_indirect_dma semaphore(%arg15 : memref<!tpu.dma_semaphore, #tpu.memory_space<semaphore_mem>>) src(%dma_wait3A_36 : memref<10000x64xf32, #tpu.memory_space<hbm>>) dst(%dma_wait3A_33 : memref<32x64xf32, #tpu.memory_space<vmem>>)
      "tpu.region"() ({
        %run_scoped3A = tpu.sem_alloc : memref<!tpu.dma_semaphore, #tpu.memory_space<semaphore_mem>>
        %dma_start3A_37 = arith.constant 0 : i32
        %dma_start3A_38 = arith.constant 0 : i32
        %dma_start3A_39 = tpu.memref_slice %arg13[%dma_start3A_37, %dma_start3A_38] : memref<128x64xf32, #tpu.memory_space<vmem>> -> memref<32x64xf32, #tpu.memory_space<vmem>>
        %dma_start3A_40 = arith.constant 0 : i32
        %dma_start3A_41 = arith.constant 0 : i32
        %dma_start3A_42 = tpu.memref_slice %arg14[%dma_start3A_40, %dma_start3A_41] : memref<10000x64xf32, #tpu.memory_space<vmem_shared>> -> memref<10000x64xf32, #tpu.memory_space<vmem_shared>>
        tpu.enqueue_indirect_dma source(%dma_start3A_39 : memref<32x64xf32, #tpu.memory_space<vmem>>) target(%dma_start3A_42 : memref<10000x64xf32, #tpu.memory_space<vmem_shared>>) offsets(%arg12 : memref<32xi32, #tpu.memory_space<vmem>>) semaphore(%run_scoped3A : memref<!tpu.dma_semaphore, #tpu.memory_space<semaphore_mem>>) {add = true}
        %dma_wait3A_43 = arith.constant 0 : i32
        %dma_wait3A_44 = arith.constant 0 : i32
        %dma_wait3A_45 = tpu.memref_slice %arg13[%dma_wait3A_43, %dma_wait3A_44] : memref<128x64xf32, #tpu.memory_space<vmem>> -> memref<32x64xf32, #tpu.memory_space<vmem>>
        %dma_wait3A_46 = arith.constant 0 : i32
        %dma_wait3A_47 = arith.constant 0 : i32
        %dma_wait3A_48 = tpu.memref_slice %arg14[%dma_wait3A_46, %dma_wait3A_47] : memref<10000x64xf32, #tpu.memory_space<vmem_shared>> -> memref<10000x64xf32, #tpu.memory_space<vmem_shared>>
        tpu.wait_indirect_dma semaphore(%run_scoped3A : memref<!tpu.dma_semaphore, #tpu.memory_space<semaphore_mem>>) src(%dma_wait3A_45 : memref<32x64xf32, #tpu.memory_space<vmem>>) dst(%dma_wait3A_48 : memref<10000x64xf32, #tpu.memory_space<vmem_shared>>)
        tpu.yield
      }) : () -> ()
    } else {
    }
    %eq3A_5 = arith.constant 1 : i32
    %eq3A_6 = arith.cmpi eq, %arg0, %eq3A_5 : i32
    %convert_element_type3A_7 = arith.extui %eq3A_6 : i1 to i32
    %cond3A_8 = arith.constant 0 : i32
    %cond3A_9 = arith.cmpi ne, %convert_element_type3A_7, %cond3A_8 : i32
    scf.if %cond3A_9 {
      %scan3A = arith.constant 0 : i32
      %scan3A_21 = arith.constant 0 : i32
      %scan3A_22 = arith.constant 156 : i32
      %scan3A_23 = arith.addi %scan3A_21, %scan3A_22 : i32
      %scan3A_24 = arith.constant 1 : i32
      scf.for %scan3A_37 = %scan3A_21 to %scan3A_23 step %scan3A_24  : i32 {
        %mul3A_38 = arith.constant 128 : i32
        %mul3A_39 = arith.muli %scan3A_37, %mul3A_38 : i32
        %add3A_40 = arith.addi %mul3A_2, %mul3A_39 : i32
        "tpu.region"() ({
          %run_scoped3A = tpu.sem_alloc : memref<!tpu.dma_semaphore, #tpu.memory_space<semaphore_mem>>
          %dma_start3A_47 = tpu.memref_slice %arg4[%add3A_40] : memref<320000xi32, #tpu.memory_space<hbm>> -> memref<128xi32, #tpu.memory_space<hbm>>
          %dma_start3A_48 = tpu.memref_slice %arg4[%add3A_40] : memref<320000xi32, #tpu.memory_space<hbm>> -> memref<128xi32, #tpu.memory_space<hbm>>
          tpu.enqueue_dma source(%dma_start3A_48 : memref<128xi32, #tpu.memory_space<hbm>>) target(%arg9 : memref<128xi32, #tpu.memory_space<vmem>>) target_semaphore(%run_scoped3A : memref<!tpu.dma_semaphore, #tpu.memory_space<semaphore_mem>>)
          %dma_wait3A_49 = tpu.memref_slice %arg4[%add3A_40] : memref<320000xi32, #tpu.memory_space<hbm>> -> memref<128xi32, #tpu.memory_space<hbm>>
          %dma_wait3A_50 = tpu.memref_slice %arg4[%add3A_40] : memref<320000xi32, #tpu.memory_space<hbm>> -> memref<128xi32, #tpu.memory_space<hbm>>
          tpu.wait_dma2 semaphore(%run_scoped3A : memref<!tpu.dma_semaphore, #tpu.memory_space<semaphore_mem>>) src(%dma_wait3A_50 : memref<128xi32, #tpu.memory_space<hbm>>) dst(%arg9 : memref<128xi32, #tpu.memory_space<vmem>>)
          tpu.yield
        }) : () -> ()
        "tpu.region"() ({
          %run_scoped3A = tpu.sem_alloc : memref<!tpu.dma_semaphore, #tpu.memory_space<semaphore_mem>>
          %dma_start3A_47 = tpu.memref_slice %arg5[%add3A_40] : memref<320000xi32, #tpu.memory_space<hbm>> -> memref<128xi32, #tpu.memory_space<hbm>>
          %dma_start3A_48 = tpu.memref_slice %arg5[%add3A_40] : memref<320000xi32, #tpu.memory_space<hbm>> -> memref<128xi32, #tpu.memory_space<hbm>>
          tpu.enqueue_dma source(%dma_start3A_48 : memref<128xi32, #tpu.memory_space<hbm>>) target(%arg10 : memref<128xi32, #tpu.memory_space<vmem>>) target_semaphore(%run_scoped3A : memref<!tpu.dma_semaphore, #tpu.memory_space<semaphore_mem>>)
          %dma_wait3A_49 = tpu.memref_slice %arg5[%add3A_40] : memref<320000xi32, #tpu.memory_space<hbm>> -> memref<128xi32, #tpu.memory_space<hbm>>
          %dma_wait3A_50 = tpu.memref_slice %arg5[%add3A_40] : memref<320000xi32, #tpu.memory_space<hbm>> -> memref<128xi32, #tpu.memory_space<hbm>>
          tpu.wait_dma2 semaphore(%run_scoped3A : memref<!tpu.dma_semaphore, #tpu.memory_space<semaphore_mem>>) src(%dma_wait3A_50 : memref<128xi32, #tpu.memory_space<hbm>>) dst(%arg10 : memref<128xi32, #tpu.memory_space<vmem>>)
          tpu.yield
        }) : () -> ()
        %dma_start3A_41 = arith.constant 0 : i32
        %dma_start3A_42 = arith.constant 0 : i32
        %dma_start3A_43 = tpu.memref_slice %arg3[%dma_start3A_41, %dma_start3A_42] : memref<10000x64xf32, #tpu.memory_space<hbm>> -> memref<10000x64xf32, #tpu.memory_space<hbm>>
        tpu.enqueue_indirect_dma source(%dma_start3A_43 : memref<10000x64xf32, #tpu.memory_space<hbm>>) target(%arg13 : memref<128x64xf32, #tpu.memory_space<vmem>>) offsets(%arg9 : memref<128xi32, #tpu.memory_space<vmem>>) semaphore(%arg15 : memref<!tpu.dma_semaphore, #tpu.memory_space<semaphore_mem>>)
        %dma_wait3A_44 = arith.constant 0 : i32
        %dma_wait3A_45 = arith.constant 0 : i32
        %dma_wait3A_46 = tpu.memref_slice %arg3[%dma_wait3A_44, %dma_wait3A_45] : memref<10000x64xf32, #tpu.memory_space<hbm>> -> memref<10000x64xf32, #tpu.memory_space<hbm>>
        tpu.wait_indirect_dma semaphore(%arg15 : memref<!tpu.dma_semaphore, #tpu.memory_space<semaphore_mem>>) src(%dma_wait3A_46 : memref<10000x64xf32, #tpu.memory_space<hbm>>) dst(%arg13 : memref<128x64xf32, #tpu.memory_space<vmem>>)
        "tpu.region"() ({
          %run_scoped3A = tpu.sem_alloc : memref<!tpu.dma_semaphore, #tpu.memory_space<semaphore_mem>>
          %dma_start3A_47 = arith.constant 0 : i32
          %dma_start3A_48 = arith.constant 0 : i32
          %dma_start3A_49 = tpu.memref_slice %arg14[%dma_start3A_47, %dma_start3A_48] : memref<10000x64xf32, #tpu.memory_space<vmem_shared>> -> memref<10000x64xf32, #tpu.memory_space<vmem_shared>>
          tpu.enqueue_indirect_dma source(%arg13 : memref<128x64xf32, #tpu.memory_space<vmem>>) target(%dma_start3A_49 : memref<10000x64xf32, #tpu.memory_space<vmem_shared>>) offsets(%arg10 : memref<128xi32, #tpu.memory_space<vmem>>) semaphore(%run_scoped3A : memref<!tpu.dma_semaphore, #tpu.memory_space<semaphore_mem>>) {add = true}
          %dma_wait3A_50 = arith.constant 0 : i32
          %dma_wait3A_51 = arith.constant 0 : i32
          %dma_wait3A_52 = tpu.memref_slice %arg14[%dma_wait3A_50, %dma_wait3A_51] : memref<10000x64xf32, #tpu.memory_space<vmem_shared>> -> memref<10000x64xf32, #tpu.memory_space<vmem_shared>>
          tpu.wait_indirect_dma semaphore(%run_scoped3A : memref<!tpu.dma_semaphore, #tpu.memory_space<semaphore_mem>>) src(%arg13 : memref<128x64xf32, #tpu.memory_space<vmem>>) dst(%dma_wait3A_52 : memref<10000x64xf32, #tpu.memory_space<vmem_shared>>)
          tpu.yield
        }) : () -> ()
      }
      %scan3A_25 = arith.constant 156 : i32
      %add3A = arith.constant 19968 : i32
      %add3A_26 = arith.addi %mul3A_2, %add3A : i32
      "tpu.region"() ({
        %run_scoped3A = tpu.sem_alloc : memref<!tpu.dma_semaphore, #tpu.memory_space<semaphore_mem>>
        %dma_start3A_37 = tpu.memref_slice %arg4[%add3A_26] : memref<320000xi32, #tpu.memory_space<hbm>> -> memref<32xi32, #tpu.memory_space<hbm>>
        %dma_start3A_38 = tpu.memref_slice %arg4[%add3A_26] : memref<320000xi32, #tpu.memory_space<hbm>> -> memref<32xi32, #tpu.memory_space<hbm>>
        tpu.enqueue_dma source(%dma_start3A_38 : memref<32xi32, #tpu.memory_space<hbm>>) target(%arg11 : memref<32xi32, #tpu.memory_space<vmem>>) target_semaphore(%run_scoped3A : memref<!tpu.dma_semaphore, #tpu.memory_space<semaphore_mem>>)
        %dma_wait3A_39 = tpu.memref_slice %arg4[%add3A_26] : memref<320000xi32, #tpu.memory_space<hbm>> -> memref<32xi32, #tpu.memory_space<hbm>>
        %dma_wait3A_40 = tpu.memref_slice %arg4[%add3A_26] : memref<320000xi32, #tpu.memory_space<hbm>> -> memref<32xi32, #tpu.memory_space<hbm>>
        tpu.wait_dma2 semaphore(%run_scoped3A : memref<!tpu.dma_semaphore, #tpu.memory_space<semaphore_mem>>) src(%dma_wait3A_40 : memref<32xi32, #tpu.memory_space<hbm>>) dst(%arg11 : memref<32xi32, #tpu.memory_space<vmem>>)
        tpu.yield
      }) : () -> ()
      "tpu.region"() ({
        %run_scoped3A = tpu.sem_alloc : memref<!tpu.dma_semaphore, #tpu.memory_space<semaphore_mem>>
        %dma_start3A_37 = tpu.memref_slice %arg5[%add3A_26] : memref<320000xi32, #tpu.memory_space<hbm>> -> memref<32xi32, #tpu.memory_space<hbm>>
        %dma_start3A_38 = tpu.memref_slice %arg5[%add3A_26] : memref<320000xi32, #tpu.memory_space<hbm>> -> memref<32xi32, #tpu.memory_space<hbm>>
        tpu.enqueue_dma source(%dma_start3A_38 : memref<32xi32, #tpu.memory_space<hbm>>) target(%arg12 : memref<32xi32, #tpu.memory_space<vmem>>) target_semaphore(%run_scoped3A : memref<!tpu.dma_semaphore, #tpu.memory_space<semaphore_mem>>)
        %dma_wait3A_39 = tpu.memref_slice %arg5[%add3A_26] : memref<320000xi32, #tpu.memory_space<hbm>> -> memref<32xi32, #tpu.memory_space<hbm>>
        %dma_wait3A_40 = tpu.memref_slice %arg5[%add3A_26] : memref<320000xi32, #tpu.memory_space<hbm>> -> memref<32xi32, #tpu.memory_space<hbm>>
        tpu.wait_dma2 semaphore(%run_scoped3A : memref<!tpu.dma_semaphore, #tpu.memory_space<semaphore_mem>>) src(%dma_wait3A_40 : memref<32xi32, #tpu.memory_space<hbm>>) dst(%arg12 : memref<32xi32, #tpu.memory_space<vmem>>)
        tpu.yield
      }) : () -> ()
      %dma_start3A = arith.constant 0 : i32
      %dma_start3A_27 = arith.constant 0 : i32
      %dma_start3A_28 = tpu.memref_slice %arg13[%dma_start3A, %dma_start3A_27] : memref<128x64xf32, #tpu.memory_space<vmem>> -> memref<32x64xf32, #tpu.memory_space<vmem>>
      %dma_start3A_29 = arith.constant 0 : i32
      %dma_start3A_30 = arith.constant 0 : i32
      %dma_start3A_31 = tpu.memref_slice %arg3[%dma_start3A_29, %dma_start3A_30] : memref<10000x64xf32, #tpu.memory_space<hbm>> -> memref<10000x64xf32, #tpu.memory_space<hbm>>
      tpu.enqueue_indirect_dma source(%dma_start3A_31 : memref<10000x64xf32, #tpu.memory_space<hbm>>) target(%dma_start3A_28 : memref<32x64xf32, #tpu.memory_space<vmem>>) offsets(%arg11 : memref<32xi32, #tpu.memory_space<vmem>>) semaphore(%arg15 : memref<!tpu.dma_semaphore, #tpu.memory_space<semaphore_mem>>)
      %dma_wait3A = arith.constant 0 : i32
      %dma_wait3A_32 = arith.constant 0 : i32
      %dma_wait3A_33 = tpu.memref_slice %arg13[%dma_wait3A, %dma_wait3A_32] : memref<128x64xf32, #tpu.memory_space<vmem>> -> memref<32x64xf32, #tpu.memory_space<vmem>>
      %dma_wait3A_34 = arith.constant 0 : i32
      %dma_wait3A_35 = arith.constant 0 : i32
      %dma_wait3A_36 = tpu.memref_slice %arg3[%dma_wait3A_34, %dma_wait3A_35] : memref<10000x64xf32, #tpu.memory_space<hbm>> -> memref<10000x64xf32, #tpu.memory_space<hbm>>
      tpu.wait_indirect_dma semaphore(%arg15 : memref<!tpu.dma_semaphore, #tpu.memory_space<semaphore_mem>>) src(%dma_wait3A_36 : memref<10000x64xf32, #tpu.memory_space<hbm>>) dst(%dma_wait3A_33 : memref<32x64xf32, #tpu.memory_space<vmem>>)
      "tpu.region"() ({
        %run_scoped3A = tpu.sem_alloc : memref<!tpu.dma_semaphore, #tpu.memory_space<semaphore_mem>>
        %dma_start3A_37 = arith.constant 0 : i32
        %dma_start3A_38 = arith.constant 0 : i32
        %dma_start3A_39 = tpu.memref_slice %arg13[%dma_start3A_37, %dma_start3A_38] : memref<128x64xf32, #tpu.memory_space<vmem>> -> memref<32x64xf32, #tpu.memory_space<vmem>>
        %dma_start3A_40 = arith.constant 0 : i32
        %dma_start3A_41 = arith.constant 0 : i32
        %dma_start3A_42 = tpu.memref_slice %arg14[%dma_start3A_40, %dma_start3A_41] : memref<10000x64xf32, #tpu.memory_space<vmem_shared>> -> memref<10000x64xf32, #tpu.memory_space<vmem_shared>>
        tpu.enqueue_indirect_dma source(%dma_start3A_39 : memref<32x64xf32, #tpu.memory_space<vmem>>) target(%dma_start3A_42 : memref<10000x64xf32, #tpu.memory_space<vmem_shared>>) offsets(%arg12 : memref<32xi32, #tpu.memory_space<vmem>>) semaphore(%run_scoped3A : memref<!tpu.dma_semaphore, #tpu.memory_space<semaphore_mem>>) {add = true}
        %dma_wait3A_43 = arith.constant 0 : i32
        %dma_wait3A_44 = arith.constant 0 : i32
        %dma_wait3A_45 = tpu.memref_slice %arg13[%dma_wait3A_43, %dma_wait3A_44] : memref<128x64xf32, #tpu.memory_space<vmem>> -> memref<32x64xf32, #tpu.memory_space<vmem>>
        %dma_wait3A_46 = arith.constant 0 : i32
        %dma_wait3A_47 = arith.constant 0 : i32
        %dma_wait3A_48 = tpu.memref_slice %arg14[%dma_wait3A_46, %dma_wait3A_47] : memref<10000x64xf32, #tpu.memory_space<vmem_shared>> -> memref<10000x64xf32, #tpu.memory_space<vmem_shared>>
        tpu.wait_indirect_dma semaphore(%run_scoped3A : memref<!tpu.dma_semaphore, #tpu.memory_space<semaphore_mem>>) src(%dma_wait3A_45 : memref<32x64xf32, #tpu.memory_space<vmem>>) dst(%dma_wait3A_48 : memref<10000x64xf32, #tpu.memory_space<vmem_shared>>)
        tpu.yield
      }) : () -> ()
    } else {
    }
    %barrier3A_10 = arith.constant 0 : index
    tpu.barrier barrier_id(%barrier3A_10)
    %eq3A_11 = arith.constant 0 : i32
    %eq3A_12 = arith.cmpi eq, %arg0, %eq3A_11 : i32
    %convert_element_type3A_13 = arith.extui %eq3A_12 : i1 to i32
    %cond3A_14 = arith.constant 0 : i32
    %cond3A_15 = arith.cmpi ne, %convert_element_type3A_13, %cond3A_14 : i32
    scf.if %cond3A_15 {
      "tpu.region"() ({
        %run_scoped3A = tpu.sem_alloc : memref<!tpu.dma_semaphore, #tpu.memory_space<semaphore_mem>>
        %dma_start3A = arith.constant 0 : i32
        %dma_start3A_21 = tpu.memref_slice %arg7[%mul3A_0, %dma_start3A] : memref<10000x64xf32, #tpu.memory_space<hbm>> -> memref<625x64xf32, #tpu.memory_space<hbm>>
        %dma_start3A_22 = arith.constant 0 : i32
        %dma_start3A_23 = tpu.memref_slice %arg14[%mul3A_0, %dma_start3A_22] : memref<10000x64xf32, #tpu.memory_space<vmem_shared>> -> memref<625x64xf32, #tpu.memory_space<vmem_shared>>
        tpu.enqueue_dma source(%dma_start3A_23 : memref<625x64xf32, #tpu.memory_space<vmem_shared>>) target(%dma_start3A_21 : memref<625x64xf32, #tpu.memory_space<hbm>>) target_semaphore(%run_scoped3A : memref<!tpu.dma_semaphore, #tpu.memory_space<semaphore_mem>>)
        %dma_wait3A = arith.constant 0 : i32
        %dma_wait3A_24 = tpu.memref_slice %arg7[%mul3A_0, %dma_wait3A] : memref<10000x64xf32, #tpu.memory_space<hbm>> -> memref<625x64xf32, #tpu.memory_space<hbm>>
        %dma_wait3A_25 = arith.constant 0 : i32
        %dma_wait3A_26 = tpu.memref_slice %arg14[%mul3A_0, %dma_wait3A_25] : memref<10000x64xf32, #tpu.memory_space<vmem_shared>> -> memref<625x64xf32, #tpu.memory_space<vmem_shared>>
        tpu.wait_dma2 semaphore(%run_scoped3A : memref<!tpu.dma_semaphore, #tpu.memory_space<semaphore_mem>>) src(%dma_wait3A_26 : memref<625x64xf32, #tpu.memory_space<vmem_shared>>) dst(%dma_wait3A_24 : memref<625x64xf32, #tpu.memory_space<hbm>>)
        tpu.yield
      }) : () -> ()
    } else {
    }
    %eq3A_16 = arith.constant 1 : i32
    %eq3A_17 = arith.cmpi eq, %arg0, %eq3A_16 : i32
    %convert_element_type3A_18 = arith.extui %eq3A_17 : i1 to i32
    %cond3A_19 = arith.constant 0 : i32
    %cond3A_20 = arith.cmpi ne, %convert_element_type3A_18, %cond3A_19 : i32
    scf.if %cond3A_20 {
      "tpu.region"() ({
        %run_scoped3A = tpu.sem_alloc : memref<!tpu.dma_semaphore, #tpu.memory_space<semaphore_mem>>
        %dma_start3A = arith.constant 0 : i32
        %dma_start3A_21 = tpu.memref_slice %arg8[%mul3A_0, %dma_start3A] : memref<10000x64xf32, #tpu.memory_space<hbm>> -> memref<625x64xf32, #tpu.memory_space<hbm>>
        %dma_start3A_22 = arith.constant 0 : i32
        %dma_start3A_23 = tpu.memref_slice %arg14[%mul3A_0, %dma_start3A_22] : memref<10000x64xf32, #tpu.memory_space<vmem_shared>> -> memref<625x64xf32, #tpu.memory_space<vmem_shared>>
        tpu.enqueue_dma source(%dma_start3A_23 : memref<625x64xf32, #tpu.memory_space<vmem_shared>>) target(%dma_start3A_21 : memref<625x64xf32, #tpu.memory_space<hbm>>) target_semaphore(%run_scoped3A : memref<!tpu.dma_semaphore, #tpu.memory_space<semaphore_mem>>)
        %dma_wait3A = arith.constant 0 : i32
        %dma_wait3A_24 = tpu.memref_slice %arg8[%mul3A_0, %dma_wait3A] : memref<10000x64xf32, #tpu.memory_space<hbm>> -> memref<625x64xf32, #tpu.memory_space<hbm>>
        %dma_wait3A_25 = arith.constant 0 : i32
        %dma_wait3A_26 = tpu.memref_slice %arg14[%mul3A_0, %dma_wait3A_25] : memref<10000x64xf32, #tpu.memory_space<vmem_shared>> -> memref<625x64xf32, #tpu.memory_space<vmem_shared>>
        tpu.wait_dma2 semaphore(%run_scoped3A : memref<!tpu.dma_semaphore, #tpu.memory_space<semaphore_mem>>) src(%dma_wait3A_26 : memref<625x64xf32, #tpu.memory_space<vmem_shared>>) dst(%dma_wait3A_24 : memref<625x64xf32, #tpu.memory_space<hbm>>)
        tpu.yield
      }) : () -> ()
    } else {
    }
    return
  }
}

#map = affine_map<(d0, d1) -> (0, 0)>
#map1 = affine_map<(d0, d1) -> (0)>
module attributes {stable_mosaic.version = 14 : i64} {
  func.func @_round_body(%arg0: i32, %arg1: i32, %arg2: memref<10000x64xf32, #tpu.memory_space<hbm>>, %arg3: memref<10000x64xf32, #tpu.memory_space<hbm>>, %arg4: memref<320000xi32, #tpu.memory_space<hbm>>, %arg5: memref<320000xi32, #tpu.memory_space<hbm>>, %arg6: memref<625x64xf32, #tpu.memory_space<hbm>>, %arg7: memref<10000x64xf32, #tpu.memory_space<hbm>>, %arg8: memref<10000x64xf32, #tpu.memory_space<hbm>>, %arg9: memref<128xi32, #tpu.memory_space<vmem>>, %arg10: memref<128xi32, #tpu.memory_space<vmem>>, %arg11: memref<32xi32, #tpu.memory_space<vmem>>, %arg12: memref<32xi32, #tpu.memory_space<vmem>>, %arg13: memref<128x64xf32, #tpu.memory_space<vmem>>, %arg14: memref<10000x64xf32, #tpu.memory_space<vmem_shared>>, %arg15: memref<!tpu.dma_semaphore, #tpu.memory_space<semaphore_mem>>) attributes {dimension_semantics = [#tpu.dimension_semantics<core_parallel>, #tpu.dimension_semantics<subcore_parallel>], iteration_bounds = array<i64: 2, 16>, scalar_prefetch = 0 : i64, scratch_operands = 7 : i64, tpu.core_type = #tpu.core_type<sc_vector_subcore>, window_params = [{transform_indices = #map}, {transform_indices = #map}, {transform_indices = #map1}, {transform_indices = #map1}, {transform_indices = #map}, {transform_indices = #map}, {transform_indices = #map}]} {
    %mul3A = arith.constant 625 : i32
    %mul3A_0 = arith.muli %arg1, %mul3A : i32
    "tpu.region"() ({
      %run_scoped3A = tpu.sem_alloc : memref<!tpu.dma_semaphore, #tpu.memory_space<semaphore_mem>>
      %dma_start3A = arith.constant 0 : i32
      %dma_start3A_21 = tpu.memref_slice %arg14[%mul3A_0, %dma_start3A] : memref<10000x64xf32, #tpu.memory_space<vmem_shared>> -> memref<625x64xf32, #tpu.memory_space<vmem_shared>>
      tpu.enqueue_dma source(%arg6 : memref<625x64xf32, #tpu.memory_space<hbm>>) target(%dma_start3A_21 : memref<625x64xf32, #tpu.memory_space<vmem_shared>>) target_semaphore(%run_scoped3A : memref<!tpu.dma_semaphore, #tpu.memory_space<semaphore_mem>>)
      %dma_wait3A = arith.constant 0 : i32
      %dma_wait3A_22 = tpu.memref_slice %arg14[%mul3A_0, %dma_wait3A] : memref<10000x64xf32, #tpu.memory_space<vmem_shared>> -> memref<625x64xf32, #tpu.memory_space<vmem_shared>>
      tpu.wait_dma2 semaphore(%run_scoped3A : memref<!tpu.dma_semaphore, #tpu.memory_space<semaphore_mem>>) src(%arg6 : memref<625x64xf32, #tpu.memory_space<hbm>>) dst(%dma_wait3A_22 : memref<625x64xf32, #tpu.memory_space<vmem_shared>>)
      tpu.yield
    }) : () -> ()
    %barrier3A = arith.constant 0 : index
    tpu.barrier barrier_id(%barrier3A)
    %mul3A_1 = arith.constant 20000 : i32
    %mul3A_2 = arith.muli %arg1, %mul3A_1 : i32
    %eq3A = arith.constant 0 : i32
    %eq3A_3 = arith.cmpi eq, %arg0, %eq3A : i32
    %convert_element_type3A = arith.extui %eq3A_3 : i1 to i32
    %cond3A = arith.constant 0 : i32
    %cond3A_4 = arith.cmpi ne, %convert_element_type3A, %cond3A : i32
    scf.if %cond3A_4 {
      %scan3A = arith.constant 0 : i32
      %scan3A_21 = arith.constant 0 : i32
      %scan3A_22 = arith.constant 156 : i32
      %scan3A_23 = arith.addi %scan3A_21, %scan3A_22 : i32
      %scan3A_24 = arith.constant 1 : i32
      scf.for %scan3A_37 = %scan3A_21 to %scan3A_23 step %scan3A_24  : i32 {
        %mul3A_38 = arith.constant 128 : i32
        %mul3A_39 = arith.muli %scan3A_37, %mul3A_38 : i32
        %add3A_40 = arith.addi %mul3A_2, %mul3A_39 : i32
        "tpu.region"() ({
          %run_scoped3A = tpu.sem_alloc : memref<!tpu.dma_semaphore, #tpu.memory_space<semaphore_mem>>
          %dma_start3A_47 = tpu.memref_slice %arg4[%add3A_40] : memref<320000xi32, #tpu.memory_space<hbm>> -> memref<128xi32, #tpu.memory_space<hbm>>
          %dma_start3A_48 = tpu.memref_slice %arg4[%add3A_40] : memref<320000xi32, #tpu.memory_space<hbm>> -> memref<128xi32, #tpu.memory_space<hbm>>
          tpu.enqueue_dma source(%dma_start3A_48 : memref<128xi32, #tpu.memory_space<hbm>>) target(%arg9 : memref<128xi32, #tpu.memory_space<vmem>>) target_semaphore(%run_scoped3A : memref<!tpu.dma_semaphore, #tpu.memory_space<semaphore_mem>>)
          %dma_wait3A_49 = tpu.memref_slice %arg4[%add3A_40] : memref<320000xi32, #tpu.memory_space<hbm>> -> memref<128xi32, #tpu.memory_space<hbm>>
          %dma_wait3A_50 = tpu.memref_slice %arg4[%add3A_40] : memref<320000xi32, #tpu.memory_space<hbm>> -> memref<128xi32, #tpu.memory_space<hbm>>
          tpu.wait_dma2 semaphore(%run_scoped3A : memref<!tpu.dma_semaphore, #tpu.memory_space<semaphore_mem>>) src(%dma_wait3A_50 : memref<128xi32, #tpu.memory_space<hbm>>) dst(%arg9 : memref<128xi32, #tpu.memory_space<vmem>>)
          tpu.yield
        }) : () -> ()
        "tpu.region"() ({
          %run_scoped3A = tpu.sem_alloc : memref<!tpu.dma_semaphore, #tpu.memory_space<semaphore_mem>>
          %dma_start3A_47 = tpu.memref_slice %arg5[%add3A_40] : memref<320000xi32, #tpu.memory_space<hbm>> -> memref<128xi32, #tpu.memory_space<hbm>>
          %dma_start3A_48 = tpu.memref_slice %arg5[%add3A_40] : memref<320000xi32, #tpu.memory_space<hbm>> -> memref<128xi32, #tpu.memory_space<hbm>>
          tpu.enqueue_dma source(%dma_start3A_48 : memref<128xi32, #tpu.memory_space<hbm>>) target(%arg10 : memref<128xi32, #tpu.memory_space<vmem>>) target_semaphore(%run_scoped3A : memref<!tpu.dma_semaphore, #tpu.memory_space<semaphore_mem>>)
          %dma_wait3A_49 = tpu.memref_slice %arg5[%add3A_40] : memref<320000xi32, #tpu.memory_space<hbm>> -> memref<128xi32, #tpu.memory_space<hbm>>
          %dma_wait3A_50 = tpu.memref_slice %arg5[%add3A_40] : memref<320000xi32, #tpu.memory_space<hbm>> -> memref<128xi32, #tpu.memory_space<hbm>>
          tpu.wait_dma2 semaphore(%run_scoped3A : memref<!tpu.dma_semaphore, #tpu.memory_space<semaphore_mem>>) src(%dma_wait3A_50 : memref<128xi32, #tpu.memory_space<hbm>>) dst(%arg10 : memref<128xi32, #tpu.memory_space<vmem>>)
          tpu.yield
        }) : () -> ()
        %dma_start3A_41 = arith.constant 0 : i32
        %dma_start3A_42 = arith.constant 0 : i32
        %dma_start3A_43 = tpu.memref_slice %arg2[%dma_start3A_41, %dma_start3A_42] : memref<10000x64xf32, #tpu.memory_space<hbm>> -> memref<10000x64xf32, #tpu.memory_space<hbm>>
        tpu.enqueue_indirect_dma source(%dma_start3A_43 : memref<10000x64xf32, #tpu.memory_space<hbm>>) target(%arg13 : memref<128x64xf32, #tpu.memory_space<vmem>>) offsets(%arg9 : memref<128xi32, #tpu.memory_space<vmem>>) semaphore(%arg15 : memref<!tpu.dma_semaphore, #tpu.memory_space<semaphore_mem>>)
        %dma_wait3A_44 = arith.constant 0 : i32
        %dma_wait3A_45 = arith.constant 0 : i32
        %dma_wait3A_46 = tpu.memref_slice %arg2[%dma_wait3A_44, %dma_wait3A_45] : memref<10000x64xf32, #tpu.memory_space<hbm>> -> memref<10000x64xf32, #tpu.memory_space<hbm>>
        tpu.wait_indirect_dma semaphore(%arg15 : memref<!tpu.dma_semaphore, #tpu.memory_space<semaphore_mem>>) src(%dma_wait3A_46 : memref<10000x64xf32, #tpu.memory_space<hbm>>) dst(%arg13 : memref<128x64xf32, #tpu.memory_space<vmem>>)
        "tpu.region"() ({
          %run_scoped3A = tpu.sem_alloc : memref<!tpu.dma_semaphore, #tpu.memory_space<semaphore_mem>>
          %dma_start3A_47 = arith.constant 0 : i32
          %dma_start3A_48 = arith.constant 0 : i32
          %dma_start3A_49 = tpu.memref_slice %arg14[%dma_start3A_47, %dma_start3A_48] : memref<10000x64xf32, #tpu.memory_space<vmem_shared>> -> memref<10000x64xf32, #tpu.memory_space<vmem_shared>>
          tpu.enqueue_indirect_dma source(%arg13 : memref<128x64xf32, #tpu.memory_space<vmem>>) target(%dma_start3A_49 : memref<10000x64xf32, #tpu.memory_space<vmem_shared>>) offsets(%arg10 : memref<128xi32, #tpu.memory_space<vmem>>) semaphore(%run_scoped3A : memref<!tpu.dma_semaphore, #tpu.memory_space<semaphore_mem>>) {add = true}
          %dma_wait3A_50 = arith.constant 0 : i32
          %dma_wait3A_51 = arith.constant 0 : i32
          %dma_wait3A_52 = tpu.memref_slice %arg14[%dma_wait3A_50, %dma_wait3A_51] : memref<10000x64xf32, #tpu.memory_space<vmem_shared>> -> memref<10000x64xf32, #tpu.memory_space<vmem_shared>>
          tpu.wait_indirect_dma semaphore(%run_scoped3A : memref<!tpu.dma_semaphore, #tpu.memory_space<semaphore_mem>>) src(%arg13 : memref<128x64xf32, #tpu.memory_space<vmem>>) dst(%dma_wait3A_52 : memref<10000x64xf32, #tpu.memory_space<vmem_shared>>)
          tpu.yield
        }) : () -> ()
      }
      %scan3A_25 = arith.constant 156 : i32
      %add3A = arith.constant 19968 : i32
      %add3A_26 = arith.addi %mul3A_2, %add3A : i32
      "tpu.region"() ({
        %run_scoped3A = tpu.sem_alloc : memref<!tpu.dma_semaphore, #tpu.memory_space<semaphore_mem>>
        %dma_start3A_37 = tpu.memref_slice %arg4[%add3A_26] : memref<320000xi32, #tpu.memory_space<hbm>> -> memref<32xi32, #tpu.memory_space<hbm>>
        %dma_start3A_38 = tpu.memref_slice %arg4[%add3A_26] : memref<320000xi32, #tpu.memory_space<hbm>> -> memref<32xi32, #tpu.memory_space<hbm>>
        tpu.enqueue_dma source(%dma_start3A_38 : memref<32xi32, #tpu.memory_space<hbm>>) target(%arg11 : memref<32xi32, #tpu.memory_space<vmem>>) target_semaphore(%run_scoped3A : memref<!tpu.dma_semaphore, #tpu.memory_space<semaphore_mem>>)
        %dma_wait3A_39 = tpu.memref_slice %arg4[%add3A_26] : memref<320000xi32, #tpu.memory_space<hbm>> -> memref<32xi32, #tpu.memory_space<hbm>>
        %dma_wait3A_40 = tpu.memref_slice %arg4[%add3A_26] : memref<320000xi32, #tpu.memory_space<hbm>> -> memref<32xi32, #tpu.memory_space<hbm>>
        tpu.wait_dma2 semaphore(%run_scoped3A : memref<!tpu.dma_semaphore, #tpu.memory_space<semaphore_mem>>) src(%dma_wait3A_40 : memref<32xi32, #tpu.memory_space<hbm>>) dst(%arg11 : memref<32xi32, #tpu.memory_space<vmem>>)
        tpu.yield
      }) : () -> ()
      "tpu.region"() ({
        %run_scoped3A = tpu.sem_alloc : memref<!tpu.dma_semaphore, #tpu.memory_space<semaphore_mem>>
        %dma_start3A_37 = tpu.memref_slice %arg5[%add3A_26] : memref<320000xi32, #tpu.memory_space<hbm>> -> memref<32xi32, #tpu.memory_space<hbm>>
        %dma_start3A_38 = tpu.memref_slice %arg5[%add3A_26] : memref<320000xi32, #tpu.memory_space<hbm>> -> memref<32xi32, #tpu.memory_space<hbm>>
        tpu.enqueue_dma source(%dma_start3A_38 : memref<32xi32, #tpu.memory_space<hbm>>) target(%arg12 : memref<32xi32, #tpu.memory_space<vmem>>) target_semaphore(%run_scoped3A : memref<!tpu.dma_semaphore, #tpu.memory_space<semaphore_mem>>)
        %dma_wait3A_39 = tpu.memref_slice %arg5[%add3A_26] : memref<320000xi32, #tpu.memory_space<hbm>> -> memref<32xi32, #tpu.memory_space<hbm>>
        %dma_wait3A_40 = tpu.memref_slice %arg5[%add3A_26] : memref<320000xi32, #tpu.memory_space<hbm>> -> memref<32xi32, #tpu.memory_space<hbm>>
        tpu.wait_dma2 semaphore(%run_scoped3A : memref<!tpu.dma_semaphore, #tpu.memory_space<semaphore_mem>>) src(%dma_wait3A_40 : memref<32xi32, #tpu.memory_space<hbm>>) dst(%arg12 : memref<32xi32, #tpu.memory_space<vmem>>)
        tpu.yield
      }) : () -> ()
      %dma_start3A = arith.constant 0 : i32
      %dma_start3A_27 = arith.constant 0 : i32
      %dma_start3A_28 = tpu.memref_slice %arg13[%dma_start3A, %dma_start3A_27] : memref<128x64xf32, #tpu.memory_space<vmem>> -> memref<32x64xf32, #tpu.memory_space<vmem>>
      %dma_start3A_29 = arith.constant 0 : i32
      %dma_start3A_30 = arith.constant 0 : i32
      %dma_start3A_31 = tpu.memref_slice %arg2[%dma_start3A_29, %dma_start3A_30] : memref<10000x64xf32, #tpu.memory_space<hbm>> -> memref<10000x64xf32, #tpu.memory_space<hbm>>
      tpu.enqueue_indirect_dma source(%dma_start3A_31 : memref<10000x64xf32, #tpu.memory_space<hbm>>) target(%dma_start3A_28 : memref<32x64xf32, #tpu.memory_space<vmem>>) offsets(%arg11 : memref<32xi32, #tpu.memory_space<vmem>>) semaphore(%arg15 : memref<!tpu.dma_semaphore, #tpu.memory_space<semaphore_mem>>)
      %dma_wait3A = arith.constant 0 : i32
      %dma_wait3A_32 = arith.constant 0 : i32
      %dma_wait3A_33 = tpu.memref_slice %arg13[%dma_wait3A, %dma_wait3A_32] : memref<128x64xf32, #tpu.memory_space<vmem>> -> memref<32x64xf32, #tpu.memory_space<vmem>>
      %dma_wait3A_34 = arith.constant 0 : i32
      %dma_wait3A_35 = arith.constant 0 : i32
      %dma_wait3A_36 = tpu.memref_slice %arg2[%dma_wait3A_34, %dma_wait3A_35] : memref<10000x64xf32, #tpu.memory_space<hbm>> -> memref<10000x64xf32, #tpu.memory_space<hbm>>
      tpu.wait_indirect_dma semaphore(%arg15 : memref<!tpu.dma_semaphore, #tpu.memory_space<semaphore_mem>>) src(%dma_wait3A_36 : memref<10000x64xf32, #tpu.memory_space<hbm>>) dst(%dma_wait3A_33 : memref<32x64xf32, #tpu.memory_space<vmem>>)
      "tpu.region"() ({
        %run_scoped3A = tpu.sem_alloc : memref<!tpu.dma_semaphore, #tpu.memory_space<semaphore_mem>>
        %dma_start3A_37 = arith.constant 0 : i32
        %dma_start3A_38 = arith.constant 0 : i32
        %dma_start3A_39 = tpu.memref_slice %arg13[%dma_start3A_37, %dma_start3A_38] : memref<128x64xf32, #tpu.memory_space<vmem>> -> memref<32x64xf32, #tpu.memory_space<vmem>>
        %dma_start3A_40 = arith.constant 0 : i32
        %dma_start3A_41 = arith.constant 0 : i32
        %dma_start3A_42 = tpu.memref_slice %arg14[%dma_start3A_40, %dma_start3A_41] : memref<10000x64xf32, #tpu.memory_space<vmem_shared>> -> memref<10000x64xf32, #tpu.memory_space<vmem_shared>>
        tpu.enqueue_indirect_dma source(%dma_start3A_39 : memref<32x64xf32, #tpu.memory_space<vmem>>) target(%dma_start3A_42 : memref<10000x64xf32, #tpu.memory_space<vmem_shared>>) offsets(%arg12 : memref<32xi32, #tpu.memory_space<vmem>>) semaphore(%run_scoped3A : memref<!tpu.dma_semaphore, #tpu.memory_space<semaphore_mem>>) {add = true}
        %dma_wait3A_43 = arith.constant 0 : i32
        %dma_wait3A_44 = arith.constant 0 : i32
        %dma_wait3A_45 = tpu.memref_slice %arg13[%dma_wait3A_43, %dma_wait3A_44] : memref<128x64xf32, #tpu.memory_space<vmem>> -> memref<32x64xf32, #tpu.memory_space<vmem>>
        %dma_wait3A_46 = arith.constant 0 : i32
        %dma_wait3A_47 = arith.constant 0 : i32
        %dma_wait3A_48 = tpu.memref_slice %arg14[%dma_wait3A_46, %dma_wait3A_47] : memref<10000x64xf32, #tpu.memory_space<vmem_shared>> -> memref<10000x64xf32, #tpu.memory_space<vmem_shared>>
        tpu.wait_indirect_dma semaphore(%run_scoped3A : memref<!tpu.dma_semaphore, #tpu.memory_space<semaphore_mem>>) src(%dma_wait3A_45 : memref<32x64xf32, #tpu.memory_space<vmem>>) dst(%dma_wait3A_48 : memref<10000x64xf32, #tpu.memory_space<vmem_shared>>)
        tpu.yield
      }) : () -> ()
    } else {
    }
    %eq3A_5 = arith.constant 1 : i32
    %eq3A_6 = arith.cmpi eq, %arg0, %eq3A_5 : i32
    %convert_element_type3A_7 = arith.extui %eq3A_6 : i1 to i32
    %cond3A_8 = arith.constant 0 : i32
    %cond3A_9 = arith.cmpi ne, %convert_element_type3A_7, %cond3A_8 : i32
    scf.if %cond3A_9 {
      %scan3A = arith.constant 0 : i32
      %scan3A_21 = arith.constant 0 : i32
      %scan3A_22 = arith.constant 156 : i32
      %scan3A_23 = arith.addi %scan3A_21, %scan3A_22 : i32
      %scan3A_24 = arith.constant 1 : i32
      scf.for %scan3A_37 = %scan3A_21 to %scan3A_23 step %scan3A_24  : i32 {
        %mul3A_38 = arith.constant 128 : i32
        %mul3A_39 = arith.muli %scan3A_37, %mul3A_38 : i32
        %add3A_40 = arith.addi %mul3A_2, %mul3A_39 : i32
        "tpu.region"() ({
          %run_scoped3A = tpu.sem_alloc : memref<!tpu.dma_semaphore, #tpu.memory_space<semaphore_mem>>
          %dma_start3A_47 = tpu.memref_slice %arg4[%add3A_40] : memref<320000xi32, #tpu.memory_space<hbm>> -> memref<128xi32, #tpu.memory_space<hbm>>
          %dma_start3A_48 = tpu.memref_slice %arg4[%add3A_40] : memref<320000xi32, #tpu.memory_space<hbm>> -> memref<128xi32, #tpu.memory_space<hbm>>
          tpu.enqueue_dma source(%dma_start3A_48 : memref<128xi32, #tpu.memory_space<hbm>>) target(%arg9 : memref<128xi32, #tpu.memory_space<vmem>>) target_semaphore(%run_scoped3A : memref<!tpu.dma_semaphore, #tpu.memory_space<semaphore_mem>>)
          %dma_wait3A_49 = tpu.memref_slice %arg4[%add3A_40] : memref<320000xi32, #tpu.memory_space<hbm>> -> memref<128xi32, #tpu.memory_space<hbm>>
          %dma_wait3A_50 = tpu.memref_slice %arg4[%add3A_40] : memref<320000xi32, #tpu.memory_space<hbm>> -> memref<128xi32, #tpu.memory_space<hbm>>
          tpu.wait_dma2 semaphore(%run_scoped3A : memref<!tpu.dma_semaphore, #tpu.memory_space<semaphore_mem>>) src(%dma_wait3A_50 : memref<128xi32, #tpu.memory_space<hbm>>) dst(%arg9 : memref<128xi32, #tpu.memory_space<vmem>>)
          tpu.yield
        }) : () -> ()
        "tpu.region"() ({
          %run_scoped3A = tpu.sem_alloc : memref<!tpu.dma_semaphore, #tpu.memory_space<semaphore_mem>>
          %dma_start3A_47 = tpu.memref_slice %arg5[%add3A_40] : memref<320000xi32, #tpu.memory_space<hbm>> -> memref<128xi32, #tpu.memory_space<hbm>>
          %dma_start3A_48 = tpu.memref_slice %arg5[%add3A_40] : memref<320000xi32, #tpu.memory_space<hbm>> -> memref<128xi32, #tpu.memory_space<hbm>>
          tpu.enqueue_dma source(%dma_start3A_48 : memref<128xi32, #tpu.memory_space<hbm>>) target(%arg10 : memref<128xi32, #tpu.memory_space<vmem>>) target_semaphore(%run_scoped3A : memref<!tpu.dma_semaphore, #tpu.memory_space<semaphore_mem>>)
          %dma_wait3A_49 = tpu.memref_slice %arg5[%add3A_40] : memref<320000xi32, #tpu.memory_space<hbm>> -> memref<128xi32, #tpu.memory_space<hbm>>
          %dma_wait3A_50 = tpu.memref_slice %arg5[%add3A_40] : memref<320000xi32, #tpu.memory_space<hbm>> -> memref<128xi32, #tpu.memory_space<hbm>>
          tpu.wait_dma2 semaphore(%run_scoped3A : memref<!tpu.dma_semaphore, #tpu.memory_space<semaphore_mem>>) src(%dma_wait3A_50 : memref<128xi32, #tpu.memory_space<hbm>>) dst(%arg10 : memref<128xi32, #tpu.memory_space<vmem>>)
          tpu.yield
        }) : () -> ()
        %dma_start3A_41 = arith.constant 0 : i32
        %dma_start3A_42 = arith.constant 0 : i32
        %dma_start3A_43 = tpu.memref_slice %arg3[%dma_start3A_41, %dma_start3A_42] : memref<10000x64xf32, #tpu.memory_space<hbm>> -> memref<10000x64xf32, #tpu.memory_space<hbm>>
        tpu.enqueue_indirect_dma source(%dma_start3A_43 : memref<10000x64xf32, #tpu.memory_space<hbm>>) target(%arg13 : memref<128x64xf32, #tpu.memory_space<vmem>>) offsets(%arg9 : memref<128xi32, #tpu.memory_space<vmem>>) semaphore(%arg15 : memref<!tpu.dma_semaphore, #tpu.memory_space<semaphore_mem>>)
        %dma_wait3A_44 = arith.constant 0 : i32
        %dma_wait3A_45 = arith.constant 0 : i32
        %dma_wait3A_46 = tpu.memref_slice %arg3[%dma_wait3A_44, %dma_wait3A_45] : memref<10000x64xf32, #tpu.memory_space<hbm>> -> memref<10000x64xf32, #tpu.memory_space<hbm>>
        tpu.wait_indirect_dma semaphore(%arg15 : memref<!tpu.dma_semaphore, #tpu.memory_space<semaphore_mem>>) src(%dma_wait3A_46 : memref<10000x64xf32, #tpu.memory_space<hbm>>) dst(%arg13 : memref<128x64xf32, #tpu.memory_space<vmem>>)
        "tpu.region"() ({
          %run_scoped3A = tpu.sem_alloc : memref<!tpu.dma_semaphore, #tpu.memory_space<semaphore_mem>>
          %dma_start3A_47 = arith.constant 0 : i32
          %dma_start3A_48 = arith.constant 0 : i32
          %dma_start3A_49 = tpu.memref_slice %arg14[%dma_start3A_47, %dma_start3A_48] : memref<10000x64xf32, #tpu.memory_space<vmem_shared>> -> memref<10000x64xf32, #tpu.memory_space<vmem_shared>>
          tpu.enqueue_indirect_dma source(%arg13 : memref<128x64xf32, #tpu.memory_space<vmem>>) target(%dma_start3A_49 : memref<10000x64xf32, #tpu.memory_space<vmem_shared>>) offsets(%arg10 : memref<128xi32, #tpu.memory_space<vmem>>) semaphore(%run_scoped3A : memref<!tpu.dma_semaphore, #tpu.memory_space<semaphore_mem>>) {add = true}
          %dma_wait3A_50 = arith.constant 0 : i32
          %dma_wait3A_51 = arith.constant 0 : i32
          %dma_wait3A_52 = tpu.memref_slice %arg14[%dma_wait3A_50, %dma_wait3A_51] : memref<10000x64xf32, #tpu.memory_space<vmem_shared>> -> memref<10000x64xf32, #tpu.memory_space<vmem_shared>>
          tpu.wait_indirect_dma semaphore(%run_scoped3A : memref<!tpu.dma_semaphore, #tpu.memory_space<semaphore_mem>>) src(%arg13 : memref<128x64xf32, #tpu.memory_space<vmem>>) dst(%dma_wait3A_52 : memref<10000x64xf32, #tpu.memory_space<vmem_shared>>)
          tpu.yield
        }) : () -> ()
      }
      %scan3A_25 = arith.constant 156 : i32
      %add3A = arith.constant 19968 : i32
      %add3A_26 = arith.addi %mul3A_2, %add3A : i32
      "tpu.region"() ({
        %run_scoped3A = tpu.sem_alloc : memref<!tpu.dma_semaphore, #tpu.memory_space<semaphore_mem>>
        %dma_start3A_37 = tpu.memref_slice %arg4[%add3A_26] : memref<320000xi32, #tpu.memory_space<hbm>> -> memref<32xi32, #tpu.memory_space<hbm>>
        %dma_start3A_38 = tpu.memref_slice %arg4[%add3A_26] : memref<320000xi32, #tpu.memory_space<hbm>> -> memref<32xi32, #tpu.memory_space<hbm>>
        tpu.enqueue_dma source(%dma_start3A_38 : memref<32xi32, #tpu.memory_space<hbm>>) target(%arg11 : memref<32xi32, #tpu.memory_space<vmem>>) target_semaphore(%run_scoped3A : memref<!tpu.dma_semaphore, #tpu.memory_space<semaphore_mem>>)
        %dma_wait3A_39 = tpu.memref_slice %arg4[%add3A_26] : memref<320000xi32, #tpu.memory_space<hbm>> -> memref<32xi32, #tpu.memory_space<hbm>>
        %dma_wait3A_40 = tpu.memref_slice %arg4[%add3A_26] : memref<320000xi32, #tpu.memory_space<hbm>> -> memref<32xi32, #tpu.memory_space<hbm>>
        tpu.wait_dma2 semaphore(%run_scoped3A : memref<!tpu.dma_semaphore, #tpu.memory_space<semaphore_mem>>) src(%dma_wait3A_40 : memref<32xi32, #tpu.memory_space<hbm>>) dst(%arg11 : memref<32xi32, #tpu.memory_space<vmem>>)
        tpu.yield
      }) : () -> ()
      "tpu.region"() ({
        %run_scoped3A = tpu.sem_alloc : memref<!tpu.dma_semaphore, #tpu.memory_space<semaphore_mem>>
        %dma_start3A_37 = tpu.memref_slice %arg5[%add3A_26] : memref<320000xi32, #tpu.memory_space<hbm>> -> memref<32xi32, #tpu.memory_space<hbm>>
        %dma_start3A_38 = tpu.memref_slice %arg5[%add3A_26] : memref<320000xi32, #tpu.memory_space<hbm>> -> memref<32xi32, #tpu.memory_space<hbm>>
        tpu.enqueue_dma source(%dma_start3A_38 : memref<32xi32, #tpu.memory_space<hbm>>) target(%arg12 : memref<32xi32, #tpu.memory_space<vmem>>) target_semaphore(%run_scoped3A : memref<!tpu.dma_semaphore, #tpu.memory_space<semaphore_mem>>)
        %dma_wait3A_39 = tpu.memref_slice %arg5[%add3A_26] : memref<320000xi32, #tpu.memory_space<hbm>> -> memref<32xi32, #tpu.memory_space<hbm>>
        %dma_wait3A_40 = tpu.memref_slice %arg5[%add3A_26] : memref<320000xi32, #tpu.memory_space<hbm>> -> memref<32xi32, #tpu.memory_space<hbm>>
        tpu.wait_dma2 semaphore(%run_scoped3A : memref<!tpu.dma_semaphore, #tpu.memory_space<semaphore_mem>>) src(%dma_wait3A_40 : memref<32xi32, #tpu.memory_space<hbm>>) dst(%arg12 : memref<32xi32, #tpu.memory_space<vmem>>)
        tpu.yield
      }) : () -> ()
      %dma_start3A = arith.constant 0 : i32
      %dma_start3A_27 = arith.constant 0 : i32
      %dma_start3A_28 = tpu.memref_slice %arg13[%dma_start3A, %dma_start3A_27] : memref<128x64xf32, #tpu.memory_space<vmem>> -> memref<32x64xf32, #tpu.memory_space<vmem>>
      %dma_start3A_29 = arith.constant 0 : i32
      %dma_start3A_30 = arith.constant 0 : i32
      %dma_start3A_31 = tpu.memref_slice %arg3[%dma_start3A_29, %dma_start3A_30] : memref<10000x64xf32, #tpu.memory_space<hbm>> -> memref<10000x64xf32, #tpu.memory_space<hbm>>
      tpu.enqueue_indirect_dma source(%dma_start3A_31 : memref<10000x64xf32, #tpu.memory_space<hbm>>) target(%dma_start3A_28 : memref<32x64xf32, #tpu.memory_space<vmem>>) offsets(%arg11 : memref<32xi32, #tpu.memory_space<vmem>>) semaphore(%arg15 : memref<!tpu.dma_semaphore, #tpu.memory_space<semaphore_mem>>)
      %dma_wait3A = arith.constant 0 : i32
      %dma_wait3A_32 = arith.constant 0 : i32
      %dma_wait3A_33 = tpu.memref_slice %arg13[%dma_wait3A, %dma_wait3A_32] : memref<128x64xf32, #tpu.memory_space<vmem>> -> memref<32x64xf32, #tpu.memory_space<vmem>>
      %dma_wait3A_34 = arith.constant 0 : i32
      %dma_wait3A_35 = arith.constant 0 : i32
      %dma_wait3A_36 = tpu.memref_slice %arg3[%dma_wait3A_34, %dma_wait3A_35] : memref<10000x64xf32, #tpu.memory_space<hbm>> -> memref<10000x64xf32, #tpu.memory_space<hbm>>
      tpu.wait_indirect_dma semaphore(%arg15 : memref<!tpu.dma_semaphore, #tpu.memory_space<semaphore_mem>>) src(%dma_wait3A_36 : memref<10000x64xf32, #tpu.memory_space<hbm>>) dst(%dma_wait3A_33 : memref<32x64xf32, #tpu.memory_space<vmem>>)
      "tpu.region"() ({
        %run_scoped3A = tpu.sem_alloc : memref<!tpu.dma_semaphore, #tpu.memory_space<semaphore_mem>>
        %dma_start3A_37 = arith.constant 0 : i32
        %dma_start3A_38 = arith.constant 0 : i32
        %dma_start3A_39 = tpu.memref_slice %arg13[%dma_start3A_37, %dma_start3A_38] : memref<128x64xf32, #tpu.memory_space<vmem>> -> memref<32x64xf32, #tpu.memory_space<vmem>>
        %dma_start3A_40 = arith.constant 0 : i32
        %dma_start3A_41 = arith.constant 0 : i32
        %dma_start3A_42 = tpu.memref_slice %arg14[%dma_start3A_40, %dma_start3A_41] : memref<10000x64xf32, #tpu.memory_space<vmem_shared>> -> memref<10000x64xf32, #tpu.memory_space<vmem_shared>>
        tpu.enqueue_indirect_dma source(%dma_start3A_39 : memref<32x64xf32, #tpu.memory_space<vmem>>) target(%dma_start3A_42 : memref<10000x64xf32, #tpu.memory_space<vmem_shared>>) offsets(%arg12 : memref<32xi32, #tpu.memory_space<vmem>>) semaphore(%run_scoped3A : memref<!tpu.dma_semaphore, #tpu.memory_space<semaphore_mem>>) {add = true}
        %dma_wait3A_43 = arith.constant 0 : i32
        %dma_wait3A_44 = arith.constant 0 : i32
        %dma_wait3A_45 = tpu.memref_slice %arg13[%dma_wait3A_43, %dma_wait3A_44] : memref<128x64xf32, #tpu.memory_space<vmem>> -> memref<32x64xf32, #tpu.memory_space<vmem>>
        %dma_wait3A_46 = arith.constant 0 : i32
        %dma_wait3A_47 = arith.constant 0 : i32
        %dma_wait3A_48 = tpu.memref_slice %arg14[%dma_wait3A_46, %dma_wait3A_47] : memref<10000x64xf32, #tpu.memory_space<vmem_shared>> -> memref<10000x64xf32, #tpu.memory_space<vmem_shared>>
        tpu.wait_indirect_dma semaphore(%run_scoped3A : memref<!tpu.dma_semaphore, #tpu.memory_space<semaphore_mem>>) src(%dma_wait3A_45 : memref<32x64xf32, #tpu.memory_space<vmem>>) dst(%dma_wait3A_48 : memref<10000x64xf32, #tpu.memory_space<vmem_shared>>)
        tpu.yield
      }) : () -> ()
    } else {
    }
    %barrier3A_10 = arith.constant 0 : index
    tpu.barrier barrier_id(%barrier3A_10)
    %eq3A_11 = arith.constant 0 : i32
    %eq3A_12 = arith.cmpi eq, %arg0, %eq3A_11 : i32
    %convert_element_type3A_13 = arith.extui %eq3A_12 : i1 to i32
    %cond3A_14 = arith.constant 0 : i32
    %cond3A_15 = arith.cmpi ne, %convert_element_type3A_13, %cond3A_14 : i32
    scf.if %cond3A_15 {
      "tpu.region"() ({
        %run_scoped3A = tpu.sem_alloc : memref<!tpu.dma_semaphore, #tpu.memory_space<semaphore_mem>>
        %dma_start3A = arith.constant 0 : i32
        %dma_start3A_21 = tpu.memref_slice %arg7[%mul3A_0, %dma_start3A] : memref<10000x64xf32, #tpu.memory_space<hbm>> -> memref<625x64xf32, #tpu.memory_space<hbm>>
        %dma_start3A_22 = arith.constant 0 : i32
        %dma_start3A_23 = tpu.memref_slice %arg14[%mul3A_0, %dma_start3A_22] : memref<10000x64xf32, #tpu.memory_space<vmem_shared>> -> memref<625x64xf32, #tpu.memory_space<vmem_shared>>
        tpu.enqueue_dma source(%dma_start3A_23 : memref<625x64xf32, #tpu.memory_space<vmem_shared>>) target(%dma_start3A_21 : memref<625x64xf32, #tpu.memory_space<hbm>>) target_semaphore(%run_scoped3A : memref<!tpu.dma_semaphore, #tpu.memory_space<semaphore_mem>>)
        %dma_wait3A = arith.constant 0 : i32
        %dma_wait3A_24 = tpu.memref_slice %arg7[%mul3A_0, %dma_wait3A] : memref<10000x64xf32, #tpu.memory_space<hbm>> -> memref<625x64xf32, #tpu.memory_space<hbm>>
        %dma_wait3A_25 = arith.constant 0 : i32
        %dma_wait3A_26 = tpu.memref_slice %arg14[%mul3A_0, %dma_wait3A_25] : memref<10000x64xf32, #tpu.memory_space<vmem_shared>> -> memref<625x64xf32, #tpu.memory_space<vmem_shared>>
        tpu.wait_dma2 semaphore(%run_scoped3A : memref<!tpu.dma_semaphore, #tpu.memory_space<semaphore_mem>>) src(%dma_wait3A_26 : memref<625x64xf32, #tpu.memory_space<vmem_shared>>) dst(%dma_wait3A_24 : memref<625x64xf32, #tpu.memory_space<hbm>>)
        tpu.yield
      }) : () -> ()
    } else {
    }
    %eq3A_16 = arith.constant 1 : i32
    %eq3A_17 = arith.cmpi eq, %arg0, %eq3A_16 : i32
    %convert_element_type3A_18 = arith.extui %eq3A_17 : i1 to i32
    %cond3A_19 = arith.constant 0 : i32
    %cond3A_20 = arith.cmpi ne, %convert_element_type3A_18, %cond3A_19 : i32
    scf.if %cond3A_20 {
      "tpu.region"() ({
        %run_scoped3A = tpu.sem_alloc : memref<!tpu.dma_semaphore, #tpu.memory_space<semaphore_mem>>
        %dma_start3A = arith.constant 0 : i32
        %dma_start3A_21 = tpu.memref_slice %arg8[%mul3A_0, %dma_start3A] : memref<10000x64xf32, #tpu.memory_space<hbm>> -> memref<625x64xf32, #tpu.memory_space<hbm>>
        %dma_start3A_22 = arith.constant 0 : i32
        %dma_start3A_23 = tpu.memref_slice %arg14[%mul3A_0, %dma_start3A_22] : memref<10000x64xf32, #tpu.memory_space<vmem_shared>> -> memref<625x64xf32, #tpu.memory_space<vmem_shared>>
        tpu.enqueue_dma source(%dma_start3A_23 : memref<625x64xf32, #tpu.memory_space<vmem_shared>>) target(%dma_start3A_21 : memref<625x64xf32, #tpu.memory_space<hbm>>) target_semaphore(%run_scoped3A : memref<!tpu.dma_semaphore, #tpu.memory_space<semaphore_mem>>)
        %dma_wait3A = arith.constant 0 : i32
        %dma_wait3A_24 = tpu.memref_slice %arg8[%mul3A_0, %dma_wait3A] : memref<10000x64xf32, #tpu.memory_space<hbm>> -> memref<625x64xf32, #tpu.memory_space<hbm>>
        %dma_wait3A_25 = arith.constant 0 : i32
        %dma_wait3A_26 = tpu.memref_slice %arg14[%mul3A_0, %dma_wait3A_25] : memref<10000x64xf32, #tpu.memory_space<vmem_shared>> -> memref<625x64xf32, #tpu.memory_space<vmem_shared>>
        tpu.wait_dma2 semaphore(%run_scoped3A : memref<!tpu.dma_semaphore, #tpu.memory_space<semaphore_mem>>) src(%dma_wait3A_26 : memref<625x64xf32, #tpu.memory_space<vmem_shared>>) dst(%dma_wait3A_24 : memref<625x64xf32, #tpu.memory_space<hbm>>)
        tpu.yield
      }) : () -> ()
    } else {
    }
    return
  }
}

module attributes {stable_mosaic.version = 14 : i64} {
  func.func @_prep_body(%arg0: i32, %arg1: memref<1000x128xf32, #tpu.memory_space<vmem>>, %arg2: memref<1000x16xf32, #tpu.memory_space<vmem>>, %arg3: memref<1000x16xf32, #tpu.memory_space<vmem>>, %arg4: memref<1000x64xf32, #tpu.memory_space<vmem>>, %arg5: memref<1000x64xf32, #tpu.memory_space<vmem>>, %arg6: memref<1000x16xf32, #tpu.memory_space<vmem>>) attributes {dimension_semantics = [#tpu.dimension_semantics<arbitrary>], iteration_bounds = array<i64: 10>, scalar_prefetch = 0 : i64, scratch_operands = 0 : i64, tpu.core_type = #tpu.core_type<tc>, window_params = [{transform_indices = @transform_0, window_bounds = array<i64: 1000, 128>}, {transform_indices = @transform_1, window_bounds = array<i64: 1000, 16>}, {transform_indices = @transform_2, window_bounds = array<i64: 1000, 16>}, {transform_indices = @transform_3, window_bounds = array<i64: 1000, 64>}, {transform_indices = @transform_4, window_bounds = array<i64: 1000, 64>}, {transform_indices = @transform_5, window_bounds = array<i64: 1000, 16>}]} {
    %get3A = arith.constant 0 : index
    %get3A_0 = arith.constant 0 : index
    %get3A_1 = vector.load %arg2[%get3A, %get3A_0] : memref<1000x16xf32, #tpu.memory_space<vmem>>, vector<1000x1xf32>
    %get3A_2 = arith.constant 0 : index
    %get3A_3 = arith.constant 0 : index
    %get3A_4 = vector.load %arg3[%get3A_2, %get3A_3] : memref<1000x16xf32, #tpu.memory_space<vmem>>, vector<1000x1xf32>
    %add3A = arith.addf %get3A_1, %get3A_4 : vector<1000x1xf32>
    %gt3A = arith.constant 0.000000e+00 : f32
    %gt3A_5 = vector.broadcast %gt3A : f32 to vector<1000x1xf32>
    %gt3A_6 = arith.cmpf ogt, %add3A, %gt3A_5 : vector<1000x1xf32>
    %max3A = arith.constant 9.99999996E-13 : f32
    %max3A_7 = vector.broadcast %max3A : f32 to vector<1000x1xf32>
    %max3A_8 = arith.maximumf %add3A, %max3A_7 : vector<1000x1xf32>
    %rsqrt3A = math.rsqrt %max3A_8 : vector<1000x1xf32>
    %jit3A = arith.constant 0.000000e+00 : f32
    %broadcast_in_dim3A = vector.broadcast %jit3A : f32 to vector<1000x1xf32>
    %select_n3A = arith.select %gt3A_6, %rsqrt3A, %broadcast_in_dim3A : vector<1000x1xi1>, vector<1000x1xf32>
    %get3A_9 = arith.constant 0 : index
    %get3A_10 = arith.constant 0 : index
    %get3A_11 = vector.load %arg1[%get3A_9, %get3A_10] : memref<1000x128xf32, #tpu.memory_space<vmem>>, vector<1000x128xf32>
    %mul3A = vector.broadcast %select_n3A : vector<1000x1xf32> to vector<1000x128xf32>
    %mul3A_12 = arith.mulf %get3A_11, %mul3A : vector<1000x128xf32>
    %slice3A = vector.extract_strided_slice %mul3A_12 {offsets = [0, 0], sizes = [1000, 64], strides = [1, 1]} : vector<1000x128xf32> to vector<1000x64xf32>
    %swap3A = arith.constant 0 : index
    %swap3A_13 = arith.constant 0 : index
    %swap3A_14 = vector.load %arg4[%swap3A, %swap3A_13] : memref<1000x64xf32, #tpu.memory_space<vmem>>, vector<1000x64xf32>
    tpu.vector_store %arg4[%swap3A, %swap3A_13], %slice3A {strides = array<i32>} : memref<1000x64xf32, #tpu.memory_space<vmem>>, vector<1000x64xf32>,
    %slice3A_15 = vector.extract_strided_slice %mul3A_12 {offsets = [0, 64], sizes = [1000, 64], strides = [1, 1]} : vector<1000x128xf32> to vector<1000x64xf32>
    %swap3A_16 = arith.constant 0 : index
    %swap3A_17 = arith.constant 0 : index
    %swap3A_18 = vector.load %arg5[%swap3A_16, %swap3A_17] : memref<1000x64xf32, #tpu.memory_space<vmem>>, vector<1000x64xf32>
    tpu.vector_store %arg5[%swap3A_16, %swap3A_17], %slice3A_15 {strides = array<i32>} : memref<1000x64xf32, #tpu.memory_space<vmem>>, vector<1000x64xf32>,
    %broadcast_in_dim3A_19 = vector.shape_cast %select_n3A : vector<1000x1xf32> to vector<1000x1xf32>
    %broadcast_in_dim3A_20 = vector.broadcast %broadcast_in_dim3A_19 : vector<1000x1xf32> to vector<1000x16xf32>
    %swap3A_21 = arith.constant 0 : index
    %swap3A_22 = arith.constant 0 : index
    %swap3A_23 = vector.load %arg6[%swap3A_21, %swap3A_22] : memref<1000x16xf32, #tpu.memory_space<vmem>>, vector<1000x16xf32>
    tpu.vector_store %arg6[%swap3A_21, %swap3A_22], %broadcast_in_dim3A_20 {strides = array<i32>} : memref<1000x16xf32, #tpu.memory_space<vmem>>, vector<1000x16xf32>,
    return
  }
  func.func @transform_0(%arg0: i32) -> (i32, i32) {
    %c0_i32 = arith.constant 0 : i32
    %c0_i32_0 = arith.constant 0 : i32
    return %arg0, %c0_i32 : i32, i32
  }
  func.func @transform_1(%arg0: i32) -> (i32, i32) {
    %c0_i32 = arith.constant 0 : i32
    %c0_i32_0 = arith.constant 0 : i32
    return %arg0, %c0_i32 : i32, i32
  }
  func.func @transform_2(%arg0: i32) -> (i32, i32) {
    %c0_i32 = arith.constant 0 : i32
    %c0_i32_0 = arith.constant 0 : i32
    return %arg0, %c0_i32 : i32, i32
  }
  func.func @transform_3(%arg0: i32) -> (i32, i32) {
    %c0_i32 = arith.constant 0 : i32
    %c0_i32_0 = arith.constant 0 : i32
    return %arg0, %c0_i32 : i32, i32
  }
  func.func @transform_4(%arg0: i32) -> (i32, i32) {
    %c0_i32 = arith.constant 0 : i32
    %c0_i32_0 = arith.constant 0 : i32
    return %arg0, %c0_i32 : i32, i32
  }
  func.func @transform_5(%arg0: i32) -> (i32, i32) {
    %c0_i32 = arith.constant 0 : i32
    %c0_i32_0 = arith.constant 0 : i32
    return %arg0, %c0_i32 : i32, i32
  }
}

module attributes {stable_mosaic.version = 14 : i64} {
  func.func @_scale_body(%arg0: i32, %arg1: memref<1000x64xf32, #tpu.memory_space<vmem>>, %arg2: memref<1000x64xf32, #tpu.memory_space<vmem>>, %arg3: memref<1000x16xf32, #tpu.memory_space<vmem>>, %arg4: memref<1000x64xf32, #tpu.memory_space<vmem>>, %arg5: memref<1000x64xf32, #tpu.memory_space<vmem>>) attributes {dimension_semantics = [#tpu.dimension_semantics<arbitrary>], iteration_bounds = array<i64: 10>, scalar_prefetch = 0 : i64, scratch_operands = 0 : i64, tpu.core_type = #tpu.core_type<tc>, window_params = [{transform_indices = @transform_0, window_bounds = array<i64: 1000, 64>}, {transform_indices = @transform_1, window_bounds = array<i64: 1000, 64>}, {transform_indices = @transform_2, window_bounds = array<i64: 1000, 16>}, {transform_indices = @transform_3, window_bounds = array<i64: 1000, 64>}, {transform_indices = @transform_4, window_bounds = array<i64: 1000, 64>}]} {
    %get3A = arith.constant 0 : index
    %get3A_0 = arith.constant 0 : index
    %get3A_1 = vector.load %arg3[%get3A, %get3A_0] : memref<1000x16xf32, #tpu.memory_space<vmem>>, vector<1000x1xf32>
    %get3A_2 = arith.constant 0 : index
    %get3A_3 = arith.constant 0 : index
    %get3A_4 = vector.load %arg3[%get3A_2, %get3A_3] : memref<1000x16xf32, #tpu.memory_space<vmem>>, vector<1000x1xf32>
    %mul3A = arith.mulf %get3A_1, %get3A_4 : vector<1000x1xf32>
    %get3A_5 = arith.constant 0 : index
    %get3A_6 = arith.constant 0 : index
    %get3A_7 = vector.load %arg1[%get3A_5, %get3A_6] : memref<1000x64xf32, #tpu.memory_space<vmem>>, vector<1000x64xf32>
    %mul3A_8 = vector.broadcast %mul3A : vector<1000x1xf32> to vector<1000x64xf32>
    %mul3A_9 = arith.mulf %get3A_7, %mul3A_8 : vector<1000x64xf32>
    %swap3A = arith.constant 0 : index
    %swap3A_10 = arith.constant 0 : index
    %swap3A_11 = vector.load %arg4[%swap3A, %swap3A_10] : memref<1000x64xf32, #tpu.memory_space<vmem>>, vector<1000x64xf32>
    tpu.vector_store %arg4[%swap3A, %swap3A_10], %mul3A_9 {strides = array<i32>} : memref<1000x64xf32, #tpu.memory_space<vmem>>, vector<1000x64xf32>,
    %get3A_12 = arith.constant 0 : index
    %get3A_13 = arith.constant 0 : index
    %get3A_14 = vector.load %arg2[%get3A_12, %get3A_13] : memref<1000x64xf32, #tpu.memory_space<vmem>>, vector<1000x64xf32>
    %mul3A_15 = vector.broadcast %mul3A : vector<1000x1xf32> to vector<1000x64xf32>
    %mul3A_16 = arith.mulf %get3A_14, %mul3A_15 : vector<1000x64xf32>
    %swap3A_17 = arith.constant 0 : index
    %swap3A_18 = arith.constant 0 : index
    %swap3A_19 = vector.load %arg5[%swap3A_17, %swap3A_18] : memref<1000x64xf32, #tpu.memory_space<vmem>>, vector<1000x64xf32>
    tpu.vector_store %arg5[%swap3A_17, %swap3A_18], %mul3A_16 {strides = array<i32>} : memref<1000x64xf32, #tpu.memory_space<vmem>>, vector<1000x64xf32>,
    return
  }
  func.func @transform_0(%arg0: i32) -> (i32, i32) {
    %c0_i32 = arith.constant 0 : i32
    %c0_i32_0 = arith.constant 0 : i32
    return %arg0, %c0_i32 : i32, i32
  }
  func.func @transform_1(%arg0: i32) -> (i32, i32) {
    %c0_i32 = arith.constant 0 : i32
    %c0_i32_0 = arith.constant 0 : i32
    return %arg0, %c0_i32 : i32, i32
  }
  func.func @transform_2(%arg0: i32) -> (i32, i32) {
    %c0_i32 = arith.constant 0 : i32
    %c0_i32_0 = arith.constant 0 : i32
    return %arg0, %c0_i32 : i32, i32
  }
  func.func @transform_3(%arg0: i32) -> (i32, i32) {
    %c0_i32 = arith.constant 0 : i32
    %c0_i32_0 = arith.constant 0 : i32
    return %arg0, %c0_i32 : i32, i32
  }
  func.func @transform_4(%arg0: i32) -> (i32, i32) {
    %c0_i32 = arith.constant 0 : i32
    %c0_i32_0 = arith.constant 0 : i32
    return %arg0, %c0_i32 : i32, i32
  }
}

module attributes {stable_mosaic.version = 14 : i64} {
  func.func @_layer_body(%arg0: i32, %arg1: memref<1000x64xf32, #tpu.memory_space<vmem>>, %arg2: memref<1000x64xf32, #tpu.memory_space<vmem>>, %arg3: memref<1000x16xf32, #tpu.memory_space<vmem>>, %arg4: memref<128x128xf32, #tpu.memory_space<vmem>>, %arg5: memref<1x128xf32, #tpu.memory_space<vmem>>, %arg6: memref<1000x64xf32, #tpu.memory_space<vmem>>, %arg7: memref<1000x64xf32, #tpu.memory_space<vmem>>) attributes {dimension_semantics = [#tpu.dimension_semantics<arbitrary>], iteration_bounds = array<i64: 10>, scalar_prefetch = 0 : i64, scratch_operands = 0 : i64, tpu.core_type = #tpu.core_type<tc>, window_params = [{transform_indices = @transform_0, window_bounds = array<i64: 1000, 64>}, {transform_indices = @transform_1, window_bounds = array<i64: 1000, 64>}, {transform_indices = @transform_2, window_bounds = array<i64: 1000, 16>}, {pipeline_mode = #tpu.pipeline_mode<synchronous>, transform_indices = @transform_3, window_bounds = array<i64: 128, 128>}, {pipeline_mode = #tpu.pipeline_mode<synchronous>, transform_indices = @transform_4, window_bounds = array<i64: 1, 128>}, {transform_indices = @transform_5, window_bounds = array<i64: 1000, 64>}, {transform_indices = @transform_6, window_bounds = array<i64: 1000, 64>}]} {
    %get3A = arith.constant 0 : index
    %get3A_0 = arith.constant 0 : index
    %get3A_1 = vector.load %arg3[%get3A, %get3A_0] : memref<1000x16xf32, #tpu.memory_space<vmem>>, vector<1000x1xf32>
    %get3A_2 = arith.constant 0 : index
    %get3A_3 = arith.constant 0 : index
    %get3A_4 = vector.load %arg1[%get3A_2, %get3A_3] : memref<1000x64xf32, #tpu.memory_space<vmem>>, vector<1000x64xf32>
    %get3A_5 = arith.constant 0 : index
    %get3A_6 = arith.constant 0 : index
    %get3A_7 = vector.load %arg2[%get3A_5, %get3A_6] : memref<1000x64xf32, #tpu.memory_space<vmem>>, vector<1000x64xf32>
    %concatenate3A = tpu.concatenate %get3A_4, %get3A_7 in 1 : vector<1000x64xf32>, vector<1000x64xf32> -> vector<1000x128xf32>
    %mul3A = vector.broadcast %get3A_1 : vector<1000x1xf32> to vector<1000x128xf32>
    %mul3A_8 = arith.mulf %concatenate3A, %mul3A : vector<1000x128xf32>
    %get3A_9 = arith.constant 0 : index
    %get3A_10 = arith.constant 0 : index
    %get3A_11 = vector.load %arg4[%get3A_9, %get3A_10] : memref<128x128xf32, #tpu.memory_space<vmem>>, vector<128x128xf32>
    %dot_general3A = arith.constant dense<0.000000e+00> : vector<1000x128xf32>
    %dot_general3A_12 = tpu.matmul %mul3A_8, %get3A_11, %dot_general3A {dimension_numbers = #tpu.dot_dimension_numbers<[1], [0], [0], [1], [0, 0, 1, 1], [], []>, transpose_lhs_hint = false} : vector<1000x128xf32>, vector<128x128xf32>, vector<1000x128xf32> -> vector<1000x128xf32>
    %get3A_13 = arith.constant 0 : index
    %get3A_14 = arith.constant 0 : index
    %get3A_15 = vector.load %arg5[%get3A_13, %get3A_14] : memref<1x128xf32, #tpu.memory_space<vmem>>, vector<1x128xf32>
    %add3A = vector.broadcast %get3A_15 : vector<1x128xf32> to vector<1000x128xf32>
    %add3A_16 = arith.addf %dot_general3A_12, %add3A : vector<1000x128xf32>
    %max3A = arith.constant 0.000000e+00 : f32
    %max3A_17 = vector.broadcast %max3A : f32 to vector<1000x128xf32>
    %max3A_18 = arith.maximumf %add3A_16, %max3A_17 : vector<1000x128xf32>
    %mul3A_19 = vector.broadcast %get3A_1 : vector<1000x1xf32> to vector<1000x128xf32>
    %mul3A_20 = arith.mulf %max3A_18, %mul3A_19 : vector<1000x128xf32>
    %slice3A = vector.extract_strided_slice %mul3A_20 {offsets = [0, 0], sizes = [1000, 64], strides = [1, 1]} : vector<1000x128xf32> to vector<1000x64xf32>
    %swap3A = arith.constant 0 : index
    %swap3A_21 = arith.constant 0 : index
    %swap3A_22 = vector.load %arg6[%swap3A, %swap3A_21] : memref<1000x64xf32, #tpu.memory_space<vmem>>, vector<1000x64xf32>
    tpu.vector_store %arg6[%swap3A, %swap3A_21], %slice3A {strides = array<i32>} : memref<1000x64xf32, #tpu.memory_space<vmem>>, vector<1000x64xf32>,
    %slice3A_23 = vector.extract_strided_slice %mul3A_20 {offsets = [0, 64], sizes = [1000, 64], strides = [1, 1]} : vector<1000x128xf32> to vector<1000x64xf32>
    %swap3A_24 = arith.constant 0 : index
    %swap3A_25 = arith.constant 0 : index
    %swap3A_26 = vector.load %arg7[%swap3A_24, %swap3A_25] : memref<1000x64xf32, #tpu.memory_space<vmem>>, vector<1000x64xf32>
    tpu.vector_store %arg7[%swap3A_24, %swap3A_25], %slice3A_23 {strides = array<i32>} : memref<1000x64xf32, #tpu.memory_space<vmem>>, vector<1000x64xf32>,
    return
  }
  func.func @transform_0(%arg0: i32) -> (i32, i32) {
    %c0_i32 = arith.constant 0 : i32
    %c0_i32_0 = arith.constant 0 : i32
    return %arg0, %c0_i32 : i32, i32
  }
  func.func @transform_1(%arg0: i32) -> (i32, i32) {
    %c0_i32 = arith.constant 0 : i32
    %c0_i32_0 = arith.constant 0 : i32
    return %arg0, %c0_i32 : i32, i32
  }
  func.func @transform_2(%arg0: i32) -> (i32, i32) {
    %c0_i32 = arith.constant 0 : i32
    %c0_i32_0 = arith.constant 0 : i32
    return %arg0, %c0_i32 : i32, i32
  }
  func.func @transform_3(%arg0: i32) -> (i32, i32) {
    %c0_i32 = arith.constant 0 : i32
    %c0_i32_0 = arith.constant 0 : i32
    %c0_i32_1 = arith.constant 0 : i32
    return %c0_i32, %c0_i32_0 : i32, i32
  }
  func.func @transform_4(%arg0: i32) -> (i32, i32) {
    %c0_i32 = arith.constant 0 : i32
    %c0_i32_0 = arith.constant 0 : i32
    %c0_i32_1 = arith.constant 0 : i32
    return %c0_i32, %c0_i32_0 : i32, i32
  }
  func.func @transform_5(%arg0: i32) -> (i32, i32) {
    %c0_i32 = arith.constant 0 : i32
    %c0_i32_0 = arith.constant 0 : i32
    return %arg0, %c0_i32 : i32, i32
  }
  func.func @transform_6(%arg0: i32) -> (i32, i32) {
    %c0_i32 = arith.constant 0 : i32
    %c0_i32_0 = arith.constant 0 : i32
    return %arg0, %c0_i32 : i32, i32
  }
}

module attributes {stable_mosaic.version = 14 : i64} {
  func.func @_head_body(%arg0: i32, %arg1: memref<1000x64xf32, #tpu.memory_space<vmem>>, %arg2: memref<1000x64xf32, #tpu.memory_space<vmem>>, %arg3: memref<1000x16xf32, #tpu.memory_space<vmem>>, %arg4: memref<128x128xf32, #tpu.memory_space<vmem>>, %arg5: memref<1x128xf32, #tpu.memory_space<vmem>>, %arg6: memref<128x128xf32, #tpu.memory_space<vmem>>, %arg7: memref<1x128xf32, #tpu.memory_space<vmem>>, %arg8: memref<1x128xf32, #tpu.memory_space<vmem>>, %arg9: memref<1x1xf32, #tpu.memory_space<vmem>>, %arg10: memref<1x1xf32, #tpu.memory_space<vmem>>, %arg11: memref<1x128xf32, #tpu.memory_space<vmem>>) attributes {dimension_semantics = [#tpu.dimension_semantics<arbitrary>], iteration_bounds = array<i64: 10>, scalar_prefetch = 0 : i64, scratch_operands = 1 : i64, tpu.core_type = #tpu.core_type<tc>, window_params = [{transform_indices = @transform_0, window_bounds = array<i64: 1000, 64>}, {transform_indices = @transform_1, window_bounds = array<i64: 1000, 64>}, {transform_indices = @transform_2, window_bounds = array<i64: 1000, 16>}, {pipeline_mode = #tpu.pipeline_mode<synchronous>, transform_indices = @transform_3, window_bounds = array<i64: 128, 128>}, {pipeline_mode = #tpu.pipeline_mode<synchronous>, transform_indices = @transform_4, window_bounds = array<i64: 1, 128>}, {pipeline_mode = #tpu.pipeline_mode<synchronous>, transform_indices = @transform_5, window_bounds = array<i64: 128, 128>}, {pipeline_mode = #tpu.pipeline_mode<synchronous>, transform_indices = @transform_6, window_bounds = array<i64: 1, 128>}, {pipeline_mode = #tpu.pipeline_mode<synchronous>, transform_indices = @transform_7, window_bounds = array<i64: 1, 128>}, {pipeline_mode = #tpu.pipeline_mode<synchronous>, transform_indices = @transform_8, window_bounds = array<i64: 1, 1>}, {pipeline_mode = #tpu.pipeline_mode<synchronous>, transform_indices = @transform_9, window_bounds = array<i64: 1, 1>}]} {
    %eq3A = arith.constant 0 : i32
    %eq3A_0 = arith.cmpi eq, %arg0, %eq3A : i32
    %convert_element_type3A = arith.extui %eq3A_0 : i1 to i32
    %cond3A = arith.constant 0 : i32
    %cond3A_1 = arith.cmpi ne, %convert_element_type3A, %cond3A : i32
    scf.if %cond3A_1 {
      %broadcast_in_dim3A_33 = arith.constant 0.000000e+00 : f32
      %broadcast_in_dim3A_34 = vector.broadcast %broadcast_in_dim3A_33 : f32 to vector<1x128xf32>
      %swap3A_35 = arith.constant 0 : index
      %swap3A_36 = arith.constant 0 : index
      %swap3A_37 = vector.load %arg11[%swap3A_35, %swap3A_36] : memref<1x128xf32, #tpu.memory_space<vmem>>, vector<1x128xf32>
      tpu.vector_store %arg11[%swap3A_35, %swap3A_36], %broadcast_in_dim3A_34 {strides = array<i32>} : memref<1x128xf32, #tpu.memory_space<vmem>>, vector<1x128xf32>,
    } else {
    }
    %get3A = arith.constant 0 : index
    %get3A_2 = arith.constant 0 : index
    %get3A_3 = vector.load %arg3[%get3A, %get3A_2] : memref<1000x16xf32, #tpu.memory_space<vmem>>, vector<1000x1xf32>
    %get3A_4 = arith.constant 0 : index
    %get3A_5 = arith.constant 0 : index
    %get3A_6 = vector.load %arg1[%get3A_4, %get3A_5] : memref<1000x64xf32, #tpu.memory_space<vmem>>, vector<1000x64xf32>
    %get3A_7 = arith.constant 0 : index
    %get3A_8 = arith.constant 0 : index
    %get3A_9 = vector.load %arg2[%get3A_7, %get3A_8] : memref<1000x64xf32, #tpu.memory_space<vmem>>, vector<1000x64xf32>
    %concatenate3A = tpu.concatenate %get3A_6, %get3A_9 in 1 : vector<1000x64xf32>, vector<1000x64xf32> -> vector<1000x128xf32>
    %mul3A = vector.broadcast %get3A_3 : vector<1000x1xf32> to vector<1000x128xf32>
    %mul3A_10 = arith.mulf %concatenate3A, %mul3A : vector<1000x128xf32>
    %get3A_11 = arith.constant 0 : index
    %get3A_12 = arith.constant 0 : index
    %get3A_13 = vector.load %arg4[%get3A_11, %get3A_12] : memref<128x128xf32, #tpu.memory_space<vmem>>, vector<128x128xf32>
    %dot_general3A = arith.constant dense<0.000000e+00> : vector<1000x128xf32>
    %dot_general3A_14 = tpu.matmul %mul3A_10, %get3A_13, %dot_general3A {dimension_numbers = #tpu.dot_dimension_numbers<[1], [0], [0], [1], [0, 0, 1, 1], [], []>, transpose_lhs_hint = false} : vector<1000x128xf32>, vector<128x128xf32>, vector<1000x128xf32> -> vector<1000x128xf32>
    %get3A_15 = arith.constant 0 : index
    %get3A_16 = arith.constant 0 : index
    %get3A_17 = vector.load %arg5[%get3A_15, %get3A_16] : memref<1x128xf32, #tpu.memory_space<vmem>>, vector<1x128xf32>
    %add3A = vector.broadcast %get3A_17 : vector<1x128xf32> to vector<1000x128xf32>
    %add3A_18 = arith.addf %dot_general3A_14, %add3A : vector<1000x128xf32>
    %max3A = arith.constant 0.000000e+00 : f32
    %max3A_19 = vector.broadcast %max3A : f32 to vector<1000x128xf32>
    %max3A_20 = arith.maximumf %add3A_18, %max3A_19 : vector<1000x128xf32>
    %get3A_21 = arith.constant 0 : index
    %get3A_22 = arith.constant 0 : index
    %get3A_23 = vector.load %arg11[%get3A_21, %get3A_22] : memref<1x128xf32, #tpu.memory_space<vmem>>, vector<1x128xf32>
    %reduce_sum3A = arith.constant dense<0.000000e+00> : vector<128xf32>
    %reduce_sum3A_24 = vector.multi_reduction <add>, %max3A_20, %reduce_sum3A [0] : vector<1000x128xf32> to vector<128xf32>
    %broadcast_in_dim3A = vector.shape_cast %reduce_sum3A_24 : vector<128xf32> to vector<1x128xf32>
    %add3A_25 = arith.addf %get3A_23, %broadcast_in_dim3A : vector<1x128xf32>
    %swap3A = arith.constant 0 : index
    %swap3A_26 = arith.constant 0 : index
    %swap3A_27 = vector.load %arg11[%swap3A, %swap3A_26] : memref<1x128xf32, #tpu.memory_space<vmem>>, vector<1x128xf32>
    tpu.vector_store %arg11[%swap3A, %swap3A_26], %add3A_25 {strides = array<i32>} : memref<1x128xf32, #tpu.memory_space<vmem>>, vector<1x128xf32>,
    %eq3A_28 = arith.constant 9 : i32
    %eq3A_29 = arith.cmpi eq, %arg0, %eq3A_28 : i32
    %convert_element_type3A_30 = arith.extui %eq3A_29 : i1 to i32
    %cond3A_31 = arith.constant 0 : i32
    %cond3A_32 = arith.cmpi ne, %convert_element_type3A_30, %cond3A_31 : i32
    scf.if %cond3A_32 {
      %get3A_33 = arith.constant 0 : index
      %get3A_34 = arith.constant 0 : index
      %get3A_35 = vector.load %arg11[%get3A_33, %get3A_34] : memref<1x128xf32, #tpu.memory_space<vmem>>, vector<1x128xf32>
      %mul3A_36 = arith.constant 9.99999974E-5 : f32
      %mul3A_37 = vector.broadcast %mul3A_36 : f32 to vector<1x128xf32>
      %mul3A_38 = arith.mulf %get3A_35, %mul3A_37 : vector<1x128xf32>
      %get3A_39 = arith.constant 0 : index
      %get3A_40 = arith.constant 0 : index
      %get3A_41 = vector.load %arg6[%get3A_39, %get3A_40] : memref<128x128xf32, #tpu.memory_space<vmem>>, vector<128x128xf32>
      %dot_general3A_42 = arith.constant dense<0.000000e+00> : vector<1x128xf32>
      %dot_general3A_43 = tpu.matmul %mul3A_38, %get3A_41, %dot_general3A_42 {dimension_numbers = #tpu.dot_dimension_numbers<[1], [0], [0], [1], [0, 0, 1, 1], [], []>, transpose_lhs_hint = false} : vector<1x128xf32>, vector<128x128xf32>, vector<1x128xf32> -> vector<1x128xf32>
      %get3A_44 = arith.constant 0 : index
      %get3A_45 = arith.constant 0 : index
      %get3A_46 = vector.load %arg7[%get3A_44, %get3A_45] : memref<1x128xf32, #tpu.memory_space<vmem>>, vector<1x128xf32>
      %add3A_47 = arith.addf %dot_general3A_43, %get3A_46 : vector<1x128xf32>
      %max3A_48 = arith.constant 0.000000e+00 : f32
      %max3A_49 = vector.broadcast %max3A_48 : f32 to vector<1x128xf32>
      %max3A_50 = arith.maximumf %add3A_47, %max3A_49 : vector<1x128xf32>
      %get3A_51 = arith.constant 0 : index
      %get3A_52 = arith.constant 0 : index
      %get3A_53 = vector.load %arg8[%get3A_51, %get3A_52] : memref<1x128xf32, #tpu.memory_space<vmem>>, vector<1x128xf32>
      %mul3A_54 = arith.mulf %max3A_50, %get3A_53 : vector<1x128xf32>
      %reduce_sum3A_55 = arith.constant dense<0.000000e+00> : vector<1xf32>
      %reduce_sum3A_56 = vector.multi_reduction <add>, %mul3A_54, %reduce_sum3A_55 [1] : vector<1x128xf32> to vector<1xf32>
      %broadcast_in_dim3A_57 = vector.shape_cast %reduce_sum3A_56 : vector<1xf32> to vector<1x1xf32>
      %get3A_58 = arith.constant 0 : index
      %get3A_59 = arith.constant 0 : index
      %get3A_60 = vector.load %arg9[%get3A_58, %get3A_59] : memref<1x1xf32, #tpu.memory_space<vmem>>, vector<1x1xf32>
      %add3A_61 = arith.addf %broadcast_in_dim3A_57, %get3A_60 : vector<1x1xf32>
      %max3A_62 = arith.constant 0.000000e+00 : f32
      %max3A_63 = vector.broadcast %max3A_62 : f32 to vector<1x1xf32>
      %max3A_64 = arith.maximumf %add3A_61, %max3A_63 : vector<1x1xf32>
      %neg3A = arith.constant 0.000000e+00 : f32
      %neg3A_65 = vector.broadcast %neg3A : f32 to vector<1x1xf32>
      %neg3A_66 = arith.subf %neg3A_65, %max3A_64 : vector<1x1xf32>
      %exp3A = math.exp %neg3A_66 : vector<1x1xf32>
      %add3A_67 = arith.constant 1.000000e+00 : f32
      %add3A_68 = vector.broadcast %add3A_67 : f32 to vector<1x1xf32>
      %add3A_69 = arith.addf %add3A_68, %exp3A : vector<1x1xf32>
      %div3A = arith.constant 1.000000e+00 : f32
      %div3A_70 = vector.broadcast %div3A : f32 to vector<1x1xf32>
      %div3A_71 = arith.divf %div3A_70, %add3A_69 : vector<1x1xf32>
      %swap3A_72 = arith.constant 0 : index
      %swap3A_73 = arith.constant 0 : index
      %swap3A_74 = vector.load %arg10[%swap3A_72, %swap3A_73] : memref<1x1xf32, #tpu.memory_space<vmem>>, vector<1x1xf32>
      tpu.vector_store %arg10[%swap3A_72, %swap3A_73], %div3A_71 {strides = array<i32>} : memref<1x1xf32, #tpu.memory_space<vmem>>, vector<1x1xf32>,
    } else {
    }
    return
  }
  func.func @transform_0(%arg0: i32) -> (i32, i32) {
    %c0_i32 = arith.constant 0 : i32
    %c0_i32_0 = arith.constant 0 : i32
    return %arg0, %c0_i32 : i32, i32
  }
  func.func @transform_1(%arg0: i32) -> (i32, i32) {
    %c0_i32 = arith.constant 0 : i32
    %c0_i32_0 = arith.constant 0 : i32
    return %arg0, %c0_i32 : i32, i32
  }
  func.func @transform_2(%arg0: i32) -> (i32, i32) {
    %c0_i32 = arith.constant 0 : i32
    %c0_i32_0 = arith.constant 0 : i32
    return %arg0, %c0_i32 : i32, i32
  }
  func.func @transform_3(%arg0: i32) -> (i32, i32) {
    %c0_i32 = arith.constant 0 : i32
    %c0_i32_0 = arith.constant 0 : i32
    %c0_i32_1 = arith.constant 0 : i32
    return %c0_i32, %c0_i32_0 : i32, i32
  }
  func.func @transform_4(%arg0: i32) -> (i32, i32) {
    %c0_i32 = arith.constant 0 : i32
    %c0_i32_0 = arith.constant 0 : i32
    %c0_i32_1 = arith.constant 0 : i32
    return %c0_i32, %c0_i32_0 : i32, i32
  }
  func.func @transform_5(%arg0: i32) -> (i32, i32) {
    %c0_i32 = arith.constant 0 : i32
    %c0_i32_0 = arith.constant 0 : i32
    %c0_i32_1 = arith.constant 0 : i32
    return %c0_i32, %c0_i32_0 : i32, i32
  }
  func.func @transform_6(%arg0: i32) -> (i32, i32) {
    %c0_i32 = arith.constant 0 : i32
    %c0_i32_0 = arith.constant 0 : i32
    %c0_i32_1 = arith.constant 0 : i32
    return %c0_i32, %c0_i32_0 : i32, i32
  }
  func.func @transform_7(%arg0: i32) -> (i32, i32) {
    %c0_i32 = arith.constant 0 : i32
    %c0_i32_0 = arith.constant 0 : i32
    %c0_i32_1 = arith.constant 0 : i32
    return %c0_i32, %c0_i32_0 : i32, i32
  }
  func.func @transform_8(%arg0: i32) -> (i32, i32) {
    %c0_i32 = arith.constant 0 : i32
    %c0_i32_0 = arith.constant 0 : i32
    %c0_i32_1 = arith.constant 0 : i32
    return %c0_i32, %c0_i32_0 : i32, i32
  }
  func.func @transform_9(%arg0: i32) -> (i32, i32) {
    %c0_i32 = arith.constant 0 : i32
    %c0_i32_0 = arith.constant 0 : i32
    %c0_i32_1 = arith.constant 0 : i32
    return %c0_i32, %c0_i32_0 : i32, i32
  }
}

</mosaic_0001>

<sc_bundles>
// kernel: kernel.16.cloned.1.call-start
scs
__scs_entry_jumppad:
0x0: {  	(pc) =	sbr.rel $0x88, $3  }
0x1: {  	(tag) =	ssettag $0x0;
	lr =	simm.s32 $0x1  }
0x2: {  	[smem:$0x3F97] =	sst lr;
	_ =	strace $0xD0000000  }
0x3: {  	_ = 	snop  }
0x4: {  	_ = 	snop  }
0x5: {  	_ = 	snop  }
0x6: {  	_ = 	snop  }
0x7: {  	_ = 	snop  }
__scs_overlays_trampoline_lowered:
0x8: {  	[smem:$0x3FA6] =	sst s0  }
0x9: {  	[smem:$0x3FA7] =	sst s1  }
0xa: {  	[smem:$0x3FA8] =	sst s2  }
0xb: {  	[smem:$0x3FA9] =	sst s3  }
0xc: {  	[smem:$0x3FAA] =	sst s4  }
0xd: {  	[smem:$0x3FAB] =	sst s5  }
0xe: {  	[smem:$0x3FAC] =	sst s6  }
0xf: {  	[smem:$0x3FAD] =	sst s7  }
0x10: {  	[smem:$0x3FAE] =	sst s8  }
0x11: {  	[smem:$0x3FAF] =	sst s9;
	s0 =	simm.s32 @!p0 $0x0  }
0x12: {  	s1 =	sld [smem:$0x3F95];
	s0 =	simm.s32 @p0 $0x1  }
0x13: {  	[smem:$0x3FB0] =	sst s0;
	s0 =	simm.s32 @!p1 $0x0  }
0x14: {  	s2 =	sld [smem:$0x3F94];
	s0 =	simm.s32 @p1 $0x1  }
0x15: {  	[smem:$0x3FB1] =	sst s0;
	s0 =	simm.s32 @!p2 $0x0  }
0x16: {  	s3 =	sld [smem:$0x3FDB];
	s0 =	simm.s32 @p2 $0x1  }
0x17: {  	s4 =	simm.s32 $0x1BF5;
	[smem:$0x3FB3] =	sst s0  }
0x18: {  	s0 =	sld [smem:$0x3F96];
	_ =	swait.ge [sflag:s4], $0x0  }
0x19: {  	s7 =	sld [smem:$0x3F97]  }
0x1a: {  	s8 =	sadd.s32 $0xFFFFE003, lr  }
0x1b: {  	s9 =	sadd.s32 $0xFFFFFEF7, lr;
	s5 =	simm.s32 $0xFFFFFFFF;
	p2 =	slt.u32 s8, $0xFFFFF086  }
0x1c: {  	p1 =	slt.u32 s9, $0xF7A;
	s5 =	simm.s32 @!p2 $0x0  }
0x1d: {  	s5 =	simm.s32 @p1 $0x1;
	p0 =	seq.s32 s7, s2  }
0x1e: {  	s7 =	smul.u32 @!p0 $0xF7A, s2;
	p2 =	seq.s32 @!p0 s5, $0x0  }
0x1f: {  	s9 =	smul.u32 $0xF7A, s1;
	s8 =	simm.s32 @!p0 $0x1BF5;
	p2 =	por !p2, p0  }
0x20: {  	[sflag:s8] =	ssyncset.s32 @!p0 $0xFFFFF086;
	s6 =	sadd.s32 @!p0 s3, s7;
	s7 =	simm.s32 @!p0 $0x108  }
0x21: {  	s3 =	sadd.s32 s3, s9;
	s6 =	sadd.s32 @!p0 $0x88, s6;
	s7 =	simm.s32 @p2 $0x1082  }
0x22: {  	[simem:s7], [sflag:s8] =	dma.local @!p0 [hbm:s6], $0xF7A  }
0x23: {  	s9 =	sor.u32 $0xD0000000, s2;
	s6 =	simm.s32 $0x108;
	_ =	swait.ge @!p0 [sflag:s8], $0x0  }
0x24: {  	s3 =	sadd.s32 $0x88, s3;
	s6 =	simm.s32 @!p1 $0x1082;
	[sflag:s4] =	ssyncset.s32 $0xFFFFF086  }
0x25: {  	[simem:s6], [sflag:s4] =	dma.local [hbm:s3], $0xF7A  }
0x26: {  	[smem:$0x3F97] =	sst s1;
	(tag) =	ssettag s2;
	_ =	strace s9  }
0x27: {  	s1 =	sld [smem:$0x3FA7]  }
0x28: {  	s2 =	sld [smem:$0x3FA8]  }
0x29: {  	s4 =	sld [smem:$0x3FAA]  }
0x2a: {  	p0 =	seq.s32 s5, $0x0;
	s5 =	sld [smem:$0x3FAB]  }
0x2b: {  	s6 =	sld [smem:$0x3FAC]  }
0x2c: {  	s7 =	sld [smem:$0x3FAD]  }
0x2d: {  	s3 =	simm.s32 $0x108;
	s8 =	sld [smem:$0x3FAE]  }
0x2e: {  	s3 =	simm.s32 @!p0 $0x1082;
	s9 =	sld [smem:$0x3FAF]  }
0x2f: {  	lr =	sadd.s32 s0, s3;
	s0 =	sld [smem:$0x3FA6]  }
0x30: {  	s3 =	sld [smem:$0x3FA9]  }
0x31: {  	[smem:$0x3FB2] =	sst s10  }
0x32: {  	s10 =	sld [smem:$0x3FB0];
	_ =	sdelay $0x3  }
0x33: {  	p0 =	seq.s32 s10, $0x1;
	s10 =	sld [smem:$0x3FB2];
	_ =	sdelay $0x3  }
0x34: {  	[smem:$0x3FB2] =	sst s10  }
0x35: {  	s10 =	sld [smem:$0x3FB1];
	_ =	sdelay $0x3  }
0x36: {  	p1 =	seq.s32 s10, $0x1;
	s10 =	sld [smem:$0x3FB2];
	_ =	sdelay $0x3  }
0x37: {  	[smem:$0x3FB2] =	sst s10  }
0x38: {  	s10 =	sld [smem:$0x3FB3]  }
0x39: {  	_ = 	snop;
	(pc) =	sbr.ind lr, $3  }
0x3a: {  	_ = 	snop  }
0x3b: {  	_ = 	snop  }
0x3c: {  	p2 =	seq.s32 s10, $0x1;
	s10 =	sld [smem:$0x3FB2]  }
0x3d: {  	_ =	shalt  }
0x3e: {  	_ =	shalt  }
0x3f: {  	_ =	shalt  }
0x40: {  	_ =	shalt  }
0x41: {  	_ =	shalt  }
0x42: {  	_ =	shalt  }
0x43: {  	_ =	shalt  }
0x44: {  	_ =	shalt  }
0x45: {  	_ =	shalt  }
0x46: {  	_ =	shalt  }
0x47: {  	_ =	shalt  }
0x48: {  	_ =	shalt  }
0x49: {  	_ =	shalt  }
0x4a: {  	_ =	shalt  }
0x4b: {  	_ =	shalt  }
0x4c: {  	_ =	shalt  }
0x4d: {  	_ =	shalt  }
0x4e: {  	_ =	shalt  }
0x4f: {  	_ =	shalt  }
0x50: {  	_ =	shalt  }
0x51: {  	_ =	shalt  }
0x52: {  	_ =	shalt  }
0x53: {  	_ =	shalt  }
0x54: {  	_ =	shalt  }
0x55: {  	_ =	shalt  }
0x56: {  	_ =	shalt  }
0x57: {  	_ =	shalt  }
0x58: {  	_ =	shalt  }
0x59: {  	_ =	shalt  }
0x5a: {  	_ =	shalt  }
0x5b: {  	_ =	shalt  }
0x5c: {  	_ =	shalt  }
0x5d: {  	_ =	shalt  }
0x5e: {  	_ =	shalt  }
0x5f: {  	_ =	shalt  }
0x60: {  	_ =	shalt  }
0x61: {  	_ =	shalt  }
0x62: {  	_ =	shalt  }
0x63: {  	_ =	shalt  }
0x64: {  	_ =	shalt  }
0x65: {  	_ =	shalt  }
0x66: {  	_ =	shalt  }
0x67: {  	_ =	shalt  }
0x68: {  	_ =	shalt  }
0x69: {  	_ =	shalt  }
0x6a: {  	_ =	shalt  }
0x6b: {  	_ =	shalt  }
0x6c: {  	_ =	shalt  }
0x6d: {  	_ =	shalt  }
0x6e: {  	_ =	shalt  }
0x6f: {  	_ =	shalt  }
0x70: {  	_ =	shalt  }
0x71: {  	_ =	shalt  }
0x72: {  	_ =	shalt  }
0x73: {  	_ =	shalt  }
0x74: {  	_ =	shalt  }
0x75: {  	_ =	shalt  }
0x76: {  	_ =	shalt  }
0x77: {  	_ =	shalt  }
0x78: {  	_ =	shalt  }
0x79: {  	_ =	shalt  }
0x7a: {  	_ =	shalt  }
0x7b: {  	_ =	shalt  }
0x7c: {  	_ =	shalt  }
0x7d: {  	_ =	shalt  }
0x7e: {  	_ =	shalt  }
0x7f: {  	_ =	shalt  }
0x80: {  	_ =	shalt  }
0x81: {  	_ =	shalt  }
0x82: {  	_ =	shalt  }
0x83: {  	_ =	shalt  }
0x84: {  	_ =	shalt  }
0x85: {  	_ =	shalt  }
0x86: {  	_ =	shalt  }
0x87: {  	_ =	shalt  }
.Lfunc_end0:
.L_simem_size_0:
called_computation_lowered:
.L_overlay_start_0:
0x88: {  	s2 =	sld [smem:$0x3FD9]  }
0x89: {  	s3 =	sld [smem:$0x3FFE];
	_ =	sdelay $0x1  }
0x8a: {  	s1 =	srdreg.scid  }
0x8b: {  	s0 =	sand.u32 $0x1, s1  }
0x8c: {  	s16 =	sshll.u32 s0, $0xA;
	s2 =	sadd.s32 s3, s2  }
0x8d: {  	s2 =	sadd.s32 s2, s16  }
0x8e: {  	[smem:$0x3FBE] =	sst s2  }
0x8f: {  	_ = 	snop  }
0x90: {  	(tm) =	ssettm $0x1  }
0x91: {  	s17 =	sld [smem:$0x3FFB];
	_ =	sdelay $0x3  }
0x92: {  	_ =	strace s17  }
0x93: {  	s2 =	sld [smem:$0x3FFC];
	_ =	sdelay $0x3  }
0x94: {  	_ =	strace s2  }
0x95: {  	s2 =	sld [smem:$0x3FFD];
	_ =	sdelay $0x3  }
0x96: {  	_ =	strace s2  }
0x97: {  	_ =	strace $0x8FFFFFFF  }
0x98: {  	s18 =	sld [smem:$0x3FDB];
	_ =	sdelay $0x1  }
0x99: {  	s19 =	simm.s32 $_scs_section_size  }
0x9a: {  	s4 =	simm.s32 $_size__tile_overlayer_lowered;
	s5 =	simm.s32 $_tile_overlayer_lowered  }
0x9b: {  	s22 =	simm.s32 $0x1BFF;
	s21 =	sshll.u32 s5, $0x1;
	s2 =	sadd.s32 s19, s18  }
0x9c: {  	s6 =	simm.s32 $0x0;
	s20 =	sshll.u32 s4, $0x1;
	s4 =	sadd.s32 s21, s2  }
0x9d: {  	[timem:s6], [sflag:s22] =	dma.local [hbm:s4], s20  }
0x9e: {  	_ =	swait.ge [sflag:s22], s20  }
0x9f: {  	s3 =	ssub.s32 $0x0, s20;
	[sflag:s22] =	ssyncset.done $0x0  }
0xa0: {  	[sflag:s22] =	ssyncadd.s32 s3;
	_ =	sdelay $0x1  }
0xa1: {  	s23 =	simm.s32 $0x1B8B  }
0xa2: {  	_ =	swait.ge [sflag:s23], $0x1  }
0xa3: {  	[sflag:s23] =	ssyncset.done $0x0  }
0xa4: {  	s25 =	simm.s32 $0x1B8E;
	s24 =	sld [smem:$0x3FFE];
	[sflag:s23] =	ssyncadd.s32 $0xFFFFFFFF  }
0xa5: {  	s26 =	simm.s32 $execute0_lowered;
	[smem:$0x3FD2] =	sst s25  }
0xa6: {  	s4 =	sshll.u32 s26, $0x1;
	_ =	strace $0x80000046;
	[dreg:$0x1] =	wrdreg $0xFFFFFFFF  }
0xa7: {  	s28 =	simm.s32 $_size_execute0_lowered;
	s2 =	sadd.s32 s2, s4;
	[dreg:$0x0] =	wrdreg $0x0  }
0xa8: {  	s4 =	sshll.u32 s28, $0x1;
	[dreg:$0x2] =	wrdreg s2  }
0xa9: {  	[dreg:$0x3] =	wrdreg s4  }
0xaa: {  	[dreg:$0x4] =	wrdreg $0xC0  }
0xab: {  	_ =	task [dreg:s6], $0x5FFFF  }
0xac: {  	[dreg:$0x1] =	wrdreg $0xFFFFFFFF  }
0xad: {  	[dreg:$0x0] =	wrdreg $0x60  }
0xae: {  	[dreg:$0x2] =	wrdreg s24  }
0xaf: {  	[dreg:$0x3] =	wrdreg $0x8900  }
0xb0: {  	[dreg:$0x4] =	wrdreg $0x9  }
0xb1: {  	_ =	task.clear_ibuf [dreg:s6], $0x5FFFF;
	_ =	strace $0x90000046  }
0xb2: {  	s29 =	simm.s32 $0x9;
	_ =	strace $0x80000048  }
0xb3: {  	_ =	swait.ge [sflag:s29], $0x1  }
0xb4: {  	[sflag:s29] =	ssyncadd.s32 $0xFFFFFFFF  }
0xb5: {  	_ =	strace $0x90000048  }
0xb6: {  	_ =	sfence  }
0xb7: {  	s30 =	sld [smem:$0x0];
	_ =	sdelay $0x2  }
0xb8: {  	s31 =	sshll.u32 s1, $0xD;
	s1 =	sshrl.u32 s1, $0x2  }
0xb9: {  	s3 =	sand.u32 $0x4000, s31;
	s1 =	sadd.s32 s1, s30  }
0xba: {  	s0 =	sor.u32 s3, s0;
	s1 =	sshll.u32 s1, $0x11  }
0xbb: {  	s0 =	sor.u32 s1, s0  }
0xbc: {  	s0 =	sadd.s32 $0x8F2B, s0  }
0xbd: {  	[sflag:s0] =	ssyncadd.remote.s32 $0x1  }
0xbe: {  	_ =	sfence.sel $0xFFFF  }
0xbf: {  	[dreg:$0x0] =	wrdreg $0xFFFFFFFF;
	(pc) =	sbr.abs _section_cstart, $3  }
0xc0: {  	[dreg:$0x1] =	wrdreg $0xFFFFFFFF  }
0xc1: {  	_ =	task.clear_ibuf [dreg:s6], $0x2FFFF;
	_ =	strace $0x9FFFFFFF  }
0xc2: {  	(tm) =	ssettm $0x7FFFFFFF  }
0xc3: {  	_ =	shalt  }
tec
execute0_lowered:
.L_overlay_start_1:
0x0: {  	(tag) =	ssettag $0x1  }
0x1: {  	s6 =	rddreg [dreg:$0x0]  }
0x2: {  	s1 =	rddreg [dreg:$0x1]  }
0x3: {  	s0 =	rddreg [dreg:$0x2];
	s3 =	simm.s32 $0x0  }
0x4: {  	s4 =	srdreg.scid;
	s2 =	stileid.u32;
	s15 =	simm.s32 $0x10  }
0x5: {  	s16 =	simm.s32 $0x0;
	[smem:$0x7FF] =	sst s3;
	s8 =	smul.u32 $0x4E2, s2  }
0x6: {  	s7 =	sand.u32 $0x1, s4;
	s10 =	sadd.s32 $0x10400, s6;
	s11 =	smul.u32 $0x9C40, s2  }
0x7: {  	s4 =	sadd.s32 $0x1A200, s6;
	s13 =	smul.u32 $0x2710, s2;
	s31 =	sshll.u32 s2, $0x6  }
0x8: {  	_ =	strace $0x80000047;
	s9 =	smul.u32 $0x4E20, s7;
	s5 =	sshll.u32 s7, $0x4  }
0x9: {  	s28 =	ssub.s32 $0x2, s7;
	s7 =	smul.u32 $0x27100, s7;
	s12 =	sor.u32 s2, s5  }
0xa: {  	s5 =	sadd.s32 $0x1A800, s6;
	s29 =	sshrl.u32 s28, $0x1;
	s11 =	sshrl.u32 s11, $0x2  }
0xb: {  	s8 =	sadd.s32 s8, s9;
	s26 =	smul.u32 $0x2710, s12;
	s12 =	ssub.s32 s28, s29  }
0xc: {  	s11 =	sadd.s32 s11, s1;
	s13 =	sadd.s32 s13, s7;
	s8 =	sadd.s32 s8, s6  }
0xd: {  	s6 =	sor.u32 $0x1C01, s31;
	s13 =	sshrl.u32 s13, $0x3;
	s9 =	smax.u32 s12, $0x1  }
0xe: {  	s11 =	sshrl.u32 s11, $0x3;
	s12 =	simm.s32 $0x1;
	s30 =	sshrl.u32 s26, $0x3  }
0xf: {  	s8 =	sadd.s32 $0x1AA00, s8;
	s14 =	sadd.s32 s10, s30;
	s10 =	sadd.s32 s13, s10  }
0x10: {  	s13 =	simm.s32 $0x90;
	s7 =	sadd.s32 $0x4E0, s14;
	s14 =	simm.s32 $0x80  }
.LBB2_1:
0x11: {  	[spmem:s11], [sflag:s6] =	dma.local [hbm:s4], $0x4E2  }
0x12: {  	_ =	swait.ge [sflag:s12], $0x4E2  }
0x13: {  	[sflag:s12] =	ssyncset.done $0x0  }
0x14: {  	[sflag:s12] =	ssyncadd.s32 $0xFFFFFB1E  }
0x15: {  	[tilespmem:s13], [sflag:$0x1] =	stream.linear.gather [hbm4b:s5+s3], $0x800, $0x38;
	[tilespmem:$0x2FA0] =	vst v63  }
0x16: {  	_ =	swait.ge [sflag:s12], $0x800  }
0x17: {  	[sflag:s12] =	ssyncset.done $0x0  }
0x18: {  	[sflag:s12] =	ssyncadd.s32 $0xFFFFF800  }
0x19: {  	s17 =	sadd.s32 $0x0, s10;
	[bflag:$0x0] =	sbarrier.arrive $0xFFFF  }
0x1a: {  	[tilespmem:s3], [sflag:$0x1] =	stream.linear.gather [hbm4b:s17+s3], $0x80, $0x38;
	[tilespmem:$0x2FA0] =	vst v63  }
0x1b: {  	_ =	swait.ge [sflag:s12], $0x80  }
0x1c: {  	[sflag:s12] =	ssyncset.done $0x0  }
0x1d: {  	[sflag:s12] =	ssyncadd.s32 $0xFFFFFF80  }
0x1e: {  	[spmem:s1] =	stream.indirect.scatter.add.f32 [tilespmem:s13], [sflag:$0x1], $0x10, s3, s14, $0xb8;
	[tilespmem:$0x2FA0] =	vst v63  }
0x1f: {  	_ =	swait.ge [sflag:s12], $0x800  }
0x20: {  	s18 =	simm.s32 $0x20;
	s17 =	simm.s32 $0x10;
	[sflag:s12] =	ssyncset.done $0x0  }
.LBB2_2:
0x21: {  	s19 =	sadd.s32 s17, s10  }
0x22: {  	[sflag:s12] =	ssyncadd.s32 $0xFFFFF800;
	s17 =	smov.u32 s18;
	s20 =	sadd.s32 $0x10, s18  }
0x23: {  	[tilespmem:s3], [sflag:$0x1] =	stream.linear.gather [hbm4b:s19+s3], $0x80, $0x38;
	[tilespmem:$0x2FA0] =	vst v63  }
0x24: {  	p0 =	sne.s32 s18, $0x4D0;
	_ =	swait.ge [sflag:s12], $0x80  }
.Ltmp0:
0x25: {  	[sflag:s12] =	ssyncset.done $0x0;
	(pc) =	sbr.rel @p0 .LBB2_2-.Ltmp0, $4  }
0x26: {  	[sflag:s12] =	ssyncadd.s32 $0xFFFFFF80  }
0x27: {  	[spmem:s1] =	stream.indirect.scatter.add.f32 [tilespmem:s13], [sflag:$0x1], $0x10, s3, s14, $0xb8;
	[tilespmem:$0x2FA0] =	vst v63  }
0x28: {  	_ =	swait.ge [sflag:s12], $0x800  }
0x29: {  	s18 =	smov.u32 s20;
	[sflag:s12] =	ssyncset.done $0x0  }
0x2a: {  	s17 =	sadd.s32 s17, s10;
	[sflag:s12] =	ssyncadd.s32 $0xFFFFF800  }
0x2b: {  	[tilespmem:s3], [sflag:$0x1] =	stream.linear.gather [hbm4b:s17+s3], $0x80, $0x38;
	[tilespmem:$0x2FA0] =	vst v63  }
0x2c: {  	_ =	swait.ge [sflag:s12], $0x80  }
0x2d: {  	[sflag:s12] =	ssyncset.done $0x0  }
0x2e: {  	[sflag:s12] =	ssyncadd.s32 $0xFFFFFF80  }
0x2f: {  	[spmem:s1] =	stream.indirect.scatter.add.f32 [tilespmem:s13], [sflag:$0x1], $0x10, s3, s14, $0xb8;
	[tilespmem:$0x2FA0] =	vst v63  }
0x30: {  	_ =	swait.ge [sflag:s12], $0x800  }
0x31: {  	[sflag:s12] =	ssyncset.done $0x0  }
0x32: {  	[sflag:s12] =	ssyncadd.s32 $0xFFFFF800  }
0x33: {  	[tilespmem:s14], [sflag:$0x1] =	stream.linear.gather [hbm4b:s7+s3], $0x10, $0x38;
	[tilespmem:$0x2FA0] =	vst v63  }
0x34: {  	_ =	swait.ge [sflag:s12], $0x10  }
0x35: {  	[sflag:s12] =	ssyncset.done $0x0  }
0x36: {  	[sflag:s12] =	ssyncadd.s32 $0xFFFFFFF0  }
0x37: {  	[spmem:s1] =	stream.indirect.scatter.add.f32 [tilespmem:s13], [sflag:$0x1], $0x10, s14, s15, $0xb8;
	[tilespmem:$0x2FA0] =	vst v63  }
0x38: {  	_ =	swait.ge [sflag:s12], $0x100  }
0x39: {  	s16 =	sadd.s32 $0x1, s16;
	[sflag:s12] =	ssyncset.done $0x0  }
0x3a: {  	p0 =	sne.s32 s16, s9;
	[sflag:s12] =	ssyncadd.s32 $0xFFFFFF00  }
.Ltmp1:
0x3b: {  	[bflag:$0x0] =	sbarrier.arrive $0xFFFF;
	(pc) =	sbr.rel @p0 .LBB2_1-.Ltmp1, $4  }
0x3c: {  	[hbm:s8], [sflag:s6] =	dma.local [spmem:s11], $0x4E2  }
0x3d: {  	_ =	swait.ge [sflag:s12], $0x4E2  }
0x3e: {  	[sflag:s12] =	ssyncset.done $0x0  }
0x3f: {  	[sflag:s12] =	ssyncadd.s32 $0xFFFFFB1E  }
0x40: {  	_ =	sfence.sel $0x180000  }
0x41: {  	[bflag:$0x0] =	sbarrier.arrive $0xFFFF  }
0x42: {  	p0 =	sne.s32 s2, $0x0;
	_ =	strace $0x90000047  }
0x43: {  	s0 =	sadd.s32 @!p0 $0x100000, s0;
	[bflag:$0x2] =	sbarrier.arrive $0xFFFF  }
0x44: {  	[sflag:s0] =	ssyncadd.tile.s32 @!p0 $0x1;
	_ =	shalt  }
.Lfunc_end2:
_tile_overlayer_lowered:
.L_overlay_start_2:
0x45: {  	(tag) =	ssettag $0x2  }
0x46: {  	s0 =	rddreg [dreg:$0x0];
	s2 =	stileid.u32  }
0x47: {  	s1 =	rddreg [dreg:$0x1];
	p0 =	sne.s32 s2, $0x0  }
0x48: {  	s3 =	rddreg [dreg:$0x2];
	[bflag:$0x3] =	sbarrier.arrive $0xFFFF;
	s2 =	simm.s32 @!p0 $0x1C01  }
0x49: {  	[timem:s3], [sflag:s2] =	dma.local @!p0 [hbm:s0], s1  }
0x4a: {  	s0 =	simm.s32 @!p0 $0x1  }
0x4b: {  	_ =	swait.ge @!p0 [sflag:s0], s1  }
0x4c: {  	s1 =	ssub.s32 @!p0 $0x0, s1;
	[sflag:s0] =	ssyncset.done @!p0 $0x0  }
0x4d: {  	[sflag:s0] =	ssyncadd.s32 @!p0 s1  }
0x4e: {  	[bflag:$0x3] =	sbarrier.arrive $0xFFFF  }
0x4f: {  	_ =	shalt  }

// kernel: kernel.19.cloned.1.call-start
scs
__scs_entry_jumppad:
0x0: {  	(pc) =	sbr.rel $0x88, $3  }
0x1: {  	(tag) =	ssettag $0x0;
	lr =	simm.s32 $0x1  }
0x2: {  	[smem:$0x3F97] =	sst lr;
	_ =	strace $0xD0000000  }
0x3: {  	_ = 	snop  }
0x4: {  	_ = 	snop  }
0x5: {  	_ = 	snop  }
0x6: {  	_ = 	snop  }
0x7: {  	_ = 	snop  }
__scs_overlays_trampoline_lowered:
0x8: {  	[smem:$0x3FA6] =	sst s0  }
0x9: {  	[smem:$0x3FA7] =	sst s1  }
0xa: {  	[smem:$0x3FA8] =	sst s2  }
0xb: {  	[smem:$0x3FA9] =	sst s3  }
0xc: {  	[smem:$0x3FAA] =	sst s4  }
0xd: {  	[smem:$0x3FAB] =	sst s5  }
0xe: {  	[smem:$0x3FAC] =	sst s6  }
0xf: {  	[smem:$0x3FAD] =	sst s7  }
0x10: {  	[smem:$0x3FAE] =	sst s8  }
0x11: {  	[smem:$0x3FAF] =	sst s9;
	s0 =	simm.s32 @!p0 $0x0  }
0x12: {  	s1 =	sld [smem:$0x3F95];
	s0 =	simm.s32 @p0 $0x1  }
0x13: {  	[smem:$0x3FB0] =	sst s0;
	s0 =	simm.s32 @!p1 $0x0  }
0x14: {  	s2 =	sld [smem:$0x3F94];
	s0 =	simm.s32 @p1 $0x1  }
0x15: {  	[smem:$0x3FB1] =	sst s0;
	s0 =	simm.s32 @!p2 $0x0  }
0x16: {  	s3 =	sld [smem:$0x3FDB];
	s0 =	simm.s32 @p2 $0x1  }
0x17: {  	s4 =	simm.s32 $0x1BF5;
	[smem:$0x3FB3] =	sst s0  }
0x18: {  	s0 =	sld [smem:$0x3F96];
	_ =	swait.ge [sflag:s4], $0x0  }
0x19: {  	s7 =	sld [smem:$0x3F97]  }
0x1a: {  	s8 =	sadd.s32 $0xFFFFE003, lr  }
0x1b: {  	s9 =	sadd.s32 $0xFFFFFEF7, lr;
	s5 =	simm.s32 $0xFFFFFFFF;
	p2 =	slt.u32 s8, $0xFFFFF086  }
0x1c: {  	p1 =	slt.u32 s9, $0xF7A;
	s5 =	simm.s32 @!p2 $0x0  }
0x1d: {  	s5 =	simm.s32 @p1 $0x1;
	p0 =	seq.s32 s7, s2  }
0x1e: {  	s7 =	smul.u32 @!p0 $0xF7A, s2;
	p2 =	seq.s32 @!p0 s5, $0x0  }
0x1f: {  	s9 =	smul.u32 $0xF7A, s1;
	s8 =	simm.s32 @!p0 $0x1BF5;
	p2 =	por !p2, p0  }
0x20: {  	[sflag:s8] =	ssyncset.s32 @!p0 $0xFFFFF086;
	s6 =	sadd.s32 @!p0 s3, s7;
	s7 =	simm.s32 @!p0 $0x108  }
0x21: {  	s3 =	sadd.s32 s3, s9;
	s6 =	sadd.s32 @!p0 $0x88, s6;
	s7 =	simm.s32 @p2 $0x1082  }
0x22: {  	[simem:s7], [sflag:s8] =	dma.local @!p0 [hbm:s6], $0xF7A  }
0x23: {  	s9 =	sor.u32 $0xD0000000, s2;
	s6 =	simm.s32 $0x108;
	_ =	swait.ge @!p0 [sflag:s8], $0x0  }
0x24: {  	s3 =	sadd.s32 $0x88, s3;
	s6 =	simm.s32 @!p1 $0x1082;
	[sflag:s4] =	ssyncset.s32 $0xFFFFF086  }
0x25: {  	[simem:s6], [sflag:s4] =	dma.local [hbm:s3], $0xF7A  }
0x26: {  	[smem:$0x3F97] =	sst s1;
	(tag) =	ssettag s2;
	_ =	strace s9  }
0x27: {  	s1 =	sld [smem:$0x3FA7]  }
0x28: {  	s2 =	sld [smem:$0x3FA8]  }
0x29: {  	s4 =	sld [smem:$0x3FAA]  }
0x2a: {  	p0 =	seq.s32 s5, $0x0;
	s5 =	sld [smem:$0x3FAB]  }
0x2b: {  	s6 =	sld [smem:$0x3FAC]  }
0x2c: {  	s7 =	sld [smem:$0x3FAD]  }
0x2d: {  	s3 =	simm.s32 $0x108;
	s8 =	sld [smem:$0x3FAE]  }
0x2e: {  	s3 =	simm.s32 @!p0 $0x1082;
	s9 =	sld [smem:$0x3FAF]  }
0x2f: {  	lr =	sadd.s32 s0, s3;
	s0 =	sld [smem:$0x3FA6]  }
0x30: {  	s3 =	sld [smem:$0x3FA9]  }
0x31: {  	[smem:$0x3FB2] =	sst s10  }
0x32: {  	s10 =	sld [smem:$0x3FB0];
	_ =	sdelay $0x3  }
0x33: {  	p0 =	seq.s32 s10, $0x1;
	s10 =	sld [smem:$0x3FB2];
	_ =	sdelay $0x3  }
0x34: {  	[smem:$0x3FB2] =	sst s10  }
0x35: {  	s10 =	sld [smem:$0x3FB1];
	_ =	sdelay $0x3  }
0x36: {  	p1 =	seq.s32 s10, $0x1;
	s10 =	sld [smem:$0x3FB2];
	_ =	sdelay $0x3  }
0x37: {  	[smem:$0x3FB2] =	sst s10  }
0x38: {  	s10 =	sld [smem:$0x3FB3]  }
0x39: {  	_ = 	snop;
	(pc) =	sbr.ind lr, $3  }
0x3a: {  	_ = 	snop  }
0x3b: {  	_ = 	snop  }
0x3c: {  	p2 =	seq.s32 s10, $0x1;
	s10 =	sld [smem:$0x3FB2]  }
0x3d: {  	_ =	shalt  }
0x3e: {  	_ =	shalt  }
0x3f: {  	_ =	shalt  }
0x40: {  	_ =	shalt  }
0x41: {  	_ =	shalt  }
0x42: {  	_ =	shalt  }
0x43: {  	_ =	shalt  }
0x44: {  	_ =	shalt  }
0x45: {  	_ =	shalt  }
0x46: {  	_ =	shalt  }
0x47: {  	_ =	shalt  }
0x48: {  	_ =	shalt  }
0x49: {  	_ =	shalt  }
0x4a: {  	_ =	shalt  }
0x4b: {  	_ =	shalt  }
0x4c: {  	_ =	shalt  }
0x4d: {  	_ =	shalt  }
0x4e: {  	_ =	shalt  }
0x4f: {  	_ =	shalt  }
0x50: {  	_ =	shalt  }
0x51: {  	_ =	shalt  }
0x52: {  	_ =	shalt  }
0x53: {  	_ =	shalt  }
0x54: {  	_ =	shalt  }
0x55: {  	_ =	shalt  }
0x56: {  	_ =	shalt  }
0x57: {  	_ =	shalt  }
0x58: {  	_ =	shalt  }
0x59: {  	_ =	shalt  }
0x5a: {  	_ =	shalt  }
0x5b: {  	_ =	shalt  }
0x5c: {  	_ =	shalt  }
0x5d: {  	_ =	shalt  }
0x5e: {  	_ =	shalt  }
0x5f: {  	_ =	shalt  }
0x60: {  	_ =	shalt  }
0x61: {  	_ =	shalt  }
0x62: {  	_ =	shalt  }
0x63: {  	_ =	shalt  }
0x64: {  	_ =	shalt  }
0x65: {  	_ =	shalt  }
0x66: {  	_ =	shalt  }
0x67: {  	_ =	shalt  }
0x68: {  	_ =	shalt  }
0x69: {  	_ =	shalt  }
0x6a: {  	_ =	shalt  }
0x6b: {  	_ =	shalt  }
0x6c: {  	_ =	shalt  }
0x6d: {  	_ =	shalt  }
0x6e: {  	_ =	shalt  }
0x6f: {  	_ =	shalt  }
0x70: {  	_ =	shalt  }
0x71: {  	_ =	shalt  }
0x72: {  	_ =	shalt  }
0x73: {  	_ =	shalt  }
0x74: {  	_ =	shalt  }
0x75: {  	_ =	shalt  }
0x76: {  	_ =	shalt  }
0x77: {  	_ =	shalt  }
0x78: {  	_ =	shalt  }
0x79: {  	_ =	shalt  }
0x7a: {  	_ =	shalt  }
0x7b: {  	_ =	shalt  }
0x7c: {  	_ =	shalt  }
0x7d: {  	_ =	shalt  }
0x7e: {  	_ =	shalt  }
0x7f: {  	_ =	shalt  }
0x80: {  	_ =	shalt  }
0x81: {  	_ =	shalt  }
0x82: {  	_ =	shalt  }
0x83: {  	_ =	shalt  }
0x84: {  	_ =	shalt  }
0x85: {  	_ =	shalt  }
0x86: {  	_ =	shalt  }
0x87: {  	_ =	shalt  }
.Lfunc_end0:
.L_simem_size_0:
called_computation.1_lowered:
.L_overlay_start_0:
0x88: {  	s2 =	sld [smem:$0x3FD9]  }
0x89: {  	s3 =	sld [smem:$0x3FFE];
	_ =	sdelay $0x1  }
0x8a: {  	s1 =	srdreg.scid  }
0x8b: {  	s0 =	sand.u32 $0x1, s1  }
0x8c: {  	s16 =	sshll.u32 s0, $0xA;
	s2 =	sadd.s32 s3, s2  }
0x8d: {  	s2 =	sadd.s32 s2, s16  }
0x8e: {  	[smem:$0x3FBE] =	sst s2  }
0x8f: {  	_ = 	snop  }
0x90: {  	(tm) =	ssettm $0x1  }
0x91: {  	s17 =	sld [smem:$0x3FFB];
	_ =	sdelay $0x3  }
0x92: {  	_ =	strace s17  }
0x93: {  	s2 =	sld [smem:$0x3FFC];
	_ =	sdelay $0x3  }
0x94: {  	_ =	strace s2  }
0x95: {  	s2 =	sld [smem:$0x3FFD];
	_ =	sdelay $0x3  }
0x96: {  	_ =	strace s2  }
0x97: {  	_ =	strace $0x8FFFFFFF  }
0x98: {  	s18 =	sld [smem:$0x3FDB];
	_ =	sdelay $0x1  }
0x99: {  	s19 =	simm.s32 $_scs_section_size  }
0x9a: {  	s4 =	simm.s32 $_size__tile_overlayer_lowered;
	s5 =	simm.s32 $_tile_overlayer_lowered  }
0x9b: {  	s22 =	simm.s32 $0x1BFF;
	s21 =	sshll.u32 s5, $0x1;
	s2 =	sadd.s32 s19, s18  }
0x9c: {  	s6 =	simm.s32 $0x0;
	s20 =	sshll.u32 s4, $0x1;
	s4 =	sadd.s32 s21, s2  }
0x9d: {  	[timem:s6], [sflag:s22] =	dma.local [hbm:s4], s20  }
0x9e: {  	_ =	swait.ge [sflag:s22], s20  }
0x9f: {  	s3 =	ssub.s32 $0x0, s20;
	[sflag:s22] =	ssyncset.done $0x0  }
0xa0: {  	[sflag:s22] =	ssyncadd.s32 s3;
	_ =	sdelay $0x1  }
0xa1: {  	s23 =	simm.s32 $0x1B8B  }
0xa2: {  	_ =	swait.ge [sflag:s23], $0x1  }
0xa3: {  	[sflag:s23] =	ssyncset.done $0x0  }
0xa4: {  	s25 =	simm.s32 $0x1B8E;
	s24 =	sld [smem:$0x3FFE];
	[sflag:s23] =	ssyncadd.s32 $0xFFFFFFFF  }
0xa5: {  	s26 =	simm.s32 $execute0_lowered;
	[smem:$0x3FD2] =	sst s25  }
0xa6: {  	s4 =	sshll.u32 s26, $0x1;
	_ =	strace $0x80000049;
	[dreg:$0x1] =	wrdreg $0xFFFFFFFF  }
0xa7: {  	s28 =	simm.s32 $_size_execute0_lowered;
	s2 =	sadd.s32 s2, s4;
	[dreg:$0x0] =	wrdreg $0x0  }
0xa8: {  	s4 =	sshll.u32 s28, $0x1;
	[dreg:$0x2] =	wrdreg s2  }
0xa9: {  	[dreg:$0x3] =	wrdreg s4  }
0xaa: {  	[dreg:$0x4] =	wrdreg $0xC0  }
0xab: {  	_ =	task [dreg:s6], $0x5FFFF  }
0xac: {  	[dreg:$0x1] =	wrdreg $0xFFFFFFFF  }
0xad: {  	[dreg:$0x0] =	wrdreg $0x60  }
0xae: {  	[dreg:$0x2] =	wrdreg s24  }
0xaf: {  	[dreg:$0x3] =	wrdreg $0x21400  }
0xb0: {  	[dreg:$0x4] =	wrdreg $0x9  }
0xb1: {  	_ =	task.clear_ibuf [dreg:s6], $0x5FFFF;
	_ =	strace $0x90000049  }
0xb2: {  	s29 =	simm.s32 $0x9;
	_ =	strace $0x8000004B  }
0xb3: {  	_ =	swait.ge [sflag:s29], $0x1  }
0xb4: {  	[sflag:s29] =	ssyncadd.s32 $0xFFFFFFFF  }
0xb5: {  	_ =	strace $0x9000004B  }
0xb6: {  	_ =	sfence  }
0xb7: {  	s30 =	sld [smem:$0x0];
	_ =	sdelay $0x2  }
0xb8: {  	s31 =	sshll.u32 s1, $0xD;
	s1 =	sshrl.u32 s1, $0x2  }
0xb9: {  	s3 =	sand.u32 $0x4000, s31;
	s1 =	sadd.s32 s1, s30  }
0xba: {  	s0 =	sor.u32 s3, s0;
	s1 =	sshll.u32 s1, $0x11  }
0xbb: {  	s0 =	sor.u32 s1, s0  }
0xbc: {  	s0 =	sadd.s32 $0x8F2B, s0  }
0xbd: {  	[sflag:s0] =	ssyncadd.remote.s32 $0x1  }
0xbe: {  	_ =	sfence.sel $0xFFFF  }
0xbf: {  	[dreg:$0x0] =	wrdreg $0xFFFFFFFF;
	(pc) =	sbr.abs _section_cstart, $3  }
0xc0: {  	[dreg:$0x1] =	wrdreg $0xFFFFFFFF  }
0xc1: {  	_ =	task.clear_ibuf [dreg:s6], $0x2FFFF;
	_ =	strace $0x9FFFFFFF  }
0xc2: {  	(tm) =	ssettm $0x7FFFFFFF  }
0xc3: {  	_ =	shalt  }
tec
execute0_lowered:
.L_overlay_start_1:
0x0: {  	(tag) =	ssettag $0x1  }
0x1: {  	s8 =	rddreg [dreg:$0x0]  }
0x2: {  	s1 =	rddreg [dreg:$0x1]  }
0x3: {  	s0 =	rddreg [dreg:$0x2];
	s2 =	simm.s32 $0x0;
	s6 =	srdreg.scid  }
0x4: {  	s4 =	stileid.u32;
	s19 =	simm.s32 $0x140;
	s20 =	simm.s32 $0x1  }
0x5: {  	s21 =	simm.s32 $0x100;
	s22 =	simm.s32 $0x120;
	s23 =	simm.s32 $0x20  }
0x6: {  	s24 =	simm.s32 $0x0;
	[smem:$0x7FF] =	sst s2;
	s3 =	sadd.s32 $0x54E00, s8  }
0x7: {  	s5 =	sadd.s32 $0x41400, s8;
	s15 =	sadd.s32 $0x6600, s8;
	s14 =	sadd.s32 $0x10400, s8  }
0x8: {  	s16 =	sand.u32 $0x1, s6;
	s6 =	sadd.s32 $0x68800, s8;
	s10 =	smul.u32 $0x4E20, s4  }
0x9: {  	s7 =	sadd.s32 $0x7D600, s8;
	s12 =	smul.u32 $0x9C40, s4;
	s8 =	sadd.s32 $0x69C00, s8  }
0xa: {  	s30 =	sshll.u32 s4, $0x6;
	s18 =	smul.u32 $0x9C4, s4;
	s9 =	ssub.s32 $0x2, s16  }
0xb: {  	_ =	strace $0x8000004A;
	p0 =	sne.s32 s16, $0x0;
	s11 =	sshrl.u32 s9, $0x1  }
.Ltmp0:
0xc: {  	s29 =	sshrl.u32 s10, $0x3;
	s17 =	sadd.s32 s12, s1;
	(pc) =	sbr.rel .LBB2_1-.Ltmp0, $4  }
0xd: {  	s12 =	sshrl.u32 s12, $0x3;
	s13 =	ssub.s32 s9, s11;
	s31 =	sadd.s32 $0x9C0, s29  }
0xe: {  	s9 =	sor.u32 $0x1C02, s30;
	s16 =	sshrl.u32 s17, $0x3;
	s17 =	simm.s32 $0x2  }
0xf: {  	s10 =	sadd.s32 s15, s31;
	s11 =	sadd.s32 s14, s31;
	s13 =	smax.u32 s13, $0x1  }
0x10: {  	s14 =	sadd.s32 s18, s14;
	s15 =	sadd.s32 s18, s15;
	s18 =	simm.s32 $0x80  }
.LBB2_7:
0x11: {  	s26 =	sadd.s32 s25, s15;
	[sflag:s17] =	ssyncadd.s32 $0xFFFFE000  }
0x12: {  	[tilespmem:s2], [sflag:$0x2] =	stream.linear.gather [hbm4b:s26+s2], $0x80, $0x38;
	[tilespmem:$0xBD80] =	vst v63  }
0x13: {  	_ =	swait.ge [sflag:s17], $0x80  }
0x14: {  	[sflag:s17] =	ssyncset.done $0x0  }
0x15: {  	s31 =	sadd.s32 s25, s14;
	[sflag:s17] =	ssyncadd.s32 $0xFFFFFF80  }
0x16: {  	[tilespmem:s18], [sflag:$0x2] =	stream.linear.gather [hbm4b:s31+s2], $0x80, $0x38;
	[tilespmem:$0xBD80] =	vst v63  }
0x17: {  	_ =	swait.ge [sflag:s17], $0x80  }
0x18: {  	[sflag:s17] =	ssyncset.done $0x0  }
0x19: {  	[sflag:s17] =	ssyncadd.s32 $0xFFFFFF80  }
0x1a: {  	[tilespmem:s19], [sflag:$0x1] =	stream.indirect.gather [hbm4b:s5+s18], $0x40, s2, s18, $0xb8;
	[tilespmem:$0xBD80] =	vst v63  }
0x1b: {  	_ =	swait.ge [sflag:s20], $0x2000  }
0x1c: {  	[sflag:s20] =	ssyncset.done $0x0  }
0x1d: {  	[sflag:s20] =	ssyncadd.s32 $0xFFFFE000  }
0x1e: {  	[spmem:s1] =	stream.indirect.scatter.add.f32 [tilespmem:s19], [sflag:$0x2], $0x40, s18, s18, $0xb8;
	[tilespmem:$0xBD80] =	vst v63  }
0x1f: {  	_ =	swait.ge [sflag:s17], $0x2000  }
0x20: {  	[sflag:s17] =	ssyncset.done $0x0  }
0x21: {  	s25 =	smov.u32 s8;
	s26 =	smov.u32 s5;
	[sflag:s17] =	ssyncadd.s32 $0xFFFFE000  }
.LBB2_8:
0x22: {  	[tilespmem:s21], [sflag:$0x2] =	stream.linear.gather [hbm4b:s10+s2], $0x20, $0x38;
	[tilespmem:$0xBD80] =	vst v63  }
0x23: {  	_ =	swait.ge [sflag:s17], $0x20  }
0x24: {  	[sflag:s17] =	ssyncset.done $0x0  }
0x25: {  	[sflag:s17] =	ssyncadd.s32 $0xFFFFFFE0  }
0x26: {  	[tilespmem:s22], [sflag:$0x2] =	stream.linear.gather [hbm4b:s11+s2], $0x20, $0x38;
	[tilespmem:$0xBD80] =	vst v63  }
0x27: {  	_ =	swait.ge [sflag:s17], $0x20  }
0x28: {  	[sflag:s17] =	ssyncset.done $0x0  }
0x29: {  	[sflag:s17] =	ssyncadd.s32 $0xFFFFFFE0  }
0x2a: {  	[tilespmem:s19], [sflag:$0x1] =	stream.indirect.gather [hbm4b:s26+s23], $0x40, s21, s23, $0xb8;
	[tilespmem:$0xBD80] =	vst v63  }
0x2b: {  	_ =	swait.ge [sflag:s20], $0x800  }
0x2c: {  	[sflag:s20] =	ssyncset.done $0x0  }
0x2d: {  	[sflag:s20] =	ssyncadd.s32 $0xFFFFF800  }
0x2e: {  	[spmem:s1] =	stream.indirect.scatter.add.f32 [tilespmem:s19], [sflag:$0x2], $0x40, s22, s23, $0xb8;
	[tilespmem:$0xBD80] =	vst v63  }
0x2f: {  	_ =	swait.ge [sflag:s17], $0x800  }
0x30: {  	s24 =	sadd.s32 $0x1, s24;
	[sflag:s17] =	ssyncset.done $0x0  }
0x31: {  	p1 =	sne.s32 s24, s13;
	[sflag:s17] =	ssyncadd.s32 $0xFFFFF800  }
.Ltmp1:
0x32: {  	s25 =	sadd.s32 s25, s12;
	[bflag:$0x0] =	sbarrier.arrive $0xFFFF;
	(pc) =	sbr.rel @!p1 .LBB2_9-.Ltmp1, $4  }
0x33: {  	[hbm:s25], [sflag:s9] =	dma.local [spmem:s16], $0x1388  }
0x34: {  	_ =	swait.ge [sflag:s17], $0x1388  }
0x35: {  	[sflag:s17] =	ssyncset.done $0x0  }
0x36: {  	[sflag:s17] =	ssyncadd.s32 $0xFFFFEC78  }
.LBB2_1:
0x37: {  	[spmem:s16], [sflag:s9] =	dma.local [hbm:s6], $0x1388  }
.Ltmp2:
0x38: {  	_ =	swait.ge [sflag:s17], $0x1388;
	(pc) =	sbr.rel @p0 .LBB2_5-.Ltmp2, $4  }
0x39: {  	[sflag:s17] =	ssyncset.done $0x0  }
0x3a: {  	[sflag:s17] =	ssyncadd.s32 $0xFFFFEC78  }
0x3b: {  	[bflag:$0x0] =	sbarrier.arrive $0xFFFF  }
0x3c: {  	s25 =	sadd.s32 $0x0, s15  }
0x3d: {  	[tilespmem:s2], [sflag:$0x2] =	stream.linear.gather [hbm4b:s25+s2], $0x80, $0x38;
	[tilespmem:$0xBD80] =	vst v63  }
0x3e: {  	_ =	swait.ge [sflag:s17], $0x80  }
0x3f: {  	[sflag:s17] =	ssyncset.done $0x0  }
0x40: {  	s31 =	sadd.s32 $0x0, s14;
	[sflag:s17] =	ssyncadd.s32 $0xFFFFFF80  }
0x41: {  	[tilespmem:s18], [sflag:$0x2] =	stream.linear.gather [hbm4b:s31+s2], $0x80, $0x38;
	[tilespmem:$0xBD80] =	vst v63  }
0x42: {  	_ =	swait.ge [sflag:s17], $0x80  }
0x43: {  	[sflag:s17] =	ssyncset.done $0x0  }
0x44: {  	[sflag:s17] =	ssyncadd.s32 $0xFFFFFF80  }
0x45: {  	[tilespmem:s19], [sflag:$0x1] =	stream.indirect.gather [hbm4b:s3+s18], $0x40, s2, s18, $0xb8;
	[tilespmem:$0xBD80] =	vst v63  }
0x46: {  	_ =	swait.ge [sflag:s20], $0x2000  }
0x47: {  	[sflag:s20] =	ssyncset.done $0x0  }
0x48: {  	[sflag:s20] =	ssyncadd.s32 $0xFFFFE000  }
0x49: {  	[spmem:s1] =	stream.indirect.scatter.add.f32 [tilespmem:s19], [sflag:$0x2], $0x40, s18, s18, $0xb8;
	[tilespmem:$0xBD80] =	vst v63  }
0x4a: {  	_ =	swait.ge [sflag:s17], $0x2000  }
0x4b: {  	s25 =	simm.s32 $0x10;
	s26 =	simm.s32 $0x20;
	[sflag:s17] =	ssyncset.done $0x0  }
.LBB2_3:
0x4c: {  	s28 =	sadd.s32 s25, s15  }
0x4d: {  	[sflag:s17] =	ssyncadd.s32 $0xFFFFE000;
	s29 =	smov.u32 s26;
	s30 =	sadd.s32 $0x10, s26  }
0x4e: {  	[tilespmem:s2], [sflag:$0x2] =	stream.linear.gather [hbm4b:s28+s2], $0x80, $0x38;
	[tilespmem:$0xBD80] =	vst v63  }
0x4f: {  	p1 =	seq.s32 s26, $0x9B0;
	_ =	swait.ge [sflag:s17], $0x80  }
0x50: {  	[sflag:s17] =	ssyncset.done $0x0  }
0x51: {  	s26 =	sadd.s32 s25, s14;
	s25 =	smov.u32 s29;
	[sflag:s17] =	ssyncadd.s32 $0xFFFFFF80  }
0x52: {  	[tilespmem:s18], [sflag:$0x2] =	stream.linear.gather [hbm4b:s26+s2], $0x80, $0x38;
	[tilespmem:$0xBD80] =	vst v63  }
0x53: {  	_ =	swait.ge [sflag:s17], $0x80  }
0x54: {  	[sflag:s17] =	ssyncset.done $0x0  }
0x55: {  	[sflag:s17] =	ssyncadd.s32 $0xFFFFFF80  }
0x56: {  	[tilespmem:s19], [sflag:$0x1] =	stream.indirect.gather [hbm4b:s3+s18], $0x40, s2, s18, $0xb8;
	[tilespmem:$0xBD80] =	vst v63  }
0x57: {  	_ =	swait.ge [sflag:s20], $0x2000  }
.Ltmp3:
0x58: {  	[sflag:s20] =	ssyncset.done $0x0;
	(pc) =	sbr.rel @!p1 .LBB2_3-.Ltmp3, $4  }
0x59: {  	[sflag:s20] =	ssyncadd.s32 $0xFFFFE000  }
0x5a: {  	[spmem:s1] =	stream.indirect.scatter.add.f32 [tilespmem:s19], [sflag:$0x2], $0x40, s18, s18, $0xb8;
	[tilespmem:$0xBD80] =	vst v63  }
0x5b: {  	_ =	swait.ge [sflag:s17], $0x2000  }
0x5c: {  	s26 =	smov.u32 s30;
	[sflag:s17] =	ssyncset.done $0x0  }
0x5d: {  	s26 =	sadd.s32 s25, s15;
	[sflag:s17] =	ssyncadd.s32 $0xFFFFE000  }
0x5e: {  	[tilespmem:s2], [sflag:$0x2] =	stream.linear.gather [hbm4b:s26+s2], $0x80, $0x38;
	[tilespmem:$0xBD80] =	vst v63  }
0x5f: {  	_ =	swait.ge [sflag:s17], $0x80  }
0x60: {  	[sflag:s17] =	ssyncset.done $0x0  }
0x61: {  	s31 =	sadd.s32 s25, s14;
	[sflag:s17] =	ssyncadd.s32 $0xFFFFFF80  }
0x62: {  	[tilespmem:s18], [sflag:$0x2] =	stream.linear.gather [hbm4b:s31+s2], $0x80, $0x38;
	[tilespmem:$0xBD80] =	vst v63  }
0x63: {  	_ =	swait.ge [sflag:s17], $0x80  }
0x64: {  	[sflag:s17] =	ssyncset.done $0x0  }
0x65: {  	[sflag:s17] =	ssyncadd.s32 $0xFFFFFF80  }
0x66: {  	[tilespmem:s19], [sflag:$0x1] =	stream.indirect.gather [hbm4b:s3+s18], $0x40, s2, s18, $0xb8;
	[tilespmem:$0xBD80] =	vst v63  }
0x67: {  	_ =	swait.ge [sflag:s20], $0x2000  }
0x68: {  	[sflag:s20] =	ssyncset.done $0x0  }
.Ltmp4:
0x69: {  	[sflag:s20] =	ssyncadd.s32 $0xFFFFE000;
	(pc) =	sbr.rel .LBB2_8-.Ltmp4, $4  }
0x6a: {  	[spmem:s1] =	stream.indirect.scatter.add.f32 [tilespmem:s19], [sflag:$0x2], $0x40, s18, s18, $0xb8;
	[tilespmem:$0xBD80] =	vst v63  }
0x6b: {  	_ =	swait.ge [sflag:s17], $0x2000  }
0x6c: {  	[sflag:s17] =	ssyncset.done $0x0  }
0x6d: {  	s25 =	smov.u32 s7;
	s26 =	smov.u32 s3;
	[sflag:s17] =	ssyncadd.s32 $0xFFFFE000  }
.LBB2_5:
0x6e: {  	[tilespmem:s2], [sflag:$0x2] =	stream.linear.gather [hbm4b:s25+s2], $0x80, $0x38;
	[tilespmem:$0xBD80] =	vst v63  }
0x6f: {  	_ =	swait.ge [sflag:s17], $0x80  }
0x70: {  	[sflag:s17] =	ssyncset.done $0x0  }
0x71: {  	s31 =	sadd.s32 $0x0, s14;
	[sflag:s17] =	ssyncadd.s32 $0xFFFFFF80  }
0x72: {  	[tilespmem:s18], [sflag:$0x2] =	stream.linear.gather [hbm4b:s31+s2], $0x80, $0x38;
	[tilespmem:$0xBD80] =	vst v63  }
0x73: {  	_ =	swait.ge [sflag:s17], $0x80  }
0x74: {  	[sflag:s17] =	ssyncset.done $0x0  }
0x75: {  	[sflag:s17] =	ssyncadd.s32 $0xFFFFFF80  }
0x76: {  	[tilespmem:s19], [sflag:$0x1] =	stream.indirect.gather [hbm4b:s5+s18], $0x40, s2, s18, $0xb8;
	[tilespmem:$0xBD80] =	vst v63  }
0x77: {  	_ =	swait.ge [sflag:s20], $0x2000  }
0x78: {  	[sflag:s20] =	ssyncset.done $0x0  }
0x79: {  	[sflag:s20] =	ssyncadd.s32 $0xFFFFE000  }
0x7a: {  	[spmem:s1] =	stream.indirect.scatter.add.f32 [tilespmem:s19], [sflag:$0x2], $0x40, s18, s18, $0xb8;
	[tilespmem:$0xBD80] =	vst v63  }
0x7b: {  	_ =	swait.ge [sflag:s17], $0x2000  }
0x7c: {  	s25 =	simm.s32 $0x10;
	s26 =	simm.s32 $0x20;
	[sflag:s17] =	ssyncset.done $0x0  }
.LBB2_6:
0x7d: {  	s28 =	sadd.s32 s25, s15  }
0x7e: {  	[sflag:s17] =	ssyncadd.s32 $0xFFFFE000;
	s29 =	smov.u32 s26;
	s30 =	sadd.s32 $0x10, s26  }
0x7f: {  	[tilespmem:s2], [sflag:$0x2] =	stream.linear.gather [hbm4b:s28+s2], $0x80, $0x38;
	[tilespmem:$0xBD80] =	vst v63  }
0x80: {  	p1 =	sne.s32 s26, $0x9B0;
	_ =	swait.ge [sflag:s17], $0x80  }
0x81: {  	[sflag:s17] =	ssyncset.done $0x0  }
0x82: {  	s26 =	sadd.s32 s25, s14;
	s25 =	smov.u32 s29;
	[sflag:s17] =	ssyncadd.s32 $0xFFFFFF80  }
0x83: {  	[tilespmem:s18], [sflag:$0x2] =	stream.linear.gather [hbm4b:s26+s2], $0x80, $0x38;
	[tilespmem:$0xBD80] =	vst v63  }
0x84: {  	_ =	swait.ge [sflag:s17], $0x80  }
0x85: {  	[sflag:s17] =	ssyncset.done $0x0  }
0x86: {  	[sflag:s17] =	ssyncadd.s32 $0xFFFFFF80  }
0x87: {  	[tilespmem:s19], [sflag:$0x1] =	stream.indirect.gather [hbm4b:s5+s18], $0x40, s2, s18, $0xb8;
	[tilespmem:$0xBD80] =	vst v63  }
0x88: {  	_ =	swait.ge [sflag:s20], $0x2000  }
.Ltmp5:
0x89: {  	[sflag:s20] =	ssyncset.done $0x0;
	(pc) =	sbr.rel @p1 .LBB2_6-.Ltmp5, $4  }
0x8a: {  	[sflag:s20] =	ssyncadd.s32 $0xFFFFE000  }
0x8b: {  	[spmem:s1] =	stream.indirect.scatter.add.f32 [tilespmem:s19], [sflag:$0x2], $0x40, s18, s18, $0xb8;
	[tilespmem:$0xBD80] =	vst v63  }
0x8c: {  	_ =	swait.ge [sflag:s17], $0x2000  }
0x8d: {  	s26 =	smov.u32 s30;
	[sflag:s17] =	ssyncset.done $0x0  }
.Ltmp6:
0x8e: {  	_ = 	snop;
	(pc) =	sbr.rel .LBB2_7-.Ltmp6, $1  }
0x8f: {  	_ =	sdelay $0x3  }
.LBB2_9:
0x90: {  	_ =	sfence.sel $0x180000  }
0x91: {  	[bflag:$0x0] =	sbarrier.arrive $0xFFFF  }
0x92: {  	p0 =	sne.s32 s4, $0x0;
	_ =	strace $0x9000004A  }
0x93: {  	s0 =	sadd.s32 @!p0 $0x100000, s0;
	[bflag:$0x2] =	sbarrier.arrive $0xFFFF  }
0x94: {  	[sflag:s0] =	ssyncadd.tile.s32 @!p0 $0x1;
	_ =	shalt  }
.Lfunc_end2:
_tile_overlayer_lowered:
.L_overlay_start_2:
0x95: {  	(tag) =	ssettag $0x2  }
0x96: {  	s0 =	rddreg [dreg:$0x0];
	s2 =	stileid.u32  }
0x97: {  	s1 =	rddreg [dreg:$0x1];
	p0 =	sne.s32 s2, $0x0  }
0x98: {  	s3 =	rddreg [dreg:$0x2];
	[bflag:$0x3] =	sbarrier.arrive $0xFFFF;
	s2 =	simm.s32 @!p0 $0x1C02  }
0x99: {  	[timem:s3], [sflag:s2] =	dma.local @!p0 [hbm:s0], s1  }
0x9a: {  	s0 =	simm.s32 @!p0 $0x2  }
0x9b: {  	_ =	swait.ge @!p0 [sflag:s0], s1  }
0x9c: {  	s1 =	ssub.s32 @!p0 $0x0, s1;
	[sflag:s0] =	ssyncset.done @!p0 $0x0  }
0x9d: {  	[sflag:s0] =	ssyncadd.s32 @!p0 s1  }
0x9e: {  	[bflag:$0x3] =	sbarrier.arrive $0xFFFF  }
0x9f: {  	_ =	shalt  }

// kernel: kernel.22.cloned.1.call-start
scs
__scs_entry_jumppad:
0x0: {  	(pc) =	sbr.rel $0x88, $3  }
0x1: {  	(tag) =	ssettag $0x0;
	lr =	simm.s32 $0x1  }
0x2: {  	[smem:$0x3F97] =	sst lr;
	_ =	strace $0xD0000000  }
0x3: {  	_ = 	snop  }
0x4: {  	_ = 	snop  }
0x5: {  	_ = 	snop  }
0x6: {  	_ = 	snop  }
0x7: {  	_ = 	snop  }
__scs_overlays_trampoline_lowered:
0x8: {  	[smem:$0x3FA6] =	sst s0  }
0x9: {  	[smem:$0x3FA7] =	sst s1  }
0xa: {  	[smem:$0x3FA8] =	sst s2  }
0xb: {  	[smem:$0x3FA9] =	sst s3  }
0xc: {  	[smem:$0x3FAA] =	sst s4  }
0xd: {  	[smem:$0x3FAB] =	sst s5  }
0xe: {  	[smem:$0x3FAC] =	sst s6  }
0xf: {  	[smem:$0x3FAD] =	sst s7  }
0x10: {  	[smem:$0x3FAE] =	sst s8  }
0x11: {  	[smem:$0x3FAF] =	sst s9;
	s0 =	simm.s32 @!p0 $0x0  }
0x12: {  	s1 =	sld [smem:$0x3F95];
	s0 =	simm.s32 @p0 $0x1  }
0x13: {  	[smem:$0x3FB0] =	sst s0;
	s0 =	simm.s32 @!p1 $0x0  }
0x14: {  	s2 =	sld [smem:$0x3F94];
	s0 =	simm.s32 @p1 $0x1  }
0x15: {  	[smem:$0x3FB1] =	sst s0;
	s0 =	simm.s32 @!p2 $0x0  }
0x16: {  	s3 =	sld [smem:$0x3FDB];
	s0 =	simm.s32 @p2 $0x1  }
0x17: {  	s4 =	simm.s32 $0x1BF5;
	[smem:$0x3FB3] =	sst s0  }
0x18: {  	s0 =	sld [smem:$0x3F96];
	_ =	swait.ge [sflag:s4], $0x0  }
0x19: {  	s7 =	sld [smem:$0x3F97]  }
0x1a: {  	s8 =	sadd.s32 $0xFFFFE003, lr  }
0x1b: {  	s9 =	sadd.s32 $0xFFFFFEF7, lr;
	s5 =	simm.s32 $0xFFFFFFFF;
	p2 =	slt.u32 s8, $0xFFFFF086  }
0x1c: {  	p1 =	slt.u32 s9, $0xF7A;
	s5 =	simm.s32 @!p2 $0x0  }
0x1d: {  	s5 =	simm.s32 @p1 $0x1;
	p0 =	seq.s32 s7, s2  }
0x1e: {  	s7 =	smul.u32 @!p0 $0xF7A, s2;
	p2 =	seq.s32 @!p0 s5, $0x0  }
0x1f: {  	s9 =	smul.u32 $0xF7A, s1;
	s8 =	simm.s32 @!p0 $0x1BF5;
	p2 =	por !p2, p0  }
0x20: {  	[sflag:s8] =	ssyncset.s32 @!p0 $0xFFFFF086;
	s6 =	sadd.s32 @!p0 s3, s7;
	s7 =	simm.s32 @!p0 $0x108  }
0x21: {  	s3 =	sadd.s32 s3, s9;
	s6 =	sadd.s32 @!p0 $0x88, s6;
	s7 =	simm.s32 @p2 $0x1082  }
0x22: {  	[simem:s7], [sflag:s8] =	dma.local @!p0 [hbm:s6], $0xF7A  }
0x23: {  	s9 =	sor.u32 $0xD0000000, s2;
	s6 =	simm.s32 $0x108;
	_ =	swait.ge @!p0 [sflag:s8], $0x0  }
0x24: {  	s3 =	sadd.s32 $0x88, s3;
	s6 =	simm.s32 @!p1 $0x1082;
	[sflag:s4] =	ssyncset.s32 $0xFFFFF086  }
0x25: {  	[simem:s6], [sflag:s4] =	dma.local [hbm:s3], $0xF7A  }
0x26: {  	[smem:$0x3F97] =	sst s1;
	(tag) =	ssettag s2;
	_ =	strace s9  }
0x27: {  	s1 =	sld [smem:$0x3FA7]  }
0x28: {  	s2 =	sld [smem:$0x3FA8]  }
0x29: {  	s4 =	sld [smem:$0x3FAA]  }
0x2a: {  	p0 =	seq.s32 s5, $0x0;
	s5 =	sld [smem:$0x3FAB]  }
0x2b: {  	s6 =	sld [smem:$0x3FAC]  }
0x2c: {  	s7 =	sld [smem:$0x3FAD]  }
0x2d: {  	s3 =	simm.s32 $0x108;
	s8 =	sld [smem:$0x3FAE]  }
0x2e: {  	s3 =	simm.s32 @!p0 $0x1082;
	s9 =	sld [smem:$0x3FAF]  }
0x2f: {  	lr =	sadd.s32 s0, s3;
	s0 =	sld [smem:$0x3FA6]  }
0x30: {  	s3 =	sld [smem:$0x3FA9]  }
0x31: {  	[smem:$0x3FB2] =	sst s10  }
0x32: {  	s10 =	sld [smem:$0x3FB0];
	_ =	sdelay $0x3  }
0x33: {  	p0 =	seq.s32 s10, $0x1;
	s10 =	sld [smem:$0x3FB2];
	_ =	sdelay $0x3  }
0x34: {  	[smem:$0x3FB2] =	sst s10  }
0x35: {  	s10 =	sld [smem:$0x3FB1];
	_ =	sdelay $0x3  }
0x36: {  	p1 =	seq.s32 s10, $0x1;
	s10 =	sld [smem:$0x3FB2];
	_ =	sdelay $0x3  }
0x37: {  	[smem:$0x3FB2] =	sst s10  }
0x38: {  	s10 =	sld [smem:$0x3FB3]  }
0x39: {  	_ = 	snop;
	(pc) =	sbr.ind lr, $3  }
0x3a: {  	_ = 	snop  }
0x3b: {  	_ = 	snop  }
0x3c: {  	p2 =	seq.s32 s10, $0x1;
	s10 =	sld [smem:$0x3FB2]  }
0x3d: {  	_ =	shalt  }
0x3e: {  	_ =	shalt  }
0x3f: {  	_ =	shalt  }
0x40: {  	_ =	shalt  }
0x41: {  	_ =	shalt  }
0x42: {  	_ =	shalt  }
0x43: {  	_ =	shalt  }
0x44: {  	_ =	shalt  }
0x45: {  	_ =	shalt  }
0x46: {  	_ =	shalt  }
0x47: {  	_ =	shalt  }
0x48: {  	_ =	shalt  }
0x49: {  	_ =	shalt  }
0x4a: {  	_ =	shalt  }
0x4b: {  	_ =	shalt  }
0x4c: {  	_ =	shalt  }
0x4d: {  	_ =	shalt  }
0x4e: {  	_ =	shalt  }
0x4f: {  	_ =	shalt  }
0x50: {  	_ =	shalt  }
0x51: {  	_ =	shalt  }
0x52: {  	_ =	shalt  }
0x53: {  	_ =	shalt  }
0x54: {  	_ =	shalt  }
0x55: {  	_ =	shalt  }
0x56: {  	_ =	shalt  }
0x57: {  	_ =	shalt  }
0x58: {  	_ =	shalt  }
0x59: {  	_ =	shalt  }
0x5a: {  	_ =	shalt  }
0x5b: {  	_ =	shalt  }
0x5c: {  	_ =	shalt  }
0x5d: {  	_ =	shalt  }
0x5e: {  	_ =	shalt  }
0x5f: {  	_ =	shalt  }
0x60: {  	_ =	shalt  }
0x61: {  	_ =	shalt  }
0x62: {  	_ =	shalt  }
0x63: {  	_ =	shalt  }
0x64: {  	_ =	shalt  }
0x65: {  	_ =	shalt  }
0x66: {  	_ =	shalt  }
0x67: {  	_ =	shalt  }
0x68: {  	_ =	shalt  }
0x69: {  	_ =	shalt  }
0x6a: {  	_ =	shalt  }
0x6b: {  	_ =	shalt  }
0x6c: {  	_ =	shalt  }
0x6d: {  	_ =	shalt  }
0x6e: {  	_ =	shalt  }
0x6f: {  	_ =	shalt  }
0x70: {  	_ =	shalt  }
0x71: {  	_ =	shalt  }
0x72: {  	_ =	shalt  }
0x73: {  	_ =	shalt  }
0x74: {  	_ =	shalt  }
0x75: {  	_ =	shalt  }
0x76: {  	_ =	shalt  }
0x77: {  	_ =	shalt  }
0x78: {  	_ =	shalt  }
0x79: {  	_ =	shalt  }
0x7a: {  	_ =	shalt  }
0x7b: {  	_ =	shalt  }
0x7c: {  	_ =	shalt  }
0x7d: {  	_ =	shalt  }
0x7e: {  	_ =	shalt  }
0x7f: {  	_ =	shalt  }
0x80: {  	_ =	shalt  }
0x81: {  	_ =	shalt  }
0x82: {  	_ =	shalt  }
0x83: {  	_ =	shalt  }
0x84: {  	_ =	shalt  }
0x85: {  	_ =	shalt  }
0x86: {  	_ =	shalt  }
0x87: {  	_ =	shalt  }
.Lfunc_end0:
.L_simem_size_0:
called_computation.2_lowered:
.L_overlay_start_0:
0x88: {  	s2 =	sld [smem:$0x3FD9]  }
0x89: {  	s3 =	sld [smem:$0x3FFE];
	_ =	sdelay $0x1  }
0x8a: {  	s1 =	srdreg.scid  }
0x8b: {  	s0 =	sand.u32 $0x1, s1  }
0x8c: {  	s16 =	sshll.u32 s0, $0xA;
	s2 =	sadd.s32 s3, s2  }
0x8d: {  	s2 =	sadd.s32 s2, s16  }
0x8e: {  	[smem:$0x3FBE] =	sst s2  }
0x8f: {  	_ = 	snop  }
0x90: {  	(tm) =	ssettm $0x1  }
0x91: {  	s17 =	sld [smem:$0x3FFB];
	_ =	sdelay $0x3  }
0x92: {  	_ =	strace s17  }
0x93: {  	s2 =	sld [smem:$0x3FFC];
	_ =	sdelay $0x3  }
0x94: {  	_ =	strace s2  }
0x95: {  	s2 =	sld [smem:$0x3FFD];
	_ =	sdelay $0x3  }
0x96: {  	_ =	strace s2  }
0x97: {  	_ =	strace $0x8FFFFFFF  }
0x98: {  	s18 =	sld [smem:$0x3FDB];
	_ =	sdelay $0x1  }
0x99: {  	s19 =	simm.s32 $_scs_section_size  }
0x9a: {  	s4 =	simm.s32 $_size__tile_overlayer_lowered;
	s5 =	simm.s32 $_tile_overlayer_lowered  }
0x9b: {  	s22 =	simm.s32 $0x1BFF;
	s21 =	sshll.u32 s5, $0x1;
	s2 =	sadd.s32 s19, s18  }
0x9c: {  	s6 =	simm.s32 $0x0;
	s20 =	sshll.u32 s4, $0x1;
	s4 =	sadd.s32 s21, s2  }
0x9d: {  	[timem:s6], [sflag:s22] =	dma.local [hbm:s4], s20  }
0x9e: {  	_ =	swait.ge [sflag:s22], s20  }
0x9f: {  	s3 =	ssub.s32 $0x0, s20;
	[sflag:s22] =	ssyncset.done $0x0  }
0xa0: {  	[sflag:s22] =	ssyncadd.s32 s3;
	_ =	sdelay $0x1  }
0xa1: {  	s23 =	simm.s32 $0x1B8B  }
0xa2: {  	_ =	swait.ge [sflag:s23], $0x1  }
0xa3: {  	[sflag:s23] =	ssyncset.done $0x0  }
0xa4: {  	s25 =	simm.s32 $0x1B8E;
	s24 =	sld [smem:$0x3FFE];
	[sflag:s23] =	ssyncadd.s32 $0xFFFFFFFF  }
0xa5: {  	s26 =	simm.s32 $execute0_lowered;
	[smem:$0x3FD2] =	sst s25  }
0xa6: {  	s4 =	sshll.u32 s26, $0x1;
	_ =	strace $0x8000004C;
	[dreg:$0x1] =	wrdreg $0xFFFFFFFF  }
0xa7: {  	s28 =	simm.s32 $_size_execute0_lowered;
	s2 =	sadd.s32 s2, s4;
	[dreg:$0x0] =	wrdreg $0x0  }
0xa8: {  	s4 =	sshll.u32 s28, $0x1;
	[dreg:$0x2] =	wrdreg s2  }
0xa9: {  	[dreg:$0x3] =	wrdreg s4  }
0xaa: {  	[dreg:$0x4] =	wrdreg $0xC0  }
0xab: {  	_ =	task [dreg:s6], $0x5FFFF  }
0xac: {  	[dreg:$0x1] =	wrdreg $0xFFFFFFFF  }
0xad: {  	[dreg:$0x0] =	wrdreg $0x60  }
0xae: {  	[dreg:$0x2] =	wrdreg s24  }
0xaf: {  	[dreg:$0x3] =	wrdreg $0x21400  }
0xb0: {  	[dreg:$0x4] =	wrdreg $0x9  }
0xb1: {  	_ =	task.clear_ibuf [dreg:s6], $0x5FFFF;
	_ =	strace $0x9000004C  }
0xb2: {  	s29 =	simm.s32 $0x9;
	_ =	strace $0x8000004E  }
0xb3: {  	_ =	swait.ge [sflag:s29], $0x1  }
0xb4: {  	[sflag:s29] =	ssyncadd.s32 $0xFFFFFFFF  }
0xb5: {  	_ =	strace $0x9000004E  }
0xb6: {  	_ =	sfence  }
0xb7: {  	s30 =	sld [smem:$0x0];
	_ =	sdelay $0x2  }
0xb8: {  	s31 =	sshll.u32 s1, $0xD;
	s1 =	sshrl.u32 s1, $0x2  }
0xb9: {  	s3 =	sand.u32 $0x4000, s31;
	s1 =	sadd.s32 s1, s30  }
0xba: {  	s0 =	sor.u32 s3, s0;
	s1 =	sshll.u32 s1, $0x11  }
0xbb: {  	s0 =	sor.u32 s1, s0  }
0xbc: {  	s0 =	sadd.s32 $0x8F2B, s0  }
0xbd: {  	[sflag:s0] =	ssyncadd.remote.s32 $0x1  }
0xbe: {  	_ =	sfence.sel $0xFFFF  }
0xbf: {  	[dreg:$0x0] =	wrdreg $0xFFFFFFFF;
	(pc) =	sbr.abs _section_cstart, $3  }
0xc0: {  	[dreg:$0x1] =	wrdreg $0xFFFFFFFF  }
0xc1: {  	_ =	task.clear_ibuf [dreg:s6], $0x2FFFF;
	_ =	strace $0x9FFFFFFF  }
0xc2: {  	(tm) =	ssettm $0x7FFFFFFF  }
0xc3: {  	_ =	shalt  }
tec
execute0_lowered:
.L_overlay_start_1:
0x0: {  	(tag) =	ssettag $0x1  }
0x1: {  	s8 =	rddreg [dreg:$0x0]  }
0x2: {  	s1 =	rddreg [dreg:$0x1]  }
0x3: {  	s0 =	rddreg [dreg:$0x2];
	s2 =	simm.s32 $0x0;
	s6 =	srdreg.scid  }
0x4: {  	s4 =	stileid.u32;
	s19 =	simm.s32 $0x140;
	s20 =	simm.s32 $0x1  }
0x5: {  	s21 =	simm.s32 $0x100;
	s22 =	simm.s32 $0x120;
	s23 =	simm.s32 $0x20  }
0x6: {  	s24 =	simm.s32 $0x0;
	[smem:$0x7FF] =	sst s2;
	s3 =	sadd.s32 $0x54E00, s8  }
0x7: {  	s5 =	sadd.s32 $0x41400, s8;
	s15 =	sadd.s32 $0x6600, s8;
	s14 =	sadd.s32 $0x10400, s8  }
0x8: {  	s16 =	sand.u32 $0x1, s6;
	s6 =	sadd.s32 $0x68800, s8;
	s10 =	smul.u32 $0x4E20, s4  }
0x9: {  	s7 =	sadd.s32 $0x7D600, s8;
	s12 =	smul.u32 $0x9C40, s4;
	s8 =	sadd.s32 $0x69C00, s8  }
0xa: {  	s30 =	sshll.u32 s4, $0x6;
	s18 =	smul.u32 $0x9C4, s4;
	s9 =	ssub.s32 $0x2, s16  }
0xb: {  	_ =	strace $0x8000004D;
	p0 =	sne.s32 s16, $0x0;
	s11 =	sshrl.u32 s9, $0x1  }
.Ltmp0:
0xc: {  	s29 =	sshrl.u32 s10, $0x3;
	s17 =	sadd.s32 s12, s1;
	(pc) =	sbr.rel .LBB2_1-.Ltmp0, $4  }
0xd: {  	s12 =	sshrl.u32 s12, $0x3;
	s13 =	ssub.s32 s9, s11;
	s31 =	sadd.s32 $0x9C0, s29  }
0xe: {  	s9 =	sor.u32 $0x1C02, s30;
	s16 =	sshrl.u32 s17, $0x3;
	s17 =	simm.s32 $0x2  }
0xf: {  	s10 =	sadd.s32 s15, s31;
	s11 =	sadd.s32 s14, s31;
	s13 =	smax.u32 s13, $0x1  }
0x10: {  	s14 =	sadd.s32 s18, s14;
	s15 =	sadd.s32 s18, s15;
	s18 =	simm.s32 $0x80  }
.LBB2_7:
0x11: {  	s26 =	sadd.s32 s25, s15;
	[sflag:s17] =	ssyncadd.s32 $0xFFFFE000  }
0x12: {  	[tilespmem:s2], [sflag:$0x2] =	stream.linear.gather [hbm4b:s26+s2], $0x80, $0x38;
	[tilespmem:$0xBD80] =	vst v63  }
0x13: {  	_ =	swait.ge [sflag:s17], $0x80  }
0x14: {  	[sflag:s17] =	ssyncset.done $0x0  }
0x15: {  	s31 =	sadd.s32 s25, s14;
	[sflag:s17] =	ssyncadd.s32 $0xFFFFFF80  }
0x16: {  	[tilespmem:s18], [sflag:$0x2] =	stream.linear.gather [hbm4b:s31+s2], $0x80, $0x38;
	[tilespmem:$0xBD80] =	vst v63  }
0x17: {  	_ =	swait.ge [sflag:s17], $0x80  }
0x18: {  	[sflag:s17] =	ssyncset.done $0x0  }
0x19: {  	[sflag:s17] =	ssyncadd.s32 $0xFFFFFF80  }
0x1a: {  	[tilespmem:s19], [sflag:$0x1] =	stream.indirect.gather [hbm4b:s5+s18], $0x40, s2, s18, $0xb8;
	[tilespmem:$0xBD80] =	vst v63  }
0x1b: {  	_ =	swait.ge [sflag:s20], $0x2000  }
0x1c: {  	[sflag:s20] =	ssyncset.done $0x0  }
0x1d: {  	[sflag:s20] =	ssyncadd.s32 $0xFFFFE000  }
0x1e: {  	[spmem:s1] =	stream.indirect.scatter.add.f32 [tilespmem:s19], [sflag:$0x2], $0x40, s18, s18, $0xb8;
	[tilespmem:$0xBD80] =	vst v63  }
0x1f: {  	_ =	swait.ge [sflag:s17], $0x2000  }
0x20: {  	[sflag:s17] =	ssyncset.done $0x0  }
0x21: {  	s25 =	smov.u32 s8;
	s26 =	smov.u32 s5;
	[sflag:s17] =	ssyncadd.s32 $0xFFFFE000  }
.LBB2_8:
0x22: {  	[tilespmem:s21], [sflag:$0x2] =	stream.linear.gather [hbm4b:s10+s2], $0x20, $0x38;
	[tilespmem:$0xBD80] =	vst v63  }
0x23: {  	_ =	swait.ge [sflag:s17], $0x20  }
0x24: {  	[sflag:s17] =	ssyncset.done $0x0  }
0x25: {  	[sflag:s17] =	ssyncadd.s32 $0xFFFFFFE0  }
0x26: {  	[tilespmem:s22], [sflag:$0x2] =	stream.linear.gather [hbm4b:s11+s2], $0x20, $0x38;
	[tilespmem:$0xBD80] =	vst v63  }
0x27: {  	_ =	swait.ge [sflag:s17], $0x20  }
0x28: {  	[sflag:s17] =	ssyncset.done $0x0  }
0x29: {  	[sflag:s17] =	ssyncadd.s32 $0xFFFFFFE0  }
0x2a: {  	[tilespmem:s19], [sflag:$0x1] =	stream.indirect.gather [hbm4b:s26+s23], $0x40, s21, s23, $0xb8;
	[tilespmem:$0xBD80] =	vst v63  }
0x2b: {  	_ =	swait.ge [sflag:s20], $0x800  }
0x2c: {  	[sflag:s20] =	ssyncset.done $0x0  }
0x2d: {  	[sflag:s20] =	ssyncadd.s32 $0xFFFFF800  }
0x2e: {  	[spmem:s1] =	stream.indirect.scatter.add.f32 [tilespmem:s19], [sflag:$0x2], $0x40, s22, s23, $0xb8;
	[tilespmem:$0xBD80] =	vst v63  }
0x2f: {  	_ =	swait.ge [sflag:s17], $0x800  }
0x30: {  	s24 =	sadd.s32 $0x1, s24;
	[sflag:s17] =	ssyncset.done $0x0  }
0x31: {  	p1 =	sne.s32 s24, s13;
	[sflag:s17] =	ssyncadd.s32 $0xFFFFF800  }
.Ltmp1:
0x32: {  	s25 =	sadd.s32 s25, s12;
	[bflag:$0x0] =	sbarrier.arrive $0xFFFF;
	(pc) =	sbr.rel @!p1 .LBB2_9-.Ltmp1, $4  }
0x33: {  	[hbm:s25], [sflag:s9] =	dma.local [spmem:s16], $0x1388  }
0x34: {  	_ =	swait.ge [sflag:s17], $0x1388  }
0x35: {  	[sflag:s17] =	ssyncset.done $0x0  }
0x36: {  	[sflag:s17] =	ssyncadd.s32 $0xFFFFEC78  }
.LBB2_1:
0x37: {  	[spmem:s16], [sflag:s9] =	dma.local [hbm:s6], $0x1388  }
.Ltmp2:
0x38: {  	_ =	swait.ge [sflag:s17], $0x1388;
	(pc) =	sbr.rel @p0 .LBB2_5-.Ltmp2, $4  }
0x39: {  	[sflag:s17] =	ssyncset.done $0x0  }
0x3a: {  	[sflag:s17] =	ssyncadd.s32 $0xFFFFEC78  }
0x3b: {  	[bflag:$0x0] =	sbarrier.arrive $0xFFFF  }
0x3c: {  	s25 =	sadd.s32 $0x0, s15  }
0x3d: {  	[tilespmem:s2], [sflag:$0x2] =	stream.linear.gather [hbm4b:s25+s2], $0x80, $0x38;
	[tilespmem:$0xBD80] =	vst v63  }
0x3e: {  	_ =	swait.ge [sflag:s17], $0x80  }
0x3f: {  	[sflag:s17] =	ssyncset.done $0x0  }
0x40: {  	s31 =	sadd.s32 $0x0, s14;
	[sflag:s17] =	ssyncadd.s32 $0xFFFFFF80  }
0x41: {  	[tilespmem:s18], [sflag:$0x2] =	stream.linear.gather [hbm4b:s31+s2], $0x80, $0x38;
	[tilespmem:$0xBD80] =	vst v63  }
0x42: {  	_ =	swait.ge [sflag:s17], $0x80  }
0x43: {  	[sflag:s17] =	ssyncset.done $0x0  }
0x44: {  	[sflag:s17] =	ssyncadd.s32 $0xFFFFFF80  }
0x45: {  	[tilespmem:s19], [sflag:$0x1] =	stream.indirect.gather [hbm4b:s3+s18], $0x40, s2, s18, $0xb8;
	[tilespmem:$0xBD80] =	vst v63  }
0x46: {  	_ =	swait.ge [sflag:s20], $0x2000  }
0x47: {  	[sflag:s20] =	ssyncset.done $0x0  }
0x48: {  	[sflag:s20] =	ssyncadd.s32 $0xFFFFE000  }
0x49: {  	[spmem:s1] =	stream.indirect.scatter.add.f32 [tilespmem:s19], [sflag:$0x2], $0x40, s18, s18, $0xb8;
	[tilespmem:$0xBD80] =	vst v63  }
0x4a: {  	_ =	swait.ge [sflag:s17], $0x2000  }
0x4b: {  	s25 =	simm.s32 $0x10;
	s26 =	simm.s32 $0x20;
	[sflag:s17] =	ssyncset.done $0x0  }
.LBB2_3:
0x4c: {  	s28 =	sadd.s32 s25, s15  }
0x4d: {  	[sflag:s17] =	ssyncadd.s32 $0xFFFFE000;
	s29 =	smov.u32 s26;
	s30 =	sadd.s32 $0x10, s26  }
0x4e: {  	[tilespmem:s2], [sflag:$0x2] =	stream.linear.gather [hbm4b:s28+s2], $0x80, $0x38;
	[tilespmem:$0xBD80] =	vst v63  }
0x4f: {  	p1 =	seq.s32 s26, $0x9B0;
	_ =	swait.ge [sflag:s17], $0x80  }
0x50: {  	[sflag:s17] =	ssyncset.done $0x0  }
0x51: {  	s26 =	sadd.s32 s25, s14;
	s25 =	smov.u32 s29;
	[sflag:s17] =	ssyncadd.s32 $0xFFFFFF80  }
0x52: {  	[tilespmem:s18], [sflag:$0x2] =	stream.linear.gather [hbm4b:s26+s2], $0x80, $0x38;
	[tilespmem:$0xBD80] =	vst v63  }
0x53: {  	_ =	swait.ge [sflag:s17], $0x80  }
0x54: {  	[sflag:s17] =	ssyncset.done $0x0  }
0x55: {  	[sflag:s17] =	ssyncadd.s32 $0xFFFFFF80  }
0x56: {  	[tilespmem:s19], [sflag:$0x1] =	stream.indirect.gather [hbm4b:s3+s18], $0x40, s2, s18, $0xb8;
	[tilespmem:$0xBD80] =	vst v63  }
0x57: {  	_ =	swait.ge [sflag:s20], $0x2000  }
.Ltmp3:
0x58: {  	[sflag:s20] =	ssyncset.done $0x0;
	(pc) =	sbr.rel @!p1 .LBB2_3-.Ltmp3, $4  }
0x59: {  	[sflag:s20] =	ssyncadd.s32 $0xFFFFE000  }
0x5a: {  	[spmem:s1] =	stream.indirect.scatter.add.f32 [tilespmem:s19], [sflag:$0x2], $0x40, s18, s18, $0xb8;
	[tilespmem:$0xBD80] =	vst v63  }
0x5b: {  	_ =	swait.ge [sflag:s17], $0x2000  }
0x5c: {  	s26 =	smov.u32 s30;
	[sflag:s17] =	ssyncset.done $0x0  }
0x5d: {  	s26 =	sadd.s32 s25, s15;
	[sflag:s17] =	ssyncadd.s32 $0xFFFFE000  }
0x5e: {  	[tilespmem:s2], [sflag:$0x2] =	stream.linear.gather [hbm4b:s26+s2], $0x80, $0x38;
	[tilespmem:$0xBD80] =	vst v63  }
0x5f: {  	_ =	swait.ge [sflag:s17], $0x80  }
0x60: {  	[sflag:s17] =	ssyncset.done $0x0  }
0x61: {  	s31 =	sadd.s32 s25, s14;
	[sflag:s17] =	ssyncadd.s32 $0xFFFFFF80  }
0x62: {  	[tilespmem:s18], [sflag:$0x2] =	stream.linear.gather [hbm4b:s31+s2], $0x80, $0x38;
	[tilespmem:$0xBD80] =	vst v63  }
0x63: {  	_ =	swait.ge [sflag:s17], $0x80  }
0x64: {  	[sflag:s17] =	ssyncset.done $0x0  }
0x65: {  	[sflag:s17] =	ssyncadd.s32 $0xFFFFFF80  }
0x66: {  	[tilespmem:s19], [sflag:$0x1] =	stream.indirect.gather [hbm4b:s3+s18], $0x40, s2, s18, $0xb8;
	[tilespmem:$0xBD80] =	vst v63  }
0x67: {  	_ =	swait.ge [sflag:s20], $0x2000  }
0x68: {  	[sflag:s20] =	ssyncset.done $0x0  }
.Ltmp4:
0x69: {  	[sflag:s20] =	ssyncadd.s32 $0xFFFFE000;
	(pc) =	sbr.rel .LBB2_8-.Ltmp4, $4  }
0x6a: {  	[spmem:s1] =	stream.indirect.scatter.add.f32 [tilespmem:s19], [sflag:$0x2], $0x40, s18, s18, $0xb8;
	[tilespmem:$0xBD80] =	vst v63  }
0x6b: {  	_ =	swait.ge [sflag:s17], $0x2000  }
0x6c: {  	[sflag:s17] =	ssyncset.done $0x0  }
0x6d: {  	s25 =	smov.u32 s7;
	s26 =	smov.u32 s3;
	[sflag:s17] =	ssyncadd.s32 $0xFFFFE000  }
.LBB2_5:
0x6e: {  	[tilespmem:s2], [sflag:$0x2] =	stream.linear.gather [hbm4b:s25+s2], $0x80, $0x38;
	[tilespmem:$0xBD80] =	vst v63  }
0x6f: {  	_ =	swait.ge [sflag:s17], $0x80  }
0x70: {  	[sflag:s17] =	ssyncset.done $0x0  }
0x71: {  	s31 =	sadd.s32 $0x0, s14;
	[sflag:s17] =	ssyncadd.s32 $0xFFFFFF80  }
0x72: {  	[tilespmem:s18], [sflag:$0x2] =	stream.linear.gather [hbm4b:s31+s2], $0x80, $0x38;
	[tilespmem:$0xBD80] =	vst v63  }
0x73: {  	_ =	swait.ge [sflag:s17], $0x80  }
0x74: {  	[sflag:s17] =	ssyncset.done $0x0  }
0x75: {  	[sflag:s17] =	ssyncadd.s32 $0xFFFFFF80  }
0x76: {  	[tilespmem:s19], [sflag:$0x1] =	stream.indirect.gather [hbm4b:s5+s18], $0x40, s2, s18, $0xb8;
	[tilespmem:$0xBD80] =	vst v63  }
0x77: {  	_ =	swait.ge [sflag:s20], $0x2000  }
0x78: {  	[sflag:s20] =	ssyncset.done $0x0  }
0x79: {  	[sflag:s20] =	ssyncadd.s32 $0xFFFFE000  }
0x7a: {  	[spmem:s1] =	stream.indirect.scatter.add.f32 [tilespmem:s19], [sflag:$0x2], $0x40, s18, s18, $0xb8;
	[tilespmem:$0xBD80] =	vst v63  }
0x7b: {  	_ =	swait.ge [sflag:s17], $0x2000  }
0x7c: {  	s25 =	simm.s32 $0x10;
	s26 =	simm.s32 $0x20;
	[sflag:s17] =	ssyncset.done $0x0  }
.LBB2_6:
0x7d: {  	s28 =	sadd.s32 s25, s15  }
0x7e: {  	[sflag:s17] =	ssyncadd.s32 $0xFFFFE000;
	s29 =	smov.u32 s26;
	s30 =	sadd.s32 $0x10, s26  }
0x7f: {  	[tilespmem:s2], [sflag:$0x2] =	stream.linear.gather [hbm4b:s28+s2], $0x80, $0x38;
	[tilespmem:$0xBD80] =	vst v63  }
0x80: {  	p1 =	sne.s32 s26, $0x9B0;
	_ =	swait.ge [sflag:s17], $0x80  }
0x81: {  	[sflag:s17] =	ssyncset.done $0x0  }
0x82: {  	s26 =	sadd.s32 s25, s14;
	s25 =	smov.u32 s29;
	[sflag:s17] =	ssyncadd.s32 $0xFFFFFF80  }
0x83: {  	[tilespmem:s18], [sflag:$0x2] =	stream.linear.gather [hbm4b:s26+s2], $0x80, $0x38;
	[tilespmem:$0xBD80] =	vst v63  }
0x84: {  	_ =	swait.ge [sflag:s17], $0x80  }
0x85: {  	[sflag:s17] =	ssyncset.done $0x0  }
0x86: {  	[sflag:s17] =	ssyncadd.s32 $0xFFFFFF80  }
0x87: {  	[tilespmem:s19], [sflag:$0x1] =	stream.indirect.gather [hbm4b:s5+s18], $0x40, s2, s18, $0xb8;
	[tilespmem:$0xBD80] =	vst v63  }
0x88: {  	_ =	swait.ge [sflag:s20], $0x2000  }
.Ltmp5:
0x89: {  	[sflag:s20] =	ssyncset.done $0x0;
	(pc) =	sbr.rel @p1 .LBB2_6-.Ltmp5, $4  }
0x8a: {  	[sflag:s20] =	ssyncadd.s32 $0xFFFFE000  }
0x8b: {  	[spmem:s1] =	stream.indirect.scatter.add.f32 [tilespmem:s19], [sflag:$0x2], $0x40, s18, s18, $0xb8;
	[tilespmem:$0xBD80] =	vst v63  }
0x8c: {  	_ =	swait.ge [sflag:s17], $0x2000  }
0x8d: {  	s26 =	smov.u32 s30;
	[sflag:s17] =	ssyncset.done $0x0  }
.Ltmp6:
0x8e: {  	_ = 	snop;
	(pc) =	sbr.rel .LBB2_7-.Ltmp6, $1  }
0x8f: {  	_ =	sdelay $0x3  }
.LBB2_9:
0x90: {  	_ =	sfence.sel $0x180000  }
0x91: {  	[bflag:$0x0] =	sbarrier.arrive $0xFFFF  }
0x92: {  	p0 =	sne.s32 s4, $0x0;
	_ =	strace $0x9000004D  }
0x93: {  	s0 =	sadd.s32 @!p0 $0x100000, s0;
	[bflag:$0x2] =	sbarrier.arrive $0xFFFF  }
0x94: {  	[sflag:s0] =	ssyncadd.tile.s32 @!p0 $0x1;
	_ =	shalt  }
.Lfunc_end2:
_tile_overlayer_lowered:
.L_overlay_start_2:
0x95: {  	(tag) =	ssettag $0x2  }
0x96: {  	s0 =	rddreg [dreg:$0x0];
	s2 =	stileid.u32  }
0x97: {  	s1 =	rddreg [dreg:$0x1];
	p0 =	sne.s32 s2, $0x0  }
0x98: {  	s3 =	rddreg [dreg:$0x2];
	[bflag:$0x3] =	sbarrier.arrive $0xFFFF;
	s2 =	simm.s32 @!p0 $0x1C02  }
0x99: {  	[timem:s3], [sflag:s2] =	dma.local @!p0 [hbm:s0], s1  }
0x9a: {  	s0 =	simm.s32 @!p0 $0x2  }
0x9b: {  	_ =	swait.ge @!p0 [sflag:s0], s1  }
0x9c: {  	s1 =	ssub.s32 @!p0 $0x0, s1;
	[sflag:s0] =	ssyncset.done @!p0 $0x0  }
0x9d: {  	[sflag:s0] =	ssyncadd.s32 @!p0 s1  }
0x9e: {  	[bflag:$0x3] =	sbarrier.arrive $0xFFFF  }
0x9f: {  	_ =	shalt  }

// kernel: kernel.25.cloned.1.call-start
scs
__scs_entry_jumppad:
0x0: {  	(pc) =	sbr.rel $0x88, $3  }
0x1: {  	(tag) =	ssettag $0x0;
	lr =	simm.s32 $0x1  }
0x2: {  	[smem:$0x3F97] =	sst lr;
	_ =	strace $0xD0000000  }
0x3: {  	_ = 	snop  }
0x4: {  	_ = 	snop  }
0x5: {  	_ = 	snop  }
0x6: {  	_ = 	snop  }
0x7: {  	_ = 	snop  }
__scs_overlays_trampoline_lowered:
0x8: {  	[smem:$0x3FA6] =	sst s0  }
0x9: {  	[smem:$0x3FA7] =	sst s1  }
0xa: {  	[smem:$0x3FA8] =	sst s2  }
0xb: {  	[smem:$0x3FA9] =	sst s3  }
0xc: {  	[smem:$0x3FAA] =	sst s4  }
0xd: {  	[smem:$0x3FAB] =	sst s5  }
0xe: {  	[smem:$0x3FAC] =	sst s6  }
0xf: {  	[smem:$0x3FAD] =	sst s7  }
0x10: {  	[smem:$0x3FAE] =	sst s8  }
0x11: {  	[smem:$0x3FAF] =	sst s9;
	s0 =	simm.s32 @!p0 $0x0  }
0x12: {  	s1 =	sld [smem:$0x3F95];
	s0 =	simm.s32 @p0 $0x1  }
0x13: {  	[smem:$0x3FB0] =	sst s0;
	s0 =	simm.s32 @!p1 $0x0  }
0x14: {  	s2 =	sld [smem:$0x3F94];
	s0 =	simm.s32 @p1 $0x1  }
0x15: {  	[smem:$0x3FB1] =	sst s0;
	s0 =	simm.s32 @!p2 $0x0  }
0x16: {  	s3 =	sld [smem:$0x3FDB];
	s0 =	simm.s32 @p2 $0x1  }
0x17: {  	s4 =	simm.s32 $0x1BF5;
	[smem:$0x3FB3] =	sst s0  }
0x18: {  	s0 =	sld [smem:$0x3F96];
	_ =	swait.ge [sflag:s4], $0x0  }
0x19: {  	s7 =	sld [smem:$0x3F97]  }
0x1a: {  	s8 =	sadd.s32 $0xFFFFE003, lr  }
0x1b: {  	s9 =	sadd.s32 $0xFFFFFEF7, lr;
	s5 =	simm.s32 $0xFFFFFFFF;
	p2 =	slt.u32 s8, $0xFFFFF086  }
0x1c: {  	p1 =	slt.u32 s9, $0xF7A;
	s5 =	simm.s32 @!p2 $0x0  }
0x1d: {  	s5 =	simm.s32 @p1 $0x1;
	p0 =	seq.s32 s7, s2  }
0x1e: {  	s7 =	smul.u32 @!p0 $0xF7A, s2;
	p2 =	seq.s32 @!p0 s5, $0x0  }
0x1f: {  	s9 =	smul.u32 $0xF7A, s1;
	s8 =	simm.s32 @!p0 $0x1BF5;
	p2 =	por !p2, p0  }
0x20: {  	[sflag:s8] =	ssyncset.s32 @!p0 $0xFFFFF086;
	s6 =	sadd.s32 @!p0 s3, s7;
	s7 =	simm.s32 @!p0 $0x108  }
0x21: {  	s3 =	sadd.s32 s3, s9;
	s6 =	sadd.s32 @!p0 $0x88, s6;
	s7 =	simm.s32 @p2 $0x1082  }
0x22: {  	[simem:s7], [sflag:s8] =	dma.local @!p0 [hbm:s6], $0xF7A  }
0x23: {  	s9 =	sor.u32 $0xD0000000, s2;
	s6 =	simm.s32 $0x108;
	_ =	swait.ge @!p0 [sflag:s8], $0x0  }
0x24: {  	s3 =	sadd.s32 $0x88, s3;
	s6 =	simm.s32 @!p1 $0x1082;
	[sflag:s4] =	ssyncset.s32 $0xFFFFF086  }
0x25: {  	[simem:s6], [sflag:s4] =	dma.local [hbm:s3], $0xF7A  }
0x26: {  	[smem:$0x3F97] =	sst s1;
	(tag) =	ssettag s2;
	_ =	strace s9  }
0x27: {  	s1 =	sld [smem:$0x3FA7]  }
0x28: {  	s2 =	sld [smem:$0x3FA8]  }
0x29: {  	s4 =	sld [smem:$0x3FAA]  }
0x2a: {  	p0 =	seq.s32 s5, $0x0;
	s5 =	sld [smem:$0x3FAB]  }
0x2b: {  	s6 =	sld [smem:$0x3FAC]  }
0x2c: {  	s7 =	sld [smem:$0x3FAD]  }
0x2d: {  	s3 =	simm.s32 $0x108;
	s8 =	sld [smem:$0x3FAE]  }
0x2e: {  	s3 =	simm.s32 @!p0 $0x1082;
	s9 =	sld [smem:$0x3FAF]  }
0x2f: {  	lr =	sadd.s32 s0, s3;
	s0 =	sld [smem:$0x3FA6]  }
0x30: {  	s3 =	sld [smem:$0x3FA9]  }
0x31: {  	[smem:$0x3FB2] =	sst s10  }
0x32: {  	s10 =	sld [smem:$0x3FB0];
	_ =	sdelay $0x3  }
0x33: {  	p0 =	seq.s32 s10, $0x1;
	s10 =	sld [smem:$0x3FB2];
	_ =	sdelay $0x3  }
0x34: {  	[smem:$0x3FB2] =	sst s10  }
0x35: {  	s10 =	sld [smem:$0x3FB1];
	_ =	sdelay $0x3  }
0x36: {  	p1 =	seq.s32 s10, $0x1;
	s10 =	sld [smem:$0x3FB2];
	_ =	sdelay $0x3  }
0x37: {  	[smem:$0x3FB2] =	sst s10  }
0x38: {  	s10 =	sld [smem:$0x3FB3]  }
0x39: {  	_ = 	snop;
	(pc) =	sbr.ind lr, $3  }
0x3a: {  	_ = 	snop  }
0x3b: {  	_ = 	snop  }
0x3c: {  	p2 =	seq.s32 s10, $0x1;
	s10 =	sld [smem:$0x3FB2]  }
0x3d: {  	_ =	shalt  }
0x3e: {  	_ =	shalt  }
0x3f: {  	_ =	shalt  }
0x40: {  	_ =	shalt  }
0x41: {  	_ =	shalt  }
0x42: {  	_ =	shalt  }
0x43: {  	_ =	shalt  }
0x44: {  	_ =	shalt  }
0x45: {  	_ =	shalt  }
0x46: {  	_ =	shalt  }
0x47: {  	_ =	shalt  }
0x48: {  	_ =	shalt  }
0x49: {  	_ =	shalt  }
0x4a: {  	_ =	shalt  }
0x4b: {  	_ =	shalt  }
0x4c: {  	_ =	shalt  }
0x4d: {  	_ =	shalt  }
0x4e: {  	_ =	shalt  }
0x4f: {  	_ =	shalt  }
0x50: {  	_ =	shalt  }
0x51: {  	_ =	shalt  }
0x52: {  	_ =	shalt  }
0x53: {  	_ =	shalt  }
0x54: {  	_ =	shalt  }
0x55: {  	_ =	shalt  }
0x56: {  	_ =	shalt  }
0x57: {  	_ =	shalt  }
0x58: {  	_ =	shalt  }
0x59: {  	_ =	shalt  }
0x5a: {  	_ =	shalt  }
0x5b: {  	_ =	shalt  }
0x5c: {  	_ =	shalt  }
0x5d: {  	_ =	shalt  }
0x5e: {  	_ =	shalt  }
0x5f: {  	_ =	shalt  }
0x60: {  	_ =	shalt  }
0x61: {  	_ =	shalt  }
0x62: {  	_ =	shalt  }
0x63: {  	_ =	shalt  }
0x64: {  	_ =	shalt  }
0x65: {  	_ =	shalt  }
0x66: {  	_ =	shalt  }
0x67: {  	_ =	shalt  }
0x68: {  	_ =	shalt  }
0x69: {  	_ =	shalt  }
0x6a: {  	_ =	shalt  }
0x6b: {  	_ =	shalt  }
0x6c: {  	_ =	shalt  }
0x6d: {  	_ =	shalt  }
0x6e: {  	_ =	shalt  }
0x6f: {  	_ =	shalt  }
0x70: {  	_ =	shalt  }
0x71: {  	_ =	shalt  }
0x72: {  	_ =	shalt  }
0x73: {  	_ =	shalt  }
0x74: {  	_ =	shalt  }
0x75: {  	_ =	shalt  }
0x76: {  	_ =	shalt  }
0x77: {  	_ =	shalt  }
0x78: {  	_ =	shalt  }
0x79: {  	_ =	shalt  }
0x7a: {  	_ =	shalt  }
0x7b: {  	_ =	shalt  }
0x7c: {  	_ =	shalt  }
0x7d: {  	_ =	shalt  }
0x7e: {  	_ =	shalt  }
0x7f: {  	_ =	shalt  }
0x80: {  	_ =	shalt  }
0x81: {  	_ =	shalt  }
0x82: {  	_ =	shalt  }
0x83: {  	_ =	shalt  }
0x84: {  	_ =	shalt  }
0x85: {  	_ =	shalt  }
0x86: {  	_ =	shalt  }
0x87: {  	_ =	shalt  }
.Lfunc_end0:
.L_simem_size_0:
called_computation.3_lowered:
.L_overlay_start_0:
0x88: {  	s2 =	sld [smem:$0x3FD9]  }
0x89: {  	s3 =	sld [smem:$0x3FFE];
	_ =	sdelay $0x1  }
0x8a: {  	s1 =	srdreg.scid  }
0x8b: {  	s0 =	sand.u32 $0x1, s1  }
0x8c: {  	s16 =	sshll.u32 s0, $0xA;
	s2 =	sadd.s32 s3, s2  }
0x8d: {  	s2 =	sadd.s32 s2, s16  }
0x8e: {  	[smem:$0x3FBE] =	sst s2  }
0x8f: {  	_ = 	snop  }
0x90: {  	(tm) =	ssettm $0x1  }
0x91: {  	s17 =	sld [smem:$0x3FFB];
	_ =	sdelay $0x3  }
0x92: {  	_ =	strace s17  }
0x93: {  	s2 =	sld [smem:$0x3FFC];
	_ =	sdelay $0x3  }
0x94: {  	_ =	strace s2  }
0x95: {  	s2 =	sld [smem:$0x3FFD];
	_ =	sdelay $0x3  }
0x96: {  	_ =	strace s2  }
0x97: {  	_ =	strace $0x8FFFFFFF  }
0x98: {  	s18 =	sld [smem:$0x3FDB];
	_ =	sdelay $0x1  }
0x99: {  	s19 =	simm.s32 $_scs_section_size  }
0x9a: {  	s4 =	simm.s32 $_size__tile_overlayer_lowered;
	s5 =	simm.s32 $_tile_overlayer_lowered  }
0x9b: {  	s22 =	simm.s32 $0x1BFF;
	s21 =	sshll.u32 s5, $0x1;
	s2 =	sadd.s32 s19, s18  }
0x9c: {  	s6 =	simm.s32 $0x0;
	s20 =	sshll.u32 s4, $0x1;
	s4 =	sadd.s32 s21, s2  }
0x9d: {  	[timem:s6], [sflag:s22] =	dma.local [hbm:s4], s20  }
0x9e: {  	_ =	swait.ge [sflag:s22], s20  }
0x9f: {  	s3 =	ssub.s32 $0x0, s20;
	[sflag:s22] =	ssyncset.done $0x0  }
0xa0: {  	[sflag:s22] =	ssyncadd.s32 s3;
	_ =	sdelay $0x1  }
0xa1: {  	s23 =	simm.s32 $0x1B8B  }
0xa2: {  	_ =	swait.ge [sflag:s23], $0x1  }
0xa3: {  	[sflag:s23] =	ssyncset.done $0x0  }
0xa4: {  	s25 =	simm.s32 $0x1B8E;
	s24 =	sld [smem:$0x3FFE];
	[sflag:s23] =	ssyncadd.s32 $0xFFFFFFFF  }
0xa5: {  	s26 =	simm.s32 $execute0_lowered;
	[smem:$0x3FD2] =	sst s25  }
0xa6: {  	s4 =	sshll.u32 s26, $0x1;
	_ =	strace $0x8000004F;
	[dreg:$0x1] =	wrdreg $0xFFFFFFFF  }
0xa7: {  	s28 =	simm.s32 $_size_execute0_lowered;
	s2 =	sadd.s32 s2, s4;
	[dreg:$0x0] =	wrdreg $0x0  }
0xa8: {  	s4 =	sshll.u32 s28, $0x1;
	[dreg:$0x2] =	wrdreg s2  }
0xa9: {  	[dreg:$0x3] =	wrdreg s4  }
0xaa: {  	[dreg:$0x4] =	wrdreg $0xC0  }
0xab: {  	_ =	task [dreg:s6], $0x5FFFF  }
0xac: {  	[dreg:$0x1] =	wrdreg $0xFFFFFFFF  }
0xad: {  	[dreg:$0x0] =	wrdreg $0x60  }
0xae: {  	[dreg:$0x2] =	wrdreg s24  }
0xaf: {  	[dreg:$0x3] =	wrdreg $0x21400  }
0xb0: {  	[dreg:$0x4] =	wrdreg $0x9  }
0xb1: {  	_ =	task.clear_ibuf [dreg:s6], $0x5FFFF;
	_ =	strace $0x9000004F  }
0xb2: {  	s29 =	simm.s32 $0x9;
	_ =	strace $0x80000051  }
0xb3: {  	_ =	swait.ge [sflag:s29], $0x1  }
0xb4: {  	[sflag:s29] =	ssyncadd.s32 $0xFFFFFFFF  }
0xb5: {  	_ =	strace $0x90000051  }
0xb6: {  	_ =	sfence  }
0xb7: {  	s30 =	sld [smem:$0x0];
	_ =	sdelay $0x2  }
0xb8: {  	s31 =	sshll.u32 s1, $0xD;
	s1 =	sshrl.u32 s1, $0x2  }
0xb9: {  	s3 =	sand.u32 $0x4000, s31;
	s1 =	sadd.s32 s1, s30  }
0xba: {  	s0 =	sor.u32 s3, s0;
	s1 =	sshll.u32 s1, $0x11  }
0xbb: {  	s0 =	sor.u32 s1, s0  }
0xbc: {  	s0 =	sadd.s32 $0x8F2B, s0  }
0xbd: {  	[sflag:s0] =	ssyncadd.remote.s32 $0x1  }
0xbe: {  	_ =	sfence.sel $0xFFFF  }
0xbf: {  	[dreg:$0x0] =	wrdreg $0xFFFFFFFF;
	(pc) =	sbr.abs _section_cstart, $3  }
0xc0: {  	[dreg:$0x1] =	wrdreg $0xFFFFFFFF  }
0xc1: {  	_ =	task.clear_ibuf [dreg:s6], $0x2FFFF;
	_ =	strace $0x9FFFFFFF  }
0xc2: {  	(tm) =	ssettm $0x7FFFFFFF  }
0xc3: {  	_ =	shalt  }
tec
execute0_lowered:
.L_overlay_start_1:
0x0: {  	(tag) =	ssettag $0x1  }
0x1: {  	s8 =	rddreg [dreg:$0x0]  }
0x2: {  	s1 =	rddreg [dreg:$0x1]  }
0x3: {  	s0 =	rddreg [dreg:$0x2];
	s2 =	simm.s32 $0x0;
	s6 =	srdreg.scid  }
0x4: {  	s4 =	stileid.u32;
	s19 =	simm.s32 $0x140;
	s20 =	simm.s32 $0x1  }
0x5: {  	s21 =	simm.s32 $0x100;
	s22 =	simm.s32 $0x120;
	s23 =	simm.s32 $0x20  }
0x6: {  	s24 =	simm.s32 $0x0;
	[smem:$0x7FF] =	sst s2;
	s3 =	sadd.s32 $0x54E00, s8  }
0x7: {  	s5 =	sadd.s32 $0x41400, s8;
	s15 =	sadd.s32 $0x6600, s8;
	s14 =	sadd.s32 $0x10400, s8  }
0x8: {  	s16 =	sand.u32 $0x1, s6;
	s6 =	sadd.s32 $0x68800, s8;
	s10 =	smul.u32 $0x4E20, s4  }
0x9: {  	s7 =	sadd.s32 $0x7D600, s8;
	s12 =	smul.u32 $0x9C40, s4;
	s8 =	sadd.s32 $0x69C00, s8  }
0xa: {  	s30 =	sshll.u32 s4, $0x6;
	s18 =	smul.u32 $0x9C4, s4;
	s9 =	ssub.s32 $0x2, s16  }
0xb: {  	_ =	strace $0x80000050;
	p0 =	sne.s32 s16, $0x0;
	s11 =	sshrl.u32 s9, $0x1  }
.Ltmp0:
0xc: {  	s29 =	sshrl.u32 s10, $0x3;
	s17 =	sadd.s32 s12, s1;
	(pc) =	sbr.rel .LBB2_1-.Ltmp0, $4  }
0xd: {  	s12 =	sshrl.u32 s12, $0x3;
	s13 =	ssub.s32 s9, s11;
	s31 =	sadd.s32 $0x9C0, s29  }
0xe: {  	s9 =	sor.u32 $0x1C02, s30;
	s16 =	sshrl.u32 s17, $0x3;
	s17 =	simm.s32 $0x2  }
0xf: {  	s10 =	sadd.s32 s15, s31;
	s11 =	sadd.s32 s14, s31;
	s13 =	smax.u32 s13, $0x1  }
0x10: {  	s14 =	sadd.s32 s18, s14;
	s15 =	sadd.s32 s18, s15;
	s18 =	simm.s32 $0x80  }
.LBB2_7:
0x11: {  	s26 =	sadd.s32 s25, s15;
	[sflag:s17] =	ssyncadd.s32 $0xFFFFE000  }
0x12: {  	[tilespmem:s2], [sflag:$0x2] =	stream.linear.gather [hbm4b:s26+s2], $0x80, $0x38;
	[tilespmem:$0xBD80] =	vst v63  }
0x13: {  	_ =	swait.ge [sflag:s17], $0x80  }
0x14: {  	[sflag:s17] =	ssyncset.done $0x0  }
0x15: {  	s31 =	sadd.s32 s25, s14;
	[sflag:s17] =	ssyncadd.s32 $0xFFFFFF80  }
0x16: {  	[tilespmem:s18], [sflag:$0x2] =	stream.linear.gather [hbm4b:s31+s2], $0x80, $0x38;
	[tilespmem:$0xBD80] =	vst v63  }
0x17: {  	_ =	swait.ge [sflag:s17], $0x80  }
0x18: {  	[sflag:s17] =	ssyncset.done $0x0  }
0x19: {  	[sflag:s17] =	ssyncadd.s32 $0xFFFFFF80  }
0x1a: {  	[tilespmem:s19], [sflag:$0x1] =	stream.indirect.gather [hbm4b:s5+s18], $0x40, s2, s18, $0xb8;
	[tilespmem:$0xBD80] =	vst v63  }
0x1b: {  	_ =	swait.ge [sflag:s20], $0x2000  }
0x1c: {  	[sflag:s20] =	ssyncset.done $0x0  }
0x1d: {  	[sflag:s20] =	ssyncadd.s32 $0xFFFFE000  }
0x1e: {  	[spmem:s1] =	stream.indirect.scatter.add.f32 [tilespmem:s19], [sflag:$0x2], $0x40, s18, s18, $0xb8;
	[tilespmem:$0xBD80] =	vst v63  }
0x1f: {  	_ =	swait.ge [sflag:s17], $0x2000  }
0x20: {  	[sflag:s17] =	ssyncset.done $0x0  }
0x21: {  	s25 =	smov.u32 s8;
	s26 =	smov.u32 s5;
	[sflag:s17] =	ssyncadd.s32 $0xFFFFE000  }
.LBB2_8:
0x22: {  	[tilespmem:s21], [sflag:$0x2] =	stream.linear.gather [hbm4b:s10+s2], $0x20, $0x38;
	[tilespmem:$0xBD80] =	vst v63  }
0x23: {  	_ =	swait.ge [sflag:s17], $0x20  }
0x24: {  	[sflag:s17] =	ssyncset.done $0x0  }
0x25: {  	[sflag:s17] =	ssyncadd.s32 $0xFFFFFFE0  }
0x26: {  	[tilespmem:s22], [sflag:$0x2] =	stream.linear.gather [hbm4b:s11+s2], $0x20, $0x38;
	[tilespmem:$0xBD80] =	vst v63  }
0x27: {  	_ =	swait.ge [sflag:s17], $0x20  }
0x28: {  	[sflag:s17] =	ssyncset.done $0x0  }
0x29: {  	[sflag:s17] =	ssyncadd.s32 $0xFFFFFFE0  }
0x2a: {  	[tilespmem:s19], [sflag:$0x1] =	stream.indirect.gather [hbm4b:s26+s23], $0x40, s21, s23, $0xb8;
	[tilespmem:$0xBD80] =	vst v63  }
0x2b: {  	_ =	swait.ge [sflag:s20], $0x800  }
0x2c: {  	[sflag:s20] =	ssyncset.done $0x0  }
0x2d: {  	[sflag:s20] =	ssyncadd.s32 $0xFFFFF800  }
0x2e: {  	[spmem:s1] =	stream.indirect.scatter.add.f32 [tilespmem:s19], [sflag:$0x2], $0x40, s22, s23, $0xb8;
	[tilespmem:$0xBD80] =	vst v63  }
0x2f: {  	_ =	swait.ge [sflag:s17], $0x800  }
0x30: {  	s24 =	sadd.s32 $0x1, s24;
	[sflag:s17] =	ssyncset.done $0x0  }
0x31: {  	p1 =	sne.s32 s24, s13;
	[sflag:s17] =	ssyncadd.s32 $0xFFFFF800  }
.Ltmp1:
0x32: {  	s25 =	sadd.s32 s25, s12;
	[bflag:$0x0] =	sbarrier.arrive $0xFFFF;
	(pc) =	sbr.rel @!p1 .LBB2_9-.Ltmp1, $4  }
0x33: {  	[hbm:s25], [sflag:s9] =	dma.local [spmem:s16], $0x1388  }
0x34: {  	_ =	swait.ge [sflag:s17], $0x1388  }
0x35: {  	[sflag:s17] =	ssyncset.done $0x0  }
0x36: {  	[sflag:s17] =	ssyncadd.s32 $0xFFFFEC78  }
.LBB2_1:
0x37: {  	[spmem:s16], [sflag:s9] =	dma.local [hbm:s6], $0x1388  }
.Ltmp2:
0x38: {  	_ =	swait.ge [sflag:s17], $0x1388;
	(pc) =	sbr.rel @p0 .LBB2_5-.Ltmp2, $4  }
0x39: {  	[sflag:s17] =	ssyncset.done $0x0  }
0x3a: {  	[sflag:s17] =	ssyncadd.s32 $0xFFFFEC78  }
0x3b: {  	[bflag:$0x0] =	sbarrier.arrive $0xFFFF  }
0x3c: {  	s25 =	sadd.s32 $0x0, s15  }
0x3d: {  	[tilespmem:s2], [sflag:$0x2] =	stream.linear.gather [hbm4b:s25+s2], $0x80, $0x38;
	[tilespmem:$0xBD80] =	vst v63  }
0x3e: {  	_ =	swait.ge [sflag:s17], $0x80  }
0x3f: {  	[sflag:s17] =	ssyncset.done $0x0  }
0x40: {  	s31 =	sadd.s32 $0x0, s14;
	[sflag:s17] =	ssyncadd.s32 $0xFFFFFF80  }
0x41: {  	[tilespmem:s18], [sflag:$0x2] =	stream.linear.gather [hbm4b:s31+s2], $0x80, $0x38;
	[tilespmem:$0xBD80] =	vst v63  }
0x42: {  	_ =	swait.ge [sflag:s17], $0x80  }
0x43: {  	[sflag:s17] =	ssyncset.done $0x0  }
0x44: {  	[sflag:s17] =	ssyncadd.s32 $0xFFFFFF80  }
0x45: {  	[tilespmem:s19], [sflag:$0x1] =	stream.indirect.gather [hbm4b:s3+s18], $0x40, s2, s18, $0xb8;
	[tilespmem:$0xBD80] =	vst v63  }
0x46: {  	_ =	swait.ge [sflag:s20], $0x2000  }
0x47: {  	[sflag:s20] =	ssyncset.done $0x0  }
0x48: {  	[sflag:s20] =	ssyncadd.s32 $0xFFFFE000  }
0x49: {  	[spmem:s1] =	stream.indirect.scatter.add.f32 [tilespmem:s19], [sflag:$0x2], $0x40, s18, s18, $0xb8;
	[tilespmem:$0xBD80] =	vst v63  }
0x4a: {  	_ =	swait.ge [sflag:s17], $0x2000  }
0x4b: {  	s25 =	simm.s32 $0x10;
	s26 =	simm.s32 $0x20;
	[sflag:s17] =	ssyncset.done $0x0  }
.LBB2_3:
0x4c: {  	s28 =	sadd.s32 s25, s15  }
0x4d: {  	[sflag:s17] =	ssyncadd.s32 $0xFFFFE000;
	s29 =	smov.u32 s26;
	s30 =	sadd.s32 $0x10, s26  }
0x4e: {  	[tilespmem:s2], [sflag:$0x2] =	stream.linear.gather [hbm4b:s28+s2], $0x80, $0x38;
	[tilespmem:$0xBD80] =	vst v63  }
0x4f: {  	p1 =	seq.s32 s26, $0x9B0;
	_ =	swait.ge [sflag:s17], $0x80  }
0x50: {  	[sflag:s17] =	ssyncset.done $0x0  }
0x51: {  	s26 =	sadd.s32 s25, s14;
	s25 =	smov.u32 s29;
	[sflag:s17] =	ssyncadd.s32 $0xFFFFFF80  }
0x52: {  	[tilespmem:s18], [sflag:$0x2] =	stream.linear.gather [hbm4b:s26+s2], $0x80, $0x38;
	[tilespmem:$0xBD80] =	vst v63  }
0x53: {  	_ =	swait.ge [sflag:s17], $0x80  }
0x54: {  	[sflag:s17] =	ssyncset.done $0x0  }
0x55: {  	[sflag:s17] =	ssyncadd.s32 $0xFFFFFF80  }
0x56: {  	[tilespmem:s19], [sflag:$0x1] =	stream.indirect.gather [hbm4b:s3+s18], $0x40, s2, s18, $0xb8;
	[tilespmem:$0xBD80] =	vst v63  }
0x57: {  	_ =	swait.ge [sflag:s20], $0x2000  }
.Ltmp3:
0x58: {  	[sflag:s20] =	ssyncset.done $0x0;
	(pc) =	sbr.rel @!p1 .LBB2_3-.Ltmp3, $4  }
0x59: {  	[sflag:s20] =	ssyncadd.s32 $0xFFFFE000  }
0x5a: {  	[spmem:s1] =	stream.indirect.scatter.add.f32 [tilespmem:s19], [sflag:$0x2], $0x40, s18, s18, $0xb8;
	[tilespmem:$0xBD80] =	vst v63  }
0x5b: {  	_ =	swait.ge [sflag:s17], $0x2000  }
0x5c: {  	s26 =	smov.u32 s30;
	[sflag:s17] =	ssyncset.done $0x0  }
0x5d: {  	s26 =	sadd.s32 s25, s15;
	[sflag:s17] =	ssyncadd.s32 $0xFFFFE000  }
0x5e: {  	[tilespmem:s2], [sflag:$0x2] =	stream.linear.gather [hbm4b:s26+s2], $0x80, $0x38;
	[tilespmem:$0xBD80] =	vst v63  }
0x5f: {  	_ =	swait.ge [sflag:s17], $0x80  }
0x60: {  	[sflag:s17] =	ssyncset.done $0x0  }
0x61: {  	s31 =	sadd.s32 s25, s14;
	[sflag:s17] =	ssyncadd.s32 $0xFFFFFF80  }
0x62: {  	[tilespmem:s18], [sflag:$0x2] =	stream.linear.gather [hbm4b:s31+s2], $0x80, $0x38;
	[tilespmem:$0xBD80] =	vst v63  }
0x63: {  	_ =	swait.ge [sflag:s17], $0x80  }
0x64: {  	[sflag:s17] =	ssyncset.done $0x0  }
0x65: {  	[sflag:s17] =	ssyncadd.s32 $0xFFFFFF80  }
0x66: {  	[tilespmem:s19], [sflag:$0x1] =	stream.indirect.gather [hbm4b:s3+s18], $0x40, s2, s18, $0xb8;
	[tilespmem:$0xBD80] =	vst v63  }
0x67: {  	_ =	swait.ge [sflag:s20], $0x2000  }
0x68: {  	[sflag:s20] =	ssyncset.done $0x0  }
.Ltmp4:
0x69: {  	[sflag:s20] =	ssyncadd.s32 $0xFFFFE000;
	(pc) =	sbr.rel .LBB2_8-.Ltmp4, $4  }
0x6a: {  	[spmem:s1] =	stream.indirect.scatter.add.f32 [tilespmem:s19], [sflag:$0x2], $0x40, s18, s18, $0xb8;
	[tilespmem:$0xBD80] =	vst v63  }
0x6b: {  	_ =	swait.ge [sflag:s17], $0x2000  }
0x6c: {  	[sflag:s17] =	ssyncset.done $0x0  }
0x6d: {  	s25 =	smov.u32 s7;
	s26 =	smov.u32 s3;
	[sflag:s17] =	ssyncadd.s32 $0xFFFFE000  }
.LBB2_5:
0x6e: {  	[tilespmem:s2], [sflag:$0x2] =	stream.linear.gather [hbm4b:s25+s2], $0x80, $0x38;
	[tilespmem:$0xBD80] =	vst v63  }
0x6f: {  	_ =	swait.ge [sflag:s17], $0x80  }
0x70: {  	[sflag:s17] =	ssyncset.done $0x0  }
0x71: {  	s31 =	sadd.s32 $0x0, s14;
	[sflag:s17] =	ssyncadd.s32 $0xFFFFFF80  }
0x72: {  	[tilespmem:s18], [sflag:$0x2] =	stream.linear.gather [hbm4b:s31+s2], $0x80, $0x38;
	[tilespmem:$0xBD80] =	vst v63  }
0x73: {  	_ =	swait.ge [sflag:s17], $0x80  }
0x74: {  	[sflag:s17] =	ssyncset.done $0x0  }
0x75: {  	[sflag:s17] =	ssyncadd.s32 $0xFFFFFF80  }
0x76: {  	[tilespmem:s19], [sflag:$0x1] =	stream.indirect.gather [hbm4b:s5+s18], $0x40, s2, s18, $0xb8;
	[tilespmem:$0xBD80] =	vst v63  }
0x77: {  	_ =	swait.ge [sflag:s20], $0x2000  }
0x78: {  	[sflag:s20] =	ssyncset.done $0x0  }
0x79: {  	[sflag:s20] =	ssyncadd.s32 $0xFFFFE000  }
0x7a: {  	[spmem:s1] =	stream.indirect.scatter.add.f32 [tilespmem:s19], [sflag:$0x2], $0x40, s18, s18, $0xb8;
	[tilespmem:$0xBD80] =	vst v63  }
0x7b: {  	_ =	swait.ge [sflag:s17], $0x2000  }
0x7c: {  	s25 =	simm.s32 $0x10;
	s26 =	simm.s32 $0x20;
	[sflag:s17] =	ssyncset.done $0x0  }
.LBB2_6:
0x7d: {  	s28 =	sadd.s32 s25, s15  }
0x7e: {  	[sflag:s17] =	ssyncadd.s32 $0xFFFFE000;
	s29 =	smov.u32 s26;
	s30 =	sadd.s32 $0x10, s26  }
0x7f: {  	[tilespmem:s2], [sflag:$0x2] =	stream.linear.gather [hbm4b:s28+s2], $0x80, $0x38;
	[tilespmem:$0xBD80] =	vst v63  }
0x80: {  	p1 =	sne.s32 s26, $0x9B0;
	_ =	swait.ge [sflag:s17], $0x80  }
0x81: {  	[sflag:s17] =	ssyncset.done $0x0  }
0x82: {  	s26 =	sadd.s32 s25, s14;
	s25 =	smov.u32 s29;
	[sflag:s17] =	ssyncadd.s32 $0xFFFFFF80  }
0x83: {  	[tilespmem:s18], [sflag:$0x2] =	stream.linear.gather [hbm4b:s26+s2], $0x80, $0x38;
	[tilespmem:$0xBD80] =	vst v63  }
0x84: {  	_ =	swait.ge [sflag:s17], $0x80  }
0x85: {  	[sflag:s17] =	ssyncset.done $0x0  }
0x86: {  	[sflag:s17] =	ssyncadd.s32 $0xFFFFFF80  }
0x87: {  	[tilespmem:s19], [sflag:$0x1] =	stream.indirect.gather [hbm4b:s5+s18], $0x40, s2, s18, $0xb8;
	[tilespmem:$0xBD80] =	vst v63  }
0x88: {  	_ =	swait.ge [sflag:s20], $0x2000  }
.Ltmp5:
0x89: {  	[sflag:s20] =	ssyncset.done $0x0;
	(pc) =	sbr.rel @p1 .LBB2_6-.Ltmp5, $4  }
0x8a: {  	[sflag:s20] =	ssyncadd.s32 $0xFFFFE000  }
0x8b: {  	[spmem:s1] =	stream.indirect.scatter.add.f32 [tilespmem:s19], [sflag:$0x2], $0x40, s18, s18, $0xb8;
	[tilespmem:$0xBD80] =	vst v63  }
0x8c: {  	_ =	swait.ge [sflag:s17], $0x2000  }
0x8d: {  	s26 =	smov.u32 s30;
	[sflag:s17] =	ssyncset.done $0x0  }
.Ltmp6:
0x8e: {  	_ = 	snop;
	(pc) =	sbr.rel .LBB2_7-.Ltmp6, $1  }
0x8f: {  	_ =	sdelay $0x3  }
.LBB2_9:
0x90: {  	_ =	sfence.sel $0x180000  }
0x91: {  	[bflag:$0x0] =	sbarrier.arrive $0xFFFF  }
0x92: {  	p0 =	sne.s32 s4, $0x0;
	_ =	strace $0x90000050  }
0x93: {  	s0 =	sadd.s32 @!p0 $0x100000, s0;
	[bflag:$0x2] =	sbarrier.arrive $0xFFFF  }
0x94: {  	[sflag:s0] =	ssyncadd.tile.s32 @!p0 $0x1;
	_ =	shalt  }
.Lfunc_end2:
_tile_overlayer_lowered:
.L_overlay_start_2:
0x95: {  	(tag) =	ssettag $0x2  }
0x96: {  	s0 =	rddreg [dreg:$0x0];
	s2 =	stileid.u32  }
0x97: {  	s1 =	rddreg [dreg:$0x1];
	p0 =	sne.s32 s2, $0x0  }
0x98: {  	s3 =	rddreg [dreg:$0x2];
	[bflag:$0x3] =	sbarrier.arrive $0xFFFF;
	s2 =	simm.s32 @!p0 $0x1C02  }
0x99: {  	[timem:s3], [sflag:s2] =	dma.local @!p0 [hbm:s0], s1  }
0x9a: {  	s0 =	simm.s32 @!p0 $0x2  }
0x9b: {  	_ =	swait.ge @!p0 [sflag:s0], s1  }
0x9c: {  	s1 =	ssub.s32 @!p0 $0x0, s1;
	[sflag:s0] =	ssyncset.done @!p0 $0x0  }
0x9d: {  	[sflag:s0] =	ssyncadd.s32 @!p0 s1  }
0x9e: {  	[bflag:$0x3] =	sbarrier.arrive $0xFFFF  }
0x9f: {  	_ =	shalt  }

// kernel: kernel.28.cloned.1.call-start
scs
__scs_entry_jumppad:
0x0: {  	(pc) =	sbr.rel $0x88, $3  }
0x1: {  	(tag) =	ssettag $0x0;
	lr =	simm.s32 $0x1  }
0x2: {  	[smem:$0x3F97] =	sst lr;
	_ =	strace $0xD0000000  }
0x3: {  	_ = 	snop  }
0x4: {  	_ = 	snop  }
0x5: {  	_ = 	snop  }
0x6: {  	_ = 	snop  }
0x7: {  	_ = 	snop  }
__scs_overlays_trampoline_lowered:
0x8: {  	[smem:$0x3FA6] =	sst s0  }
0x9: {  	[smem:$0x3FA7] =	sst s1  }
0xa: {  	[smem:$0x3FA8] =	sst s2  }
0xb: {  	[smem:$0x3FA9] =	sst s3  }
0xc: {  	[smem:$0x3FAA] =	sst s4  }
0xd: {  	[smem:$0x3FAB] =	sst s5  }
0xe: {  	[smem:$0x3FAC] =	sst s6  }
0xf: {  	[smem:$0x3FAD] =	sst s7  }
0x10: {  	[smem:$0x3FAE] =	sst s8  }
0x11: {  	[smem:$0x3FAF] =	sst s9;
	s0 =	simm.s32 @!p0 $0x0  }
0x12: {  	s1 =	sld [smem:$0x3F95];
	s0 =	simm.s32 @p0 $0x1  }
0x13: {  	[smem:$0x3FB0] =	sst s0;
	s0 =	simm.s32 @!p1 $0x0  }
0x14: {  	s2 =	sld [smem:$0x3F94];
	s0 =	simm.s32 @p1 $0x1  }
0x15: {  	[smem:$0x3FB1] =	sst s0;
	s0 =	simm.s32 @!p2 $0x0  }
0x16: {  	s3 =	sld [smem:$0x3FDB];
	s0 =	simm.s32 @p2 $0x1  }
0x17: {  	s4 =	simm.s32 $0x1BF5;
	[smem:$0x3FB3] =	sst s0  }
0x18: {  	s0 =	sld [smem:$0x3F96];
	_ =	swait.ge [sflag:s4], $0x0  }
0x19: {  	s7 =	sld [smem:$0x3F97]  }
0x1a: {  	s8 =	sadd.s32 $0xFFFFE003, lr  }
0x1b: {  	s9 =	sadd.s32 $0xFFFFFEF7, lr;
	s5 =	simm.s32 $0xFFFFFFFF;
	p2 =	slt.u32 s8, $0xFFFFF086  }
0x1c: {  	p1 =	slt.u32 s9, $0xF7A;
	s5 =	simm.s32 @!p2 $0x0  }
0x1d: {  	s5 =	simm.s32 @p1 $0x1;
	p0 =	seq.s32 s7, s2  }
0x1e: {  	s7 =	smul.u32 @!p0 $0xF7A, s2;
	p2 =	seq.s32 @!p0 s5, $0x0  }
0x1f: {  	s9 =	smul.u32 $0xF7A, s1;
	s8 =	simm.s32 @!p0 $0x1BF5;
	p2 =	por !p2, p0  }
0x20: {  	[sflag:s8] =	ssyncset.s32 @!p0 $0xFFFFF086;
	s6 =	sadd.s32 @!p0 s3, s7;
	s7 =	simm.s32 @!p0 $0x108  }
0x21: {  	s3 =	sadd.s32 s3, s9;
	s6 =	sadd.s32 @!p0 $0x88, s6;
	s7 =	simm.s32 @p2 $0x1082  }
0x22: {  	[simem:s7], [sflag:s8] =	dma.local @!p0 [hbm:s6], $0xF7A  }
0x23: {  	s9 =	sor.u32 $0xD0000000, s2;
	s6 =	simm.s32 $0x108;
	_ =	swait.ge @!p0 [sflag:s8], $0x0  }
0x24: {  	s3 =	sadd.s32 $0x88, s3;
	s6 =	simm.s32 @!p1 $0x1082;
	[sflag:s4] =	ssyncset.s32 $0xFFFFF086  }
0x25: {  	[simem:s6], [sflag:s4] =	dma.local [hbm:s3], $0xF7A  }
0x26: {  	[smem:$0x3F97] =	sst s1;
	(tag) =	ssettag s2;
	_ =	strace s9  }
0x27: {  	s1 =	sld [smem:$0x3FA7]  }
0x28: {  	s2 =	sld [smem:$0x3FA8]  }
0x29: {  	s4 =	sld [smem:$0x3FAA]  }
0x2a: {  	p0 =	seq.s32 s5, $0x0;
	s5 =	sld [smem:$0x3FAB]  }
0x2b: {  	s6 =	sld [smem:$0x3FAC]  }
0x2c: {  	s7 =	sld [smem:$0x3FAD]  }
0x2d: {  	s3 =	simm.s32 $0x108;
	s8 =	sld [smem:$0x3FAE]  }
0x2e: {  	s3 =	simm.s32 @!p0 $0x1082;
	s9 =	sld [smem:$0x3FAF]  }
0x2f: {  	lr =	sadd.s32 s0, s3;
	s0 =	sld [smem:$0x3FA6]  }
0x30: {  	s3 =	sld [smem:$0x3FA9]  }
0x31: {  	[smem:$0x3FB2] =	sst s10  }
0x32: {  	s10 =	sld [smem:$0x3FB0];
	_ =	sdelay $0x3  }
0x33: {  	p0 =	seq.s32 s10, $0x1;
	s10 =	sld [smem:$0x3FB2];
	_ =	sdelay $0x3  }
0x34: {  	[smem:$0x3FB2] =	sst s10  }
0x35: {  	s10 =	sld [smem:$0x3FB1];
	_ =	sdelay $0x3  }
0x36: {  	p1 =	seq.s32 s10, $0x1;
	s10 =	sld [smem:$0x3FB2];
	_ =	sdelay $0x3  }
0x37: {  	[smem:$0x3FB2] =	sst s10  }
0x38: {  	s10 =	sld [smem:$0x3FB3]  }
0x39: {  	_ = 	snop;
	(pc) =	sbr.ind lr, $3  }
0x3a: {  	_ = 	snop  }
0x3b: {  	_ = 	snop  }
0x3c: {  	p2 =	seq.s32 s10, $0x1;
	s10 =	sld [smem:$0x3FB2]  }
0x3d: {  	_ =	shalt  }
0x3e: {  	_ =	shalt  }
0x3f: {  	_ =	shalt  }
0x40: {  	_ =	shalt  }
0x41: {  	_ =	shalt  }
0x42: {  	_ =	shalt  }
0x43: {  	_ =	shalt  }
0x44: {  	_ =	shalt  }
0x45: {  	_ =	shalt  }
0x46: {  	_ =	shalt  }
0x47: {  	_ =	shalt  }
0x48: {  	_ =	shalt  }
0x49: {  	_ =	shalt  }
0x4a: {  	_ =	shalt  }
0x4b: {  	_ =	shalt  }
0x4c: {  	_ =	shalt  }
0x4d: {  	_ =	shalt  }
0x4e: {  	_ =	shalt  }
0x4f: {  	_ =	shalt  }
0x50: {  	_ =	shalt  }
0x51: {  	_ =	shalt  }
0x52: {  	_ =	shalt  }
0x53: {  	_ =	shalt  }
0x54: {  	_ =	shalt  }
0x55: {  	_ =	shalt  }
0x56: {  	_ =	shalt  }
0x57: {  	_ =	shalt  }
0x58: {  	_ =	shalt  }
0x59: {  	_ =	shalt  }
0x5a: {  	_ =	shalt  }
0x5b: {  	_ =	shalt  }
0x5c: {  	_ =	shalt  }
0x5d: {  	_ =	shalt  }
0x5e: {  	_ =	shalt  }
0x5f: {  	_ =	shalt  }
0x60: {  	_ =	shalt  }
0x61: {  	_ =	shalt  }
0x62: {  	_ =	shalt  }
0x63: {  	_ =	shalt  }
0x64: {  	_ =	shalt  }
0x65: {  	_ =	shalt  }
0x66: {  	_ =	shalt  }
0x67: {  	_ =	shalt  }
0x68: {  	_ =	shalt  }
0x69: {  	_ =	shalt  }
0x6a: {  	_ =	shalt  }
0x6b: {  	_ =	shalt  }
0x6c: {  	_ =	shalt  }
0x6d: {  	_ =	shalt  }
0x6e: {  	_ =	shalt  }
0x6f: {  	_ =	shalt  }
0x70: {  	_ =	shalt  }
0x71: {  	_ =	shalt  }
0x72: {  	_ =	shalt  }
0x73: {  	_ =	shalt  }
0x74: {  	_ =	shalt  }
0x75: {  	_ =	shalt  }
0x76: {  	_ =	shalt  }
0x77: {  	_ =	shalt  }
0x78: {  	_ =	shalt  }
0x79: {  	_ =	shalt  }
0x7a: {  	_ =	shalt  }
0x7b: {  	_ =	shalt  }
0x7c: {  	_ =	shalt  }
0x7d: {  	_ =	shalt  }
0x7e: {  	_ =	shalt  }
0x7f: {  	_ =	shalt  }
0x80: {  	_ =	shalt  }
0x81: {  	_ =	shalt  }
0x82: {  	_ =	shalt  }
0x83: {  	_ =	shalt  }
0x84: {  	_ =	shalt  }
0x85: {  	_ =	shalt  }
0x86: {  	_ =	shalt  }
0x87: {  	_ =	shalt  }
.Lfunc_end0:
.L_simem_size_0:
called_computation.4_lowered:
.L_overlay_start_0:
0x88: {  	s2 =	sld [smem:$0x3FD9]  }
0x89: {  	s3 =	sld [smem:$0x3FFE];
	_ =	sdelay $0x1  }
0x8a: {  	s1 =	srdreg.scid  }
0x8b: {  	s0 =	sand.u32 $0x1, s1  }
0x8c: {  	s16 =	sshll.u32 s0, $0xA;
	s2 =	sadd.s32 s3, s2  }
0x8d: {  	s2 =	sadd.s32 s2, s16  }
0x8e: {  	[smem:$0x3FBE] =	sst s2  }
0x8f: {  	_ = 	snop  }
0x90: {  	(tm) =	ssettm $0x1  }
0x91: {  	s17 =	sld [smem:$0x3FFB];
	_ =	sdelay $0x3  }
0x92: {  	_ =	strace s17  }
0x93: {  	s2 =	sld [smem:$0x3FFC];
	_ =	sdelay $0x3  }
0x94: {  	_ =	strace s2  }
0x95: {  	s2 =	sld [smem:$0x3FFD];
	_ =	sdelay $0x3  }
0x96: {  	_ =	strace s2  }
0x97: {  	_ =	strace $0x8FFFFFFF  }
0x98: {  	s18 =	sld [smem:$0x3FDB];
	_ =	sdelay $0x1  }
0x99: {  	s19 =	simm.s32 $_scs_section_size  }
0x9a: {  	s4 =	simm.s32 $_size__tile_overlayer_lowered;
	s5 =	simm.s32 $_tile_overlayer_lowered  }
0x9b: {  	s22 =	simm.s32 $0x1BFF;
	s21 =	sshll.u32 s5, $0x1;
	s2 =	sadd.s32 s19, s18  }
0x9c: {  	s6 =	simm.s32 $0x0;
	s20 =	sshll.u32 s4, $0x1;
	s4 =	sadd.s32 s21, s2  }
0x9d: {  	[timem:s6], [sflag:s22] =	dma.local [hbm:s4], s20  }
0x9e: {  	_ =	swait.ge [sflag:s22], s20  }
0x9f: {  	s3 =	ssub.s32 $0x0, s20;
	[sflag:s22] =	ssyncset.done $0x0  }
0xa0: {  	[sflag:s22] =	ssyncadd.s32 s3;
	_ =	sdelay $0x1  }
0xa1: {  	s23 =	simm.s32 $0x1B8B  }
0xa2: {  	_ =	swait.ge [sflag:s23], $0x1  }
0xa3: {  	[sflag:s23] =	ssyncset.done $0x0  }
0xa4: {  	s25 =	simm.s32 $0x1B8E;
	s24 =	sld [smem:$0x3FFE];
	[sflag:s23] =	ssyncadd.s32 $0xFFFFFFFF  }
0xa5: {  	s26 =	simm.s32 $execute0_lowered;
	[smem:$0x3FD2] =	sst s25  }
0xa6: {  	s4 =	sshll.u32 s26, $0x1;
	_ =	strace $0x80000052;
	[dreg:$0x1] =	wrdreg $0xFFFFFFFF  }
0xa7: {  	s28 =	simm.s32 $_size_execute0_lowered;
	s2 =	sadd.s32 s2, s4;
	[dreg:$0x0] =	wrdreg $0x0  }
0xa8: {  	s4 =	sshll.u32 s28, $0x1;
	[dreg:$0x2] =	wrdreg s2  }
0xa9: {  	[dreg:$0x3] =	wrdreg s4  }
0xaa: {  	[dreg:$0x4] =	wrdreg $0xC0  }
0xab: {  	_ =	task [dreg:s6], $0x5FFFF  }
0xac: {  	[dreg:$0x1] =	wrdreg $0xFFFFFFFF  }
0xad: {  	[dreg:$0x0] =	wrdreg $0x60  }
0xae: {  	[dreg:$0x2] =	wrdreg s24  }
0xaf: {  	[dreg:$0x3] =	wrdreg $0x21400  }
0xb0: {  	[dreg:$0x4] =	wrdreg $0x9  }
0xb1: {  	_ =	task.clear_ibuf [dreg:s6], $0x5FFFF;
	_ =	strace $0x90000052  }
0xb2: {  	s29 =	simm.s32 $0x9;
	_ =	strace $0x80000054  }
0xb3: {  	_ =	swait.ge [sflag:s29], $0x1  }
0xb4: {  	[sflag:s29] =	ssyncadd.s32 $0xFFFFFFFF  }
0xb5: {  	_ =	strace $0x90000054  }
0xb6: {  	_ =	sfence  }
0xb7: {  	s30 =	sld [smem:$0x0];
	_ =	sdelay $0x2  }
0xb8: {  	s31 =	sshll.u32 s1, $0xD;
	s1 =	sshrl.u32 s1, $0x2  }
0xb9: {  	s3 =	sand.u32 $0x4000, s31;
	s1 =	sadd.s32 s1, s30  }
0xba: {  	s0 =	sor.u32 s3, s0;
	s1 =	sshll.u32 s1, $0x11  }
0xbb: {  	s0 =	sor.u32 s1, s0  }
0xbc: {  	s0 =	sadd.s32 $0x8F2B, s0  }
0xbd: {  	[sflag:s0] =	ssyncadd.remote.s32 $0x1  }
0xbe: {  	_ =	sfence.sel $0xFFFF  }
0xbf: {  	[dreg:$0x0] =	wrdreg $0xFFFFFFFF;
	(pc) =	sbr.abs _section_cstart, $3  }
0xc0: {  	[dreg:$0x1] =	wrdreg $0xFFFFFFFF  }
0xc1: {  	_ =	task.clear_ibuf [dreg:s6], $0x2FFFF;
	_ =	strace $0x9FFFFFFF  }
0xc2: {  	(tm) =	ssettm $0x7FFFFFFF  }
0xc3: {  	_ =	shalt  }
tec
execute0_lowered:
.L_overlay_start_1:
0x0: {  	(tag) =	ssettag $0x1  }
0x1: {  	s8 =	rddreg [dreg:$0x0]  }
0x2: {  	s1 =	rddreg [dreg:$0x1]  }
0x3: {  	s0 =	rddreg [dreg:$0x2];
	s2 =	simm.s32 $0x0;
	s6 =	srdreg.scid  }
0x4: {  	s4 =	stileid.u32;
	s19 =	simm.s32 $0x140;
	s20 =	simm.s32 $0x1  }
0x5: {  	s21 =	simm.s32 $0x100;
	s22 =	simm.s32 $0x120;
	s23 =	simm.s32 $0x20  }
0x6: {  	s24 =	simm.s32 $0x0;
	[smem:$0x7FF] =	sst s2;
	s3 =	sadd.s32 $0x54E00, s8  }
0x7: {  	s5 =	sadd.s32 $0x41400, s8;
	s15 =	sadd.s32 $0x6600, s8;
	s14 =	sadd.s32 $0x10400, s8  }
0x8: {  	s16 =	sand.u32 $0x1, s6;
	s6 =	sadd.s32 $0x68800, s8;
	s10 =	smul.u32 $0x4E20, s4  }
0x9: {  	s7 =	sadd.s32 $0x7D600, s8;
	s12 =	smul.u32 $0x9C40, s4;
	s8 =	sadd.s32 $0x69C00, s8  }
0xa: {  	s30 =	sshll.u32 s4, $0x6;
	s18 =	smul.u32 $0x9C4, s4;
	s9 =	ssub.s32 $0x2, s16  }
0xb: {  	_ =	strace $0x80000053;
	p0 =	sne.s32 s16, $0x0;
	s11 =	sshrl.u32 s9, $0x1  }
.Ltmp0:
0xc: {  	s29 =	sshrl.u32 s10, $0x3;
	s17 =	sadd.s32 s12, s1;
	(pc) =	sbr.rel .LBB2_1-.Ltmp0, $4  }
0xd: {  	s12 =	sshrl.u32 s12, $0x3;
	s13 =	ssub.s32 s9, s11;
	s31 =	sadd.s32 $0x9C0, s29  }
0xe: {  	s9 =	sor.u32 $0x1C02, s30;
	s16 =	sshrl.u32 s17, $0x3;
	s17 =	simm.s32 $0x2  }
0xf: {  	s10 =	sadd.s32 s15, s31;
	s11 =	sadd.s32 s14, s31;
	s13 =	smax.u32 s13, $0x1  }
0x10: {  	s14 =	sadd.s32 s18, s14;
	s15 =	sadd.s32 s18, s15;
	s18 =	simm.s32 $0x80  }
.LBB2_7:
0x11: {  	s26 =	sadd.s32 s25, s15;
	[sflag:s17] =	ssyncadd.s32 $0xFFFFE000  }
0x12: {  	[tilespmem:s2], [sflag:$0x2] =	stream.linear.gather [hbm4b:s26+s2], $0x80, $0x38;
	[tilespmem:$0xBD80] =	vst v63  }
0x13: {  	_ =	swait.ge [sflag:s17], $0x80  }
0x14: {  	[sflag:s17] =	ssyncset.done $0x0  }
0x15: {  	s31 =	sadd.s32 s25, s14;
	[sflag:s17] =	ssyncadd.s32 $0xFFFFFF80  }
0x16: {  	[tilespmem:s18], [sflag:$0x2] =	stream.linear.gather [hbm4b:s31+s2], $0x80, $0x38;
	[tilespmem:$0xBD80] =	vst v63  }
0x17: {  	_ =	swait.ge [sflag:s17], $0x80  }
0x18: {  	[sflag:s17] =	ssyncset.done $0x0  }
0x19: {  	[sflag:s17] =	ssyncadd.s32 $0xFFFFFF80  }
0x1a: {  	[tilespmem:s19], [sflag:$0x1] =	stream.indirect.gather [hbm4b:s5+s18], $0x40, s2, s18, $0xb8;
	[tilespmem:$0xBD80] =	vst v63  }
0x1b: {  	_ =	swait.ge [sflag:s20], $0x2000  }
0x1c: {  	[sflag:s20] =	ssyncset.done $0x0  }
0x1d: {  	[sflag:s20] =	ssyncadd.s32 $0xFFFFE000  }
0x1e: {  	[spmem:s1] =	stream.indirect.scatter.add.f32 [tilespmem:s19], [sflag:$0x2], $0x40, s18, s18, $0xb8;
	[tilespmem:$0xBD80] =	vst v63  }
0x1f: {  	_ =	swait.ge [sflag:s17], $0x2000  }
0x20: {  	[sflag:s17] =	ssyncset.done $0x0  }
0x21: {  	s25 =	smov.u32 s8;
	s26 =	smov.u32 s5;
	[sflag:s17] =	ssyncadd.s32 $0xFFFFE000  }
.LBB2_8:
0x22: {  	[tilespmem:s21], [sflag:$0x2] =	stream.linear.gather [hbm4b:s10+s2], $0x20, $0x38;
	[tilespmem:$0xBD80] =	vst v63  }
0x23: {  	_ =	swait.ge [sflag:s17], $0x20  }
0x24: {  	[sflag:s17] =	ssyncset.done $0x0  }
0x25: {  	[sflag:s17] =	ssyncadd.s32 $0xFFFFFFE0  }
0x26: {  	[tilespmem:s22], [sflag:$0x2] =	stream.linear.gather [hbm4b:s11+s2], $0x20, $0x38;
	[tilespmem:$0xBD80] =	vst v63  }
0x27: {  	_ =	swait.ge [sflag:s17], $0x20  }
0x28: {  	[sflag:s17] =	ssyncset.done $0x0  }
0x29: {  	[sflag:s17] =	ssyncadd.s32 $0xFFFFFFE0  }
0x2a: {  	[tilespmem:s19], [sflag:$0x1] =	stream.indirect.gather [hbm4b:s26+s23], $0x40, s21, s23, $0xb8;
	[tilespmem:$0xBD80] =	vst v63  }
0x2b: {  	_ =	swait.ge [sflag:s20], $0x800  }
0x2c: {  	[sflag:s20] =	ssyncset.done $0x0  }
0x2d: {  	[sflag:s20] =	ssyncadd.s32 $0xFFFFF800  }
0x2e: {  	[spmem:s1] =	stream.indirect.scatter.add.f32 [tilespmem:s19], [sflag:$0x2], $0x40, s22, s23, $0xb8;
	[tilespmem:$0xBD80] =	vst v63  }
0x2f: {  	_ =	swait.ge [sflag:s17], $0x800  }
0x30: {  	s24 =	sadd.s32 $0x1, s24;
	[sflag:s17] =	ssyncset.done $0x0  }
0x31: {  	p1 =	sne.s32 s24, s13;
	[sflag:s17] =	ssyncadd.s32 $0xFFFFF800  }
.Ltmp1:
0x32: {  	s25 =	sadd.s32 s25, s12;
	[bflag:$0x0] =	sbarrier.arrive $0xFFFF;
	(pc) =	sbr.rel @!p1 .LBB2_9-.Ltmp1, $4  }
0x33: {  	[hbm:s25], [sflag:s9] =	dma.local [spmem:s16], $0x1388  }
0x34: {  	_ =	swait.ge [sflag:s17], $0x1388  }
0x35: {  	[sflag:s17] =	ssyncset.done $0x0  }
0x36: {  	[sflag:s17] =	ssyncadd.s32 $0xFFFFEC78  }
.LBB2_1:
0x37: {  	[spmem:s16], [sflag:s9] =	dma.local [hbm:s6], $0x1388  }
.Ltmp2:
0x38: {  	_ =	swait.ge [sflag:s17], $0x1388;
	(pc) =	sbr.rel @p0 .LBB2_5-.Ltmp2, $4  }
0x39: {  	[sflag:s17] =	ssyncset.done $0x0  }
0x3a: {  	[sflag:s17] =	ssyncadd.s32 $0xFFFFEC78  }
0x3b: {  	[bflag:$0x0] =	sbarrier.arrive $0xFFFF  }
0x3c: {  	s25 =	sadd.s32 $0x0, s15  }
0x3d: {  	[tilespmem:s2], [sflag:$0x2] =	stream.linear.gather [hbm4b:s25+s2], $0x80, $0x38;
	[tilespmem:$0xBD80] =	vst v63  }
0x3e: {  	_ =	swait.ge [sflag:s17], $0x80  }
0x3f: {  	[sflag:s17] =	ssyncset.done $0x0  }
0x40: {  	s31 =	sadd.s32 $0x0, s14;
	[sflag:s17] =	ssyncadd.s32 $0xFFFFFF80  }
0x41: {  	[tilespmem:s18], [sflag:$0x2] =	stream.linear.gather [hbm4b:s31+s2], $0x80, $0x38;
	[tilespmem:$0xBD80] =	vst v63  }
0x42: {  	_ =	swait.ge [sflag:s17], $0x80  }
0x43: {  	[sflag:s17] =	ssyncset.done $0x0  }
0x44: {  	[sflag:s17] =	ssyncadd.s32 $0xFFFFFF80  }
0x45: {  	[tilespmem:s19], [sflag:$0x1] =	stream.indirect.gather [hbm4b:s3+s18], $0x40, s2, s18, $0xb8;
	[tilespmem:$0xBD80] =	vst v63  }
0x46: {  	_ =	swait.ge [sflag:s20], $0x2000  }
0x47: {  	[sflag:s20] =	ssyncset.done $0x0  }
0x48: {  	[sflag:s20] =	ssyncadd.s32 $0xFFFFE000  }
0x49: {  	[spmem:s1] =	stream.indirect.scatter.add.f32 [tilespmem:s19], [sflag:$0x2], $0x40, s18, s18, $0xb8;
	[tilespmem:$0xBD80] =	vst v63  }
0x4a: {  	_ =	swait.ge [sflag:s17], $0x2000  }
0x4b: {  	s25 =	simm.s32 $0x10;
	s26 =	simm.s32 $0x20;
	[sflag:s17] =	ssyncset.done $0x0  }
.LBB2_3:
0x4c: {  	s28 =	sadd.s32 s25, s15  }
0x4d: {  	[sflag:s17] =	ssyncadd.s32 $0xFFFFE000;
	s29 =	smov.u32 s26;
	s30 =	sadd.s32 $0x10, s26  }
0x4e: {  	[tilespmem:s2], [sflag:$0x2] =	stream.linear.gather [hbm4b:s28+s2], $0x80, $0x38;
	[tilespmem:$0xBD80] =	vst v63  }
0x4f: {  	p1 =	seq.s32 s26, $0x9B0;
	_ =	swait.ge [sflag:s17], $0x80  }
0x50: {  	[sflag:s17] =	ssyncset.done $0x0  }
0x51: {  	s26 =	sadd.s32 s25, s14;
	s25 =	smov.u32 s29;
	[sflag:s17] =	ssyncadd.s32 $0xFFFFFF80  }
0x52: {  	[tilespmem:s18], [sflag:$0x2] =	stream.linear.gather [hbm4b:s26+s2], $0x80, $0x38;
	[tilespmem:$0xBD80] =	vst v63  }
0x53: {  	_ =	swait.ge [sflag:s17], $0x80  }
0x54: {  	[sflag:s17] =	ssyncset.done $0x0  }
0x55: {  	[sflag:s17] =	ssyncadd.s32 $0xFFFFFF80  }
0x56: {  	[tilespmem:s19], [sflag:$0x1] =	stream.indirect.gather [hbm4b:s3+s18], $0x40, s2, s18, $0xb8;
	[tilespmem:$0xBD80] =	vst v63  }
0x57: {  	_ =	swait.ge [sflag:s20], $0x2000  }
.Ltmp3:
0x58: {  	[sflag:s20] =	ssyncset.done $0x0;
	(pc) =	sbr.rel @!p1 .LBB2_3-.Ltmp3, $4  }
0x59: {  	[sflag:s20] =	ssyncadd.s32 $0xFFFFE000  }
0x5a: {  	[spmem:s1] =	stream.indirect.scatter.add.f32 [tilespmem:s19], [sflag:$0x2], $0x40, s18, s18, $0xb8;
	[tilespmem:$0xBD80] =	vst v63  }
0x5b: {  	_ =	swait.ge [sflag:s17], $0x2000  }
0x5c: {  	s26 =	smov.u32 s30;
	[sflag:s17] =	ssyncset.done $0x0  }
0x5d: {  	s26 =	sadd.s32 s25, s15;
	[sflag:s17] =	ssyncadd.s32 $0xFFFFE000  }
0x5e: {  	[tilespmem:s2], [sflag:$0x2] =	stream.linear.gather [hbm4b:s26+s2], $0x80, $0x38;
	[tilespmem:$0xBD80] =	vst v63  }
0x5f: {  	_ =	swait.ge [sflag:s17], $0x80  }
0x60: {  	[sflag:s17] =	ssyncset.done $0x0  }
0x61: {  	s31 =	sadd.s32 s25, s14;
	[sflag:s17] =	ssyncadd.s32 $0xFFFFFF80  }
0x62: {  	[tilespmem:s18], [sflag:$0x2] =	stream.linear.gather [hbm4b:s31+s2], $0x80, $0x38;
	[tilespmem:$0xBD80] =	vst v63  }
0x63: {  	_ =	swait.ge [sflag:s17], $0x80  }
0x64: {  	[sflag:s17] =	ssyncset.done $0x0  }
0x65: {  	[sflag:s17] =	ssyncadd.s32 $0xFFFFFF80  }
0x66: {  	[tilespmem:s19], [sflag:$0x1] =	stream.indirect.gather [hbm4b:s3+s18], $0x40, s2, s18, $0xb8;
	[tilespmem:$0xBD80] =	vst v63  }
0x67: {  	_ =	swait.ge [sflag:s20], $0x2000  }
0x68: {  	[sflag:s20] =	ssyncset.done $0x0  }
.Ltmp4:
0x69: {  	[sflag:s20] =	ssyncadd.s32 $0xFFFFE000;
	(pc) =	sbr.rel .LBB2_8-.Ltmp4, $4  }
0x6a: {  	[spmem:s1] =	stream.indirect.scatter.add.f32 [tilespmem:s19], [sflag:$0x2], $0x40, s18, s18, $0xb8;
	[tilespmem:$0xBD80] =	vst v63  }
0x6b: {  	_ =	swait.ge [sflag:s17], $0x2000  }
0x6c: {  	[sflag:s17] =	ssyncset.done $0x0  }
0x6d: {  	s25 =	smov.u32 s7;
	s26 =	smov.u32 s3;
	[sflag:s17] =	ssyncadd.s32 $0xFFFFE000  }
.LBB2_5:
0x6e: {  	[tilespmem:s2], [sflag:$0x2] =	stream.linear.gather [hbm4b:s25+s2], $0x80, $0x38;
	[tilespmem:$0xBD80] =	vst v63  }
0x6f: {  	_ =	swait.ge [sflag:s17], $0x80  }
0x70: {  	[sflag:s17] =	ssyncset.done $0x0  }
0x71: {  	s31 =	sadd.s32 $0x0, s14;
	[sflag:s17] =	ssyncadd.s32 $0xFFFFFF80  }
0x72: {  	[tilespmem:s18], [sflag:$0x2] =	stream.linear.gather [hbm4b:s31+s2], $0x80, $0x38;
	[tilespmem:$0xBD80] =	vst v63  }
0x73: {  	_ =	swait.ge [sflag:s17], $0x80  }
0x74: {  	[sflag:s17] =	ssyncset.done $0x0  }
0x75: {  	[sflag:s17] =	ssyncadd.s32 $0xFFFFFF80  }
0x76: {  	[tilespmem:s19], [sflag:$0x1] =	stream.indirect.gather [hbm4b:s5+s18], $0x40, s2, s18, $0xb8;
	[tilespmem:$0xBD80] =	vst v63  }
0x77: {  	_ =	swait.ge [sflag:s20], $0x2000  }
0x78: {  	[sflag:s20] =	ssyncset.done $0x0  }
0x79: {  	[sflag:s20] =	ssyncadd.s32 $0xFFFFE000  }
0x7a: {  	[spmem:s1] =	stream.indirect.scatter.add.f32 [tilespmem:s19], [sflag:$0x2], $0x40, s18, s18, $0xb8;
	[tilespmem:$0xBD80] =	vst v63  }
0x7b: {  	_ =	swait.ge [sflag:s17], $0x2000  }
0x7c: {  	s25 =	simm.s32 $0x10;
	s26 =	simm.s32 $0x20;
	[sflag:s17] =	ssyncset.done $0x0  }
.LBB2_6:
0x7d: {  	s28 =	sadd.s32 s25, s15  }
0x7e: {  	[sflag:s17] =	ssyncadd.s32 $0xFFFFE000;
	s29 =	smov.u32 s26;
	s30 =	sadd.s32 $0x10, s26  }
0x7f: {  	[tilespmem:s2], [sflag:$0x2] =	stream.linear.gather [hbm4b:s28+s2], $0x80, $0x38;
	[tilespmem:$0xBD80] =	vst v63  }
0x80: {  	p1 =	sne.s32 s26, $0x9B0;
	_ =	swait.ge [sflag:s17], $0x80  }
0x81: {  	[sflag:s17] =	ssyncset.done $0x0  }
0x82: {  	s26 =	sadd.s32 s25, s14;
	s25 =	smov.u32 s29;
	[sflag:s17] =	ssyncadd.s32 $0xFFFFFF80  }
0x83: {  	[tilespmem:s18], [sflag:$0x2] =	stream.linear.gather [hbm4b:s26+s2], $0x80, $0x38;
	[tilespmem:$0xBD80] =	vst v63  }
0x84: {  	_ =	swait.ge [sflag:s17], $0x80  }
0x85: {  	[sflag:s17] =	ssyncset.done $0x0  }
0x86: {  	[sflag:s17] =	ssyncadd.s32 $0xFFFFFF80  }
0x87: {  	[tilespmem:s19], [sflag:$0x1] =	stream.indirect.gather [hbm4b:s5+s18], $0x40, s2, s18, $0xb8;
	[tilespmem:$0xBD80] =	vst v63  }
0x88: {  	_ =	swait.ge [sflag:s20], $0x2000  }
.Ltmp5:
0x89: {  	[sflag:s20] =	ssyncset.done $0x0;
	(pc) =	sbr.rel @p1 .LBB2_6-.Ltmp5, $4  }
0x8a: {  	[sflag:s20] =	ssyncadd.s32 $0xFFFFE000  }
0x8b: {  	[spmem:s1] =	stream.indirect.scatter.add.f32 [tilespmem:s19], [sflag:$0x2], $0x40, s18, s18, $0xb8;
	[tilespmem:$0xBD80] =	vst v63  }
0x8c: {  	_ =	swait.ge [sflag:s17], $0x2000  }
0x8d: {  	s26 =	smov.u32 s30;
	[sflag:s17] =	ssyncset.done $0x0  }
.Ltmp6:
0x8e: {  	_ = 	snop;
	(pc) =	sbr.rel .LBB2_7-.Ltmp6, $1  }
0x8f: {  	_ =	sdelay $0x3  }
.LBB2_9:
0x90: {  	_ =	sfence.sel $0x180000  }
0x91: {  	[bflag:$0x0] =	sbarrier.arrive $0xFFFF  }
0x92: {  	p0 =	sne.s32 s4, $0x0;
	_ =	strace $0x90000053  }
0x93: {  	s0 =	sadd.s32 @!p0 $0x100000, s0;
	[bflag:$0x2] =	sbarrier.arrive $0xFFFF  }
0x94: {  	[sflag:s0] =	ssyncadd.tile.s32 @!p0 $0x1;
	_ =	shalt  }
.Lfunc_end2:
_tile_overlayer_lowered:
.L_overlay_start_2:
0x95: {  	(tag) =	ssettag $0x2  }
0x96: {  	s0 =	rddreg [dreg:$0x0];
	s2 =	stileid.u32  }
0x97: {  	s1 =	rddreg [dreg:$0x1];
	p0 =	sne.s32 s2, $0x0  }
0x98: {  	s3 =	rddreg [dreg:$0x2];
	[bflag:$0x3] =	sbarrier.arrive $0xFFFF;
	s2 =	simm.s32 @!p0 $0x1C02  }
0x99: {  	[timem:s3], [sflag:s2] =	dma.local @!p0 [hbm:s0], s1  }
0x9a: {  	s0 =	simm.s32 @!p0 $0x2  }
0x9b: {  	_ =	swait.ge @!p0 [sflag:s0], s1  }
0x9c: {  	s1 =	ssub.s32 @!p0 $0x0, s1;
	[sflag:s0] =	ssyncset.done @!p0 $0x0  }
0x9d: {  	[sflag:s0] =	ssyncadd.s32 @!p0 s1  }
0x9e: {  	[bflag:$0x3] =	sbarrier.arrive $0xFFFF  }
0x9f: {  	_ =	shalt  }

// kernel: kernel.31.cloned.1.call-start
scs
__scs_entry_jumppad:
0x0: {  	(pc) =	sbr.rel $0x88, $3  }
0x1: {  	(tag) =	ssettag $0x0;
	lr =	simm.s32 $0x1  }
0x2: {  	[smem:$0x3F97] =	sst lr;
	_ =	strace $0xD0000000  }
0x3: {  	_ = 	snop  }
0x4: {  	_ = 	snop  }
0x5: {  	_ = 	snop  }
0x6: {  	_ = 	snop  }
0x7: {  	_ = 	snop  }
__scs_overlays_trampoline_lowered:
0x8: {  	[smem:$0x3FA6] =	sst s0  }
0x9: {  	[smem:$0x3FA7] =	sst s1  }
0xa: {  	[smem:$0x3FA8] =	sst s2  }
0xb: {  	[smem:$0x3FA9] =	sst s3  }
0xc: {  	[smem:$0x3FAA] =	sst s4  }
0xd: {  	[smem:$0x3FAB] =	sst s5  }
0xe: {  	[smem:$0x3FAC] =	sst s6  }
0xf: {  	[smem:$0x3FAD] =	sst s7  }
0x10: {  	[smem:$0x3FAE] =	sst s8  }
0x11: {  	[smem:$0x3FAF] =	sst s9;
	s0 =	simm.s32 @!p0 $0x0  }
0x12: {  	s1 =	sld [smem:$0x3F95];
	s0 =	simm.s32 @p0 $0x1  }
0x13: {  	[smem:$0x3FB0] =	sst s0;
	s0 =	simm.s32 @!p1 $0x0  }
0x14: {  	s2 =	sld [smem:$0x3F94];
	s0 =	simm.s32 @p1 $0x1  }
0x15: {  	[smem:$0x3FB1] =	sst s0;
	s0 =	simm.s32 @!p2 $0x0  }
0x16: {  	s3 =	sld [smem:$0x3FDB];
	s0 =	simm.s32 @p2 $0x1  }
0x17: {  	s4 =	simm.s32 $0x1BF5;
	[smem:$0x3FB3] =	sst s0  }
0x18: {  	s0 =	sld [smem:$0x3F96];
	_ =	swait.ge [sflag:s4], $0x0  }
0x19: {  	s7 =	sld [smem:$0x3F97]  }
0x1a: {  	s8 =	sadd.s32 $0xFFFFE003, lr  }
0x1b: {  	s9 =	sadd.s32 $0xFFFFFEF7, lr;
	s5 =	simm.s32 $0xFFFFFFFF;
	p2 =	slt.u32 s8, $0xFFFFF086  }
0x1c: {  	p1 =	slt.u32 s9, $0xF7A;
	s5 =	simm.s32 @!p2 $0x0  }
0x1d: {  	s5 =	simm.s32 @p1 $0x1;
	p0 =	seq.s32 s7, s2  }
0x1e: {  	s7 =	smul.u32 @!p0 $0xF7A, s2;
	p2 =	seq.s32 @!p0 s5, $0x0  }
0x1f: {  	s9 =	smul.u32 $0xF7A, s1;
	s8 =	simm.s32 @!p0 $0x1BF5;
	p2 =	por !p2, p0  }
0x20: {  	[sflag:s8] =	ssyncset.s32 @!p0 $0xFFFFF086;
	s6 =	sadd.s32 @!p0 s3, s7;
	s7 =	simm.s32 @!p0 $0x108  }
0x21: {  	s3 =	sadd.s32 s3, s9;
	s6 =	sadd.s32 @!p0 $0x88, s6;
	s7 =	simm.s32 @p2 $0x1082  }
0x22: {  	[simem:s7], [sflag:s8] =	dma.local @!p0 [hbm:s6], $0xF7A  }
0x23: {  	s9 =	sor.u32 $0xD0000000, s2;
	s6 =	simm.s32 $0x108;
	_ =	swait.ge @!p0 [sflag:s8], $0x0  }
0x24: {  	s3 =	sadd.s32 $0x88, s3;
	s6 =	simm.s32 @!p1 $0x1082;
	[sflag:s4] =	ssyncset.s32 $0xFFFFF086  }
0x25: {  	[simem:s6], [sflag:s4] =	dma.local [hbm:s3], $0xF7A  }
0x26: {  	[smem:$0x3F97] =	sst s1;
	(tag) =	ssettag s2;
	_ =	strace s9  }
0x27: {  	s1 =	sld [smem:$0x3FA7]  }
0x28: {  	s2 =	sld [smem:$0x3FA8]  }
0x29: {  	s4 =	sld [smem:$0x3FAA]  }
0x2a: {  	p0 =	seq.s32 s5, $0x0;
	s5 =	sld [smem:$0x3FAB]  }
0x2b: {  	s6 =	sld [smem:$0x3FAC]  }
0x2c: {  	s7 =	sld [smem:$0x3FAD]  }
0x2d: {  	s3 =	simm.s32 $0x108;
	s8 =	sld [smem:$0x3FAE]  }
0x2e: {  	s3 =	simm.s32 @!p0 $0x1082;
	s9 =	sld [smem:$0x3FAF]  }
0x2f: {  	lr =	sadd.s32 s0, s3;
	s0 =	sld [smem:$0x3FA6]  }
0x30: {  	s3 =	sld [smem:$0x3FA9]  }
0x31: {  	[smem:$0x3FB2] =	sst s10  }
0x32: {  	s10 =	sld [smem:$0x3FB0];
	_ =	sdelay $0x3  }
0x33: {  	p0 =	seq.s32 s10, $0x1;
	s10 =	sld [smem:$0x3FB2];
	_ =	sdelay $0x3  }
0x34: {  	[smem:$0x3FB2] =	sst s10  }
0x35: {  	s10 =	sld [smem:$0x3FB1];
	_ =	sdelay $0x3  }
0x36: {  	p1 =	seq.s32 s10, $0x1;
	s10 =	sld [smem:$0x3FB2];
	_ =	sdelay $0x3  }
0x37: {  	[smem:$0x3FB2] =	sst s10  }
0x38: {  	s10 =	sld [smem:$0x3FB3]  }
0x39: {  	_ = 	snop;
	(pc) =	sbr.ind lr, $3  }
0x3a: {  	_ = 	snop  }
0x3b: {  	_ = 	snop  }
0x3c: {  	p2 =	seq.s32 s10, $0x1;
	s10 =	sld [smem:$0x3FB2]  }
0x3d: {  	_ =	shalt  }
0x3e: {  	_ =	shalt  }
0x3f: {  	_ =	shalt  }
0x40: {  	_ =	shalt  }
0x41: {  	_ =	shalt  }
0x42: {  	_ =	shalt  }
0x43: {  	_ =	shalt  }
0x44: {  	_ =	shalt  }
0x45: {  	_ =	shalt  }
0x46: {  	_ =	shalt  }
0x47: {  	_ =	shalt  }
0x48: {  	_ =	shalt  }
0x49: {  	_ =	shalt  }
0x4a: {  	_ =	shalt  }
0x4b: {  	_ =	shalt  }
0x4c: {  	_ =	shalt  }
0x4d: {  	_ =	shalt  }
0x4e: {  	_ =	shalt  }
0x4f: {  	_ =	shalt  }
0x50: {  	_ =	shalt  }
0x51: {  	_ =	shalt  }
0x52: {  	_ =	shalt  }
0x53: {  	_ =	shalt  }
0x54: {  	_ =	shalt  }
0x55: {  	_ =	shalt  }
0x56: {  	_ =	shalt  }
0x57: {  	_ =	shalt  }
0x58: {  	_ =	shalt  }
0x59: {  	_ =	shalt  }
0x5a: {  	_ =	shalt  }
0x5b: {  	_ =	shalt  }
0x5c: {  	_ =	shalt  }
0x5d: {  	_ =	shalt  }
0x5e: {  	_ =	shalt  }
0x5f: {  	_ =	shalt  }
0x60: {  	_ =	shalt  }
0x61: {  	_ =	shalt  }
0x62: {  	_ =	shalt  }
0x63: {  	_ =	shalt  }
0x64: {  	_ =	shalt  }
0x65: {  	_ =	shalt  }
0x66: {  	_ =	shalt  }
0x67: {  	_ =	shalt  }
0x68: {  	_ =	shalt  }
0x69: {  	_ =	shalt  }
0x6a: {  	_ =	shalt  }
0x6b: {  	_ =	shalt  }
0x6c: {  	_ =	shalt  }
0x6d: {  	_ =	shalt  }
0x6e: {  	_ =	shalt  }
0x6f: {  	_ =	shalt  }
0x70: {  	_ =	shalt  }
0x71: {  	_ =	shalt  }
0x72: {  	_ =	shalt  }
0x73: {  	_ =	shalt  }
0x74: {  	_ =	shalt  }
0x75: {  	_ =	shalt  }
0x76: {  	_ =	shalt  }
0x77: {  	_ =	shalt  }
0x78: {  	_ =	shalt  }
0x79: {  	_ =	shalt  }
0x7a: {  	_ =	shalt  }
0x7b: {  	_ =	shalt  }
0x7c: {  	_ =	shalt  }
0x7d: {  	_ =	shalt  }
0x7e: {  	_ =	shalt  }
0x7f: {  	_ =	shalt  }
0x80: {  	_ =	shalt  }
0x81: {  	_ =	shalt  }
0x82: {  	_ =	shalt  }
0x83: {  	_ =	shalt  }
0x84: {  	_ =	shalt  }
0x85: {  	_ =	shalt  }
0x86: {  	_ =	shalt  }
0x87: {  	_ =	shalt  }
.Lfunc_end0:
.L_simem_size_0:
called_computation.5_lowered:
.L_overlay_start_0:
0x88: {  	s2 =	sld [smem:$0x3FD9]  }
0x89: {  	s3 =	sld [smem:$0x3FFE];
	_ =	sdelay $0x1  }
0x8a: {  	s1 =	srdreg.scid  }
0x8b: {  	s0 =	sand.u32 $0x1, s1  }
0x8c: {  	s16 =	sshll.u32 s0, $0xA;
	s2 =	sadd.s32 s3, s2  }
0x8d: {  	s2 =	sadd.s32 s2, s16  }
0x8e: {  	[smem:$0x3FBE] =	sst s2  }
0x8f: {  	_ = 	snop  }
0x90: {  	(tm) =	ssettm $0x1  }
0x91: {  	s17 =	sld [smem:$0x3FFB];
	_ =	sdelay $0x3  }
0x92: {  	_ =	strace s17  }
0x93: {  	s2 =	sld [smem:$0x3FFC];
	_ =	sdelay $0x3  }
0x94: {  	_ =	strace s2  }
0x95: {  	s2 =	sld [smem:$0x3FFD];
	_ =	sdelay $0x3  }
0x96: {  	_ =	strace s2  }
0x97: {  	_ =	strace $0x8FFFFFFF  }
0x98: {  	s18 =	sld [smem:$0x3FDB];
	_ =	sdelay $0x1  }
0x99: {  	s19 =	simm.s32 $_scs_section_size  }
0x9a: {  	s4 =	simm.s32 $_size__tile_overlayer_lowered;
	s5 =	simm.s32 $_tile_overlayer_lowered  }
0x9b: {  	s22 =	simm.s32 $0x1BFF;
	s21 =	sshll.u32 s5, $0x1;
	s2 =	sadd.s32 s19, s18  }
0x9c: {  	s6 =	simm.s32 $0x0;
	s20 =	sshll.u32 s4, $0x1;
	s4 =	sadd.s32 s21, s2  }
0x9d: {  	[timem:s6], [sflag:s22] =	dma.local [hbm:s4], s20  }
0x9e: {  	_ =	swait.ge [sflag:s22], s20  }
0x9f: {  	s3 =	ssub.s32 $0x0, s20;
	[sflag:s22] =	ssyncset.done $0x0  }
0xa0: {  	[sflag:s22] =	ssyncadd.s32 s3;
	_ =	sdelay $0x1  }
0xa1: {  	s23 =	simm.s32 $0x1B8B  }
0xa2: {  	_ =	swait.ge [sflag:s23], $0x1  }
0xa3: {  	[sflag:s23] =	ssyncset.done $0x0  }
0xa4: {  	s25 =	simm.s32 $0x1B8E;
	s24 =	sld [smem:$0x3FFE];
	[sflag:s23] =	ssyncadd.s32 $0xFFFFFFFF  }
0xa5: {  	s26 =	simm.s32 $execute0_lowered;
	[smem:$0x3FD2] =	sst s25  }
0xa6: {  	s4 =	sshll.u32 s26, $0x1;
	_ =	strace $0x80000055;
	[dreg:$0x1] =	wrdreg $0xFFFFFFFF  }
0xa7: {  	s28 =	simm.s32 $_size_execute0_lowered;
	s2 =	sadd.s32 s2, s4;
	[dreg:$0x0] =	wrdreg $0x0  }
0xa8: {  	s4 =	sshll.u32 s28, $0x1;
	[dreg:$0x2] =	wrdreg s2  }
0xa9: {  	[dreg:$0x3] =	wrdreg s4  }
0xaa: {  	[dreg:$0x4] =	wrdreg $0xC0  }
0xab: {  	_ =	task [dreg:s6], $0x5FFFF  }
0xac: {  	[dreg:$0x1] =	wrdreg $0xFFFFFFFF  }
0xad: {  	[dreg:$0x0] =	wrdreg $0x60  }
0xae: {  	[dreg:$0x2] =	wrdreg s24  }
0xaf: {  	[dreg:$0x3] =	wrdreg $0x21400  }
0xb0: {  	[dreg:$0x4] =	wrdreg $0x9  }
0xb1: {  	_ =	task.clear_ibuf [dreg:s6], $0x5FFFF;
	_ =	strace $0x90000055  }
0xb2: {  	s29 =	simm.s32 $0x9;
	_ =	strace $0x80000057  }
0xb3: {  	_ =	swait.ge [sflag:s29], $0x1  }
0xb4: {  	[sflag:s29] =	ssyncadd.s32 $0xFFFFFFFF  }
0xb5: {  	_ =	strace $0x90000057  }
0xb6: {  	_ =	sfence  }
0xb7: {  	s30 =	sld [smem:$0x0];
	_ =	sdelay $0x2  }
0xb8: {  	s31 =	sshll.u32 s1, $0xD;
	s1 =	sshrl.u32 s1, $0x2  }
0xb9: {  	s3 =	sand.u32 $0x4000, s31;
	s1 =	sadd.s32 s1, s30  }
0xba: {  	s0 =	sor.u32 s3, s0;
	s1 =	sshll.u32 s1, $0x11  }
0xbb: {  	s0 =	sor.u32 s1, s0  }
0xbc: {  	s0 =	sadd.s32 $0x8F2B, s0  }
0xbd: {  	[sflag:s0] =	ssyncadd.remote.s32 $0x1  }
0xbe: {  	_ =	sfence.sel $0xFFFF  }
0xbf: {  	[dreg:$0x0] =	wrdreg $0xFFFFFFFF;
	(pc) =	sbr.abs _section_cstart, $3  }
0xc0: {  	[dreg:$0x1] =	wrdreg $0xFFFFFFFF  }
0xc1: {  	_ =	task.clear_ibuf [dreg:s6], $0x2FFFF;
	_ =	strace $0x9FFFFFFF  }
0xc2: {  	(tm) =	ssettm $0x7FFFFFFF  }
0xc3: {  	_ =	shalt  }
tec
execute0_lowered:
.L_overlay_start_1:
0x0: {  	(tag) =	ssettag $0x1  }
0x1: {  	s8 =	rddreg [dreg:$0x0]  }
0x2: {  	s1 =	rddreg [dreg:$0x1]  }
0x3: {  	s0 =	rddreg [dreg:$0x2];
	s2 =	simm.s32 $0x0;
	s6 =	srdreg.scid  }
0x4: {  	s4 =	stileid.u32;
	s19 =	simm.s32 $0x140;
	s20 =	simm.s32 $0x1  }
0x5: {  	s21 =	simm.s32 $0x100;
	s22 =	simm.s32 $0x120;
	s23 =	simm.s32 $0x20  }
0x6: {  	s24 =	simm.s32 $0x0;
	[smem:$0x7FF] =	sst s2;
	s3 =	sadd.s32 $0x54E00, s8  }
0x7: {  	s5 =	sadd.s32 $0x41400, s8;
	s15 =	sadd.s32 $0x6600, s8;
	s14 =	sadd.s32 $0x10400, s8  }
0x8: {  	s16 =	sand.u32 $0x1, s6;
	s6 =	sadd.s32 $0x68800, s8;
	s10 =	smul.u32 $0x4E20, s4  }
0x9: {  	s7 =	sadd.s32 $0x7D600, s8;
	s12 =	smul.u32 $0x9C40, s4;
	s8 =	sadd.s32 $0x69C00, s8  }
0xa: {  	s30 =	sshll.u32 s4, $0x6;
	s18 =	smul.u32 $0x9C4, s4;
	s9 =	ssub.s32 $0x2, s16  }
0xb: {  	_ =	strace $0x80000056;
	p0 =	sne.s32 s16, $0x0;
	s11 =	sshrl.u32 s9, $0x1  }
.Ltmp0:
0xc: {  	s29 =	sshrl.u32 s10, $0x3;
	s17 =	sadd.s32 s12, s1;
	(pc) =	sbr.rel .LBB2_1-.Ltmp0, $4  }
0xd: {  	s12 =	sshrl.u32 s12, $0x3;
	s13 =	ssub.s32 s9, s11;
	s31 =	sadd.s32 $0x9C0, s29  }
0xe: {  	s9 =	sor.u32 $0x1C02, s30;
	s16 =	sshrl.u32 s17, $0x3;
	s17 =	simm.s32 $0x2  }
0xf: {  	s10 =	sadd.s32 s15, s31;
	s11 =	sadd.s32 s14, s31;
	s13 =	smax.u32 s13, $0x1  }
0x10: {  	s14 =	sadd.s32 s18, s14;
	s15 =	sadd.s32 s18, s15;
	s18 =	simm.s32 $0x80  }
.LBB2_7:
0x11: {  	s26 =	sadd.s32 s25, s15;
	[sflag:s17] =	ssyncadd.s32 $0xFFFFE000  }
0x12: {  	[tilespmem:s2], [sflag:$0x2] =	stream.linear.gather [hbm4b:s26+s2], $0x80, $0x38;
	[tilespmem:$0xBD80] =	vst v63  }
0x13: {  	_ =	swait.ge [sflag:s17], $0x80  }
0x14: {  	[sflag:s17] =	ssyncset.done $0x0  }
0x15: {  	s31 =	sadd.s32 s25, s14;
	[sflag:s17] =	ssyncadd.s32 $0xFFFFFF80  }
0x16: {  	[tilespmem:s18], [sflag:$0x2] =	stream.linear.gather [hbm4b:s31+s2], $0x80, $0x38;
	[tilespmem:$0xBD80] =	vst v63  }
0x17: {  	_ =	swait.ge [sflag:s17], $0x80  }
0x18: {  	[sflag:s17] =	ssyncset.done $0x0  }
0x19: {  	[sflag:s17] =	ssyncadd.s32 $0xFFFFFF80  }
0x1a: {  	[tilespmem:s19], [sflag:$0x1] =	stream.indirect.gather [hbm4b:s5+s18], $0x40, s2, s18, $0xb8;
	[tilespmem:$0xBD80] =	vst v63  }
0x1b: {  	_ =	swait.ge [sflag:s20], $0x2000  }
0x1c: {  	[sflag:s20] =	ssyncset.done $0x0  }
0x1d: {  	[sflag:s20] =	ssyncadd.s32 $0xFFFFE000  }
0x1e: {  	[spmem:s1] =	stream.indirect.scatter.add.f32 [tilespmem:s19], [sflag:$0x2], $0x40, s18, s18, $0xb8;
	[tilespmem:$0xBD80] =	vst v63  }
0x1f: {  	_ =	swait.ge [sflag:s17], $0x2000  }
0x20: {  	[sflag:s17] =	ssyncset.done $0x0  }
0x21: {  	s25 =	smov.u32 s8;
	s26 =	smov.u32 s5;
	[sflag:s17] =	ssyncadd.s32 $0xFFFFE000  }
.LBB2_8:
0x22: {  	[tilespmem:s21], [sflag:$0x2] =	stream.linear.gather [hbm4b:s10+s2], $0x20, $0x38;
	[tilespmem:$0xBD80] =	vst v63  }
0x23: {  	_ =	swait.ge [sflag:s17], $0x20  }
0x24: {  	[sflag:s17] =	ssyncset.done $0x0  }
0x25: {  	[sflag:s17] =	ssyncadd.s32 $0xFFFFFFE0  }
0x26: {  	[tilespmem:s22], [sflag:$0x2] =	stream.linear.gather [hbm4b:s11+s2], $0x20, $0x38;
	[tilespmem:$0xBD80] =	vst v63  }
0x27: {  	_ =	swait.ge [sflag:s17], $0x20  }
0x28: {  	[sflag:s17] =	ssyncset.done $0x0  }
0x29: {  	[sflag:s17] =	ssyncadd.s32 $0xFFFFFFE0  }
0x2a: {  	[tilespmem:s19], [sflag:$0x1] =	stream.indirect.gather [hbm4b:s26+s23], $0x40, s21, s23, $0xb8;
	[tilespmem:$0xBD80] =	vst v63  }
0x2b: {  	_ =	swait.ge [sflag:s20], $0x800  }
0x2c: {  	[sflag:s20] =	ssyncset.done $0x0  }
0x2d: {  	[sflag:s20] =	ssyncadd.s32 $0xFFFFF800  }
0x2e: {  	[spmem:s1] =	stream.indirect.scatter.add.f32 [tilespmem:s19], [sflag:$0x2], $0x40, s22, s23, $0xb8;
	[tilespmem:$0xBD80] =	vst v63  }
0x2f: {  	_ =	swait.ge [sflag:s17], $0x800  }
0x30: {  	s24 =	sadd.s32 $0x1, s24;
	[sflag:s17] =	ssyncset.done $0x0  }
0x31: {  	p1 =	sne.s32 s24, s13;
	[sflag:s17] =	ssyncadd.s32 $0xFFFFF800  }
.Ltmp1:
0x32: {  	s25 =	sadd.s32 s25, s12;
	[bflag:$0x0] =	sbarrier.arrive $0xFFFF;
	(pc) =	sbr.rel @!p1 .LBB2_9-.Ltmp1, $4  }
0x33: {  	[hbm:s25], [sflag:s9] =	dma.local [spmem:s16], $0x1388  }
0x34: {  	_ =	swait.ge [sflag:s17], $0x1388  }
0x35: {  	[sflag:s17] =	ssyncset.done $0x0  }
0x36: {  	[sflag:s17] =	ssyncadd.s32 $0xFFFFEC78  }
.LBB2_1:
0x37: {  	[spmem:s16], [sflag:s9] =	dma.local [hbm:s6], $0x1388  }
.Ltmp2:
0x38: {  	_ =	swait.ge [sflag:s17], $0x1388;
	(pc) =	sbr.rel @p0 .LBB2_5-.Ltmp2, $4  }
0x39: {  	[sflag:s17] =	ssyncset.done $0x0  }
0x3a: {  	[sflag:s17] =	ssyncadd.s32 $0xFFFFEC78  }
0x3b: {  	[bflag:$0x0] =	sbarrier.arrive $0xFFFF  }
0x3c: {  	s25 =	sadd.s32 $0x0, s15  }
0x3d: {  	[tilespmem:s2], [sflag:$0x2] =	stream.linear.gather [hbm4b:s25+s2], $0x80, $0x38;
	[tilespmem:$0xBD80] =	vst v63  }
0x3e: {  	_ =	swait.ge [sflag:s17], $0x80  }
0x3f: {  	[sflag:s17] =	ssyncset.done $0x0  }
0x40: {  	s31 =	sadd.s32 $0x0, s14;
	[sflag:s17] =	ssyncadd.s32 $0xFFFFFF80  }
0x41: {  	[tilespmem:s18], [sflag:$0x2] =	stream.linear.gather [hbm4b:s31+s2], $0x80, $0x38;
	[tilespmem:$0xBD80] =	vst v63  }
0x42: {  	_ =	swait.ge [sflag:s17], $0x80  }
0x43: {  	[sflag:s17] =	ssyncset.done $0x0  }
0x44: {  	[sflag:s17] =	ssyncadd.s32 $0xFFFFFF80  }
0x45: {  	[tilespmem:s19], [sflag:$0x1] =	stream.indirect.gather [hbm4b:s3+s18], $0x40, s2, s18, $0xb8;
	[tilespmem:$0xBD80] =	vst v63  }
0x46: {  	_ =	swait.ge [sflag:s20], $0x2000  }
0x47: {  	[sflag:s20] =	ssyncset.done $0x0  }
0x48: {  	[sflag:s20] =	ssyncadd.s32 $0xFFFFE000  }
0x49: {  	[spmem:s1] =	stream.indirect.scatter.add.f32 [tilespmem:s19], [sflag:$0x2], $0x40, s18, s18, $0xb8;
	[tilespmem:$0xBD80] =	vst v63  }
0x4a: {  	_ =	swait.ge [sflag:s17], $0x2000  }
0x4b: {  	s25 =	simm.s32 $0x10;
	s26 =	simm.s32 $0x20;
	[sflag:s17] =	ssyncset.done $0x0  }
.LBB2_3:
0x4c: {  	s28 =	sadd.s32 s25, s15  }
0x4d: {  	[sflag:s17] =	ssyncadd.s32 $0xFFFFE000;
	s29 =	smov.u32 s26;
	s30 =	sadd.s32 $0x10, s26  }
0x4e: {  	[tilespmem:s2], [sflag:$0x2] =	stream.linear.gather [hbm4b:s28+s2], $0x80, $0x38;
	[tilespmem:$0xBD80] =	vst v63  }
0x4f: {  	p1 =	seq.s32 s26, $0x9B0;
	_ =	swait.ge [sflag:s17], $0x80  }
0x50: {  	[sflag:s17] =	ssyncset.done $0x0  }
0x51: {  	s26 =	sadd.s32 s25, s14;
	s25 =	smov.u32 s29;
	[sflag:s17] =	ssyncadd.s32 $0xFFFFFF80  }
0x52: {  	[tilespmem:s18], [sflag:$0x2] =	stream.linear.gather [hbm4b:s26+s2], $0x80, $0x38;
	[tilespmem:$0xBD80] =	vst v63  }
0x53: {  	_ =	swait.ge [sflag:s17], $0x80  }
0x54: {  	[sflag:s17] =	ssyncset.done $0x0  }
0x55: {  	[sflag:s17] =	ssyncadd.s32 $0xFFFFFF80  }
0x56: {  	[tilespmem:s19], [sflag:$0x1] =	stream.indirect.gather [hbm4b:s3+s18], $0x40, s2, s18, $0xb8;
	[tilespmem:$0xBD80] =	vst v63  }
0x57: {  	_ =	swait.ge [sflag:s20], $0x2000  }
.Ltmp3:
0x58: {  	[sflag:s20] =	ssyncset.done $0x0;
	(pc) =	sbr.rel @!p1 .LBB2_3-.Ltmp3, $4  }
0x59: {  	[sflag:s20] =	ssyncadd.s32 $0xFFFFE000  }
0x5a: {  	[spmem:s1] =	stream.indirect.scatter.add.f32 [tilespmem:s19], [sflag:$0x2], $0x40, s18, s18, $0xb8;
	[tilespmem:$0xBD80] =	vst v63  }
0x5b: {  	_ =	swait.ge [sflag:s17], $0x2000  }
0x5c: {  	s26 =	smov.u32 s30;
	[sflag:s17] =	ssyncset.done $0x0  }
0x5d: {  	s26 =	sadd.s32 s25, s15;
	[sflag:s17] =	ssyncadd.s32 $0xFFFFE000  }
0x5e: {  	[tilespmem:s2], [sflag:$0x2] =	stream.linear.gather [hbm4b:s26+s2], $0x80, $0x38;
	[tilespmem:$0xBD80] =	vst v63  }
0x5f: {  	_ =	swait.ge [sflag:s17], $0x80  }
0x60: {  	[sflag:s17] =	ssyncset.done $0x0  }
0x61: {  	s31 =	sadd.s32 s25, s14;
	[sflag:s17] =	ssyncadd.s32 $0xFFFFFF80  }
0x62: {  	[tilespmem:s18], [sflag:$0x2] =	stream.linear.gather [hbm4b:s31+s2], $0x80, $0x38;
	[tilespmem:$0xBD80] =	vst v63  }
0x63: {  	_ =	swait.ge [sflag:s17], $0x80  }
0x64: {  	[sflag:s17] =	ssyncset.done $0x0  }
0x65: {  	[sflag:s17] =	ssyncadd.s32 $0xFFFFFF80  }
0x66: {  	[tilespmem:s19], [sflag:$0x1] =	stream.indirect.gather [hbm4b:s3+s18], $0x40, s2, s18, $0xb8;
	[tilespmem:$0xBD80] =	vst v63  }
0x67: {  	_ =	swait.ge [sflag:s20], $0x2000  }
0x68: {  	[sflag:s20] =	ssyncset.done $0x0  }
.Ltmp4:
0x69: {  	[sflag:s20] =	ssyncadd.s32 $0xFFFFE000;
	(pc) =	sbr.rel .LBB2_8-.Ltmp4, $4  }
0x6a: {  	[spmem:s1] =	stream.indirect.scatter.add.f32 [tilespmem:s19], [sflag:$0x2], $0x40, s18, s18, $0xb8;
	[tilespmem:$0xBD80] =	vst v63  }
0x6b: {  	_ =	swait.ge [sflag:s17], $0x2000  }
0x6c: {  	[sflag:s17] =	ssyncset.done $0x0  }
0x6d: {  	s25 =	smov.u32 s7;
	s26 =	smov.u32 s3;
	[sflag:s17] =	ssyncadd.s32 $0xFFFFE000  }
.LBB2_5:
0x6e: {  	[tilespmem:s2], [sflag:$0x2] =	stream.linear.gather [hbm4b:s25+s2], $0x80, $0x38;
	[tilespmem:$0xBD80] =	vst v63  }
0x6f: {  	_ =	swait.ge [sflag:s17], $0x80  }
0x70: {  	[sflag:s17] =	ssyncset.done $0x0  }
0x71: {  	s31 =	sadd.s32 $0x0, s14;
	[sflag:s17] =	ssyncadd.s32 $0xFFFFFF80  }
0x72: {  	[tilespmem:s18], [sflag:$0x2] =	stream.linear.gather [hbm4b:s31+s2], $0x80, $0x38;
	[tilespmem:$0xBD80] =	vst v63  }
0x73: {  	_ =	swait.ge [sflag:s17], $0x80  }
0x74: {  	[sflag:s17] =	ssyncset.done $0x0  }
0x75: {  	[sflag:s17] =	ssyncadd.s32 $0xFFFFFF80  }
0x76: {  	[tilespmem:s19], [sflag:$0x1] =	stream.indirect.gather [hbm4b:s5+s18], $0x40, s2, s18, $0xb8;
	[tilespmem:$0xBD80] =	vst v63  }
0x77: {  	_ =	swait.ge [sflag:s20], $0x2000  }
0x78: {  	[sflag:s20] =	ssyncset.done $0x0  }
0x79: {  	[sflag:s20] =	ssyncadd.s32 $0xFFFFE000  }
0x7a: {  	[spmem:s1] =	stream.indirect.scatter.add.f32 [tilespmem:s19], [sflag:$0x2], $0x40, s18, s18, $0xb8;
	[tilespmem:$0xBD80] =	vst v63  }
0x7b: {  	_ =	swait.ge [sflag:s17], $0x2000  }
0x7c: {  	s25 =	simm.s32 $0x10;
	s26 =	simm.s32 $0x20;
	[sflag:s17] =	ssyncset.done $0x0  }
.LBB2_6:
0x7d: {  	s28 =	sadd.s32 s25, s15  }
0x7e: {  	[sflag:s17] =	ssyncadd.s32 $0xFFFFE000;
	s29 =	smov.u32 s26;
	s30 =	sadd.s32 $0x10, s26  }
0x7f: {  	[tilespmem:s2], [sflag:$0x2] =	stream.linear.gather [hbm4b:s28+s2], $0x80, $0x38;
	[tilespmem:$0xBD80] =	vst v63  }
0x80: {  	p1 =	sne.s32 s26, $0x9B0;
	_ =	swait.ge [sflag:s17], $0x80  }
0x81: {  	[sflag:s17] =	ssyncset.done $0x0  }
0x82: {  	s26 =	sadd.s32 s25, s14;
	s25 =	smov.u32 s29;
	[sflag:s17] =	ssyncadd.s32 $0xFFFFFF80  }
0x83: {  	[tilespmem:s18], [sflag:$0x2] =	stream.linear.gather [hbm4b:s26+s2], $0x80, $0x38;
	[tilespmem:$0xBD80] =	vst v63  }
0x84: {  	_ =	swait.ge [sflag:s17], $0x80  }
0x85: {  	[sflag:s17] =	ssyncset.done $0x0  }
0x86: {  	[sflag:s17] =	ssyncadd.s32 $0xFFFFFF80  }
0x87: {  	[tilespmem:s19], [sflag:$0x1] =	stream.indirect.gather [hbm4b:s5+s18], $0x40, s2, s18, $0xb8;
	[tilespmem:$0xBD80] =	vst v63  }
0x88: {  	_ =	swait.ge [sflag:s20], $0x2000  }
.Ltmp5:
0x89: {  	[sflag:s20] =	ssyncset.done $0x0;
	(pc) =	sbr.rel @p1 .LBB2_6-.Ltmp5, $4  }
0x8a: {  	[sflag:s20] =	ssyncadd.s32 $0xFFFFE000  }
0x8b: {  	[spmem:s1] =	stream.indirect.scatter.add.f32 [tilespmem:s19], [sflag:$0x2], $0x40, s18, s18, $0xb8;
	[tilespmem:$0xBD80] =	vst v63  }
0x8c: {  	_ =	swait.ge [sflag:s17], $0x2000  }
0x8d: {  	s26 =	smov.u32 s30;
	[sflag:s17] =	ssyncset.done $0x0  }
.Ltmp6:
0x8e: {  	_ = 	snop;
	(pc) =	sbr.rel .LBB2_7-.Ltmp6, $1  }
0x8f: {  	_ =	sdelay $0x3  }
.LBB2_9:
0x90: {  	_ =	sfence.sel $0x180000  }
0x91: {  	[bflag:$0x0] =	sbarrier.arrive $0xFFFF  }
0x92: {  	p0 =	sne.s32 s4, $0x0;
	_ =	strace $0x90000056  }
0x93: {  	s0 =	sadd.s32 @!p0 $0x100000, s0;
	[bflag:$0x2] =	sbarrier.arrive $0xFFFF  }
0x94: {  	[sflag:s0] =	ssyncadd.tile.s32 @!p0 $0x1;
	_ =	shalt  }
.Lfunc_end2:
_tile_overlayer_lowered:
.L_overlay_start_2:
0x95: {  	(tag) =	ssettag $0x2  }
0x96: {  	s0 =	rddreg [dreg:$0x0];
	s2 =	stileid.u32  }
0x97: {  	s1 =	rddreg [dreg:$0x1];
	p0 =	sne.s32 s2, $0x0  }
0x98: {  	s3 =	rddreg [dreg:$0x2];
	[bflag:$0x3] =	sbarrier.arrive $0xFFFF;
	s2 =	simm.s32 @!p0 $0x1C02  }
0x99: {  	[timem:s3], [sflag:s2] =	dma.local @!p0 [hbm:s0], s1  }
0x9a: {  	s0 =	simm.s32 @!p0 $0x2  }
0x9b: {  	_ =	swait.ge @!p0 [sflag:s0], s1  }
0x9c: {  	s1 =	ssub.s32 @!p0 $0x0, s1;
	[sflag:s0] =	ssyncset.done @!p0 $0x0  }
0x9d: {  	[sflag:s0] =	ssyncadd.s32 @!p0 s1  }
0x9e: {  	[bflag:$0x3] =	sbarrier.arrive $0xFFFF  }
0x9f: {  	_ =	shalt  }

// kernel: kernel.34.cloned.1.call-start
scs
__scs_entry_jumppad:
0x0: {  	(pc) =	sbr.rel $0x88, $3  }
0x1: {  	(tag) =	ssettag $0x0;
	lr =	simm.s32 $0x1  }
0x2: {  	[smem:$0x3F97] =	sst lr;
	_ =	strace $0xD0000000  }
0x3: {  	_ = 	snop  }
0x4: {  	_ = 	snop  }
0x5: {  	_ = 	snop  }
0x6: {  	_ = 	snop  }
0x7: {  	_ = 	snop  }
__scs_overlays_trampoline_lowered:
0x8: {  	[smem:$0x3FA6] =	sst s0  }
0x9: {  	[smem:$0x3FA7] =	sst s1  }
0xa: {  	[smem:$0x3FA8] =	sst s2  }
0xb: {  	[smem:$0x3FA9] =	sst s3  }
0xc: {  	[smem:$0x3FAA] =	sst s4  }
0xd: {  	[smem:$0x3FAB] =	sst s5  }
0xe: {  	[smem:$0x3FAC] =	sst s6  }
0xf: {  	[smem:$0x3FAD] =	sst s7  }
0x10: {  	[smem:$0x3FAE] =	sst s8  }
0x11: {  	[smem:$0x3FAF] =	sst s9;
	s0 =	simm.s32 @!p0 $0x0  }
0x12: {  	s1 =	sld [smem:$0x3F95];
	s0 =	simm.s32 @p0 $0x1  }
0x13: {  	[smem:$0x3FB0] =	sst s0;
	s0 =	simm.s32 @!p1 $0x0  }
0x14: {  	s2 =	sld [smem:$0x3F94];
	s0 =	simm.s32 @p1 $0x1  }
0x15: {  	[smem:$0x3FB1] =	sst s0;
	s0 =	simm.s32 @!p2 $0x0  }
0x16: {  	s3 =	sld [smem:$0x3FDB];
	s0 =	simm.s32 @p2 $0x1  }
0x17: {  	s4 =	simm.s32 $0x1BF5;
	[smem:$0x3FB3] =	sst s0  }
0x18: {  	s0 =	sld [smem:$0x3F96];
	_ =	swait.ge [sflag:s4], $0x0  }
0x19: {  	s7 =	sld [smem:$0x3F97]  }
0x1a: {  	s8 =	sadd.s32 $0xFFFFE003, lr  }
0x1b: {  	s9 =	sadd.s32 $0xFFFFFEF7, lr;
	s5 =	simm.s32 $0xFFFFFFFF;
	p2 =	slt.u32 s8, $0xFFFFF086  }
0x1c: {  	p1 =	slt.u32 s9, $0xF7A;
	s5 =	simm.s32 @!p2 $0x0  }
0x1d: {  	s5 =	simm.s32 @p1 $0x1;
	p0 =	seq.s32 s7, s2  }
0x1e: {  	s7 =	smul.u32 @!p0 $0xF7A, s2;
	p2 =	seq.s32 @!p0 s5, $0x0  }
0x1f: {  	s9 =	smul.u32 $0xF7A, s1;
	s8 =	simm.s32 @!p0 $0x1BF5;
	p2 =	por !p2, p0  }
0x20: {  	[sflag:s8] =	ssyncset.s32 @!p0 $0xFFFFF086;
	s6 =	sadd.s32 @!p0 s3, s7;
	s7 =	simm.s32 @!p0 $0x108  }
0x21: {  	s3 =	sadd.s32 s3, s9;
	s6 =	sadd.s32 @!p0 $0x88, s6;
	s7 =	simm.s32 @p2 $0x1082  }
0x22: {  	[simem:s7], [sflag:s8] =	dma.local @!p0 [hbm:s6], $0xF7A  }
0x23: {  	s9 =	sor.u32 $0xD0000000, s2;
	s6 =	simm.s32 $0x108;
	_ =	swait.ge @!p0 [sflag:s8], $0x0  }
0x24: {  	s3 =	sadd.s32 $0x88, s3;
	s6 =	simm.s32 @!p1 $0x1082;
	[sflag:s4] =	ssyncset.s32 $0xFFFFF086  }
0x25: {  	[simem:s6], [sflag:s4] =	dma.local [hbm:s3], $0xF7A  }
0x26: {  	[smem:$0x3F97] =	sst s1;
	(tag) =	ssettag s2;
	_ =	strace s9  }
0x27: {  	s1 =	sld [smem:$0x3FA7]  }
0x28: {  	s2 =	sld [smem:$0x3FA8]  }
0x29: {  	s4 =	sld [smem:$0x3FAA]  }
0x2a: {  	p0 =	seq.s32 s5, $0x0;
	s5 =	sld [smem:$0x3FAB]  }
0x2b: {  	s6 =	sld [smem:$0x3FAC]  }
0x2c: {  	s7 =	sld [smem:$0x3FAD]  }
0x2d: {  	s3 =	simm.s32 $0x108;
	s8 =	sld [smem:$0x3FAE]  }
0x2e: {  	s3 =	simm.s32 @!p0 $0x1082;
	s9 =	sld [smem:$0x3FAF]  }
0x2f: {  	lr =	sadd.s32 s0, s3;
	s0 =	sld [smem:$0x3FA6]  }
0x30: {  	s3 =	sld [smem:$0x3FA9]  }
0x31: {  	[smem:$0x3FB2] =	sst s10  }
0x32: {  	s10 =	sld [smem:$0x3FB0];
	_ =	sdelay $0x3  }
0x33: {  	p0 =	seq.s32 s10, $0x1;
	s10 =	sld [smem:$0x3FB2];
	_ =	sdelay $0x3  }
0x34: {  	[smem:$0x3FB2] =	sst s10  }
0x35: {  	s10 =	sld [smem:$0x3FB1];
	_ =	sdelay $0x3  }
0x36: {  	p1 =	seq.s32 s10, $0x1;
	s10 =	sld [smem:$0x3FB2];
	_ =	sdelay $0x3  }
0x37: {  	[smem:$0x3FB2] =	sst s10  }
0x38: {  	s10 =	sld [smem:$0x3FB3]  }
0x39: {  	_ = 	snop;
	(pc) =	sbr.ind lr, $3  }
0x3a: {  	_ = 	snop  }
0x3b: {  	_ = 	snop  }
0x3c: {  	p2 =	seq.s32 s10, $0x1;
	s10 =	sld [smem:$0x3FB2]  }
0x3d: {  	_ =	shalt  }
0x3e: {  	_ =	shalt  }
0x3f: {  	_ =	shalt  }
0x40: {  	_ =	shalt  }
0x41: {  	_ =	shalt  }
0x42: {  	_ =	shalt  }
0x43: {  	_ =	shalt  }
0x44: {  	_ =	shalt  }
0x45: {  	_ =	shalt  }
0x46: {  	_ =	shalt  }
0x47: {  	_ =	shalt  }
0x48: {  	_ =	shalt  }
0x49: {  	_ =	shalt  }
0x4a: {  	_ =	shalt  }
0x4b: {  	_ =	shalt  }
0x4c: {  	_ =	shalt  }
0x4d: {  	_ =	shalt  }
0x4e: {  	_ =	shalt  }
0x4f: {  	_ =	shalt  }
0x50: {  	_ =	shalt  }
0x51: {  	_ =	shalt  }
0x52: {  	_ =	shalt  }
0x53: {  	_ =	shalt  }
0x54: {  	_ =	shalt  }
0x55: {  	_ =	shalt  }
0x56: {  	_ =	shalt  }
0x57: {  	_ =	shalt  }
0x58: {  	_ =	shalt  }
0x59: {  	_ =	shalt  }
0x5a: {  	_ =	shalt  }
0x5b: {  	_ =	shalt  }
0x5c: {  	_ =	shalt  }
0x5d: {  	_ =	shalt  }
0x5e: {  	_ =	shalt  }
0x5f: {  	_ =	shalt  }
0x60: {  	_ =	shalt  }
0x61: {  	_ =	shalt  }
0x62: {  	_ =	shalt  }
0x63: {  	_ =	shalt  }
0x64: {  	_ =	shalt  }
0x65: {  	_ =	shalt  }
0x66: {  	_ =	shalt  }
0x67: {  	_ =	shalt  }
0x68: {  	_ =	shalt  }
0x69: {  	_ =	shalt  }
0x6a: {  	_ =	shalt  }
0x6b: {  	_ =	shalt  }
0x6c: {  	_ =	shalt  }
0x6d: {  	_ =	shalt  }
0x6e: {  	_ =	shalt  }
0x6f: {  	_ =	shalt  }
0x70: {  	_ =	shalt  }
0x71: {  	_ =	shalt  }
0x72: {  	_ =	shalt  }
0x73: {  	_ =	shalt  }
0x74: {  	_ =	shalt  }
0x75: {  	_ =	shalt  }
0x76: {  	_ =	shalt  }
0x77: {  	_ =	shalt  }
0x78: {  	_ =	shalt  }
0x79: {  	_ =	shalt  }
0x7a: {  	_ =	shalt  }
0x7b: {  	_ =	shalt  }
0x7c: {  	_ =	shalt  }
0x7d: {  	_ =	shalt  }
0x7e: {  	_ =	shalt  }
0x7f: {  	_ =	shalt  }
0x80: {  	_ =	shalt  }
0x81: {  	_ =	shalt  }
0x82: {  	_ =	shalt  }
0x83: {  	_ =	shalt  }
0x84: {  	_ =	shalt  }
0x85: {  	_ =	shalt  }
0x86: {  	_ =	shalt  }
0x87: {  	_ =	shalt  }
.Lfunc_end0:
.L_simem_size_0:
called_computation.6_lowered:
.L_overlay_start_0:
0x88: {  	s2 =	sld [smem:$0x3FD9]  }
0x89: {  	s3 =	sld [smem:$0x3FFE];
	_ =	sdelay $0x1  }
0x8a: {  	s1 =	srdreg.scid  }
0x8b: {  	s0 =	sand.u32 $0x1, s1  }
0x8c: {  	s16 =	sshll.u32 s0, $0xA;
	s2 =	sadd.s32 s3, s2  }
0x8d: {  	s2 =	sadd.s32 s2, s16  }
0x8e: {  	[smem:$0x3FBE] =	sst s2  }
0x8f: {  	_ = 	snop  }
0x90: {  	(tm) =	ssettm $0x1  }
0x91: {  	s17 =	sld [smem:$0x3FFB];
	_ =	sdelay $0x3  }
0x92: {  	_ =	strace s17  }
0x93: {  	s2 =	sld [smem:$0x3FFC];
	_ =	sdelay $0x3  }
0x94: {  	_ =	strace s2  }
0x95: {  	s2 =	sld [smem:$0x3FFD];
	_ =	sdelay $0x3  }
0x96: {  	_ =	strace s2  }
0x97: {  	_ =	strace $0x8FFFFFFF  }
0x98: {  	s18 =	sld [smem:$0x3FDB];
	_ =	sdelay $0x1  }
0x99: {  	s19 =	simm.s32 $_scs_section_size  }
0x9a: {  	s4 =	simm.s32 $_size__tile_overlayer_lowered;
	s5 =	simm.s32 $_tile_overlayer_lowered  }
0x9b: {  	s22 =	simm.s32 $0x1BFF;
	s21 =	sshll.u32 s5, $0x1;
	s2 =	sadd.s32 s19, s18  }
0x9c: {  	s6 =	simm.s32 $0x0;
	s20 =	sshll.u32 s4, $0x1;
	s4 =	sadd.s32 s21, s2  }
0x9d: {  	[timem:s6], [sflag:s22] =	dma.local [hbm:s4], s20  }
0x9e: {  	_ =	swait.ge [sflag:s22], s20  }
0x9f: {  	s3 =	ssub.s32 $0x0, s20;
	[sflag:s22] =	ssyncset.done $0x0  }
0xa0: {  	[sflag:s22] =	ssyncadd.s32 s3;
	_ =	sdelay $0x1  }
0xa1: {  	s23 =	simm.s32 $0x1B8B  }
0xa2: {  	_ =	swait.ge [sflag:s23], $0x1  }
0xa3: {  	[sflag:s23] =	ssyncset.done $0x0  }
0xa4: {  	s25 =	simm.s32 $0x1B8E;
	s24 =	sld [smem:$0x3FFE];
	[sflag:s23] =	ssyncadd.s32 $0xFFFFFFFF  }
0xa5: {  	s26 =	simm.s32 $execute0_lowered;
	[smem:$0x3FD2] =	sst s25  }
0xa6: {  	s4 =	sshll.u32 s26, $0x1;
	_ =	strace $0x80000058;
	[dreg:$0x1] =	wrdreg $0xFFFFFFFF  }
0xa7: {  	s28 =	simm.s32 $_size_execute0_lowered;
	s2 =	sadd.s32 s2, s4;
	[dreg:$0x0] =	wrdreg $0x0  }
0xa8: {  	s4 =	sshll.u32 s28, $0x1;
	[dreg:$0x2] =	wrdreg s2  }
0xa9: {  	[dreg:$0x3] =	wrdreg s4  }
0xaa: {  	[dreg:$0x4] =	wrdreg $0xC0  }
0xab: {  	_ =	task [dreg:s6], $0x5FFFF  }
0xac: {  	[dreg:$0x1] =	wrdreg $0xFFFFFFFF  }
0xad: {  	[dreg:$0x0] =	wrdreg $0x60  }
0xae: {  	[dreg:$0x2] =	wrdreg s24  }
0xaf: {  	[dreg:$0x3] =	wrdreg $0x21400  }
0xb0: {  	[dreg:$0x4] =	wrdreg $0x9  }
0xb1: {  	_ =	task.clear_ibuf [dreg:s6], $0x5FFFF;
	_ =	strace $0x90000058  }
0xb2: {  	s29 =	simm.s32 $0x9;
	_ =	strace $0x8000005A  }
0xb3: {  	_ =	swait.ge [sflag:s29], $0x1  }
0xb4: {  	[sflag:s29] =	ssyncadd.s32 $0xFFFFFFFF  }
0xb5: {  	_ =	strace $0x9000005A  }
0xb6: {  	_ =	sfence  }
0xb7: {  	s30 =	sld [smem:$0x0];
	_ =	sdelay $0x2  }
0xb8: {  	s31 =	sshll.u32 s1, $0xD;
	s1 =	sshrl.u32 s1, $0x2  }
0xb9: {  	s3 =	sand.u32 $0x4000, s31;
	s1 =	sadd.s32 s1, s30  }
0xba: {  	s0 =	sor.u32 s3, s0;
	s1 =	sshll.u32 s1, $0x11  }
0xbb: {  	s0 =	sor.u32 s1, s0  }
0xbc: {  	s0 =	sadd.s32 $0x8F2B, s0  }
0xbd: {  	[sflag:s0] =	ssyncadd.remote.s32 $0x1  }
0xbe: {  	_ =	sfence.sel $0xFFFF  }
0xbf: {  	[dreg:$0x0] =	wrdreg $0xFFFFFFFF;
	(pc) =	sbr.abs _section_cstart, $3  }
0xc0: {  	[dreg:$0x1] =	wrdreg $0xFFFFFFFF  }
0xc1: {  	_ =	task.clear_ibuf [dreg:s6], $0x2FFFF;
	_ =	strace $0x9FFFFFFF  }
0xc2: {  	(tm) =	ssettm $0x7FFFFFFF  }
0xc3: {  	_ =	shalt  }
tec
execute0_lowered:
.L_overlay_start_1:
0x0: {  	(tag) =	ssettag $0x1  }
0x1: {  	s8 =	rddreg [dreg:$0x0]  }
0x2: {  	s1 =	rddreg [dreg:$0x1]  }
0x3: {  	s0 =	rddreg [dreg:$0x2];
	s2 =	simm.s32 $0x0;
	s6 =	srdreg.scid  }
0x4: {  	s4 =	stileid.u32;
	s19 =	simm.s32 $0x140;
	s20 =	simm.s32 $0x1  }
0x5: {  	s21 =	simm.s32 $0x100;
	s22 =	simm.s32 $0x120;
	s23 =	simm.s32 $0x20  }
0x6: {  	s24 =	simm.s32 $0x0;
	[smem:$0x7FF] =	sst s2;
	s3 =	sadd.s32 $0x54E00, s8  }
0x7: {  	s5 =	sadd.s32 $0x41400, s8;
	s15 =	sadd.s32 $0x6600, s8;
	s14 =	sadd.s32 $0x10400, s8  }
0x8: {  	s16 =	sand.u32 $0x1, s6;
	s6 =	sadd.s32 $0x68800, s8;
	s10 =	smul.u32 $0x4E20, s4  }
0x9: {  	s7 =	sadd.s32 $0x7D600, s8;
	s12 =	smul.u32 $0x9C40, s4;
	s8 =	sadd.s32 $0x69C00, s8  }
0xa: {  	s30 =	sshll.u32 s4, $0x6;
	s18 =	smul.u32 $0x9C4, s4;
	s9 =	ssub.s32 $0x2, s16  }
0xb: {  	_ =	strace $0x80000059;
	p0 =	sne.s32 s16, $0x0;
	s11 =	sshrl.u32 s9, $0x1  }
.Ltmp0:
0xc: {  	s29 =	sshrl.u32 s10, $0x3;
	s17 =	sadd.s32 s12, s1;
	(pc) =	sbr.rel .LBB2_1-.Ltmp0, $4  }
0xd: {  	s12 =	sshrl.u32 s12, $0x3;
	s13 =	ssub.s32 s9, s11;
	s31 =	sadd.s32 $0x9C0, s29  }
0xe: {  	s9 =	sor.u32 $0x1C02, s30;
	s16 =	sshrl.u32 s17, $0x3;
	s17 =	simm.s32 $0x2  }
0xf: {  	s10 =	sadd.s32 s15, s31;
	s11 =	sadd.s32 s14, s31;
	s13 =	smax.u32 s13, $0x1  }
0x10: {  	s14 =	sadd.s32 s18, s14;
	s15 =	sadd.s32 s18, s15;
	s18 =	simm.s32 $0x80  }
.LBB2_7:
0x11: {  	s26 =	sadd.s32 s25, s15;
	[sflag:s17] =	ssyncadd.s32 $0xFFFFE000  }
0x12: {  	[tilespmem:s2], [sflag:$0x2] =	stream.linear.gather [hbm4b:s26+s2], $0x80, $0x38;
	[tilespmem:$0xBD80] =	vst v63  }
0x13: {  	_ =	swait.ge [sflag:s17], $0x80  }
0x14: {  	[sflag:s17] =	ssyncset.done $0x0  }
0x15: {  	s31 =	sadd.s32 s25, s14;
	[sflag:s17] =	ssyncadd.s32 $0xFFFFFF80  }
0x16: {  	[tilespmem:s18], [sflag:$0x2] =	stream.linear.gather [hbm4b:s31+s2], $0x80, $0x38;
	[tilespmem:$0xBD80] =	vst v63  }
0x17: {  	_ =	swait.ge [sflag:s17], $0x80  }
0x18: {  	[sflag:s17] =	ssyncset.done $0x0  }
0x19: {  	[sflag:s17] =	ssyncadd.s32 $0xFFFFFF80  }
0x1a: {  	[tilespmem:s19], [sflag:$0x1] =	stream.indirect.gather [hbm4b:s5+s18], $0x40, s2, s18, $0xb8;
	[tilespmem:$0xBD80] =	vst v63  }
0x1b: {  	_ =	swait.ge [sflag:s20], $0x2000  }
0x1c: {  	[sflag:s20] =	ssyncset.done $0x0  }
0x1d: {  	[sflag:s20] =	ssyncadd.s32 $0xFFFFE000  }
0x1e: {  	[spmem:s1] =	stream.indirect.scatter.add.f32 [tilespmem:s19], [sflag:$0x2], $0x40, s18, s18, $0xb8;
	[tilespmem:$0xBD80] =	vst v63  }
0x1f: {  	_ =	swait.ge [sflag:s17], $0x2000  }
0x20: {  	[sflag:s17] =	ssyncset.done $0x0  }
0x21: {  	s25 =	smov.u32 s8;
	s26 =	smov.u32 s5;
	[sflag:s17] =	ssyncadd.s32 $0xFFFFE000  }
.LBB2_8:
0x22: {  	[tilespmem:s21], [sflag:$0x2] =	stream.linear.gather [hbm4b:s10+s2], $0x20, $0x38;
	[tilespmem:$0xBD80] =	vst v63  }
0x23: {  	_ =	swait.ge [sflag:s17], $0x20  }
0x24: {  	[sflag:s17] =	ssyncset.done $0x0  }
0x25: {  	[sflag:s17] =	ssyncadd.s32 $0xFFFFFFE0  }
0x26: {  	[tilespmem:s22], [sflag:$0x2] =	stream.linear.gather [hbm4b:s11+s2], $0x20, $0x38;
	[tilespmem:$0xBD80] =	vst v63  }
0x27: {  	_ =	swait.ge [sflag:s17], $0x20  }
0x28: {  	[sflag:s17] =	ssyncset.done $0x0  }
0x29: {  	[sflag:s17] =	ssyncadd.s32 $0xFFFFFFE0  }
0x2a: {  	[tilespmem:s19], [sflag:$0x1] =	stream.indirect.gather [hbm4b:s26+s23], $0x40, s21, s23, $0xb8;
	[tilespmem:$0xBD80] =	vst v63  }
0x2b: {  	_ =	swait.ge [sflag:s20], $0x800  }
0x2c: {  	[sflag:s20] =	ssyncset.done $0x0  }
0x2d: {  	[sflag:s20] =	ssyncadd.s32 $0xFFFFF800  }
0x2e: {  	[spmem:s1] =	stream.indirect.scatter.add.f32 [tilespmem:s19], [sflag:$0x2], $0x40, s22, s23, $0xb8;
	[tilespmem:$0xBD80] =	vst v63  }
0x2f: {  	_ =	swait.ge [sflag:s17], $0x800  }
0x30: {  	s24 =	sadd.s32 $0x1, s24;
	[sflag:s17] =	ssyncset.done $0x0  }
0x31: {  	p1 =	sne.s32 s24, s13;
	[sflag:s17] =	ssyncadd.s32 $0xFFFFF800  }
.Ltmp1:
0x32: {  	s25 =	sadd.s32 s25, s12;
	[bflag:$0x0] =	sbarrier.arrive $0xFFFF;
	(pc) =	sbr.rel @!p1 .LBB2_9-.Ltmp1, $4  }
0x33: {  	[hbm:s25], [sflag:s9] =	dma.local [spmem:s16], $0x1388  }
0x34: {  	_ =	swait.ge [sflag:s17], $0x1388  }
0x35: {  	[sflag:s17] =	ssyncset.done $0x0  }
0x36: {  	[sflag:s17] =	ssyncadd.s32 $0xFFFFEC78  }
.LBB2_1:
0x37: {  	[spmem:s16], [sflag:s9] =	dma.local [hbm:s6], $0x1388  }
.Ltmp2:
0x38: {  	_ =	swait.ge [sflag:s17], $0x1388;
	(pc) =	sbr.rel @p0 .LBB2_5-.Ltmp2, $4  }
0x39: {  	[sflag:s17] =	ssyncset.done $0x0  }
0x3a: {  	[sflag:s17] =	ssyncadd.s32 $0xFFFFEC78  }
0x3b: {  	[bflag:$0x0] =	sbarrier.arrive $0xFFFF  }
0x3c: {  	s25 =	sadd.s32 $0x0, s15  }
0x3d: {  	[tilespmem:s2], [sflag:$0x2] =	stream.linear.gather [hbm4b:s25+s2], $0x80, $0x38;
	[tilespmem:$0xBD80] =	vst v63  }
0x3e: {  	_ =	swait.ge [sflag:s17], $0x80  }
0x3f: {  	[sflag:s17] =	ssyncset.done $0x0  }
0x40: {  	s31 =	sadd.s32 $0x0, s14;
	[sflag:s17] =	ssyncadd.s32 $0xFFFFFF80  }
0x41: {  	[tilespmem:s18], [sflag:$0x2] =	stream.linear.gather [hbm4b:s31+s2], $0x80, $0x38;
	[tilespmem:$0xBD80] =	vst v63  }
0x42: {  	_ =	swait.ge [sflag:s17], $0x80  }
0x43: {  	[sflag:s17] =	ssyncset.done $0x0  }
0x44: {  	[sflag:s17] =	ssyncadd.s32 $0xFFFFFF80  }
0x45: {  	[tilespmem:s19], [sflag:$0x1] =	stream.indirect.gather [hbm4b:s3+s18], $0x40, s2, s18, $0xb8;
	[tilespmem:$0xBD80] =	vst v63  }
0x46: {  	_ =	swait.ge [sflag:s20], $0x2000  }
0x47: {  	[sflag:s20] =	ssyncset.done $0x0  }
0x48: {  	[sflag:s20] =	ssyncadd.s32 $0xFFFFE000  }
0x49: {  	[spmem:s1] =	stream.indirect.scatter.add.f32 [tilespmem:s19], [sflag:$0x2], $0x40, s18, s18, $0xb8;
	[tilespmem:$0xBD80] =	vst v63  }
0x4a: {  	_ =	swait.ge [sflag:s17], $0x2000  }
0x4b: {  	s25 =	simm.s32 $0x10;
	s26 =	simm.s32 $0x20;
	[sflag:s17] =	ssyncset.done $0x0  }
.LBB2_3:
0x4c: {  	s28 =	sadd.s32 s25, s15  }
0x4d: {  	[sflag:s17] =	ssyncadd.s32 $0xFFFFE000;
	s29 =	smov.u32 s26;
	s30 =	sadd.s32 $0x10, s26  }
0x4e: {  	[tilespmem:s2], [sflag:$0x2] =	stream.linear.gather [hbm4b:s28+s2], $0x80, $0x38;
	[tilespmem:$0xBD80] =	vst v63  }
0x4f: {  	p1 =	seq.s32 s26, $0x9B0;
	_ =	swait.ge [sflag:s17], $0x80  }
0x50: {  	[sflag:s17] =	ssyncset.done $0x0  }
0x51: {  	s26 =	sadd.s32 s25, s14;
	s25 =	smov.u32 s29;
	[sflag:s17] =	ssyncadd.s32 $0xFFFFFF80  }
0x52: {  	[tilespmem:s18], [sflag:$0x2] =	stream.linear.gather [hbm4b:s26+s2], $0x80, $0x38;
	[tilespmem:$0xBD80] =	vst v63  }
0x53: {  	_ =	swait.ge [sflag:s17], $0x80  }
0x54: {  	[sflag:s17] =	ssyncset.done $0x0  }
0x55: {  	[sflag:s17] =	ssyncadd.s32 $0xFFFFFF80  }
0x56: {  	[tilespmem:s19], [sflag:$0x1] =	stream.indirect.gather [hbm4b:s3+s18], $0x40, s2, s18, $0xb8;
	[tilespmem:$0xBD80] =	vst v63  }
0x57: {  	_ =	swait.ge [sflag:s20], $0x2000  }
.Ltmp3:
0x58: {  	[sflag:s20] =	ssyncset.done $0x0;
	(pc) =	sbr.rel @!p1 .LBB2_3-.Ltmp3, $4  }
0x59: {  	[sflag:s20] =	ssyncadd.s32 $0xFFFFE000  }
0x5a: {  	[spmem:s1] =	stream.indirect.scatter.add.f32 [tilespmem:s19], [sflag:$0x2], $0x40, s18, s18, $0xb8;
	[tilespmem:$0xBD80] =	vst v63  }
0x5b: {  	_ =	swait.ge [sflag:s17], $0x2000  }
0x5c: {  	s26 =	smov.u32 s30;
	[sflag:s17] =	ssyncset.done $0x0  }
0x5d: {  	s26 =	sadd.s32 s25, s15;
	[sflag:s17] =	ssyncadd.s32 $0xFFFFE000  }
0x5e: {  	[tilespmem:s2], [sflag:$0x2] =	stream.linear.gather [hbm4b:s26+s2], $0x80, $0x38;
	[tilespmem:$0xBD80] =	vst v63  }
0x5f: {  	_ =	swait.ge [sflag:s17], $0x80  }
0x60: {  	[sflag:s17] =	ssyncset.done $0x0  }
0x61: {  	s31 =	sadd.s32 s25, s14;
	[sflag:s17] =	ssyncadd.s32 $0xFFFFFF80  }
0x62: {  	[tilespmem:s18], [sflag:$0x2] =	stream.linear.gather [hbm4b:s31+s2], $0x80, $0x38;
	[tilespmem:$0xBD80] =	vst v63  }
0x63: {  	_ =	swait.ge [sflag:s17], $0x80  }
0x64: {  	[sflag:s17] =	ssyncset.done $0x0  }
0x65: {  	[sflag:s17] =	ssyncadd.s32 $0xFFFFFF80  }
0x66: {  	[tilespmem:s19], [sflag:$0x1] =	stream.indirect.gather [hbm4b:s3+s18], $0x40, s2, s18, $0xb8;
	[tilespmem:$0xBD80] =	vst v63  }
0x67: {  	_ =	swait.ge [sflag:s20], $0x2000  }
0x68: {  	[sflag:s20] =	ssyncset.done $0x0  }
.Ltmp4:
0x69: {  	[sflag:s20] =	ssyncadd.s32 $0xFFFFE000;
	(pc) =	sbr.rel .LBB2_8-.Ltmp4, $4  }
0x6a: {  	[spmem:s1] =	stream.indirect.scatter.add.f32 [tilespmem:s19], [sflag:$0x2], $0x40, s18, s18, $0xb8;
	[tilespmem:$0xBD80] =	vst v63  }
0x6b: {  	_ =	swait.ge [sflag:s17], $0x2000  }
0x6c: {  	[sflag:s17] =	ssyncset.done $0x0  }
0x6d: {  	s25 =	smov.u32 s7;
	s26 =	smov.u32 s3;
	[sflag:s17] =	ssyncadd.s32 $0xFFFFE000  }
.LBB2_5:
0x6e: {  	[tilespmem:s2], [sflag:$0x2] =	stream.linear.gather [hbm4b:s25+s2], $0x80, $0x38;
	[tilespmem:$0xBD80] =	vst v63  }
0x6f: {  	_ =	swait.ge [sflag:s17], $0x80  }
0x70: {  	[sflag:s17] =	ssyncset.done $0x0  }
0x71: {  	s31 =	sadd.s32 $0x0, s14;
	[sflag:s17] =	ssyncadd.s32 $0xFFFFFF80  }
0x72: {  	[tilespmem:s18], [sflag:$0x2] =	stream.linear.gather [hbm4b:s31+s2], $0x80, $0x38;
	[tilespmem:$0xBD80] =	vst v63  }
0x73: {  	_ =	swait.ge [sflag:s17], $0x80  }
0x74: {  	[sflag:s17] =	ssyncset.done $0x0  }
0x75: {  	[sflag:s17] =	ssyncadd.s32 $0xFFFFFF80  }
0x76: {  	[tilespmem:s19], [sflag:$0x1] =	stream.indirect.gather [hbm4b:s5+s18], $0x40, s2, s18, $0xb8;
	[tilespmem:$0xBD80] =	vst v63  }
0x77: {  	_ =	swait.ge [sflag:s20], $0x2000  }
0x78: {  	[sflag:s20] =	ssyncset.done $0x0  }
0x79: {  	[sflag:s20] =	ssyncadd.s32 $0xFFFFE000  }
0x7a: {  	[spmem:s1] =	stream.indirect.scatter.add.f32 [tilespmem:s19], [sflag:$0x2], $0x40, s18, s18, $0xb8;
	[tilespmem:$0xBD80] =	vst v63  }
0x7b: {  	_ =	swait.ge [sflag:s17], $0x2000  }
0x7c: {  	s25 =	simm.s32 $0x10;
	s26 =	simm.s32 $0x20;
	[sflag:s17] =	ssyncset.done $0x0  }
.LBB2_6:
0x7d: {  	s28 =	sadd.s32 s25, s15  }
0x7e: {  	[sflag:s17] =	ssyncadd.s32 $0xFFFFE000;
	s29 =	smov.u32 s26;
	s30 =	sadd.s32 $0x10, s26  }
0x7f: {  	[tilespmem:s2], [sflag:$0x2] =	stream.linear.gather [hbm4b:s28+s2], $0x80, $0x38;
	[tilespmem:$0xBD80] =	vst v63  }
0x80: {  	p1 =	sne.s32 s26, $0x9B0;
	_ =	swait.ge [sflag:s17], $0x80  }
0x81: {  	[sflag:s17] =	ssyncset.done $0x0  }
0x82: {  	s26 =	sadd.s32 s25, s14;
	s25 =	smov.u32 s29;
	[sflag:s17] =	ssyncadd.s32 $0xFFFFFF80  }
0x83: {  	[tilespmem:s18], [sflag:$0x2] =	stream.linear.gather [hbm4b:s26+s2], $0x80, $0x38;
	[tilespmem:$0xBD80] =	vst v63  }
0x84: {  	_ =	swait.ge [sflag:s17], $0x80  }
0x85: {  	[sflag:s17] =	ssyncset.done $0x0  }
0x86: {  	[sflag:s17] =	ssyncadd.s32 $0xFFFFFF80  }
0x87: {  	[tilespmem:s19], [sflag:$0x1] =	stream.indirect.gather [hbm4b:s5+s18], $0x40, s2, s18, $0xb8;
	[tilespmem:$0xBD80] =	vst v63  }
0x88: {  	_ =	swait.ge [sflag:s20], $0x2000  }
.Ltmp5:
0x89: {  	[sflag:s20] =	ssyncset.done $0x0;
	(pc) =	sbr.rel @p1 .LBB2_6-.Ltmp5, $4  }
0x8a: {  	[sflag:s20] =	ssyncadd.s32 $0xFFFFE000  }
0x8b: {  	[spmem:s1] =	stream.indirect.scatter.add.f32 [tilespmem:s19], [sflag:$0x2], $0x40, s18, s18, $0xb8;
	[tilespmem:$0xBD80] =	vst v63  }
0x8c: {  	_ =	swait.ge [sflag:s17], $0x2000  }
0x8d: {  	s26 =	smov.u32 s30;
	[sflag:s17] =	ssyncset.done $0x0  }
.Ltmp6:
0x8e: {  	_ = 	snop;
	(pc) =	sbr.rel .LBB2_7-.Ltmp6, $1  }
0x8f: {  	_ =	sdelay $0x3  }
.LBB2_9:
0x90: {  	_ =	sfence.sel $0x180000  }
0x91: {  	[bflag:$0x0] =	sbarrier.arrive $0xFFFF  }
0x92: {  	p0 =	sne.s32 s4, $0x0;
	_ =	strace $0x90000059  }
0x93: {  	s0 =	sadd.s32 @!p0 $0x100000, s0;
	[bflag:$0x2] =	sbarrier.arrive $0xFFFF  }
0x94: {  	[sflag:s0] =	ssyncadd.tile.s32 @!p0 $0x1;
	_ =	shalt  }
.Lfunc_end2:
_tile_overlayer_lowered:
.L_overlay_start_2:
0x95: {  	(tag) =	ssettag $0x2  }
0x96: {  	s0 =	rddreg [dreg:$0x0];
	s2 =	stileid.u32  }
0x97: {  	s1 =	rddreg [dreg:$0x1];
	p0 =	sne.s32 s2, $0x0  }
0x98: {  	s3 =	rddreg [dreg:$0x2];
	[bflag:$0x3] =	sbarrier.arrive $0xFFFF;
	s2 =	simm.s32 @!p0 $0x1C02  }
0x99: {  	[timem:s3], [sflag:s2] =	dma.local @!p0 [hbm:s0], s1  }
0x9a: {  	s0 =	simm.s32 @!p0 $0x2  }
0x9b: {  	_ =	swait.ge @!p0 [sflag:s0], s1  }
0x9c: {  	s1 =	ssub.s32 @!p0 $0x0, s1;
	[sflag:s0] =	ssyncset.done @!p0 $0x0  }
0x9d: {  	[sflag:s0] =	ssyncadd.s32 @!p0 s1  }
0x9e: {  	[bflag:$0x3] =	sbarrier.arrive $0xFFFF  }
0x9f: {  	_ =	shalt  }

</sc_bundles>
